<compile_context>
chip_gen: v7x
topology: tpu7x:2x2x1
jax: 0.10.2.dev20260603
libtpu: 0.0.44.dev20260713+nightly
codegen_flags: <defaults>
</compile_context>

<pallas_src>
import functools

import jax
import jax.numpy as jnp
from jax import lax
from jax.experimental import pallas as pl
from jax.experimental.pallas import tpu as pltpu
from jax.experimental.pallas import tpu_sc as plsc

N = 10000
NPAD = 10240
E = 320000
EPAD = 323584
NCH = 158
NCHD = 79
RPT = NPAD // 16
EPS = 1e-5
R = 1000
G = N // R

_mesh = plsc.VectorSubcoreMesh(core_axis_name="c", subcore_axis_name="s")


def _const_fill(buf, nrow, dh, val):
    per_row = dh // 16

    def body(k, _):
        r = k // per_row
        q = k % per_row
        buf[r, pl.ds(q * 16, 16)] = jnp.full((16,), val, jnp.float32)
        return _

    lax.fori_loop(0, nrow * per_row, body, None)


def _make_sc_agg(nq):
    phases = nq // 2

    @functools.partial(
        pl.kernel,
        mesh=_mesh,
        out_type=jax.ShapeDtypeStruct((nq, NPAD, 64), jnp.float32),
        compiler_params=pltpu.CompilerParams(use_tc_tiling_on_sc=False),
        scratch_types=[
            pltpu.VMEM((NCH, 128), jnp.int32),
            pltpu.VMEM((NCH, 128), jnp.int32),
            pltpu.VMEM((128, 64), jnp.float32),
            pltpu.VMEM((128, 64), jnp.float32),
            pltpu.VMEM((128, 64), jnp.float32),
            pltpu.VMEM_SHARED((NPAD, 64), jnp.float32),
            pltpu.SemaphoreType.DMA,
            pltpu.SemaphoreType.DMA,
        ],
    )
    def agg(table_hbm, src_hbm, dst_hbm, out_hbm, src_v, dst_v, rows_a, rows_b,
            zbuf, acc_sh, sem_a, sem_b):
        c = lax.axis_index("c")
        s = lax.axis_index("s")

        def pipeline_loop():
            def step2(jj, _):
                j0 = 2 * jj
                j1 = j0 + 1
                j2 = j0 + 2
                pltpu.async_copy(table_hbm.at[src_v.at[j1]], rows_b, sem_b)
                pltpu.make_async_copy(table_hbm.at[src_v.at[j0]], rows_a, sem_a).wait()
                pltpu.sync_copy(rows_a, acc_sh.at[dst_v.at[j0]], add=True)

                @pl.when(j2 < NCH)
                def _():
                    pltpu.async_copy(table_hbm.at[src_v.at[j2]], rows_a, sem_a)

                pltpu.make_async_copy(table_hbm.at[src_v.at[j1]], rows_b, sem_b).wait()
                pltpu.sync_copy(rows_b, acc_sh.at[dst_v.at[j1]], add=True)
                return _

            lax.fori_loop(0, NCH // 2, step2, None)
            plsc.subcore_barrier()

        def zero_own_rows():
            for i in range(RPT // 128):
                pltpu.sync_copy(zbuf, acc_sh.at[pl.ds(s * RPT + i * 128, 128)])

        pltpu.sync_copy(dst_hbm.at[s], dst_v)
        pltpu.sync_copy(src_hbm.at[c * phases, s], src_v)
        pltpu.async_copy(table_hbm.at[src_v.at[0]], rows_a, sem_a)
        _const_fill(zbuf, 128, 64, 0.0)
        zero_own_rows()
        plsc.subcore_barrier()
        pipeline_loop()

        for phase in range(1, phases):
            q = c * phases + phase
            pltpu.sync_copy(src_hbm.at[q, s], src_v)
            pltpu.async_copy(table_hbm.at[src_v.at[0]], rows_a, sem_a)
            pltpu.sync_copy(
                acc_sh.at[pl.ds(s * RPT, RPT)],
                out_hbm.at[q - 1, pl.ds(s * RPT, RPT)],
            )
            zero_own_rows()
            plsc.subcore_barrier()
            pipeline_loop()

        pltpu.sync_copy(
            acc_sh.at[pl.ds(s * RPT, RPT)],
            out_hbm.at[c * phases + phases - 1, pl.ds(s * RPT, RPT)],
        )

    return agg


_sc_agg4 = _make_sc_agg(4)
_sc_agg2 = _make_sc_agg(2)


@functools.partial(
    pl.kernel,
    mesh=_mesh,
    out_type=jax.ShapeDtypeStruct((2, NPAD, 16), jnp.float32),
    compiler_params=pltpu.CompilerParams(use_tc_tiling_on_sc=False),
    scratch_types=[
        pltpu.VMEM((NCHD, 128), jnp.int32),
        pltpu.VMEM((128, 16), jnp.float32),
        pltpu.VMEM_SHARED((NPAD, 16), jnp.float32),
    ],
)
def _sc_deg(dst_hbm, out_hbm, dst_v, ones_v, acc_sh):
    c = lax.axis_index("c")
    s = lax.axis_index("s")

    _const_fill(ones_v, 128, 16, 0.0)
    for i in range(RPT // 128):
        pltpu.sync_copy(ones_v, acc_sh.at[pl.ds(s * RPT + i * 128, 128)])
    plsc.subcore_barrier()

    _const_fill(ones_v, 128, 16, 1.0)
    pltpu.sync_copy(dst_hbm.at[c, s], dst_v)

    def step(j, _):
        pltpu.sync_copy(ones_v, acc_sh.at[dst_v.at[j]], add=True)
        return _

    lax.fori_loop(0, NCHD, step, None)
    plsc.subcore_barrier()

    pltpu.sync_copy(acc_sh.at[pl.ds(s * RPT, RPT)], out_hbm.at[c, pl.ds(s * RPT, RPT)])


def _ka_body(x_ref, w_ref, dp_ref, tab_ref, dis_ref):
    deg = dp_ref[0, :, 0:1] + dp_ref[1, :, 0:1] + 1.0
    dis = lax.rsqrt(deg)
    h = jnp.dot(x_ref[...], w_ref[...], preferred_element_type=jnp.float32)
    hs = h * dis
    for q in range(4):
        tab_ref[q] = hs[:, q * 64 : (q + 1) * 64]
    dis_ref[...] = dis


def _tc_first(x, w0, degp):
    return pl.pallas_call(
        _ka_body,
        grid=(G,),
        in_specs=[
            pl.BlockSpec((R, 128), lambda i: (i, 0)),
            pl.BlockSpec((128, 256), lambda i: (0, 0)),
            pl.BlockSpec((2, R, 16), lambda i: (0, i, 0)),
        ],
        out_specs=[
            pl.BlockSpec((4, R, 64), lambda i: (0, i, 0)),
            pl.BlockSpec((R, 1), lambda i: (i, 0)),
        ],
        out_shape=[
            jax.ShapeDtypeStruct((4, N, 64), jnp.float32),
            jax.ShapeDtypeStruct((N, 1), jnp.float32),
        ],
    )(x, w0, degp)


def _layer_body(agg_ref, tab_ref, dis_ref, b_ref, g_ref, be_ref, w_ref,
                tab_o, acc, *, nq, dn):
    p = pl.program_id(0)
    i = pl.program_id(1)
    t = jnp.concatenate([agg_ref[q] + tab_ref[q] for q in range(nq)], axis=1)
    t = t * dis_ref[...] + b_ref[...]

    @pl.when(p == 0)
    def _():
        @pl.when(i == 0)
        def _():
            acc[...] = jnp.zeros_like(acc)

        acc[0:1, :] += jnp.sum(t, axis=0, keepdims=True)
        acc[1:2, :] += jnp.sum(t * t, axis=0, keepdims=True)

    @pl.when(p == 1)
    def _():
        mean = acc[0:1, :] * (1.0 / N)
        var = acc[1:2, :] * (1.0 / N) - mean * mean
        inv = lax.rsqrt(var + EPS)
        y = jnp.maximum((t - mean) * inv * g_ref[...] + be_ref[...], 0.0)
        h = jnp.dot(y, w_ref[...], preferred_element_type=jnp.float32)
        hs = h * dis_ref[...]
        for q in range(dn // 64):
            tab_o[q] = hs[:, q * 64 : (q + 1) * 64]


def _tc_layer(agg, tab, dis, b, g, be, w, d, dn):
    nq = d // 64
    nqo = dn // 64
    return pl.pallas_call(
        functools.partial(_layer_body, nq=nq, dn=dn),
        grid=(2, G),
        in_specs=[
            pl.BlockSpec((nq, R, 64), lambda p, i: (0, i, 0)),
            pl.BlockSpec((nq, R, 64), lambda p, i: (0, i, 0)),
            pl.BlockSpec((R, 1), lambda p, i: (i, 0)),
            pl.BlockSpec((1, d), lambda p, i: (0, 0)),
            pl.BlockSpec((1, d), lambda p, i: (0, 0)),
            pl.BlockSpec((1, d), lambda p, i: (0, 0)),
            pl.BlockSpec((d, dn), lambda p, i: (0, 0)),
        ],
        out_specs=pl.BlockSpec((nqo, R, 64), lambda p, i: (0, i, 0)),
        out_shape=jax.ShapeDtypeStruct((nqo, N, 64), jnp.float32),
        scratch_shapes=[pltpu.VMEM((2, d), jnp.float32)],
    )(agg, tab, dis, b, g, be, w)


def _kc_body(agg_ref, tab_ref, dis_ref, b_ref, o_ref):
    t = jnp.concatenate([agg_ref[q] + tab_ref[q] for q in range(2)], axis=1)
    t = t * dis_ref[...] + b_ref[...]
    m = jnp.max(t, axis=1, keepdims=True)
    lse = jnp.log(jnp.sum(jnp.exp(t - m), axis=1, keepdims=True)) + m
    o_ref[...] = t - lse


def _tc_final(agg, tab, dis, b):
    return pl.pallas_call(
        _kc_body,
        grid=(G,),
        in_specs=[
            pl.BlockSpec((2, R, 64), lambda i: (0, i, 0)),
            pl.BlockSpec((2, R, 64), lambda i: (0, i, 0)),
            pl.BlockSpec((R, 1), lambda i: (i, 0)),
            pl.BlockSpec((1, 128), lambda i: (0, 0)),
        ],
        out_specs=pl.BlockSpec((R, 128), lambda i: (i, 0)),
        out_shape=jax.ShapeDtypeStruct((N, 128), jnp.float32),
    )(agg, tab, dis, b)


@jax.jit
def kernel(x, edge_index, W0, b0, g0, be0, W1, b1, g1, be1, W2, b2):
    src = edge_index[0]
    dst = edge_index[1]
    pad = EPAD - E
    src_p = jnp.concatenate([src, jnp.zeros((pad,), jnp.int32)])
    dst_p = jnp.concatenate([dst, jnp.full((pad,), N, jnp.int32)])
    src_q4 = jnp.stack([src_p + q * N for q in range(4)]).reshape(4, 16, NCH, 128)
    src_q2 = src_q4[:2].reshape(2, 16, NCH, 128)
    dst_main = dst_p.reshape(16, NCH, 128)
    dst_deg = dst_p.reshape(2, 16, NCHD, 128)

    degp = _sc_deg(dst_deg)

    tab0, dis = _tc_first(x, W0, degp)
    agg1 = _sc_agg4(tab0.reshape(4 * N, 64), src_q4, dst_main)
    tab1 = _tc_layer(agg1, tab0, dis, b0.reshape(1, 256),
                     g0.reshape(1, 256), be0.reshape(1, 256), W1, 256, 256)

    agg2 = _sc_agg4(tab1.reshape(4 * N, 64), src_q4, dst_main)
    tab2 = _tc_layer(agg2, tab1, dis, b1.reshape(1, 256),
                     g1.reshape(1, 256), be1.reshape(1, 256), W2, 256, 128)

    agg3 = _sc_agg2(tab2.reshape(2 * N, 64), src_q2, dst_main)
    return _tc_final(agg3, tab2, dis, b2.reshape(1, 128))

# --- scband reference (transcript-rebuilt; emitter-appended) ---
"""Pipeline reference for scband-gcn-chess-20495583936863 (READ-ONLY COPY).

The authoritative reference and input builder live on the scoring server;
editing this copy changes nothing except your own understanding.
"""

import jax, jax.numpy as jnp
import numpy as np

N_NODES = 10000
N_EDGES = 320000
INPUT_DIM = 128
HIDDEN_DIM = 256
OUTPUT_DIM = 128
EPS = 1e-5


def setup_inputs(seed: int = 0) -> dict:
    key = jax.random.key(seed)
    ks = jax.random.split(key, 12)
    x = jax.random.normal(ks[0], (N_NODES, INPUT_DIM), dtype=jnp.float32)
    edge_index = jax.random.randint(ks[1], (2, N_EDGES), 0, N_NODES, dtype=jnp.int32)
    W0 = jax.random.normal(ks[2], (INPUT_DIM, HIDDEN_DIM), dtype=jnp.float32) * (1.0 / np.sqrt(INPUT_DIM))
    b0 = jnp.zeros((HIDDEN_DIM,), dtype=jnp.float32)
    g0 = jnp.ones((HIDDEN_DIM,), dtype=jnp.float32)
    be0 = jnp.zeros((HIDDEN_DIM,), dtype=jnp.float32)
    W1 = jax.random.normal(ks[3], (HIDDEN_DIM, HIDDEN_DIM), dtype=jnp.float32) * (1.0 / np.sqrt(HIDDEN_DIM))
    b1 = jnp.zeros((HIDDEN_DIM,), dtype=jnp.float32)
    g1 = jnp.ones((HIDDEN_DIM,), dtype=jnp.float32)
    be1 = jnp.zeros((HIDDEN_DIM,), dtype=jnp.float32)
    W2 = jax.random.normal(ks[4], (HIDDEN_DIM, OUTPUT_DIM), dtype=jnp.float32) * (1.0 / np.sqrt(HIDDEN_DIM))
    b2 = jnp.zeros((OUTPUT_DIM,), dtype=jnp.float32)
    return {"x": x, "edge_index": edge_index, "W0": W0, "b0": b0, "g0": g0, "be0": be0,
            "W1": W1, "b1": b1, "g1": g1, "be1": be1, "W2": W2, "b2": b2}


def gcn_conv(x, edge_index, W, b):
    n = x.shape[0]
    h = x @ W
    loop = jnp.arange(n, dtype=edge_index.dtype)
    src = jnp.concatenate([edge_index[0], loop])
    dst = jnp.concatenate([edge_index[1], loop])
    deg = jnp.zeros((n,), dtype=h.dtype).at[dst].add(1.0)
    deg_inv_sqrt = jnp.where(deg > 0, deg ** -0.5, 0.0)
    norm = deg_inv_sqrt[src] * deg_inv_sqrt[dst]
    msgs = h[src] * norm[:, None]
    out = jax.ops.segment_sum(msgs, dst, num_segments=n)
    return out + b


def batch_norm(h, gamma, beta):
    mean = jnp.mean(h, axis=0)
    var = jnp.var(h, axis=0)
    return (h - mean) / jnp.sqrt(var + EPS) * gamma + beta


def reference(x, edge_index, W0, b0, g0, be0, W1, b1, g1, be1, W2, b2):
    h = gcn_conv(x, edge_index, W0, b0)
    h = batch_norm(h, g0, be0)
    h = jax.nn.relu(h)
    # dropout is identity in eval mode
    h = gcn_conv(h, edge_index, W1, b1)
    h = batch_norm(h, g1, be1)
    h = jax.nn.relu(h)
    h = gcn_conv(h, edge_index, W2, b2)
    return jax.nn.log_softmax(h, axis=-1)

if __name__ == "__main__":
    import jax
    _d = setup_inputs()
    print(jax.jit(kernel)(*tuple(_d.values())))

</pallas_src>

<mosaic_0001>
#map = affine_map<(d0, d1) -> (0, 0)>
#map1 = affine_map<(d0, d1) -> (0, 0, 0, 0)>
#map2 = affine_map<(d0, d1) -> (0, 0, 0)>
module attributes {stable_mosaic.version = 14 : i64} {
  func.func @agg(%arg0: i32, %arg1: i32, %arg2: memref<40000x64xf32, #tpu.memory_space<hbm>>, %arg3: memref<4x16x158x128xi32, #tpu.memory_space<hbm>>, %arg4: memref<16x158x128xi32, #tpu.memory_space<hbm>>, %arg5: memref<4x10240x64xf32, #tpu.memory_space<hbm>>, %arg6: memref<158x128xi32, #tpu.memory_space<vmem>>, %arg7: memref<158x128xi32, #tpu.memory_space<vmem>>, %arg8: memref<128x64xf32, #tpu.memory_space<vmem>>, %arg9: memref<128x64xf32, #tpu.memory_space<vmem>>, %arg10: memref<128x64xf32, #tpu.memory_space<vmem>>, %arg11: memref<10240x64xf32, #tpu.memory_space<vmem_shared>>, %arg12: memref<!tpu.dma_semaphore, #tpu.memory_space<semaphore_mem>>, %arg13: memref<!tpu.dma_semaphore, #tpu.memory_space<semaphore_mem>>) attributes {dimension_semantics = [#tpu.dimension_semantics<core_parallel>, #tpu.dimension_semantics<subcore_parallel>], iteration_bounds = array<i64: 2, 16>, scalar_prefetch = 0 : i64, scratch_operands = 8 : i64, tpu.core_type = #tpu.core_type<sc_vector_subcore>, window_params = [{transform_indices = #map}, {transform_indices = #map1}, {transform_indices = #map2}, {transform_indices = #map2}]} {
    "tpu.region"() ({
      %run_scoped3A = tpu.sem_alloc : memref<!tpu.dma_semaphore, #tpu.memory_space<semaphore_mem>>
      %dma_start3A_89 = arith.constant 0 : i32
      %dma_start3A_90 = arith.constant 0 : i32
      %dma_start3A_91 = tpu.memref_slice %arg4[%arg1, %dma_start3A_89, %dma_start3A_90] : memref<16x158x128xi32, #tpu.memory_space<hbm>> -> memref<1x158x128xi32, #tpu.memory_space<hbm>>
      %dma_start3A_92 = tpu.memref_squeeze %dma_start3A_91 : memref<1x158x128xi32, #tpu.memory_space<hbm>> -> memref<158x128xi32, #tpu.memory_space<hbm>>
      %dma_start3A_93 = arith.constant 0 : i32
      %dma_start3A_94 = arith.constant 0 : i32
      %dma_start3A_95 = tpu.memref_slice %arg4[%arg1, %dma_start3A_93, %dma_start3A_94] : memref<16x158x128xi32, #tpu.memory_space<hbm>> -> memref<1x158x128xi32, #tpu.memory_space<hbm>>
      %dma_start3A_96 = tpu.memref_squeeze %dma_start3A_95 : memref<1x158x128xi32, #tpu.memory_space<hbm>> -> memref<158x128xi32, #tpu.memory_space<hbm>>
      tpu.enqueue_dma source(%dma_start3A_96 : memref<158x128xi32, #tpu.memory_space<hbm>>) target(%arg7 : memref<158x128xi32, #tpu.memory_space<vmem>>) target_semaphore(%run_scoped3A : memref<!tpu.dma_semaphore, #tpu.memory_space<semaphore_mem>>)
      %dma_wait3A = arith.constant 0 : i32
      %dma_wait3A_97 = arith.constant 0 : i32
      %dma_wait3A_98 = tpu.memref_slice %arg4[%arg1, %dma_wait3A, %dma_wait3A_97] : memref<16x158x128xi32, #tpu.memory_space<hbm>> -> memref<1x158x128xi32, #tpu.memory_space<hbm>>
      %dma_wait3A_99 = tpu.memref_squeeze %dma_wait3A_98 : memref<1x158x128xi32, #tpu.memory_space<hbm>> -> memref<158x128xi32, #tpu.memory_space<hbm>>
      %dma_wait3A_100 = arith.constant 0 : i32
      %dma_wait3A_101 = arith.constant 0 : i32
      %dma_wait3A_102 = tpu.memref_slice %arg4[%arg1, %dma_wait3A_100, %dma_wait3A_101] : memref<16x158x128xi32, #tpu.memory_space<hbm>> -> memref<1x158x128xi32, #tpu.memory_space<hbm>>
      %dma_wait3A_103 = tpu.memref_squeeze %dma_wait3A_102 : memref<1x158x128xi32, #tpu.memory_space<hbm>> -> memref<158x128xi32, #tpu.memory_space<hbm>>
      tpu.wait_dma2 semaphore(%run_scoped3A : memref<!tpu.dma_semaphore, #tpu.memory_space<semaphore_mem>>) src(%dma_wait3A_103 : memref<158x128xi32, #tpu.memory_space<hbm>>) dst(%arg7 : memref<158x128xi32, #tpu.memory_space<vmem>>)
      tpu.yield
    }) : () -> ()
    %mul3A = arith.constant 2 : i32
    %mul3A_0 = arith.muli %arg0, %mul3A : i32
    "tpu.region"() ({
      %run_scoped3A = tpu.sem_alloc : memref<!tpu.dma_semaphore, #tpu.memory_space<semaphore_mem>>
      %dma_start3A_89 = arith.constant 0 : i32
      %dma_start3A_90 = arith.constant 0 : i32
      %dma_start3A_91 = tpu.memref_slice %arg3[%mul3A_0, %arg1, %dma_start3A_89, %dma_start3A_90] : memref<4x16x158x128xi32, #tpu.memory_space<hbm>> -> memref<1x1x158x128xi32, #tpu.memory_space<hbm>>
      %dma_start3A_92 = tpu.memref_squeeze %dma_start3A_91 : memref<1x1x158x128xi32, #tpu.memory_space<hbm>> -> memref<158x128xi32, #tpu.memory_space<hbm>>
      %dma_start3A_93 = arith.constant 0 : i32
      %dma_start3A_94 = arith.constant 0 : i32
      %dma_start3A_95 = tpu.memref_slice %arg3[%mul3A_0, %arg1, %dma_start3A_93, %dma_start3A_94] : memref<4x16x158x128xi32, #tpu.memory_space<hbm>> -> memref<1x1x158x128xi32, #tpu.memory_space<hbm>>
      %dma_start3A_96 = tpu.memref_squeeze %dma_start3A_95 : memref<1x1x158x128xi32, #tpu.memory_space<hbm>> -> memref<158x128xi32, #tpu.memory_space<hbm>>
      tpu.enqueue_dma source(%dma_start3A_96 : memref<158x128xi32, #tpu.memory_space<hbm>>) target(%arg6 : memref<158x128xi32, #tpu.memory_space<vmem>>) target_semaphore(%run_scoped3A : memref<!tpu.dma_semaphore, #tpu.memory_space<semaphore_mem>>)
      %dma_wait3A = arith.constant 0 : i32
      %dma_wait3A_97 = arith.constant 0 : i32
      %dma_wait3A_98 = tpu.memref_slice %arg3[%mul3A_0, %arg1, %dma_wait3A, %dma_wait3A_97] : memref<4x16x158x128xi32, #tpu.memory_space<hbm>> -> memref<1x1x158x128xi32, #tpu.memory_space<hbm>>
      %dma_wait3A_99 = tpu.memref_squeeze %dma_wait3A_98 : memref<1x1x158x128xi32, #tpu.memory_space<hbm>> -> memref<158x128xi32, #tpu.memory_space<hbm>>
      %dma_wait3A_100 = arith.constant 0 : i32
      %dma_wait3A_101 = arith.constant 0 : i32
      %dma_wait3A_102 = tpu.memref_slice %arg3[%mul3A_0, %arg1, %dma_wait3A_100, %dma_wait3A_101] : memref<4x16x158x128xi32, #tpu.memory_space<hbm>> -> memref<1x1x158x128xi32, #tpu.memory_space<hbm>>
      %dma_wait3A_103 = tpu.memref_squeeze %dma_wait3A_102 : memref<1x1x158x128xi32, #tpu.memory_space<hbm>> -> memref<158x128xi32, #tpu.memory_space<hbm>>
      tpu.wait_dma2 semaphore(%run_scoped3A : memref<!tpu.dma_semaphore, #tpu.memory_space<semaphore_mem>>) src(%dma_wait3A_103 : memref<158x128xi32, #tpu.memory_space<hbm>>) dst(%arg6 : memref<158x128xi32, #tpu.memory_space<vmem>>)
      tpu.yield
    }) : () -> ()
    %dma_start3A = arith.constant 0 : i32
    %dma_start3A_1 = arith.constant 0 : i32
    %dma_start3A_2 = tpu.memref_slice %arg6[%dma_start3A, %dma_start3A_1] : memref<158x128xi32, #tpu.memory_space<vmem>> -> memref<1x128xi32, #tpu.memory_space<vmem>>
    %dma_start3A_3 = tpu.memref_squeeze %dma_start3A_2 : memref<1x128xi32, #tpu.memory_space<vmem>> -> memref<128xi32, #tpu.memory_space<vmem>>
    %dma_start3A_4 = arith.constant 0 : i32
    %dma_start3A_5 = arith.constant 0 : i32
    %dma_start3A_6 = tpu.memref_slice %arg2[%dma_start3A_4, %dma_start3A_5] : memref<40000x64xf32, #tpu.memory_space<hbm>> -> memref<40000x64xf32, #tpu.memory_space<hbm>>
    tpu.enqueue_indirect_dma source(%dma_start3A_6 : memref<40000x64xf32, #tpu.memory_space<hbm>>) target(%arg8 : memref<128x64xf32, #tpu.memory_space<vmem>>) offsets(%dma_start3A_3 : memref<128xi32, #tpu.memory_space<vmem>>) semaphore(%arg12 : memref<!tpu.dma_semaphore, #tpu.memory_space<semaphore_mem>>)
    %scan3A = arith.constant 0 : i32
    %scan3A_7 = arith.constant 512 : i32
    %scan3A_8 = arith.addi %scan3A, %scan3A_7 : i32
    %scan3A_9 = arith.constant 1 : i32
    scf.for %scan3A_89 = %scan3A to %scan3A_8 step %scan3A_9  : i32 {
      %jit3A = arith.constant 4 : i32
      %div3A = arith.divsi %scan3A_89, %jit3A : i32
      %sign3A = arith.constant 0 : i32
      %sign3A_90 = arith.cmpi sgt, %scan3A_89, %sign3A : i32
      %sign3A_91 = arith.extui %sign3A_90 : i1 to i32
      %sign3A_92 = arith.constant 0 : i32
      %sign3A_93 = arith.cmpi slt, %scan3A_89, %sign3A_92 : i32
      %sign3A_94 = arith.extui %sign3A_93 : i1 to i32
      %sign3A_95 = arith.subi %sign3A_91, %sign3A_94 : i32
      %sign3A_96 = arith.constant 0 : i32
      %sign3A_97 = arith.cmpi sgt, %jit3A, %sign3A_96 : i32
      %sign3A_98 = arith.extui %sign3A_97 : i1 to i32
      %sign3A_99 = arith.constant 0 : i32
      %sign3A_100 = arith.cmpi slt, %jit3A, %sign3A_99 : i32
      %sign3A_101 = arith.extui %sign3A_100 : i1 to i32
      %sign3A_102 = arith.subi %sign3A_98, %sign3A_101 : i32
      %ne3A = arith.cmpi ne, %sign3A_95, %sign3A_102 : i32
      %rem3A = arith.remsi %scan3A_89, %jit3A : i32
      %ne3A_103 = arith.constant 0 : i32
      %ne3A_104 = arith.cmpi ne, %rem3A, %ne3A_103 : i32
      %and3A = arith.andi %ne3A, %ne3A_104 : i1
      %sub3A_105 = arith.constant 1 : i32
      %sub3A_106 = arith.subi %div3A, %sub3A_105 : i32
      %select_n3A = arith.select %and3A, %sub3A_106, %div3A : i32
      %jit3A_107 = arith.constant 4 : i32
      %eq3A = arith.constant 0 : i32
      %eq3A_108 = arith.cmpi eq, %jit3A_107, %eq3A : i32
      %jit3A_109 = arith.constant 1 : i32
      %select_n3A_110 = arith.select %eq3A_108, %jit3A_109, %jit3A_107 : i32
      %rem3A_111 = arith.remsi %scan3A_89, %select_n3A_110 : i32
      %ne3A_112 = arith.constant 0 : i32
      %ne3A_113 = arith.cmpi ne, %rem3A_111, %ne3A_112 : i32
      %lt3A = arith.constant 0 : i32
      %lt3A_114 = arith.cmpi slt, %rem3A_111, %lt3A : i32
      %lt3A_115 = arith.constant 0 : i32
      %lt3A_116 = arith.cmpi slt, %select_n3A_110, %lt3A_115 : i32
      %ne3A_117 = arith.xori %lt3A_114, %lt3A_116 : i1
      %and3A_118 = arith.andi %ne3A_117, %ne3A_113 : i1
      %add3A_119 = arith.addi %rem3A_111, %select_n3A_110 : i32
      %select_n3A_120 = arith.select %and3A_118, %add3A_119, %rem3A_111 : i32
      %broadcast_in_dim3A = arith.constant 0.000000e+00 : f32
      %broadcast_in_dim3A_121 = vector.broadcast %broadcast_in_dim3A : f32 to vector<16xf32>
      %mul3A_122 = arith.constant 16 : i32
      %mul3A_123 = arith.muli %select_n3A_120, %mul3A_122 : i32
      %swap3A = arith.index_cast %select_n3A : i32 to index
      %swap3A_124 = arith.index_cast %mul3A_123 : i32 to index
      %swap3A_125 = tpu.vector_load %arg10[%swap3A, %swap3A_124] {strides = array<i32>} : memref<128x64xf32, #tpu.memory_space<vmem>>, vector<1x16xf32>,
      %swap3A_126 = vector.shape_cast %swap3A_125 : vector<1x16xf32> to vector<16xf32>
      %swap3A_127 = vector.shape_cast %broadcast_in_dim3A_121 : vector<16xf32> to vector<1x16xf32>
      tpu.vector_store %arg10[%swap3A, %swap3A_124], %swap3A_127 {strides = array<i32>} : memref<128x64xf32, #tpu.memory_space<vmem>>, vector<1x16xf32>,
    }
    %scan3A_10 = arith.constant 512 : i32
    %mul3A_11 = arith.constant 640 : i32
    %mul3A_12 = arith.muli %arg1, %mul3A_11 : i32
    %add3A = arith.constant 0 : i32
    %add3A_13 = arith.addi %mul3A_12, %add3A : i32
    "tpu.region"() ({
      %run_scoped3A = tpu.sem_alloc : memref<!tpu.dma_semaphore, #tpu.memory_space<semaphore_mem>>
      %dma_start3A_89 = arith.constant 0 : i32
      %dma_start3A_90 = tpu.memref_slice %arg11[%add3A_13, %dma_start3A_89] : memref<10240x64xf32, #tpu.memory_space<vmem_shared>> -> memref<128x64xf32, #tpu.memory_space<vmem_shared>>
      %dma_start3A_91 = arith.constant 0 : i32
      %dma_start3A_92 = tpu.memref_slice %arg11[%add3A_13, %dma_start3A_91] : memref<10240x64xf32, #tpu.memory_space<vmem_shared>> -> memref<128x64xf32, #tpu.memory_space<vmem_shared>>
      tpu.enqueue_dma source(%arg10 : memref<128x64xf32, #tpu.memory_space<vmem>>) target(%dma_start3A_92 : memref<128x64xf32, #tpu.memory_space<vmem_shared>>) target_semaphore(%run_scoped3A : memref<!tpu.dma_semaphore, #tpu.memory_space<semaphore_mem>>)
      %dma_wait3A = arith.constant 0 : i32
      %dma_wait3A_93 = tpu.memref_slice %arg11[%add3A_13, %dma_wait3A] : memref<10240x64xf32, #tpu.memory_space<vmem_shared>> -> memref<128x64xf32, #tpu.memory_space<vmem_shared>>
      %dma_wait3A_94 = arith.constant 0 : i32
      %dma_wait3A_95 = tpu.memref_slice %arg11[%add3A_13, %dma_wait3A_94] : memref<10240x64xf32, #tpu.memory_space<vmem_shared>> -> memref<128x64xf32, #tpu.memory_space<vmem_shared>>
      tpu.wait_dma2 semaphore(%run_scoped3A : memref<!tpu.dma_semaphore, #tpu.memory_space<semaphore_mem>>) src(%arg10 : memref<128x64xf32, #tpu.memory_space<vmem>>) dst(%dma_wait3A_95 : memref<128x64xf32, #tpu.memory_space<vmem_shared>>)
      tpu.yield
    }) : () -> ()
    %mul3A_14 = arith.constant 640 : i32
    %mul3A_15 = arith.muli %arg1, %mul3A_14 : i32
    %add3A_16 = arith.constant 128 : i32
    %add3A_17 = arith.addi %mul3A_15, %add3A_16 : i32
    "tpu.region"() ({
      %run_scoped3A = tpu.sem_alloc : memref<!tpu.dma_semaphore, #tpu.memory_space<semaphore_mem>>
      %dma_start3A_89 = arith.constant 0 : i32
      %dma_start3A_90 = tpu.memref_slice %arg11[%add3A_17, %dma_start3A_89] : memref<10240x64xf32, #tpu.memory_space<vmem_shared>> -> memref<128x64xf32, #tpu.memory_space<vmem_shared>>
      %dma_start3A_91 = arith.constant 0 : i32
      %dma_start3A_92 = tpu.memref_slice %arg11[%add3A_17, %dma_start3A_91] : memref<10240x64xf32, #tpu.memory_space<vmem_shared>> -> memref<128x64xf32, #tpu.memory_space<vmem_shared>>
      tpu.enqueue_dma source(%arg10 : memref<128x64xf32, #tpu.memory_space<vmem>>) target(%dma_start3A_92 : memref<128x64xf32, #tpu.memory_space<vmem_shared>>) target_semaphore(%run_scoped3A : memref<!tpu.dma_semaphore, #tpu.memory_space<semaphore_mem>>)
      %dma_wait3A = arith.constant 0 : i32
      %dma_wait3A_93 = tpu.memref_slice %arg11[%add3A_17, %dma_wait3A] : memref<10240x64xf32, #tpu.memory_space<vmem_shared>> -> memref<128x64xf32, #tpu.memory_space<vmem_shared>>
      %dma_wait3A_94 = arith.constant 0 : i32
      %dma_wait3A_95 = tpu.memref_slice %arg11[%add3A_17, %dma_wait3A_94] : memref<10240x64xf32, #tpu.memory_space<vmem_shared>> -> memref<128x64xf32, #tpu.memory_space<vmem_shared>>
      tpu.wait_dma2 semaphore(%run_scoped3A : memref<!tpu.dma_semaphore, #tpu.memory_space<semaphore_mem>>) src(%arg10 : memref<128x64xf32, #tpu.memory_space<vmem>>) dst(%dma_wait3A_95 : memref<128x64xf32, #tpu.memory_space<vmem_shared>>)
      tpu.yield
    }) : () -> ()
    %mul3A_18 = arith.constant 640 : i32
    %mul3A_19 = arith.muli %arg1, %mul3A_18 : i32
    %add3A_20 = arith.constant 256 : i32
    %add3A_21 = arith.addi %mul3A_19, %add3A_20 : i32
    "tpu.region"() ({
      %run_scoped3A = tpu.sem_alloc : memref<!tpu.dma_semaphore, #tpu.memory_space<semaphore_mem>>
      %dma_start3A_89 = arith.constant 0 : i32
      %dma_start3A_90 = tpu.memref_slice %arg11[%add3A_21, %dma_start3A_89] : memref<10240x64xf32, #tpu.memory_space<vmem_shared>> -> memref<128x64xf32, #tpu.memory_space<vmem_shared>>
      %dma_start3A_91 = arith.constant 0 : i32
      %dma_start3A_92 = tpu.memref_slice %arg11[%add3A_21, %dma_start3A_91] : memref<10240x64xf32, #tpu.memory_space<vmem_shared>> -> memref<128x64xf32, #tpu.memory_space<vmem_shared>>
      tpu.enqueue_dma source(%arg10 : memref<128x64xf32, #tpu.memory_space<vmem>>) target(%dma_start3A_92 : memref<128x64xf32, #tpu.memory_space<vmem_shared>>) target_semaphore(%run_scoped3A : memref<!tpu.dma_semaphore, #tpu.memory_space<semaphore_mem>>)
      %dma_wait3A = arith.constant 0 : i32
      %dma_wait3A_93 = tpu.memref_slice %arg11[%add3A_21, %dma_wait3A] : memref<10240x64xf32, #tpu.memory_space<vmem_shared>> -> memref<128x64xf32, #tpu.memory_space<vmem_shared>>
      %dma_wait3A_94 = arith.constant 0 : i32
      %dma_wait3A_95 = tpu.memref_slice %arg11[%add3A_21, %dma_wait3A_94] : memref<10240x64xf32, #tpu.memory_space<vmem_shared>> -> memref<128x64xf32, #tpu.memory_space<vmem_shared>>
      tpu.wait_dma2 semaphore(%run_scoped3A : memref<!tpu.dma_semaphore, #tpu.memory_space<semaphore_mem>>) src(%arg10 : memref<128x64xf32, #tpu.memory_space<vmem>>) dst(%dma_wait3A_95 : memref<128x64xf32, #tpu.memory_space<vmem_shared>>)
      tpu.yield
    }) : () -> ()
    %mul3A_22 = arith.constant 640 : i32
    %mul3A_23 = arith.muli %arg1, %mul3A_22 : i32
    %add3A_24 = arith.constant 384 : i32
    %add3A_25 = arith.addi %mul3A_23, %add3A_24 : i32
    "tpu.region"() ({
      %run_scoped3A = tpu.sem_alloc : memref<!tpu.dma_semaphore, #tpu.memory_space<semaphore_mem>>
      %dma_start3A_89 = arith.constant 0 : i32
      %dma_start3A_90 = tpu.memref_slice %arg11[%add3A_25, %dma_start3A_89] : memref<10240x64xf32, #tpu.memory_space<vmem_shared>> -> memref<128x64xf32, #tpu.memory_space<vmem_shared>>
      %dma_start3A_91 = arith.constant 0 : i32
      %dma_start3A_92 = tpu.memref_slice %arg11[%add3A_25, %dma_start3A_91] : memref<10240x64xf32, #tpu.memory_space<vmem_shared>> -> memref<128x64xf32, #tpu.memory_space<vmem_shared>>
      tpu.enqueue_dma source(%arg10 : memref<128x64xf32, #tpu.memory_space<vmem>>) target(%dma_start3A_92 : memref<128x64xf32, #tpu.memory_space<vmem_shared>>) target_semaphore(%run_scoped3A : memref<!tpu.dma_semaphore, #tpu.memory_space<semaphore_mem>>)
      %dma_wait3A = arith.constant 0 : i32
      %dma_wait3A_93 = tpu.memref_slice %arg11[%add3A_25, %dma_wait3A] : memref<10240x64xf32, #tpu.memory_space<vmem_shared>> -> memref<128x64xf32, #tpu.memory_space<vmem_shared>>
      %dma_wait3A_94 = arith.constant 0 : i32
      %dma_wait3A_95 = tpu.memref_slice %arg11[%add3A_25, %dma_wait3A_94] : memref<10240x64xf32, #tpu.memory_space<vmem_shared>> -> memref<128x64xf32, #tpu.memory_space<vmem_shared>>
      tpu.wait_dma2 semaphore(%run_scoped3A : memref<!tpu.dma_semaphore, #tpu.memory_space<semaphore_mem>>) src(%arg10 : memref<128x64xf32, #tpu.memory_space<vmem>>) dst(%dma_wait3A_95 : memref<128x64xf32, #tpu.memory_space<vmem_shared>>)
      tpu.yield
    }) : () -> ()
    %mul3A_26 = arith.constant 640 : i32
    %mul3A_27 = arith.muli %arg1, %mul3A_26 : i32
    %add3A_28 = arith.constant 512 : i32
    %add3A_29 = arith.addi %mul3A_27, %add3A_28 : i32
    "tpu.region"() ({
      %run_scoped3A = tpu.sem_alloc : memref<!tpu.dma_semaphore, #tpu.memory_space<semaphore_mem>>
      %dma_start3A_89 = arith.constant 0 : i32
      %dma_start3A_90 = tpu.memref_slice %arg11[%add3A_29, %dma_start3A_89] : memref<10240x64xf32, #tpu.memory_space<vmem_shared>> -> memref<128x64xf32, #tpu.memory_space<vmem_shared>>
      %dma_start3A_91 = arith.constant 0 : i32
      %dma_start3A_92 = tpu.memref_slice %arg11[%add3A_29, %dma_start3A_91] : memref<10240x64xf32, #tpu.memory_space<vmem_shared>> -> memref<128x64xf32, #tpu.memory_space<vmem_shared>>
      tpu.enqueue_dma source(%arg10 : memref<128x64xf32, #tpu.memory_space<vmem>>) target(%dma_start3A_92 : memref<128x64xf32, #tpu.memory_space<vmem_shared>>) target_semaphore(%run_scoped3A : memref<!tpu.dma_semaphore, #tpu.memory_space<semaphore_mem>>)
      %dma_wait3A = arith.constant 0 : i32
      %dma_wait3A_93 = tpu.memref_slice %arg11[%add3A_29, %dma_wait3A] : memref<10240x64xf32, #tpu.memory_space<vmem_shared>> -> memref<128x64xf32, #tpu.memory_space<vmem_shared>>
      %dma_wait3A_94 = arith.constant 0 : i32
      %dma_wait3A_95 = tpu.memref_slice %arg11[%add3A_29, %dma_wait3A_94] : memref<10240x64xf32, #tpu.memory_space<vmem_shared>> -> memref<128x64xf32, #tpu.memory_space<vmem_shared>>
      tpu.wait_dma2 semaphore(%run_scoped3A : memref<!tpu.dma_semaphore, #tpu.memory_space<semaphore_mem>>) src(%arg10 : memref<128x64xf32, #tpu.memory_space<vmem>>) dst(%dma_wait3A_95 : memref<128x64xf32, #tpu.memory_space<vmem_shared>>)
      tpu.yield
    }) : () -> ()
    %barrier3A = arith.constant 0 : index
    tpu.barrier barrier_id(%barrier3A)
    %scan3A_30 = arith.constant 0 : i32
    %scan3A_31 = arith.constant 79 : i32
    %scan3A_32 = arith.addi %scan3A_30, %scan3A_31 : i32
    %scan3A_33 = arith.constant 1 : i32
    scf.for %scan3A_89 = %scan3A_30 to %scan3A_32 step %scan3A_33  : i32 {
      %mul3A_90 = arith.constant 2 : i32
      %mul3A_91 = arith.muli %mul3A_90, %scan3A_89 : i32
      %add3A_92 = arith.constant 1 : i32
      %add3A_93 = arith.addi %mul3A_91, %add3A_92 : i32
      %add3A_94 = arith.constant 2 : i32
      %add3A_95 = arith.addi %mul3A_91, %add3A_94 : i32
      %dma_start3A_96 = arith.constant 0 : i32
      %dma_start3A_97 = tpu.memref_slice %arg6[%add3A_93, %dma_start3A_96] : memref<158x128xi32, #tpu.memory_space<vmem>> -> memref<1x128xi32, #tpu.memory_space<vmem>>
      %dma_start3A_98 = tpu.memref_squeeze %dma_start3A_97 : memref<1x128xi32, #tpu.memory_space<vmem>> -> memref<128xi32, #tpu.memory_space<vmem>>
      %dma_start3A_99 = arith.constant 0 : i32
      %dma_start3A_100 = arith.constant 0 : i32
      %dma_start3A_101 = tpu.memref_slice %arg2[%dma_start3A_99, %dma_start3A_100] : memref<40000x64xf32, #tpu.memory_space<hbm>> -> memref<40000x64xf32, #tpu.memory_space<hbm>>
      tpu.enqueue_indirect_dma source(%dma_start3A_101 : memref<40000x64xf32, #tpu.memory_space<hbm>>) target(%arg9 : memref<128x64xf32, #tpu.memory_space<vmem>>) offsets(%dma_start3A_98 : memref<128xi32, #tpu.memory_space<vmem>>) semaphore(%arg13 : memref<!tpu.dma_semaphore, #tpu.memory_space<semaphore_mem>>)
      %dma_wait3A = arith.constant 0 : i32
      %dma_wait3A_102 = tpu.memref_slice %arg6[%mul3A_91, %dma_wait3A] : memref<158x128xi32, #tpu.memory_space<vmem>> -> memref<1x128xi32, #tpu.memory_space<vmem>>
      %dma_wait3A_103 = tpu.memref_squeeze %dma_wait3A_102 : memref<1x128xi32, #tpu.memory_space<vmem>> -> memref<128xi32, #tpu.memory_space<vmem>>
      %dma_wait3A_104 = arith.constant 0 : i32
      %dma_wait3A_105 = arith.constant 0 : i32
      %dma_wait3A_106 = tpu.memref_slice %arg2[%dma_wait3A_104, %dma_wait3A_105] : memref<40000x64xf32, #tpu.memory_space<hbm>> -> memref<40000x64xf32, #tpu.memory_space<hbm>>
      tpu.wait_indirect_dma semaphore(%arg12 : memref<!tpu.dma_semaphore, #tpu.memory_space<semaphore_mem>>) src(%dma_wait3A_106 : memref<40000x64xf32, #tpu.memory_space<hbm>>) dst(%arg8 : memref<128x64xf32, #tpu.memory_space<vmem>>)
      "tpu.region"() ({
        %run_scoped3A = tpu.sem_alloc : memref<!tpu.dma_semaphore, #tpu.memory_space<semaphore_mem>>
        %dma_start3A_115 = arith.constant 0 : i32
        %dma_start3A_116 = tpu.memref_slice %arg7[%mul3A_91, %dma_start3A_115] : memref<158x128xi32, #tpu.memory_space<vmem>> -> memref<1x128xi32, #tpu.memory_space<vmem>>
        %dma_start3A_117 = tpu.memref_squeeze %dma_start3A_116 : memref<1x128xi32, #tpu.memory_space<vmem>> -> memref<128xi32, #tpu.memory_space<vmem>>
        %dma_start3A_118 = arith.constant 0 : i32
        %dma_start3A_119 = arith.constant 0 : i32
        %dma_start3A_120 = tpu.memref_slice %arg11[%dma_start3A_118, %dma_start3A_119] : memref<10240x64xf32, #tpu.memory_space<vmem_shared>> -> memref<10240x64xf32, #tpu.memory_space<vmem_shared>>
        tpu.enqueue_indirect_dma source(%arg8 : memref<128x64xf32, #tpu.memory_space<vmem>>) target(%dma_start3A_120 : memref<10240x64xf32, #tpu.memory_space<vmem_shared>>) offsets(%dma_start3A_117 : memref<128xi32, #tpu.memory_space<vmem>>) semaphore(%run_scoped3A : memref<!tpu.dma_semaphore, #tpu.memory_space<semaphore_mem>>) {add = true}
        %dma_wait3A_121 = arith.constant 0 : i32
        %dma_wait3A_122 = tpu.memref_slice %arg7[%mul3A_91, %dma_wait3A_121] : memref<158x128xi32, #tpu.memory_space<vmem>> -> memref<1x128xi32, #tpu.memory_space<vmem>>
        %dma_wait3A_123 = tpu.memref_squeeze %dma_wait3A_122 : memref<1x128xi32, #tpu.memory_space<vmem>> -> memref<128xi32, #tpu.memory_space<vmem>>
        %dma_wait3A_124 = arith.constant 0 : i32
        %dma_wait3A_125 = arith.constant 0 : i32
        %dma_wait3A_126 = tpu.memref_slice %arg11[%dma_wait3A_124, %dma_wait3A_125] : memref<10240x64xf32, #tpu.memory_space<vmem_shared>> -> memref<10240x64xf32, #tpu.memory_space<vmem_shared>>
        tpu.wait_indirect_dma semaphore(%run_scoped3A : memref<!tpu.dma_semaphore, #tpu.memory_space<semaphore_mem>>) src(%arg8 : memref<128x64xf32, #tpu.memory_space<vmem>>) dst(%dma_wait3A_126 : memref<10240x64xf32, #tpu.memory_space<vmem_shared>>)
        tpu.yield
      }) : () -> ()
      %lt3A = arith.constant 158 : i32
      %lt3A_107 = arith.cmpi slt, %add3A_95, %lt3A : i32
      %convert_element_type3A = arith.extui %lt3A_107 : i1 to i32
      %cond3A = arith.constant 0 : i32
      %cond3A_108 = arith.cmpi ne, %convert_element_type3A, %cond3A : i32
      scf.if %cond3A_108 {
        %dma_start3A_115 = arith.constant 0 : i32
        %dma_start3A_116 = tpu.memref_slice %arg6[%add3A_95, %dma_start3A_115] : memref<158x128xi32, #tpu.memory_space<vmem>> -> memref<1x128xi32, #tpu.memory_space<vmem>>
        %dma_start3A_117 = tpu.memref_squeeze %dma_start3A_116 : memref<1x128xi32, #tpu.memory_space<vmem>> -> memref<128xi32, #tpu.memory_space<vmem>>
        %dma_start3A_118 = arith.constant 0 : i32
        %dma_start3A_119 = arith.constant 0 : i32
        %dma_start3A_120 = tpu.memref_slice %arg2[%dma_start3A_118, %dma_start3A_119] : memref<40000x64xf32, #tpu.memory_space<hbm>> -> memref<40000x64xf32, #tpu.memory_space<hbm>>
        tpu.enqueue_indirect_dma source(%dma_start3A_120 : memref<40000x64xf32, #tpu.memory_space<hbm>>) target(%arg8 : memref<128x64xf32, #tpu.memory_space<vmem>>) offsets(%dma_start3A_117 : memref<128xi32, #tpu.memory_space<vmem>>) semaphore(%arg12 : memref<!tpu.dma_semaphore, #tpu.memory_space<semaphore_mem>>)
      } else {
      }
      %dma_wait3A_109 = arith.constant 0 : i32
      %dma_wait3A_110 = tpu.memref_slice %arg6[%add3A_93, %dma_wait3A_109] : memref<158x128xi32, #tpu.memory_space<vmem>> -> memref<1x128xi32, #tpu.memory_space<vmem>>
      %dma_wait3A_111 = tpu.memref_squeeze %dma_wait3A_110 : memref<1x128xi32, #tpu.memory_space<vmem>> -> memref<128xi32, #tpu.memory_space<vmem>>
      %dma_wait3A_112 = arith.constant 0 : i32
      %dma_wait3A_113 = arith.constant 0 : i32
      %dma_wait3A_114 = tpu.memref_slice %arg2[%dma_wait3A_112, %dma_wait3A_113] : memref<40000x64xf32, #tpu.memory_space<hbm>> -> memref<40000x64xf32, #tpu.memory_space<hbm>>
      tpu.wait_indirect_dma semaphore(%arg13 : memref<!tpu.dma_semaphore, #tpu.memory_space<semaphore_mem>>) src(%dma_wait3A_114 : memref<40000x64xf32, #tpu.memory_space<hbm>>) dst(%arg9 : memref<128x64xf32, #tpu.memory_space<vmem>>)
      "tpu.region"() ({
        %run_scoped3A = tpu.sem_alloc : memref<!tpu.dma_semaphore, #tpu.memory_space<semaphore_mem>>
        %dma_start3A_115 = arith.constant 0 : i32
        %dma_start3A_116 = tpu.memref_slice %arg7[%add3A_93, %dma_start3A_115] : memref<158x128xi32, #tpu.memory_space<vmem>> -> memref<1x128xi32, #tpu.memory_space<vmem>>
        %dma_start3A_117 = tpu.memref_squeeze %dma_start3A_116 : memref<1x128xi32, #tpu.memory_space<vmem>> -> memref<128xi32, #tpu.memory_space<vmem>>
        %dma_start3A_118 = arith.constant 0 : i32
        %dma_start3A_119 = arith.constant 0 : i32
        %dma_start3A_120 = tpu.memref_slice %arg11[%dma_start3A_118, %dma_start3A_119] : memref<10240x64xf32, #tpu.memory_space<vmem_shared>> -> memref<10240x64xf32, #tpu.memory_space<vmem_shared>>
        tpu.enqueue_indirect_dma source(%arg9 : memref<128x64xf32, #tpu.memory_space<vmem>>) target(%dma_start3A_120 : memref<10240x64xf32, #tpu.memory_space<vmem_shared>>) offsets(%dma_start3A_117 : memref<128xi32, #tpu.memory_space<vmem>>) semaphore(%run_scoped3A : memref<!tpu.dma_semaphore, #tpu.memory_space<semaphore_mem>>) {add = true}
        %dma_wait3A_121 = arith.constant 0 : i32
        %dma_wait3A_122 = tpu.memref_slice %arg7[%add3A_93, %dma_wait3A_121] : memref<158x128xi32, #tpu.memory_space<vmem>> -> memref<1x128xi32, #tpu.memory_space<vmem>>
        %dma_wait3A_123 = tpu.memref_squeeze %dma_wait3A_122 : memref<1x128xi32, #tpu.memory_space<vmem>> -> memref<128xi32, #tpu.memory_space<vmem>>
        %dma_wait3A_124 = arith.constant 0 : i32
        %dma_wait3A_125 = arith.constant 0 : i32
        %dma_wait3A_126 = tpu.memref_slice %arg11[%dma_wait3A_124, %dma_wait3A_125] : memref<10240x64xf32, #tpu.memory_space<vmem_shared>> -> memref<10240x64xf32, #tpu.memory_space<vmem_shared>>
        tpu.wait_indirect_dma semaphore(%run_scoped3A : memref<!tpu.dma_semaphore, #tpu.memory_space<semaphore_mem>>) src(%arg9 : memref<128x64xf32, #tpu.memory_space<vmem>>) dst(%dma_wait3A_126 : memref<10240x64xf32, #tpu.memory_space<vmem_shared>>)
        tpu.yield
      }) : () -> ()
    }
    %scan3A_34 = arith.constant 79 : i32
    %barrier3A_35 = arith.constant 0 : index
    tpu.barrier barrier_id(%barrier3A_35)
    %mul3A_36 = arith.constant 2 : i32
    %mul3A_37 = arith.muli %arg0, %mul3A_36 : i32
    %add3A_38 = arith.constant 1 : i32
    %add3A_39 = arith.addi %mul3A_37, %add3A_38 : i32
    "tpu.region"() ({
      %run_scoped3A = tpu.sem_alloc : memref<!tpu.dma_semaphore, #tpu.memory_space<semaphore_mem>>
      %dma_start3A_89 = arith.constant 0 : i32
      %dma_start3A_90 = arith.constant 0 : i32
      %dma_start3A_91 = tpu.memref_slice %arg3[%add3A_39, %arg1, %dma_start3A_89, %dma_start3A_90] : memref<4x16x158x128xi32, #tpu.memory_space<hbm>> -> memref<1x1x158x128xi32, #tpu.memory_space<hbm>>
      %dma_start3A_92 = tpu.memref_squeeze %dma_start3A_91 : memref<1x1x158x128xi32, #tpu.memory_space<hbm>> -> memref<158x128xi32, #tpu.memory_space<hbm>>
      %dma_start3A_93 = arith.constant 0 : i32
      %dma_start3A_94 = arith.constant 0 : i32
      %dma_start3A_95 = tpu.memref_slice %arg3[%add3A_39, %arg1, %dma_start3A_93, %dma_start3A_94] : memref<4x16x158x128xi32, #tpu.memory_space<hbm>> -> memref<1x1x158x128xi32, #tpu.memory_space<hbm>>
      %dma_start3A_96 = tpu.memref_squeeze %dma_start3A_95 : memref<1x1x158x128xi32, #tpu.memory_space<hbm>> -> memref<158x128xi32, #tpu.memory_space<hbm>>
      tpu.enqueue_dma source(%dma_start3A_96 : memref<158x128xi32, #tpu.memory_space<hbm>>) target(%arg6 : memref<158x128xi32, #tpu.memory_space<vmem>>) target_semaphore(%run_scoped3A : memref<!tpu.dma_semaphore, #tpu.memory_space<semaphore_mem>>)
      %dma_wait3A = arith.constant 0 : i32
      %dma_wait3A_97 = arith.constant 0 : i32
      %dma_wait3A_98 = tpu.memref_slice %arg3[%add3A_39, %arg1, %dma_wait3A, %dma_wait3A_97] : memref<4x16x158x128xi32, #tpu.memory_space<hbm>> -> memref<1x1x158x128xi32, #tpu.memory_space<hbm>>
      %dma_wait3A_99 = tpu.memref_squeeze %dma_wait3A_98 : memref<1x1x158x128xi32, #tpu.memory_space<hbm>> -> memref<158x128xi32, #tpu.memory_space<hbm>>
      %dma_wait3A_100 = arith.constant 0 : i32
      %dma_wait3A_101 = arith.constant 0 : i32
      %dma_wait3A_102 = tpu.memref_slice %arg3[%add3A_39, %arg1, %dma_wait3A_100, %dma_wait3A_101] : memref<4x16x158x128xi32, #tpu.memory_space<hbm>> -> memref<1x1x158x128xi32, #tpu.memory_space<hbm>>
      %dma_wait3A_103 = tpu.memref_squeeze %dma_wait3A_102 : memref<1x1x158x128xi32, #tpu.memory_space<hbm>> -> memref<158x128xi32, #tpu.memory_space<hbm>>
      tpu.wait_dma2 semaphore(%run_scoped3A : memref<!tpu.dma_semaphore, #tpu.memory_space<semaphore_mem>>) src(%dma_wait3A_103 : memref<158x128xi32, #tpu.memory_space<hbm>>) dst(%arg6 : memref<158x128xi32, #tpu.memory_space<vmem>>)
      tpu.yield
    }) : () -> ()
    %dma_start3A_40 = arith.constant 0 : i32
    %dma_start3A_41 = arith.constant 0 : i32
    %dma_start3A_42 = tpu.memref_slice %arg6[%dma_start3A_40, %dma_start3A_41] : memref<158x128xi32, #tpu.memory_space<vmem>> -> memref<1x128xi32, #tpu.memory_space<vmem>>
    %dma_start3A_43 = tpu.memref_squeeze %dma_start3A_42 : memref<1x128xi32, #tpu.memory_space<vmem>> -> memref<128xi32, #tpu.memory_space<vmem>>
    %dma_start3A_44 = arith.constant 0 : i32
    %dma_start3A_45 = arith.constant 0 : i32
    %dma_start3A_46 = tpu.memref_slice %arg2[%dma_start3A_44, %dma_start3A_45] : memref<40000x64xf32, #tpu.memory_space<hbm>> -> memref<40000x64xf32, #tpu.memory_space<hbm>>
    tpu.enqueue_indirect_dma source(%dma_start3A_46 : memref<40000x64xf32, #tpu.memory_space<hbm>>) target(%arg8 : memref<128x64xf32, #tpu.memory_space<vmem>>) offsets(%dma_start3A_43 : memref<128xi32, #tpu.memory_space<vmem>>) semaphore(%arg12 : memref<!tpu.dma_semaphore, #tpu.memory_space<semaphore_mem>>)
    %mul3A_47 = arith.constant 640 : i32
    %mul3A_48 = arith.muli %arg1, %mul3A_47 : i32
    %sub3A = arith.constant 1 : i32
    %sub3A_49 = arith.subi %add3A_39, %sub3A : i32
    %mul3A_50 = arith.constant 640 : i32
    %mul3A_51 = arith.muli %arg1, %mul3A_50 : i32
    "tpu.region"() ({
      %run_scoped3A = tpu.sem_alloc : memref<!tpu.dma_semaphore, #tpu.memory_space<semaphore_mem>>
      %dma_start3A_89 = arith.constant 0 : i32
      %dma_start3A_90 = tpu.memref_slice %arg5[%sub3A_49, %mul3A_51, %dma_start3A_89] : memref<4x10240x64xf32, #tpu.memory_space<hbm>> -> memref<1x640x64xf32, #tpu.memory_space<hbm>>
      %dma_start3A_91 = tpu.memref_squeeze %dma_start3A_90 : memref<1x640x64xf32, #tpu.memory_space<hbm>> -> memref<640x64xf32, #tpu.memory_space<hbm>>
      %dma_start3A_92 = arith.constant 0 : i32
      %dma_start3A_93 = tpu.memref_slice %arg11[%mul3A_48, %dma_start3A_92] : memref<10240x64xf32, #tpu.memory_space<vmem_shared>> -> memref<640x64xf32, #tpu.memory_space<vmem_shared>>
      tpu.enqueue_dma source(%dma_start3A_93 : memref<640x64xf32, #tpu.memory_space<vmem_shared>>) target(%dma_start3A_91 : memref<640x64xf32, #tpu.memory_space<hbm>>) target_semaphore(%run_scoped3A : memref<!tpu.dma_semaphore, #tpu.memory_space<semaphore_mem>>)
      %dma_wait3A = arith.constant 0 : i32
      %dma_wait3A_94 = tpu.memref_slice %arg5[%sub3A_49, %mul3A_51, %dma_wait3A] : memref<4x10240x64xf32, #tpu.memory_space<hbm>> -> memref<1x640x64xf32, #tpu.memory_space<hbm>>
      %dma_wait3A_95 = tpu.memref_squeeze %dma_wait3A_94 : memref<1x640x64xf32, #tpu.memory_space<hbm>> -> memref<640x64xf32, #tpu.memory_space<hbm>>
      %dma_wait3A_96 = arith.constant 0 : i32
      %dma_wait3A_97 = tpu.memref_slice %arg11[%mul3A_48, %dma_wait3A_96] : memref<10240x64xf32, #tpu.memory_space<vmem_shared>> -> memref<640x64xf32, #tpu.memory_space<vmem_shared>>
      tpu.wait_dma2 semaphore(%run_scoped3A : memref<!tpu.dma_semaphore, #tpu.memory_space<semaphore_mem>>) src(%dma_wait3A_97 : memref<640x64xf32, #tpu.memory_space<vmem_shared>>) dst(%dma_wait3A_95 : memref<640x64xf32, #tpu.memory_space<hbm>>)
      tpu.yield
    }) : () -> ()
    %mul3A_52 = arith.constant 640 : i32
    %mul3A_53 = arith.muli %arg1, %mul3A_52 : i32
    %add3A_54 = arith.constant 0 : i32
    %add3A_55 = arith.addi %mul3A_53, %add3A_54 : i32
    "tpu.region"() ({
      %run_scoped3A = tpu.sem_alloc : memref<!tpu.dma_semaphore, #tpu.memory_space<semaphore_mem>>
      %dma_start3A_89 = arith.constant 0 : i32
      %dma_start3A_90 = tpu.memref_slice %arg11[%add3A_55, %dma_start3A_89] : memref<10240x64xf32, #tpu.memory_space<vmem_shared>> -> memref<128x64xf32, #tpu.memory_space<vmem_shared>>
      %dma_start3A_91 = arith.constant 0 : i32
      %dma_start3A_92 = tpu.memref_slice %arg11[%add3A_55, %dma_start3A_91] : memref<10240x64xf32, #tpu.memory_space<vmem_shared>> -> memref<128x64xf32, #tpu.memory_space<vmem_shared>>
      tpu.enqueue_dma source(%arg10 : memref<128x64xf32, #tpu.memory_space<vmem>>) target(%dma_start3A_92 : memref<128x64xf32, #tpu.memory_space<vmem_shared>>) target_semaphore(%run_scoped3A : memref<!tpu.dma_semaphore, #tpu.memory_space<semaphore_mem>>)
      %dma_wait3A = arith.constant 0 : i32
      %dma_wait3A_93 = tpu.memref_slice %arg11[%add3A_55, %dma_wait3A] : memref<10240x64xf32, #tpu.memory_space<vmem_shared>> -> memref<128x64xf32, #tpu.memory_space<vmem_shared>>
      %dma_wait3A_94 = arith.constant 0 : i32
      %dma_wait3A_95 = tpu.memref_slice %arg11[%add3A_55, %dma_wait3A_94] : memref<10240x64xf32, #tpu.memory_space<vmem_shared>> -> memref<128x64xf32, #tpu.memory_space<vmem_shared>>
      tpu.wait_dma2 semaphore(%run_scoped3A : memref<!tpu.dma_semaphore, #tpu.memory_space<semaphore_mem>>) src(%arg10 : memref<128x64xf32, #tpu.memory_space<vmem>>) dst(%dma_wait3A_95 : memref<128x64xf32, #tpu.memory_space<vmem_shared>>)
      tpu.yield
    }) : () -> ()
    %mul3A_56 = arith.constant 640 : i32
    %mul3A_57 = arith.muli %arg1, %mul3A_56 : i32
    %add3A_58 = arith.constant 128 : i32
    %add3A_59 = arith.addi %mul3A_57, %add3A_58 : i32
    "tpu.region"() ({
      %run_scoped3A = tpu.sem_alloc : memref<!tpu.dma_semaphore, #tpu.memory_space<semaphore_mem>>
      %dma_start3A_89 = arith.constant 0 : i32
      %dma_start3A_90 = tpu.memref_slice %arg11[%add3A_59, %dma_start3A_89] : memref<10240x64xf32, #tpu.memory_space<vmem_shared>> -> memref<128x64xf32, #tpu.memory_space<vmem_shared>>
      %dma_start3A_91 = arith.constant 0 : i32
      %dma_start3A_92 = tpu.memref_slice %arg11[%add3A_59, %dma_start3A_91] : memref<10240x64xf32, #tpu.memory_space<vmem_shared>> -> memref<128x64xf32, #tpu.memory_space<vmem_shared>>
      tpu.enqueue_dma source(%arg10 : memref<128x64xf32, #tpu.memory_space<vmem>>) target(%dma_start3A_92 : memref<128x64xf32, #tpu.memory_space<vmem_shared>>) target_semaphore(%run_scoped3A : memref<!tpu.dma_semaphore, #tpu.memory_space<semaphore_mem>>)
      %dma_wait3A = arith.constant 0 : i32
      %dma_wait3A_93 = tpu.memref_slice %arg11[%add3A_59, %dma_wait3A] : memref<10240x64xf32, #tpu.memory_space<vmem_shared>> -> memref<128x64xf32, #tpu.memory_space<vmem_shared>>
      %dma_wait3A_94 = arith.constant 0 : i32
      %dma_wait3A_95 = tpu.memref_slice %arg11[%add3A_59, %dma_wait3A_94] : memref<10240x64xf32, #tpu.memory_space<vmem_shared>> -> memref<128x64xf32, #tpu.memory_space<vmem_shared>>
      tpu.wait_dma2 semaphore(%run_scoped3A : memref<!tpu.dma_semaphore, #tpu.memory_space<semaphore_mem>>) src(%arg10 : memref<128x64xf32, #tpu.memory_space<vmem>>) dst(%dma_wait3A_95 : memref<128x64xf32, #tpu.memory_space<vmem_shared>>)
      tpu.yield
    }) : () -> ()
    %mul3A_60 = arith.constant 640 : i32
    %mul3A_61 = arith.muli %arg1, %mul3A_60 : i32
    %add3A_62 = arith.constant 256 : i32
    %add3A_63 = arith.addi %mul3A_61, %add3A_62 : i32
    "tpu.region"() ({
      %run_scoped3A = tpu.sem_alloc : memref<!tpu.dma_semaphore, #tpu.memory_space<semaphore_mem>>
      %dma_start3A_89 = arith.constant 0 : i32
      %dma_start3A_90 = tpu.memref_slice %arg11[%add3A_63, %dma_start3A_89] : memref<10240x64xf32, #tpu.memory_space<vmem_shared>> -> memref<128x64xf32, #tpu.memory_space<vmem_shared>>
      %dma_start3A_91 = arith.constant 0 : i32
      %dma_start3A_92 = tpu.memref_slice %arg11[%add3A_63, %dma_start3A_91] : memref<10240x64xf32, #tpu.memory_space<vmem_shared>> -> memref<128x64xf32, #tpu.memory_space<vmem_shared>>
      tpu.enqueue_dma source(%arg10 : memref<128x64xf32, #tpu.memory_space<vmem>>) target(%dma_start3A_92 : memref<128x64xf32, #tpu.memory_space<vmem_shared>>) target_semaphore(%run_scoped3A : memref<!tpu.dma_semaphore, #tpu.memory_space<semaphore_mem>>)
      %dma_wait3A = arith.constant 0 : i32
      %dma_wait3A_93 = tpu.memref_slice %arg11[%add3A_63, %dma_wait3A] : memref<10240x64xf32, #tpu.memory_space<vmem_shared>> -> memref<128x64xf32, #tpu.memory_space<vmem_shared>>
      %dma_wait3A_94 = arith.constant 0 : i32
      %dma_wait3A_95 = tpu.memref_slice %arg11[%add3A_63, %dma_wait3A_94] : memref<10240x64xf32, #tpu.memory_space<vmem_shared>> -> memref<128x64xf32, #tpu.memory_space<vmem_shared>>
      tpu.wait_dma2 semaphore(%run_scoped3A : memref<!tpu.dma_semaphore, #tpu.memory_space<semaphore_mem>>) src(%arg10 : memref<128x64xf32, #tpu.memory_space<vmem>>) dst(%dma_wait3A_95 : memref<128x64xf32, #tpu.memory_space<vmem_shared>>)
      tpu.yield
    }) : () -> ()
    %mul3A_64 = arith.constant 640 : i32
    %mul3A_65 = arith.muli %arg1, %mul3A_64 : i32
    %add3A_66 = arith.constant 384 : i32
    %add3A_67 = arith.addi %mul3A_65, %add3A_66 : i32
    "tpu.region"() ({
      %run_scoped3A = tpu.sem_alloc : memref<!tpu.dma_semaphore, #tpu.memory_space<semaphore_mem>>
      %dma_start3A_89 = arith.constant 0 : i32
      %dma_start3A_90 = tpu.memref_slice %arg11[%add3A_67, %dma_start3A_89] : memref<10240x64xf32, #tpu.memory_space<vmem_shared>> -> memref<128x64xf32, #tpu.memory_space<vmem_shared>>
      %dma_start3A_91 = arith.constant 0 : i32
      %dma_start3A_92 = tpu.memref_slice %arg11[%add3A_67, %dma_start3A_91] : memref<10240x64xf32, #tpu.memory_space<vmem_shared>> -> memref<128x64xf32, #tpu.memory_space<vmem_shared>>
      tpu.enqueue_dma source(%arg10 : memref<128x64xf32, #tpu.memory_space<vmem>>) target(%dma_start3A_92 : memref<128x64xf32, #tpu.memory_space<vmem_shared>>) target_semaphore(%run_scoped3A : memref<!tpu.dma_semaphore, #tpu.memory_space<semaphore_mem>>)
      %dma_wait3A = arith.constant 0 : i32
      %dma_wait3A_93 = tpu.memref_slice %arg11[%add3A_67, %dma_wait3A] : memref<10240x64xf32, #tpu.memory_space<vmem_shared>> -> memref<128x64xf32, #tpu.memory_space<vmem_shared>>
      %dma_wait3A_94 = arith.constant 0 : i32
      %dma_wait3A_95 = tpu.memref_slice %arg11[%add3A_67, %dma_wait3A_94] : memref<10240x64xf32, #tpu.memory_space<vmem_shared>> -> memref<128x64xf32, #tpu.memory_space<vmem_shared>>
      tpu.wait_dma2 semaphore(%run_scoped3A : memref<!tpu.dma_semaphore, #tpu.memory_space<semaphore_mem>>) src(%arg10 : memref<128x64xf32, #tpu.memory_space<vmem>>) dst(%dma_wait3A_95 : memref<128x64xf32, #tpu.memory_space<vmem_shared>>)
      tpu.yield
    }) : () -> ()
    %mul3A_68 = arith.constant 640 : i32
    %mul3A_69 = arith.muli %arg1, %mul3A_68 : i32
    %add3A_70 = arith.constant 512 : i32
    %add3A_71 = arith.addi %mul3A_69, %add3A_70 : i32
    "tpu.region"() ({
      %run_scoped3A = tpu.sem_alloc : memref<!tpu.dma_semaphore, #tpu.memory_space<semaphore_mem>>
      %dma_start3A_89 = arith.constant 0 : i32
      %dma_start3A_90 = tpu.memref_slice %arg11[%add3A_71, %dma_start3A_89] : memref<10240x64xf32, #tpu.memory_space<vmem_shared>> -> memref<128x64xf32, #tpu.memory_space<vmem_shared>>
      %dma_start3A_91 = arith.constant 0 : i32
      %dma_start3A_92 = tpu.memref_slice %arg11[%add3A_71, %dma_start3A_91] : memref<10240x64xf32, #tpu.memory_space<vmem_shared>> -> memref<128x64xf32, #tpu.memory_space<vmem_shared>>
      tpu.enqueue_dma source(%arg10 : memref<128x64xf32, #tpu.memory_space<vmem>>) target(%dma_start3A_92 : memref<128x64xf32, #tpu.memory_space<vmem_shared>>) target_semaphore(%run_scoped3A : memref<!tpu.dma_semaphore, #tpu.memory_space<semaphore_mem>>)
      %dma_wait3A = arith.constant 0 : i32
      %dma_wait3A_93 = tpu.memref_slice %arg11[%add3A_71, %dma_wait3A] : memref<10240x64xf32, #tpu.memory_space<vmem_shared>> -> memref<128x64xf32, #tpu.memory_space<vmem_shared>>
      %dma_wait3A_94 = arith.constant 0 : i32
      %dma_wait3A_95 = tpu.memref_slice %arg11[%add3A_71, %dma_wait3A_94] : memref<10240x64xf32, #tpu.memory_space<vmem_shared>> -> memref<128x64xf32, #tpu.memory_space<vmem_shared>>
      tpu.wait_dma2 semaphore(%run_scoped3A : memref<!tpu.dma_semaphore, #tpu.memory_space<semaphore_mem>>) src(%arg10 : memref<128x64xf32, #tpu.memory_space<vmem>>) dst(%dma_wait3A_95 : memref<128x64xf32, #tpu.memory_space<vmem_shared>>)
      tpu.yield
    }) : () -> ()
    %barrier3A_72 = arith.constant 0 : index
    tpu.barrier barrier_id(%barrier3A_72)
    %scan3A_73 = arith.constant 0 : i32
    %scan3A_74 = arith.constant 79 : i32
    %scan3A_75 = arith.addi %scan3A_73, %scan3A_74 : i32
    %scan3A_76 = arith.constant 1 : i32
    scf.for %scan3A_89 = %scan3A_73 to %scan3A_75 step %scan3A_76  : i32 {
      %mul3A_90 = arith.constant 2 : i32
      %mul3A_91 = arith.muli %mul3A_90, %scan3A_89 : i32
      %add3A_92 = arith.constant 1 : i32
      %add3A_93 = arith.addi %mul3A_91, %add3A_92 : i32
      %add3A_94 = arith.constant 2 : i32
      %add3A_95 = arith.addi %mul3A_91, %add3A_94 : i32
      %dma_start3A_96 = arith.constant 0 : i32
      %dma_start3A_97 = tpu.memref_slice %arg6[%add3A_93, %dma_start3A_96] : memref<158x128xi32, #tpu.memory_space<vmem>> -> memref<1x128xi32, #tpu.memory_space<vmem>>
      %dma_start3A_98 = tpu.memref_squeeze %dma_start3A_97 : memref<1x128xi32, #tpu.memory_space<vmem>> -> memref<128xi32, #tpu.memory_space<vmem>>
      %dma_start3A_99 = arith.constant 0 : i32
      %dma_start3A_100 = arith.constant 0 : i32
      %dma_start3A_101 = tpu.memref_slice %arg2[%dma_start3A_99, %dma_start3A_100] : memref<40000x64xf32, #tpu.memory_space<hbm>> -> memref<40000x64xf32, #tpu.memory_space<hbm>>
      tpu.enqueue_indirect_dma source(%dma_start3A_101 : memref<40000x64xf32, #tpu.memory_space<hbm>>) target(%arg9 : memref<128x64xf32, #tpu.memory_space<vmem>>) offsets(%dma_start3A_98 : memref<128xi32, #tpu.memory_space<vmem>>) semaphore(%arg13 : memref<!tpu.dma_semaphore, #tpu.memory_space<semaphore_mem>>)
      %dma_wait3A = arith.constant 0 : i32
      %dma_wait3A_102 = tpu.memref_slice %arg6[%mul3A_91, %dma_wait3A] : memref<158x128xi32, #tpu.memory_space<vmem>> -> memref<1x128xi32, #tpu.memory_space<vmem>>
      %dma_wait3A_103 = tpu.memref_squeeze %dma_wait3A_102 : memref<1x128xi32, #tpu.memory_space<vmem>> -> memref<128xi32, #tpu.memory_space<vmem>>
      %dma_wait3A_104 = arith.constant 0 : i32
      %dma_wait3A_105 = arith.constant 0 : i32
      %dma_wait3A_106 = tpu.memref_slice %arg2[%dma_wait3A_104, %dma_wait3A_105] : memref<40000x64xf32, #tpu.memory_space<hbm>> -> memref<40000x64xf32, #tpu.memory_space<hbm>>
      tpu.wait_indirect_dma semaphore(%arg12 : memref<!tpu.dma_semaphore, #tpu.memory_space<semaphore_mem>>) src(%dma_wait3A_106 : memref<40000x64xf32, #tpu.memory_space<hbm>>) dst(%arg8 : memref<128x64xf32, #tpu.memory_space<vmem>>)
      "tpu.region"() ({
        %run_scoped3A = tpu.sem_alloc : memref<!tpu.dma_semaphore, #tpu.memory_space<semaphore_mem>>
        %dma_start3A_115 = arith.constant 0 : i32
        %dma_start3A_116 = tpu.memref_slice %arg7[%mul3A_91, %dma_start3A_115] : memref<158x128xi32, #tpu.memory_space<vmem>> -> memref<1x128xi32, #tpu.memory_space<vmem>>
        %dma_start3A_117 = tpu.memref_squeeze %dma_start3A_116 : memref<1x128xi32, #tpu.memory_space<vmem>> -> memref<128xi32, #tpu.memory_space<vmem>>
        %dma_start3A_118 = arith.constant 0 : i32
        %dma_start3A_119 = arith.constant 0 : i32
        %dma_start3A_120 = tpu.memref_slice %arg11[%dma_start3A_118, %dma_start3A_119] : memref<10240x64xf32, #tpu.memory_space<vmem_shared>> -> memref<10240x64xf32, #tpu.memory_space<vmem_shared>>
        tpu.enqueue_indirect_dma source(%arg8 : memref<128x64xf32, #tpu.memory_space<vmem>>) target(%dma_start3A_120 : memref<10240x64xf32, #tpu.memory_space<vmem_shared>>) offsets(%dma_start3A_117 : memref<128xi32, #tpu.memory_space<vmem>>) semaphore(%run_scoped3A : memref<!tpu.dma_semaphore, #tpu.memory_space<semaphore_mem>>) {add = true}
        %dma_wait3A_121 = arith.constant 0 : i32
        %dma_wait3A_122 = tpu.memref_slice %arg7[%mul3A_91, %dma_wait3A_121] : memref<158x128xi32, #tpu.memory_space<vmem>> -> memref<1x128xi32, #tpu.memory_space<vmem>>
        %dma_wait3A_123 = tpu.memref_squeeze %dma_wait3A_122 : memref<1x128xi32, #tpu.memory_space<vmem>> -> memref<128xi32, #tpu.memory_space<vmem>>
        %dma_wait3A_124 = arith.constant 0 : i32
        %dma_wait3A_125 = arith.constant 0 : i32
        %dma_wait3A_126 = tpu.memref_slice %arg11[%dma_wait3A_124, %dma_wait3A_125] : memref<10240x64xf32, #tpu.memory_space<vmem_shared>> -> memref<10240x64xf32, #tpu.memory_space<vmem_shared>>
        tpu.wait_indirect_dma semaphore(%run_scoped3A : memref<!tpu.dma_semaphore, #tpu.memory_space<semaphore_mem>>) src(%arg8 : memref<128x64xf32, #tpu.memory_space<vmem>>) dst(%dma_wait3A_126 : memref<10240x64xf32, #tpu.memory_space<vmem_shared>>)
        tpu.yield
      }) : () -> ()
      %lt3A = arith.constant 158 : i32
      %lt3A_107 = arith.cmpi slt, %add3A_95, %lt3A : i32
      %convert_element_type3A = arith.extui %lt3A_107 : i1 to i32
      %cond3A = arith.constant 0 : i32
      %cond3A_108 = arith.cmpi ne, %convert_element_type3A, %cond3A : i32
      scf.if %cond3A_108 {
        %dma_start3A_115 = arith.constant 0 : i32
        %dma_start3A_116 = tpu.memref_slice %arg6[%add3A_95, %dma_start3A_115] : memref<158x128xi32, #tpu.memory_space<vmem>> -> memref<1x128xi32, #tpu.memory_space<vmem>>
        %dma_start3A_117 = tpu.memref_squeeze %dma_start3A_116 : memref<1x128xi32, #tpu.memory_space<vmem>> -> memref<128xi32, #tpu.memory_space<vmem>>
        %dma_start3A_118 = arith.constant 0 : i32
        %dma_start3A_119 = arith.constant 0 : i32
        %dma_start3A_120 = tpu.memref_slice %arg2[%dma_start3A_118, %dma_start3A_119] : memref<40000x64xf32, #tpu.memory_space<hbm>> -> memref<40000x64xf32, #tpu.memory_space<hbm>>
        tpu.enqueue_indirect_dma source(%dma_start3A_120 : memref<40000x64xf32, #tpu.memory_space<hbm>>) target(%arg8 : memref<128x64xf32, #tpu.memory_space<vmem>>) offsets(%dma_start3A_117 : memref<128xi32, #tpu.memory_space<vmem>>) semaphore(%arg12 : memref<!tpu.dma_semaphore, #tpu.memory_space<semaphore_mem>>)
      } else {
      }
      %dma_wait3A_109 = arith.constant 0 : i32
      %dma_wait3A_110 = tpu.memref_slice %arg6[%add3A_93, %dma_wait3A_109] : memref<158x128xi32, #tpu.memory_space<vmem>> -> memref<1x128xi32, #tpu.memory_space<vmem>>
      %dma_wait3A_111 = tpu.memref_squeeze %dma_wait3A_110 : memref<1x128xi32, #tpu.memory_space<vmem>> -> memref<128xi32, #tpu.memory_space<vmem>>
      %dma_wait3A_112 = arith.constant 0 : i32
      %dma_wait3A_113 = arith.constant 0 : i32
      %dma_wait3A_114 = tpu.memref_slice %arg2[%dma_wait3A_112, %dma_wait3A_113] : memref<40000x64xf32, #tpu.memory_space<hbm>> -> memref<40000x64xf32, #tpu.memory_space<hbm>>
      tpu.wait_indirect_dma semaphore(%arg13 : memref<!tpu.dma_semaphore, #tpu.memory_space<semaphore_mem>>) src(%dma_wait3A_114 : memref<40000x64xf32, #tpu.memory_space<hbm>>) dst(%arg9 : memref<128x64xf32, #tpu.memory_space<vmem>>)
      "tpu.region"() ({
        %run_scoped3A = tpu.sem_alloc : memref<!tpu.dma_semaphore, #tpu.memory_space<semaphore_mem>>
        %dma_start3A_115 = arith.constant 0 : i32
        %dma_start3A_116 = tpu.memref_slice %arg7[%add3A_93, %dma_start3A_115] : memref<158x128xi32, #tpu.memory_space<vmem>> -> memref<1x128xi32, #tpu.memory_space<vmem>>
        %dma_start3A_117 = tpu.memref_squeeze %dma_start3A_116 : memref<1x128xi32, #tpu.memory_space<vmem>> -> memref<128xi32, #tpu.memory_space<vmem>>
        %dma_start3A_118 = arith.constant 0 : i32
        %dma_start3A_119 = arith.constant 0 : i32
        %dma_start3A_120 = tpu.memref_slice %arg11[%dma_start3A_118, %dma_start3A_119] : memref<10240x64xf32, #tpu.memory_space<vmem_shared>> -> memref<10240x64xf32, #tpu.memory_space<vmem_shared>>
        tpu.enqueue_indirect_dma source(%arg9 : memref<128x64xf32, #tpu.memory_space<vmem>>) target(%dma_start3A_120 : memref<10240x64xf32, #tpu.memory_space<vmem_shared>>) offsets(%dma_start3A_117 : memref<128xi32, #tpu.memory_space<vmem>>) semaphore(%run_scoped3A : memref<!tpu.dma_semaphore, #tpu.memory_space<semaphore_mem>>) {add = true}
        %dma_wait3A_121 = arith.constant 0 : i32
        %dma_wait3A_122 = tpu.memref_slice %arg7[%add3A_93, %dma_wait3A_121] : memref<158x128xi32, #tpu.memory_space<vmem>> -> memref<1x128xi32, #tpu.memory_space<vmem>>
        %dma_wait3A_123 = tpu.memref_squeeze %dma_wait3A_122 : memref<1x128xi32, #tpu.memory_space<vmem>> -> memref<128xi32, #tpu.memory_space<vmem>>
        %dma_wait3A_124 = arith.constant 0 : i32
        %dma_wait3A_125 = arith.constant 0 : i32
        %dma_wait3A_126 = tpu.memref_slice %arg11[%dma_wait3A_124, %dma_wait3A_125] : memref<10240x64xf32, #tpu.memory_space<vmem_shared>> -> memref<10240x64xf32, #tpu.memory_space<vmem_shared>>
        tpu.wait_indirect_dma semaphore(%run_scoped3A : memref<!tpu.dma_semaphore, #tpu.memory_space<semaphore_mem>>) src(%arg9 : memref<128x64xf32, #tpu.memory_space<vmem>>) dst(%dma_wait3A_126 : memref<10240x64xf32, #tpu.memory_space<vmem_shared>>)
        tpu.yield
      }) : () -> ()
    }
    %scan3A_77 = arith.constant 79 : i32
    %barrier3A_78 = arith.constant 0 : index
    tpu.barrier barrier_id(%barrier3A_78)
    %mul3A_79 = arith.constant 640 : i32
    %mul3A_80 = arith.muli %arg1, %mul3A_79 : i32
    %mul3A_81 = arith.constant 2 : i32
    %mul3A_82 = arith.muli %arg0, %mul3A_81 : i32
    %add3A_83 = arith.constant 2 : i32
    %add3A_84 = arith.addi %mul3A_82, %add3A_83 : i32
    %sub3A_85 = arith.constant 1 : i32
    %sub3A_86 = arith.subi %add3A_84, %sub3A_85 : i32
    %mul3A_87 = arith.constant 640 : i32
    %mul3A_88 = arith.muli %arg1, %mul3A_87 : i32
    "tpu.region"() ({
      %run_scoped3A = tpu.sem_alloc : memref<!tpu.dma_semaphore, #tpu.memory_space<semaphore_mem>>
      %dma_start3A_89 = arith.constant 0 : i32
      %dma_start3A_90 = tpu.memref_slice %arg5[%sub3A_86, %mul3A_88, %dma_start3A_89] : memref<4x10240x64xf32, #tpu.memory_space<hbm>> -> memref<1x640x64xf32, #tpu.memory_space<hbm>>
      %dma_start3A_91 = tpu.memref_squeeze %dma_start3A_90 : memref<1x640x64xf32, #tpu.memory_space<hbm>> -> memref<640x64xf32, #tpu.memory_space<hbm>>
      %dma_start3A_92 = arith.constant 0 : i32
      %dma_start3A_93 = tpu.memref_slice %arg11[%mul3A_80, %dma_start3A_92] : memref<10240x64xf32, #tpu.memory_space<vmem_shared>> -> memref<640x64xf32, #tpu.memory_space<vmem_shared>>
      tpu.enqueue_dma source(%dma_start3A_93 : memref<640x64xf32, #tpu.memory_space<vmem_shared>>) target(%dma_start3A_91 : memref<640x64xf32, #tpu.memory_space<hbm>>) target_semaphore(%run_scoped3A : memref<!tpu.dma_semaphore, #tpu.memory_space<semaphore_mem>>)
      %dma_wait3A = arith.constant 0 : i32
      %dma_wait3A_94 = tpu.memref_slice %arg5[%sub3A_86, %mul3A_88, %dma_wait3A] : memref<4x10240x64xf32, #tpu.memory_space<hbm>> -> memref<1x640x64xf32, #tpu.memory_space<hbm>>
      %dma_wait3A_95 = tpu.memref_squeeze %dma_wait3A_94 : memref<1x640x64xf32, #tpu.memory_space<hbm>> -> memref<640x64xf32, #tpu.memory_space<hbm>>
      %dma_wait3A_96 = arith.constant 0 : i32
      %dma_wait3A_97 = tpu.memref_slice %arg11[%mul3A_80, %dma_wait3A_96] : memref<10240x64xf32, #tpu.memory_space<vmem_shared>> -> memref<640x64xf32, #tpu.memory_space<vmem_shared>>
      tpu.wait_dma2 semaphore(%run_scoped3A : memref<!tpu.dma_semaphore, #tpu.memory_space<semaphore_mem>>) src(%dma_wait3A_97 : memref<640x64xf32, #tpu.memory_space<vmem_shared>>) dst(%dma_wait3A_95 : memref<640x64xf32, #tpu.memory_space<hbm>>)
      tpu.yield
    }) : () -> ()
    return
  }
}

#map = affine_map<(d0, d1) -> (0, 0, 0, 0)>
#map1 = affine_map<(d0, d1) -> (0, 0, 0)>
module attributes {stable_mosaic.version = 14 : i64} {
  func.func @_sc_deg(%arg0: i32, %arg1: i32, %arg2: memref<2x16x79x128xi32, #tpu.memory_space<hbm>>, %arg3: memref<2x10240x16xf32, #tpu.memory_space<hbm>>, %arg4: memref<79x128xi32, #tpu.memory_space<vmem>>, %arg5: memref<128x16xf32, #tpu.memory_space<vmem>>, %arg6: memref<10240x16xf32, #tpu.memory_space<vmem_shared>>) attributes {dimension_semantics = [#tpu.dimension_semantics<core_parallel>, #tpu.dimension_semantics<subcore_parallel>], iteration_bounds = array<i64: 2, 16>, scalar_prefetch = 0 : i64, scratch_operands = 3 : i64, tpu.core_type = #tpu.core_type<sc_vector_subcore>, window_params = [{transform_indices = #map}, {transform_indices = #map1}]} {
    %scan3A = arith.constant 0 : i32
    %scan3A_0 = arith.constant 128 : i32
    %scan3A_1 = arith.addi %scan3A, %scan3A_0 : i32
    %scan3A_2 = arith.constant 1 : i32
    scf.for %scan3A_37 = %scan3A to %scan3A_1 step %scan3A_2  : i32 {
      %jit3A = arith.constant 1 : i32
      %div3A = arith.divsi %scan3A_37, %jit3A : i32
      %sign3A = arith.constant 0 : i32
      %sign3A_38 = arith.cmpi sgt, %scan3A_37, %sign3A : i32
      %sign3A_39 = arith.extui %sign3A_38 : i1 to i32
      %sign3A_40 = arith.constant 0 : i32
      %sign3A_41 = arith.cmpi slt, %scan3A_37, %sign3A_40 : i32
      %sign3A_42 = arith.extui %sign3A_41 : i1 to i32
      %sign3A_43 = arith.subi %sign3A_39, %sign3A_42 : i32
      %sign3A_44 = arith.constant 0 : i32
      %sign3A_45 = arith.cmpi sgt, %jit3A, %sign3A_44 : i32
      %sign3A_46 = arith.extui %sign3A_45 : i1 to i32
      %sign3A_47 = arith.constant 0 : i32
      %sign3A_48 = arith.cmpi slt, %jit3A, %sign3A_47 : i32
      %sign3A_49 = arith.extui %sign3A_48 : i1 to i32
      %sign3A_50 = arith.subi %sign3A_46, %sign3A_49 : i32
      %ne3A = arith.cmpi ne, %sign3A_43, %sign3A_50 : i32
      %rem3A = arith.remsi %scan3A_37, %jit3A : i32
      %ne3A_51 = arith.constant 0 : i32
      %ne3A_52 = arith.cmpi ne, %rem3A, %ne3A_51 : i32
      %and3A = arith.andi %ne3A, %ne3A_52 : i1
      %sub3A = arith.constant 1 : i32
      %sub3A_53 = arith.subi %div3A, %sub3A : i32
      %select_n3A = arith.select %and3A, %sub3A_53, %div3A : i32
      %jit3A_54 = arith.constant 1 : i32
      %eq3A = arith.constant 0 : i32
      %eq3A_55 = arith.cmpi eq, %jit3A_54, %eq3A : i32
      %jit3A_56 = arith.constant 1 : i32
      %select_n3A_57 = arith.select %eq3A_55, %jit3A_56, %jit3A_54 : i32
      %rem3A_58 = arith.remsi %scan3A_37, %select_n3A_57 : i32
      %ne3A_59 = arith.constant 0 : i32
      %ne3A_60 = arith.cmpi ne, %rem3A_58, %ne3A_59 : i32
      %lt3A = arith.constant 0 : i32
      %lt3A_61 = arith.cmpi slt, %rem3A_58, %lt3A : i32
      %lt3A_62 = arith.constant 0 : i32
      %lt3A_63 = arith.cmpi slt, %select_n3A_57, %lt3A_62 : i32
      %ne3A_64 = arith.xori %lt3A_61, %lt3A_63 : i1
      %and3A_65 = arith.andi %ne3A_64, %ne3A_60 : i1
      %add3A_66 = arith.addi %rem3A_58, %select_n3A_57 : i32
      %select_n3A_67 = arith.select %and3A_65, %add3A_66, %rem3A_58 : i32
      %broadcast_in_dim3A = arith.constant 0.000000e+00 : f32
      %broadcast_in_dim3A_68 = vector.broadcast %broadcast_in_dim3A : f32 to vector<16xf32>
      %mul3A_69 = arith.constant 16 : i32
      %mul3A_70 = arith.muli %select_n3A_67, %mul3A_69 : i32
      %swap3A = arith.index_cast %select_n3A : i32 to index
      %swap3A_71 = arith.index_cast %mul3A_70 : i32 to index
      %swap3A_72 = tpu.vector_load %arg5[%swap3A, %swap3A_71] {strides = array<i32>} : memref<128x16xf32, #tpu.memory_space<vmem>>, vector<1x16xf32>,
      %swap3A_73 = vector.shape_cast %swap3A_72 : vector<1x16xf32> to vector<16xf32>
      %swap3A_74 = vector.shape_cast %broadcast_in_dim3A_68 : vector<16xf32> to vector<1x16xf32>
      tpu.vector_store %arg5[%swap3A, %swap3A_71], %swap3A_74 {strides = array<i32>} : memref<128x16xf32, #tpu.memory_space<vmem>>, vector<1x16xf32>,
    }
    %scan3A_3 = arith.constant 128 : i32
    %mul3A = arith.constant 640 : i32
    %mul3A_4 = arith.muli %arg1, %mul3A : i32
    %add3A = arith.constant 0 : i32
    %add3A_5 = arith.addi %mul3A_4, %add3A : i32
    "tpu.region"() ({
      %run_scoped3A = tpu.sem_alloc : memref<!tpu.dma_semaphore, #tpu.memory_space<semaphore_mem>>
      %dma_start3A = arith.constant 0 : i32
      %dma_start3A_37 = tpu.memref_slice %arg6[%add3A_5, %dma_start3A] : memref<10240x16xf32, #tpu.memory_space<vmem_shared>> -> memref<128x16xf32, #tpu.memory_space<vmem_shared>>
      %dma_start3A_38 = arith.constant 0 : i32
      %dma_start3A_39 = tpu.memref_slice %arg6[%add3A_5, %dma_start3A_38] : memref<10240x16xf32, #tpu.memory_space<vmem_shared>> -> memref<128x16xf32, #tpu.memory_space<vmem_shared>>
      tpu.enqueue_dma source(%arg5 : memref<128x16xf32, #tpu.memory_space<vmem>>) target(%dma_start3A_39 : memref<128x16xf32, #tpu.memory_space<vmem_shared>>) target_semaphore(%run_scoped3A : memref<!tpu.dma_semaphore, #tpu.memory_space<semaphore_mem>>)
      %dma_wait3A = arith.constant 0 : i32
      %dma_wait3A_40 = tpu.memref_slice %arg6[%add3A_5, %dma_wait3A] : memref<10240x16xf32, #tpu.memory_space<vmem_shared>> -> memref<128x16xf32, #tpu.memory_space<vmem_shared>>
      %dma_wait3A_41 = arith.constant 0 : i32
      %dma_wait3A_42 = tpu.memref_slice %arg6[%add3A_5, %dma_wait3A_41] : memref<10240x16xf32, #tpu.memory_space<vmem_shared>> -> memref<128x16xf32, #tpu.memory_space<vmem_shared>>
      tpu.wait_dma2 semaphore(%run_scoped3A : memref<!tpu.dma_semaphore, #tpu.memory_space<semaphore_mem>>) src(%arg5 : memref<128x16xf32, #tpu.memory_space<vmem>>) dst(%dma_wait3A_42 : memref<128x16xf32, #tpu.memory_space<vmem_shared>>)
      tpu.yield
    }) : () -> ()
    %mul3A_6 = arith.constant 640 : i32
    %mul3A_7 = arith.muli %arg1, %mul3A_6 : i32
    %add3A_8 = arith.constant 128 : i32
    %add3A_9 = arith.addi %mul3A_7, %add3A_8 : i32
    "tpu.region"() ({
      %run_scoped3A = tpu.sem_alloc : memref<!tpu.dma_semaphore, #tpu.memory_space<semaphore_mem>>
      %dma_start3A = arith.constant 0 : i32
      %dma_start3A_37 = tpu.memref_slice %arg6[%add3A_9, %dma_start3A] : memref<10240x16xf32, #tpu.memory_space<vmem_shared>> -> memref<128x16xf32, #tpu.memory_space<vmem_shared>>
      %dma_start3A_38 = arith.constant 0 : i32
      %dma_start3A_39 = tpu.memref_slice %arg6[%add3A_9, %dma_start3A_38] : memref<10240x16xf32, #tpu.memory_space<vmem_shared>> -> memref<128x16xf32, #tpu.memory_space<vmem_shared>>
      tpu.enqueue_dma source(%arg5 : memref<128x16xf32, #tpu.memory_space<vmem>>) target(%dma_start3A_39 : memref<128x16xf32, #tpu.memory_space<vmem_shared>>) target_semaphore(%run_scoped3A : memref<!tpu.dma_semaphore, #tpu.memory_space<semaphore_mem>>)
      %dma_wait3A = arith.constant 0 : i32
      %dma_wait3A_40 = tpu.memref_slice %arg6[%add3A_9, %dma_wait3A] : memref<10240x16xf32, #tpu.memory_space<vmem_shared>> -> memref<128x16xf32, #tpu.memory_space<vmem_shared>>
      %dma_wait3A_41 = arith.constant 0 : i32
      %dma_wait3A_42 = tpu.memref_slice %arg6[%add3A_9, %dma_wait3A_41] : memref<10240x16xf32, #tpu.memory_space<vmem_shared>> -> memref<128x16xf32, #tpu.memory_space<vmem_shared>>
      tpu.wait_dma2 semaphore(%run_scoped3A : memref<!tpu.dma_semaphore, #tpu.memory_space<semaphore_mem>>) src(%arg5 : memref<128x16xf32, #tpu.memory_space<vmem>>) dst(%dma_wait3A_42 : memref<128x16xf32, #tpu.memory_space<vmem_shared>>)
      tpu.yield
    }) : () -> ()
    %mul3A_10 = arith.constant 640 : i32
    %mul3A_11 = arith.muli %arg1, %mul3A_10 : i32
    %add3A_12 = arith.constant 256 : i32
    %add3A_13 = arith.addi %mul3A_11, %add3A_12 : i32
    "tpu.region"() ({
      %run_scoped3A = tpu.sem_alloc : memref<!tpu.dma_semaphore, #tpu.memory_space<semaphore_mem>>
      %dma_start3A = arith.constant 0 : i32
      %dma_start3A_37 = tpu.memref_slice %arg6[%add3A_13, %dma_start3A] : memref<10240x16xf32, #tpu.memory_space<vmem_shared>> -> memref<128x16xf32, #tpu.memory_space<vmem_shared>>
      %dma_start3A_38 = arith.constant 0 : i32
      %dma_start3A_39 = tpu.memref_slice %arg6[%add3A_13, %dma_start3A_38] : memref<10240x16xf32, #tpu.memory_space<vmem_shared>> -> memref<128x16xf32, #tpu.memory_space<vmem_shared>>
      tpu.enqueue_dma source(%arg5 : memref<128x16xf32, #tpu.memory_space<vmem>>) target(%dma_start3A_39 : memref<128x16xf32, #tpu.memory_space<vmem_shared>>) target_semaphore(%run_scoped3A : memref<!tpu.dma_semaphore, #tpu.memory_space<semaphore_mem>>)
      %dma_wait3A = arith.constant 0 : i32
      %dma_wait3A_40 = tpu.memref_slice %arg6[%add3A_13, %dma_wait3A] : memref<10240x16xf32, #tpu.memory_space<vmem_shared>> -> memref<128x16xf32, #tpu.memory_space<vmem_shared>>
      %dma_wait3A_41 = arith.constant 0 : i32
      %dma_wait3A_42 = tpu.memref_slice %arg6[%add3A_13, %dma_wait3A_41] : memref<10240x16xf32, #tpu.memory_space<vmem_shared>> -> memref<128x16xf32, #tpu.memory_space<vmem_shared>>
      tpu.wait_dma2 semaphore(%run_scoped3A : memref<!tpu.dma_semaphore, #tpu.memory_space<semaphore_mem>>) src(%arg5 : memref<128x16xf32, #tpu.memory_space<vmem>>) dst(%dma_wait3A_42 : memref<128x16xf32, #tpu.memory_space<vmem_shared>>)
      tpu.yield
    }) : () -> ()
    %mul3A_14 = arith.constant 640 : i32
    %mul3A_15 = arith.muli %arg1, %mul3A_14 : i32
    %add3A_16 = arith.constant 384 : i32
    %add3A_17 = arith.addi %mul3A_15, %add3A_16 : i32
    "tpu.region"() ({
      %run_scoped3A = tpu.sem_alloc : memref<!tpu.dma_semaphore, #tpu.memory_space<semaphore_mem>>
      %dma_start3A = arith.constant 0 : i32
      %dma_start3A_37 = tpu.memref_slice %arg6[%add3A_17, %dma_start3A] : memref<10240x16xf32, #tpu.memory_space<vmem_shared>> -> memref<128x16xf32, #tpu.memory_space<vmem_shared>>
      %dma_start3A_38 = arith.constant 0 : i32
      %dma_start3A_39 = tpu.memref_slice %arg6[%add3A_17, %dma_start3A_38] : memref<10240x16xf32, #tpu.memory_space<vmem_shared>> -> memref<128x16xf32, #tpu.memory_space<vmem_shared>>
      tpu.enqueue_dma source(%arg5 : memref<128x16xf32, #tpu.memory_space<vmem>>) target(%dma_start3A_39 : memref<128x16xf32, #tpu.memory_space<vmem_shared>>) target_semaphore(%run_scoped3A : memref<!tpu.dma_semaphore, #tpu.memory_space<semaphore_mem>>)
      %dma_wait3A = arith.constant 0 : i32
      %dma_wait3A_40 = tpu.memref_slice %arg6[%add3A_17, %dma_wait3A] : memref<10240x16xf32, #tpu.memory_space<vmem_shared>> -> memref<128x16xf32, #tpu.memory_space<vmem_shared>>
      %dma_wait3A_41 = arith.constant 0 : i32
      %dma_wait3A_42 = tpu.memref_slice %arg6[%add3A_17, %dma_wait3A_41] : memref<10240x16xf32, #tpu.memory_space<vmem_shared>> -> memref<128x16xf32, #tpu.memory_space<vmem_shared>>
      tpu.wait_dma2 semaphore(%run_scoped3A : memref<!tpu.dma_semaphore, #tpu.memory_space<semaphore_mem>>) src(%arg5 : memref<128x16xf32, #tpu.memory_space<vmem>>) dst(%dma_wait3A_42 : memref<128x16xf32, #tpu.memory_space<vmem_shared>>)
      tpu.yield
    }) : () -> ()
    %mul3A_18 = arith.constant 640 : i32
    %mul3A_19 = arith.muli %arg1, %mul3A_18 : i32
    %add3A_20 = arith.constant 512 : i32
    %add3A_21 = arith.addi %mul3A_19, %add3A_20 : i32
    "tpu.region"() ({
      %run_scoped3A = tpu.sem_alloc : memref<!tpu.dma_semaphore, #tpu.memory_space<semaphore_mem>>
      %dma_start3A = arith.constant 0 : i32
      %dma_start3A_37 = tpu.memref_slice %arg6[%add3A_21, %dma_start3A] : memref<10240x16xf32, #tpu.memory_space<vmem_shared>> -> memref<128x16xf32, #tpu.memory_space<vmem_shared>>
      %dma_start3A_38 = arith.constant 0 : i32
      %dma_start3A_39 = tpu.memref_slice %arg6[%add3A_21, %dma_start3A_38] : memref<10240x16xf32, #tpu.memory_space<vmem_shared>> -> memref<128x16xf32, #tpu.memory_space<vmem_shared>>
      tpu.enqueue_dma source(%arg5 : memref<128x16xf32, #tpu.memory_space<vmem>>) target(%dma_start3A_39 : memref<128x16xf32, #tpu.memory_space<vmem_shared>>) target_semaphore(%run_scoped3A : memref<!tpu.dma_semaphore, #tpu.memory_space<semaphore_mem>>)
      %dma_wait3A = arith.constant 0 : i32
      %dma_wait3A_40 = tpu.memref_slice %arg6[%add3A_21, %dma_wait3A] : memref<10240x16xf32, #tpu.memory_space<vmem_shared>> -> memref<128x16xf32, #tpu.memory_space<vmem_shared>>
      %dma_wait3A_41 = arith.constant 0 : i32
      %dma_wait3A_42 = tpu.memref_slice %arg6[%add3A_21, %dma_wait3A_41] : memref<10240x16xf32, #tpu.memory_space<vmem_shared>> -> memref<128x16xf32, #tpu.memory_space<vmem_shared>>
      tpu.wait_dma2 semaphore(%run_scoped3A : memref<!tpu.dma_semaphore, #tpu.memory_space<semaphore_mem>>) src(%arg5 : memref<128x16xf32, #tpu.memory_space<vmem>>) dst(%dma_wait3A_42 : memref<128x16xf32, #tpu.memory_space<vmem_shared>>)
      tpu.yield
    }) : () -> ()
    %barrier3A = arith.constant 0 : index
    tpu.barrier barrier_id(%barrier3A)
    %scan3A_22 = arith.constant 0 : i32
    %scan3A_23 = arith.constant 128 : i32
    %scan3A_24 = arith.addi %scan3A_22, %scan3A_23 : i32
    %scan3A_25 = arith.constant 1 : i32
    scf.for %scan3A_37 = %scan3A_22 to %scan3A_24 step %scan3A_25  : i32 {
      %jit3A = arith.constant 1 : i32
      %div3A = arith.divsi %scan3A_37, %jit3A : i32
      %sign3A = arith.constant 0 : i32
      %sign3A_38 = arith.cmpi sgt, %scan3A_37, %sign3A : i32
      %sign3A_39 = arith.extui %sign3A_38 : i1 to i32
      %sign3A_40 = arith.constant 0 : i32
      %sign3A_41 = arith.cmpi slt, %scan3A_37, %sign3A_40 : i32
      %sign3A_42 = arith.extui %sign3A_41 : i1 to i32
      %sign3A_43 = arith.subi %sign3A_39, %sign3A_42 : i32
      %sign3A_44 = arith.constant 0 : i32
      %sign3A_45 = arith.cmpi sgt, %jit3A, %sign3A_44 : i32
      %sign3A_46 = arith.extui %sign3A_45 : i1 to i32
      %sign3A_47 = arith.constant 0 : i32
      %sign3A_48 = arith.cmpi slt, %jit3A, %sign3A_47 : i32
      %sign3A_49 = arith.extui %sign3A_48 : i1 to i32
      %sign3A_50 = arith.subi %sign3A_46, %sign3A_49 : i32
      %ne3A = arith.cmpi ne, %sign3A_43, %sign3A_50 : i32
      %rem3A = arith.remsi %scan3A_37, %jit3A : i32
      %ne3A_51 = arith.constant 0 : i32
      %ne3A_52 = arith.cmpi ne, %rem3A, %ne3A_51 : i32
      %and3A = arith.andi %ne3A, %ne3A_52 : i1
      %sub3A = arith.constant 1 : i32
      %sub3A_53 = arith.subi %div3A, %sub3A : i32
      %select_n3A = arith.select %and3A, %sub3A_53, %div3A : i32
      %jit3A_54 = arith.constant 1 : i32
      %eq3A = arith.constant 0 : i32
      %eq3A_55 = arith.cmpi eq, %jit3A_54, %eq3A : i32
      %jit3A_56 = arith.constant 1 : i32
      %select_n3A_57 = arith.select %eq3A_55, %jit3A_56, %jit3A_54 : i32
      %rem3A_58 = arith.remsi %scan3A_37, %select_n3A_57 : i32
      %ne3A_59 = arith.constant 0 : i32
      %ne3A_60 = arith.cmpi ne, %rem3A_58, %ne3A_59 : i32
      %lt3A = arith.constant 0 : i32
      %lt3A_61 = arith.cmpi slt, %rem3A_58, %lt3A : i32
      %lt3A_62 = arith.constant 0 : i32
      %lt3A_63 = arith.cmpi slt, %select_n3A_57, %lt3A_62 : i32
      %ne3A_64 = arith.xori %lt3A_61, %lt3A_63 : i1
      %and3A_65 = arith.andi %ne3A_64, %ne3A_60 : i1
      %add3A_66 = arith.addi %rem3A_58, %select_n3A_57 : i32
      %select_n3A_67 = arith.select %and3A_65, %add3A_66, %rem3A_58 : i32
      %broadcast_in_dim3A = arith.constant 1.000000e+00 : f32
      %broadcast_in_dim3A_68 = vector.broadcast %broadcast_in_dim3A : f32 to vector<16xf32>
      %mul3A_69 = arith.constant 16 : i32
      %mul3A_70 = arith.muli %select_n3A_67, %mul3A_69 : i32
      %swap3A = arith.index_cast %select_n3A : i32 to index
      %swap3A_71 = arith.index_cast %mul3A_70 : i32 to index
      %swap3A_72 = tpu.vector_load %arg5[%swap3A, %swap3A_71] {strides = array<i32>} : memref<128x16xf32, #tpu.memory_space<vmem>>, vector<1x16xf32>,
      %swap3A_73 = vector.shape_cast %swap3A_72 : vector<1x16xf32> to vector<16xf32>
      %swap3A_74 = vector.shape_cast %broadcast_in_dim3A_68 : vector<16xf32> to vector<1x16xf32>
      tpu.vector_store %arg5[%swap3A, %swap3A_71], %swap3A_74 {strides = array<i32>} : memref<128x16xf32, #tpu.memory_space<vmem>>, vector<1x16xf32>,
    }
    %scan3A_26 = arith.constant 128 : i32
    "tpu.region"() ({
      %run_scoped3A = tpu.sem_alloc : memref<!tpu.dma_semaphore, #tpu.memory_space<semaphore_mem>>
      %dma_start3A = arith.constant 0 : i32
      %dma_start3A_37 = arith.constant 0 : i32
      %dma_start3A_38 = tpu.memref_slice %arg2[%arg0, %arg1, %dma_start3A, %dma_start3A_37] : memref<2x16x79x128xi32, #tpu.memory_space<hbm>> -> memref<1x1x79x128xi32, #tpu.memory_space<hbm>>
      %dma_start3A_39 = tpu.memref_squeeze %dma_start3A_38 : memref<1x1x79x128xi32, #tpu.memory_space<hbm>> -> memref<79x128xi32, #tpu.memory_space<hbm>>
      %dma_start3A_40 = arith.constant 0 : i32
      %dma_start3A_41 = arith.constant 0 : i32
      %dma_start3A_42 = tpu.memref_slice %arg2[%arg0, %arg1, %dma_start3A_40, %dma_start3A_41] : memref<2x16x79x128xi32, #tpu.memory_space<hbm>> -> memref<1x1x79x128xi32, #tpu.memory_space<hbm>>
      %dma_start3A_43 = tpu.memref_squeeze %dma_start3A_42 : memref<1x1x79x128xi32, #tpu.memory_space<hbm>> -> memref<79x128xi32, #tpu.memory_space<hbm>>
      tpu.enqueue_dma source(%dma_start3A_43 : memref<79x128xi32, #tpu.memory_space<hbm>>) target(%arg4 : memref<79x128xi32, #tpu.memory_space<vmem>>) target_semaphore(%run_scoped3A : memref<!tpu.dma_semaphore, #tpu.memory_space<semaphore_mem>>)
      %dma_wait3A = arith.constant 0 : i32
      %dma_wait3A_44 = arith.constant 0 : i32
      %dma_wait3A_45 = tpu.memref_slice %arg2[%arg0, %arg1, %dma_wait3A, %dma_wait3A_44] : memref<2x16x79x128xi32, #tpu.memory_space<hbm>> -> memref<1x1x79x128xi32, #tpu.memory_space<hbm>>
      %dma_wait3A_46 = tpu.memref_squeeze %dma_wait3A_45 : memref<1x1x79x128xi32, #tpu.memory_space<hbm>> -> memref<79x128xi32, #tpu.memory_space<hbm>>
      %dma_wait3A_47 = arith.constant 0 : i32
      %dma_wait3A_48 = arith.constant 0 : i32
      %dma_wait3A_49 = tpu.memref_slice %arg2[%arg0, %arg1, %dma_wait3A_47, %dma_wait3A_48] : memref<2x16x79x128xi32, #tpu.memory_space<hbm>> -> memref<1x1x79x128xi32, #tpu.memory_space<hbm>>
      %dma_wait3A_50 = tpu.memref_squeeze %dma_wait3A_49 : memref<1x1x79x128xi32, #tpu.memory_space<hbm>> -> memref<79x128xi32, #tpu.memory_space<hbm>>
      tpu.wait_dma2 semaphore(%run_scoped3A : memref<!tpu.dma_semaphore, #tpu.memory_space<semaphore_mem>>) src(%dma_wait3A_50 : memref<79x128xi32, #tpu.memory_space<hbm>>) dst(%arg4 : memref<79x128xi32, #tpu.memory_space<vmem>>)
      tpu.yield
    }) : () -> ()
    %scan3A_27 = arith.constant 0 : i32
    %scan3A_28 = arith.constant 79 : i32
    %scan3A_29 = arith.addi %scan3A_27, %scan3A_28 : i32
    %scan3A_30 = arith.constant 1 : i32
    scf.for %scan3A_37 = %scan3A_27 to %scan3A_29 step %scan3A_30  : i32 {
      "tpu.region"() ({
        %run_scoped3A = tpu.sem_alloc : memref<!tpu.dma_semaphore, #tpu.memory_space<semaphore_mem>>
        %dma_start3A = arith.constant 0 : i32
        %dma_start3A_38 = tpu.memref_slice %arg4[%scan3A_37, %dma_start3A] : memref<79x128xi32, #tpu.memory_space<vmem>> -> memref<1x128xi32, #tpu.memory_space<vmem>>
        %dma_start3A_39 = tpu.memref_squeeze %dma_start3A_38 : memref<1x128xi32, #tpu.memory_space<vmem>> -> memref<128xi32, #tpu.memory_space<vmem>>
        %dma_start3A_40 = arith.constant 0 : i32
        %dma_start3A_41 = arith.constant 0 : i32
        %dma_start3A_42 = tpu.memref_slice %arg6[%dma_start3A_40, %dma_start3A_41] : memref<10240x16xf32, #tpu.memory_space<vmem_shared>> -> memref<10240x16xf32, #tpu.memory_space<vmem_shared>>
        tpu.enqueue_indirect_dma source(%arg5 : memref<128x16xf32, #tpu.memory_space<vmem>>) target(%dma_start3A_42 : memref<10240x16xf32, #tpu.memory_space<vmem_shared>>) offsets(%dma_start3A_39 : memref<128xi32, #tpu.memory_space<vmem>>) semaphore(%run_scoped3A : memref<!tpu.dma_semaphore, #tpu.memory_space<semaphore_mem>>) {add = true}
        %dma_wait3A = arith.constant 0 : i32
        %dma_wait3A_43 = tpu.memref_slice %arg4[%scan3A_37, %dma_wait3A] : memref<79x128xi32, #tpu.memory_space<vmem>> -> memref<1x128xi32, #tpu.memory_space<vmem>>
        %dma_wait3A_44 = tpu.memref_squeeze %dma_wait3A_43 : memref<1x128xi32, #tpu.memory_space<vmem>> -> memref<128xi32, #tpu.memory_space<vmem>>
        %dma_wait3A_45 = arith.constant 0 : i32
        %dma_wait3A_46 = arith.constant 0 : i32
        %dma_wait3A_47 = tpu.memref_slice %arg6[%dma_wait3A_45, %dma_wait3A_46] : memref<10240x16xf32, #tpu.memory_space<vmem_shared>> -> memref<10240x16xf32, #tpu.memory_space<vmem_shared>>
        tpu.wait_indirect_dma semaphore(%run_scoped3A : memref<!tpu.dma_semaphore, #tpu.memory_space<semaphore_mem>>) src(%arg5 : memref<128x16xf32, #tpu.memory_space<vmem>>) dst(%dma_wait3A_47 : memref<10240x16xf32, #tpu.memory_space<vmem_shared>>)
        tpu.yield
      }) : () -> ()
    }
    %scan3A_31 = arith.constant 79 : i32
    %barrier3A_32 = arith.constant 0 : index
    tpu.barrier barrier_id(%barrier3A_32)
    %mul3A_33 = arith.constant 640 : i32
    %mul3A_34 = arith.muli %arg1, %mul3A_33 : i32
    %mul3A_35 = arith.constant 640 : i32
    %mul3A_36 = arith.muli %arg1, %mul3A_35 : i32
    "tpu.region"() ({
      %run_scoped3A = tpu.sem_alloc : memref<!tpu.dma_semaphore, #tpu.memory_space<semaphore_mem>>
      %dma_start3A = arith.constant 0 : i32
      %dma_start3A_37 = tpu.memref_slice %arg3[%arg0, %mul3A_36, %dma_start3A] : memref<2x10240x16xf32, #tpu.memory_space<hbm>> -> memref<1x640x16xf32, #tpu.memory_space<hbm>>
      %dma_start3A_38 = tpu.memref_squeeze %dma_start3A_37 : memref<1x640x16xf32, #tpu.memory_space<hbm>> -> memref<640x16xf32, #tpu.memory_space<hbm>>
      %dma_start3A_39 = arith.constant 0 : i32
      %dma_start3A_40 = tpu.memref_slice %arg6[%mul3A_34, %dma_start3A_39] : memref<10240x16xf32, #tpu.memory_space<vmem_shared>> -> memref<640x16xf32, #tpu.memory_space<vmem_shared>>
      tpu.enqueue_dma source(%dma_start3A_40 : memref<640x16xf32, #tpu.memory_space<vmem_shared>>) target(%dma_start3A_38 : memref<640x16xf32, #tpu.memory_space<hbm>>) target_semaphore(%run_scoped3A : memref<!tpu.dma_semaphore, #tpu.memory_space<semaphore_mem>>)
      %dma_wait3A = arith.constant 0 : i32
      %dma_wait3A_41 = tpu.memref_slice %arg3[%arg0, %mul3A_36, %dma_wait3A] : memref<2x10240x16xf32, #tpu.memory_space<hbm>> -> memref<1x640x16xf32, #tpu.memory_space<hbm>>
      %dma_wait3A_42 = tpu.memref_squeeze %dma_wait3A_41 : memref<1x640x16xf32, #tpu.memory_space<hbm>> -> memref<640x16xf32, #tpu.memory_space<hbm>>
      %dma_wait3A_43 = arith.constant 0 : i32
      %dma_wait3A_44 = tpu.memref_slice %arg6[%mul3A_34, %dma_wait3A_43] : memref<10240x16xf32, #tpu.memory_space<vmem_shared>> -> memref<640x16xf32, #tpu.memory_space<vmem_shared>>
      tpu.wait_dma2 semaphore(%run_scoped3A : memref<!tpu.dma_semaphore, #tpu.memory_space<semaphore_mem>>) src(%dma_wait3A_44 : memref<640x16xf32, #tpu.memory_space<vmem_shared>>) dst(%dma_wait3A_42 : memref<640x16xf32, #tpu.memory_space<hbm>>)
      tpu.yield
    }) : () -> ()
    return
  }
}

#map = affine_map<(d0, d1) -> (0, 0)>
#map1 = affine_map<(d0, d1) -> (0, 0, 0, 0)>
#map2 = affine_map<(d0, d1) -> (0, 0, 0)>
module attributes {stable_mosaic.version = 14 : i64} {
  func.func @agg(%arg0: i32, %arg1: i32, %arg2: memref<40000x64xf32, #tpu.memory_space<hbm>>, %arg3: memref<4x16x158x128xi32, #tpu.memory_space<hbm>>, %arg4: memref<16x158x128xi32, #tpu.memory_space<hbm>>, %arg5: memref<4x10240x64xf32, #tpu.memory_space<hbm>>, %arg6: memref<158x128xi32, #tpu.memory_space<vmem>>, %arg7: memref<158x128xi32, #tpu.memory_space<vmem>>, %arg8: memref<128x64xf32, #tpu.memory_space<vmem>>, %arg9: memref<128x64xf32, #tpu.memory_space<vmem>>, %arg10: memref<128x64xf32, #tpu.memory_space<vmem>>, %arg11: memref<10240x64xf32, #tpu.memory_space<vmem_shared>>, %arg12: memref<!tpu.dma_semaphore, #tpu.memory_space<semaphore_mem>>, %arg13: memref<!tpu.dma_semaphore, #tpu.memory_space<semaphore_mem>>) attributes {dimension_semantics = [#tpu.dimension_semantics<core_parallel>, #tpu.dimension_semantics<subcore_parallel>], iteration_bounds = array<i64: 2, 16>, scalar_prefetch = 0 : i64, scratch_operands = 8 : i64, tpu.core_type = #tpu.core_type<sc_vector_subcore>, window_params = [{transform_indices = #map}, {transform_indices = #map1}, {transform_indices = #map2}, {transform_indices = #map2}]} {
    "tpu.region"() ({
      %run_scoped3A = tpu.sem_alloc : memref<!tpu.dma_semaphore, #tpu.memory_space<semaphore_mem>>
      %dma_start3A_89 = arith.constant 0 : i32
      %dma_start3A_90 = arith.constant 0 : i32
      %dma_start3A_91 = tpu.memref_slice %arg4[%arg1, %dma_start3A_89, %dma_start3A_90] : memref<16x158x128xi32, #tpu.memory_space<hbm>> -> memref<1x158x128xi32, #tpu.memory_space<hbm>>
      %dma_start3A_92 = tpu.memref_squeeze %dma_start3A_91 : memref<1x158x128xi32, #tpu.memory_space<hbm>> -> memref<158x128xi32, #tpu.memory_space<hbm>>
      %dma_start3A_93 = arith.constant 0 : i32
      %dma_start3A_94 = arith.constant 0 : i32
      %dma_start3A_95 = tpu.memref_slice %arg4[%arg1, %dma_start3A_93, %dma_start3A_94] : memref<16x158x128xi32, #tpu.memory_space<hbm>> -> memref<1x158x128xi32, #tpu.memory_space<hbm>>
      %dma_start3A_96 = tpu.memref_squeeze %dma_start3A_95 : memref<1x158x128xi32, #tpu.memory_space<hbm>> -> memref<158x128xi32, #tpu.memory_space<hbm>>
      tpu.enqueue_dma source(%dma_start3A_96 : memref<158x128xi32, #tpu.memory_space<hbm>>) target(%arg7 : memref<158x128xi32, #tpu.memory_space<vmem>>) target_semaphore(%run_scoped3A : memref<!tpu.dma_semaphore, #tpu.memory_space<semaphore_mem>>)
      %dma_wait3A = arith.constant 0 : i32
      %dma_wait3A_97 = arith.constant 0 : i32
      %dma_wait3A_98 = tpu.memref_slice %arg4[%arg1, %dma_wait3A, %dma_wait3A_97] : memref<16x158x128xi32, #tpu.memory_space<hbm>> -> memref<1x158x128xi32, #tpu.memory_space<hbm>>
      %dma_wait3A_99 = tpu.memref_squeeze %dma_wait3A_98 : memref<1x158x128xi32, #tpu.memory_space<hbm>> -> memref<158x128xi32, #tpu.memory_space<hbm>>
      %dma_wait3A_100 = arith.constant 0 : i32
      %dma_wait3A_101 = arith.constant 0 : i32
      %dma_wait3A_102 = tpu.memref_slice %arg4[%arg1, %dma_wait3A_100, %dma_wait3A_101] : memref<16x158x128xi32, #tpu.memory_space<hbm>> -> memref<1x158x128xi32, #tpu.memory_space<hbm>>
      %dma_wait3A_103 = tpu.memref_squeeze %dma_wait3A_102 : memref<1x158x128xi32, #tpu.memory_space<hbm>> -> memref<158x128xi32, #tpu.memory_space<hbm>>
      tpu.wait_dma2 semaphore(%run_scoped3A : memref<!tpu.dma_semaphore, #tpu.memory_space<semaphore_mem>>) src(%dma_wait3A_103 : memref<158x128xi32, #tpu.memory_space<hbm>>) dst(%arg7 : memref<158x128xi32, #tpu.memory_space<vmem>>)
      tpu.yield
    }) : () -> ()
    %mul3A = arith.constant 2 : i32
    %mul3A_0 = arith.muli %arg0, %mul3A : i32
    "tpu.region"() ({
      %run_scoped3A = tpu.sem_alloc : memref<!tpu.dma_semaphore, #tpu.memory_space<semaphore_mem>>
      %dma_start3A_89 = arith.constant 0 : i32
      %dma_start3A_90 = arith.constant 0 : i32
      %dma_start3A_91 = tpu.memref_slice %arg3[%mul3A_0, %arg1, %dma_start3A_89, %dma_start3A_90] : memref<4x16x158x128xi32, #tpu.memory_space<hbm>> -> memref<1x1x158x128xi32, #tpu.memory_space<hbm>>
      %dma_start3A_92 = tpu.memref_squeeze %dma_start3A_91 : memref<1x1x158x128xi32, #tpu.memory_space<hbm>> -> memref<158x128xi32, #tpu.memory_space<hbm>>
      %dma_start3A_93 = arith.constant 0 : i32
      %dma_start3A_94 = arith.constant 0 : i32
      %dma_start3A_95 = tpu.memref_slice %arg3[%mul3A_0, %arg1, %dma_start3A_93, %dma_start3A_94] : memref<4x16x158x128xi32, #tpu.memory_space<hbm>> -> memref<1x1x158x128xi32, #tpu.memory_space<hbm>>
      %dma_start3A_96 = tpu.memref_squeeze %dma_start3A_95 : memref<1x1x158x128xi32, #tpu.memory_space<hbm>> -> memref<158x128xi32, #tpu.memory_space<hbm>>
      tpu.enqueue_dma source(%dma_start3A_96 : memref<158x128xi32, #tpu.memory_space<hbm>>) target(%arg6 : memref<158x128xi32, #tpu.memory_space<vmem>>) target_semaphore(%run_scoped3A : memref<!tpu.dma_semaphore, #tpu.memory_space<semaphore_mem>>)
      %dma_wait3A = arith.constant 0 : i32
      %dma_wait3A_97 = arith.constant 0 : i32
      %dma_wait3A_98 = tpu.memref_slice %arg3[%mul3A_0, %arg1, %dma_wait3A, %dma_wait3A_97] : memref<4x16x158x128xi32, #tpu.memory_space<hbm>> -> memref<1x1x158x128xi32, #tpu.memory_space<hbm>>
      %dma_wait3A_99 = tpu.memref_squeeze %dma_wait3A_98 : memref<1x1x158x128xi32, #tpu.memory_space<hbm>> -> memref<158x128xi32, #tpu.memory_space<hbm>>
      %dma_wait3A_100 = arith.constant 0 : i32
      %dma_wait3A_101 = arith.constant 0 : i32
      %dma_wait3A_102 = tpu.memref_slice %arg3[%mul3A_0, %arg1, %dma_wait3A_100, %dma_wait3A_101] : memref<4x16x158x128xi32, #tpu.memory_space<hbm>> -> memref<1x1x158x128xi32, #tpu.memory_space<hbm>>
      %dma_wait3A_103 = tpu.memref_squeeze %dma_wait3A_102 : memref<1x1x158x128xi32, #tpu.memory_space<hbm>> -> memref<158x128xi32, #tpu.memory_space<hbm>>
      tpu.wait_dma2 semaphore(%run_scoped3A : memref<!tpu.dma_semaphore, #tpu.memory_space<semaphore_mem>>) src(%dma_wait3A_103 : memref<158x128xi32, #tpu.memory_space<hbm>>) dst(%arg6 : memref<158x128xi32, #tpu.memory_space<vmem>>)
      tpu.yield
    }) : () -> ()
    %dma_start3A = arith.constant 0 : i32
    %dma_start3A_1 = arith.constant 0 : i32
    %dma_start3A_2 = tpu.memref_slice %arg6[%dma_start3A, %dma_start3A_1] : memref<158x128xi32, #tpu.memory_space<vmem>> -> memref<1x128xi32, #tpu.memory_space<vmem>>
    %dma_start3A_3 = tpu.memref_squeeze %dma_start3A_2 : memref<1x128xi32, #tpu.memory_space<vmem>> -> memref<128xi32, #tpu.memory_space<vmem>>
    %dma_start3A_4 = arith.constant 0 : i32
    %dma_start3A_5 = arith.constant 0 : i32
    %dma_start3A_6 = tpu.memref_slice %arg2[%dma_start3A_4, %dma_start3A_5] : memref<40000x64xf32, #tpu.memory_space<hbm>> -> memref<40000x64xf32, #tpu.memory_space<hbm>>
    tpu.enqueue_indirect_dma source(%dma_start3A_6 : memref<40000x64xf32, #tpu.memory_space<hbm>>) target(%arg8 : memref<128x64xf32, #tpu.memory_space<vmem>>) offsets(%dma_start3A_3 : memref<128xi32, #tpu.memory_space<vmem>>) semaphore(%arg12 : memref<!tpu.dma_semaphore, #tpu.memory_space<semaphore_mem>>)
    %scan3A = arith.constant 0 : i32
    %scan3A_7 = arith.constant 512 : i32
    %scan3A_8 = arith.addi %scan3A, %scan3A_7 : i32
    %scan3A_9 = arith.constant 1 : i32
    scf.for %scan3A_89 = %scan3A to %scan3A_8 step %scan3A_9  : i32 {
      %jit3A = arith.constant 4 : i32
      %div3A = arith.divsi %scan3A_89, %jit3A : i32
      %sign3A = arith.constant 0 : i32
      %sign3A_90 = arith.cmpi sgt, %scan3A_89, %sign3A : i32
      %sign3A_91 = arith.extui %sign3A_90 : i1 to i32
      %sign3A_92 = arith.constant 0 : i32
      %sign3A_93 = arith.cmpi slt, %scan3A_89, %sign3A_92 : i32
      %sign3A_94 = arith.extui %sign3A_93 : i1 to i32
      %sign3A_95 = arith.subi %sign3A_91, %sign3A_94 : i32
      %sign3A_96 = arith.constant 0 : i32
      %sign3A_97 = arith.cmpi sgt, %jit3A, %sign3A_96 : i32
      %sign3A_98 = arith.extui %sign3A_97 : i1 to i32
      %sign3A_99 = arith.constant 0 : i32
      %sign3A_100 = arith.cmpi slt, %jit3A, %sign3A_99 : i32
      %sign3A_101 = arith.extui %sign3A_100 : i1 to i32
      %sign3A_102 = arith.subi %sign3A_98, %sign3A_101 : i32
      %ne3A = arith.cmpi ne, %sign3A_95, %sign3A_102 : i32
      %rem3A = arith.remsi %scan3A_89, %jit3A : i32
      %ne3A_103 = arith.constant 0 : i32
      %ne3A_104 = arith.cmpi ne, %rem3A, %ne3A_103 : i32
      %and3A = arith.andi %ne3A, %ne3A_104 : i1
      %sub3A_105 = arith.constant 1 : i32
      %sub3A_106 = arith.subi %div3A, %sub3A_105 : i32
      %select_n3A = arith.select %and3A, %sub3A_106, %div3A : i32
      %jit3A_107 = arith.constant 4 : i32
      %eq3A = arith.constant 0 : i32
      %eq3A_108 = arith.cmpi eq, %jit3A_107, %eq3A : i32
      %jit3A_109 = arith.constant 1 : i32
      %select_n3A_110 = arith.select %eq3A_108, %jit3A_109, %jit3A_107 : i32
      %rem3A_111 = arith.remsi %scan3A_89, %select_n3A_110 : i32
      %ne3A_112 = arith.constant 0 : i32
      %ne3A_113 = arith.cmpi ne, %rem3A_111, %ne3A_112 : i32
      %lt3A = arith.constant 0 : i32
      %lt3A_114 = arith.cmpi slt, %rem3A_111, %lt3A : i32
      %lt3A_115 = arith.constant 0 : i32
      %lt3A_116 = arith.cmpi slt, %select_n3A_110, %lt3A_115 : i32
      %ne3A_117 = arith.xori %lt3A_114, %lt3A_116 : i1
      %and3A_118 = arith.andi %ne3A_117, %ne3A_113 : i1
      %add3A_119 = arith.addi %rem3A_111, %select_n3A_110 : i32
      %select_n3A_120 = arith.select %and3A_118, %add3A_119, %rem3A_111 : i32
      %broadcast_in_dim3A = arith.constant 0.000000e+00 : f32
      %broadcast_in_dim3A_121 = vector.broadcast %broadcast_in_dim3A : f32 to vector<16xf32>
      %mul3A_122 = arith.constant 16 : i32
      %mul3A_123 = arith.muli %select_n3A_120, %mul3A_122 : i32
      %swap3A = arith.index_cast %select_n3A : i32 to index
      %swap3A_124 = arith.index_cast %mul3A_123 : i32 to index
      %swap3A_125 = tpu.vector_load %arg10[%swap3A, %swap3A_124] {strides = array<i32>} : memref<128x64xf32, #tpu.memory_space<vmem>>, vector<1x16xf32>,
      %swap3A_126 = vector.shape_cast %swap3A_125 : vector<1x16xf32> to vector<16xf32>
      %swap3A_127 = vector.shape_cast %broadcast_in_dim3A_121 : vector<16xf32> to vector<1x16xf32>
      tpu.vector_store %arg10[%swap3A, %swap3A_124], %swap3A_127 {strides = array<i32>} : memref<128x64xf32, #tpu.memory_space<vmem>>, vector<1x16xf32>,
    }
    %scan3A_10 = arith.constant 512 : i32
    %mul3A_11 = arith.constant 640 : i32
    %mul3A_12 = arith.muli %arg1, %mul3A_11 : i32
    %add3A = arith.constant 0 : i32
    %add3A_13 = arith.addi %mul3A_12, %add3A : i32
    "tpu.region"() ({
      %run_scoped3A = tpu.sem_alloc : memref<!tpu.dma_semaphore, #tpu.memory_space<semaphore_mem>>
      %dma_start3A_89 = arith.constant 0 : i32
      %dma_start3A_90 = tpu.memref_slice %arg11[%add3A_13, %dma_start3A_89] : memref<10240x64xf32, #tpu.memory_space<vmem_shared>> -> memref<128x64xf32, #tpu.memory_space<vmem_shared>>
      %dma_start3A_91 = arith.constant 0 : i32
      %dma_start3A_92 = tpu.memref_slice %arg11[%add3A_13, %dma_start3A_91] : memref<10240x64xf32, #tpu.memory_space<vmem_shared>> -> memref<128x64xf32, #tpu.memory_space<vmem_shared>>
      tpu.enqueue_dma source(%arg10 : memref<128x64xf32, #tpu.memory_space<vmem>>) target(%dma_start3A_92 : memref<128x64xf32, #tpu.memory_space<vmem_shared>>) target_semaphore(%run_scoped3A : memref<!tpu.dma_semaphore, #tpu.memory_space<semaphore_mem>>)
      %dma_wait3A = arith.constant 0 : i32
      %dma_wait3A_93 = tpu.memref_slice %arg11[%add3A_13, %dma_wait3A] : memref<10240x64xf32, #tpu.memory_space<vmem_shared>> -> memref<128x64xf32, #tpu.memory_space<vmem_shared>>
      %dma_wait3A_94 = arith.constant 0 : i32
      %dma_wait3A_95 = tpu.memref_slice %arg11[%add3A_13, %dma_wait3A_94] : memref<10240x64xf32, #tpu.memory_space<vmem_shared>> -> memref<128x64xf32, #tpu.memory_space<vmem_shared>>
      tpu.wait_dma2 semaphore(%run_scoped3A : memref<!tpu.dma_semaphore, #tpu.memory_space<semaphore_mem>>) src(%arg10 : memref<128x64xf32, #tpu.memory_space<vmem>>) dst(%dma_wait3A_95 : memref<128x64xf32, #tpu.memory_space<vmem_shared>>)
      tpu.yield
    }) : () -> ()
    %mul3A_14 = arith.constant 640 : i32
    %mul3A_15 = arith.muli %arg1, %mul3A_14 : i32
    %add3A_16 = arith.constant 128 : i32
    %add3A_17 = arith.addi %mul3A_15, %add3A_16 : i32
    "tpu.region"() ({
      %run_scoped3A = tpu.sem_alloc : memref<!tpu.dma_semaphore, #tpu.memory_space<semaphore_mem>>
      %dma_start3A_89 = arith.constant 0 : i32
      %dma_start3A_90 = tpu.memref_slice %arg11[%add3A_17, %dma_start3A_89] : memref<10240x64xf32, #tpu.memory_space<vmem_shared>> -> memref<128x64xf32, #tpu.memory_space<vmem_shared>>
      %dma_start3A_91 = arith.constant 0 : i32
      %dma_start3A_92 = tpu.memref_slice %arg11[%add3A_17, %dma_start3A_91] : memref<10240x64xf32, #tpu.memory_space<vmem_shared>> -> memref<128x64xf32, #tpu.memory_space<vmem_shared>>
      tpu.enqueue_dma source(%arg10 : memref<128x64xf32, #tpu.memory_space<vmem>>) target(%dma_start3A_92 : memref<128x64xf32, #tpu.memory_space<vmem_shared>>) target_semaphore(%run_scoped3A : memref<!tpu.dma_semaphore, #tpu.memory_space<semaphore_mem>>)
      %dma_wait3A = arith.constant 0 : i32
      %dma_wait3A_93 = tpu.memref_slice %arg11[%add3A_17, %dma_wait3A] : memref<10240x64xf32, #tpu.memory_space<vmem_shared>> -> memref<128x64xf32, #tpu.memory_space<vmem_shared>>
      %dma_wait3A_94 = arith.constant 0 : i32
      %dma_wait3A_95 = tpu.memref_slice %arg11[%add3A_17, %dma_wait3A_94] : memref<10240x64xf32, #tpu.memory_space<vmem_shared>> -> memref<128x64xf32, #tpu.memory_space<vmem_shared>>
      tpu.wait_dma2 semaphore(%run_scoped3A : memref<!tpu.dma_semaphore, #tpu.memory_space<semaphore_mem>>) src(%arg10 : memref<128x64xf32, #tpu.memory_space<vmem>>) dst(%dma_wait3A_95 : memref<128x64xf32, #tpu.memory_space<vmem_shared>>)
      tpu.yield
    }) : () -> ()
    %mul3A_18 = arith.constant 640 : i32
    %mul3A_19 = arith.muli %arg1, %mul3A_18 : i32
    %add3A_20 = arith.constant 256 : i32
    %add3A_21 = arith.addi %mul3A_19, %add3A_20 : i32
    "tpu.region"() ({
      %run_scoped3A = tpu.sem_alloc : memref<!tpu.dma_semaphore, #tpu.memory_space<semaphore_mem>>
      %dma_start3A_89 = arith.constant 0 : i32
      %dma_start3A_90 = tpu.memref_slice %arg11[%add3A_21, %dma_start3A_89] : memref<10240x64xf32, #tpu.memory_space<vmem_shared>> -> memref<128x64xf32, #tpu.memory_space<vmem_shared>>
      %dma_start3A_91 = arith.constant 0 : i32
      %dma_start3A_92 = tpu.memref_slice %arg11[%add3A_21, %dma_start3A_91] : memref<10240x64xf32, #tpu.memory_space<vmem_shared>> -> memref<128x64xf32, #tpu.memory_space<vmem_shared>>
      tpu.enqueue_dma source(%arg10 : memref<128x64xf32, #tpu.memory_space<vmem>>) target(%dma_start3A_92 : memref<128x64xf32, #tpu.memory_space<vmem_shared>>) target_semaphore(%run_scoped3A : memref<!tpu.dma_semaphore, #tpu.memory_space<semaphore_mem>>)
      %dma_wait3A = arith.constant 0 : i32
      %dma_wait3A_93 = tpu.memref_slice %arg11[%add3A_21, %dma_wait3A] : memref<10240x64xf32, #tpu.memory_space<vmem_shared>> -> memref<128x64xf32, #tpu.memory_space<vmem_shared>>
      %dma_wait3A_94 = arith.constant 0 : i32
      %dma_wait3A_95 = tpu.memref_slice %arg11[%add3A_21, %dma_wait3A_94] : memref<10240x64xf32, #tpu.memory_space<vmem_shared>> -> memref<128x64xf32, #tpu.memory_space<vmem_shared>>
      tpu.wait_dma2 semaphore(%run_scoped3A : memref<!tpu.dma_semaphore, #tpu.memory_space<semaphore_mem>>) src(%arg10 : memref<128x64xf32, #tpu.memory_space<vmem>>) dst(%dma_wait3A_95 : memref<128x64xf32, #tpu.memory_space<vmem_shared>>)
      tpu.yield
    }) : () -> ()
    %mul3A_22 = arith.constant 640 : i32
    %mul3A_23 = arith.muli %arg1, %mul3A_22 : i32
    %add3A_24 = arith.constant 384 : i32
    %add3A_25 = arith.addi %mul3A_23, %add3A_24 : i32
    "tpu.region"() ({
      %run_scoped3A = tpu.sem_alloc : memref<!tpu.dma_semaphore, #tpu.memory_space<semaphore_mem>>
      %dma_start3A_89 = arith.constant 0 : i32
      %dma_start3A_90 = tpu.memref_slice %arg11[%add3A_25, %dma_start3A_89] : memref<10240x64xf32, #tpu.memory_space<vmem_shared>> -> memref<128x64xf32, #tpu.memory_space<vmem_shared>>
      %dma_start3A_91 = arith.constant 0 : i32
      %dma_start3A_92 = tpu.memref_slice %arg11[%add3A_25, %dma_start3A_91] : memref<10240x64xf32, #tpu.memory_space<vmem_shared>> -> memref<128x64xf32, #tpu.memory_space<vmem_shared>>
      tpu.enqueue_dma source(%arg10 : memref<128x64xf32, #tpu.memory_space<vmem>>) target(%dma_start3A_92 : memref<128x64xf32, #tpu.memory_space<vmem_shared>>) target_semaphore(%run_scoped3A : memref<!tpu.dma_semaphore, #tpu.memory_space<semaphore_mem>>)
      %dma_wait3A = arith.constant 0 : i32
      %dma_wait3A_93 = tpu.memref_slice %arg11[%add3A_25, %dma_wait3A] : memref<10240x64xf32, #tpu.memory_space<vmem_shared>> -> memref<128x64xf32, #tpu.memory_space<vmem_shared>>
      %dma_wait3A_94 = arith.constant 0 : i32
      %dma_wait3A_95 = tpu.memref_slice %arg11[%add3A_25, %dma_wait3A_94] : memref<10240x64xf32, #tpu.memory_space<vmem_shared>> -> memref<128x64xf32, #tpu.memory_space<vmem_shared>>
      tpu.wait_dma2 semaphore(%run_scoped3A : memref<!tpu.dma_semaphore, #tpu.memory_space<semaphore_mem>>) src(%arg10 : memref<128x64xf32, #tpu.memory_space<vmem>>) dst(%dma_wait3A_95 : memref<128x64xf32, #tpu.memory_space<vmem_shared>>)
      tpu.yield
    }) : () -> ()
    %mul3A_26 = arith.constant 640 : i32
    %mul3A_27 = arith.muli %arg1, %mul3A_26 : i32
    %add3A_28 = arith.constant 512 : i32
    %add3A_29 = arith.addi %mul3A_27, %add3A_28 : i32
    "tpu.region"() ({
      %run_scoped3A = tpu.sem_alloc : memref<!tpu.dma_semaphore, #tpu.memory_space<semaphore_mem>>
      %dma_start3A_89 = arith.constant 0 : i32
      %dma_start3A_90 = tpu.memref_slice %arg11[%add3A_29, %dma_start3A_89] : memref<10240x64xf32, #tpu.memory_space<vmem_shared>> -> memref<128x64xf32, #tpu.memory_space<vmem_shared>>
      %dma_start3A_91 = arith.constant 0 : i32
      %dma_start3A_92 = tpu.memref_slice %arg11[%add3A_29, %dma_start3A_91] : memref<10240x64xf32, #tpu.memory_space<vmem_shared>> -> memref<128x64xf32, #tpu.memory_space<vmem_shared>>
      tpu.enqueue_dma source(%arg10 : memref<128x64xf32, #tpu.memory_space<vmem>>) target(%dma_start3A_92 : memref<128x64xf32, #tpu.memory_space<vmem_shared>>) target_semaphore(%run_scoped3A : memref<!tpu.dma_semaphore, #tpu.memory_space<semaphore_mem>>)
      %dma_wait3A = arith.constant 0 : i32
      %dma_wait3A_93 = tpu.memref_slice %arg11[%add3A_29, %dma_wait3A] : memref<10240x64xf32, #tpu.memory_space<vmem_shared>> -> memref<128x64xf32, #tpu.memory_space<vmem_shared>>
      %dma_wait3A_94 = arith.constant 0 : i32
      %dma_wait3A_95 = tpu.memref_slice %arg11[%add3A_29, %dma_wait3A_94] : memref<10240x64xf32, #tpu.memory_space<vmem_shared>> -> memref<128x64xf32, #tpu.memory_space<vmem_shared>>
      tpu.wait_dma2 semaphore(%run_scoped3A : memref<!tpu.dma_semaphore, #tpu.memory_space<semaphore_mem>>) src(%arg10 : memref<128x64xf32, #tpu.memory_space<vmem>>) dst(%dma_wait3A_95 : memref<128x64xf32, #tpu.memory_space<vmem_shared>>)
      tpu.yield
    }) : () -> ()
    %barrier3A = arith.constant 0 : index
    tpu.barrier barrier_id(%barrier3A)
    %scan3A_30 = arith.constant 0 : i32
    %scan3A_31 = arith.constant 79 : i32
    %scan3A_32 = arith.addi %scan3A_30, %scan3A_31 : i32
    %scan3A_33 = arith.constant 1 : i32
    scf.for %scan3A_89 = %scan3A_30 to %scan3A_32 step %scan3A_33  : i32 {
      %mul3A_90 = arith.constant 2 : i32
      %mul3A_91 = arith.muli %mul3A_90, %scan3A_89 : i32
      %add3A_92 = arith.constant 1 : i32
      %add3A_93 = arith.addi %mul3A_91, %add3A_92 : i32
      %add3A_94 = arith.constant 2 : i32
      %add3A_95 = arith.addi %mul3A_91, %add3A_94 : i32
      %dma_start3A_96 = arith.constant 0 : i32
      %dma_start3A_97 = tpu.memref_slice %arg6[%add3A_93, %dma_start3A_96] : memref<158x128xi32, #tpu.memory_space<vmem>> -> memref<1x128xi32, #tpu.memory_space<vmem>>
      %dma_start3A_98 = tpu.memref_squeeze %dma_start3A_97 : memref<1x128xi32, #tpu.memory_space<vmem>> -> memref<128xi32, #tpu.memory_space<vmem>>
      %dma_start3A_99 = arith.constant 0 : i32
      %dma_start3A_100 = arith.constant 0 : i32
      %dma_start3A_101 = tpu.memref_slice %arg2[%dma_start3A_99, %dma_start3A_100] : memref<40000x64xf32, #tpu.memory_space<hbm>> -> memref<40000x64xf32, #tpu.memory_space<hbm>>
      tpu.enqueue_indirect_dma source(%dma_start3A_101 : memref<40000x64xf32, #tpu.memory_space<hbm>>) target(%arg9 : memref<128x64xf32, #tpu.memory_space<vmem>>) offsets(%dma_start3A_98 : memref<128xi32, #tpu.memory_space<vmem>>) semaphore(%arg13 : memref<!tpu.dma_semaphore, #tpu.memory_space<semaphore_mem>>)
      %dma_wait3A = arith.constant 0 : i32
      %dma_wait3A_102 = tpu.memref_slice %arg6[%mul3A_91, %dma_wait3A] : memref<158x128xi32, #tpu.memory_space<vmem>> -> memref<1x128xi32, #tpu.memory_space<vmem>>
      %dma_wait3A_103 = tpu.memref_squeeze %dma_wait3A_102 : memref<1x128xi32, #tpu.memory_space<vmem>> -> memref<128xi32, #tpu.memory_space<vmem>>
      %dma_wait3A_104 = arith.constant 0 : i32
      %dma_wait3A_105 = arith.constant 0 : i32
      %dma_wait3A_106 = tpu.memref_slice %arg2[%dma_wait3A_104, %dma_wait3A_105] : memref<40000x64xf32, #tpu.memory_space<hbm>> -> memref<40000x64xf32, #tpu.memory_space<hbm>>
      tpu.wait_indirect_dma semaphore(%arg12 : memref<!tpu.dma_semaphore, #tpu.memory_space<semaphore_mem>>) src(%dma_wait3A_106 : memref<40000x64xf32, #tpu.memory_space<hbm>>) dst(%arg8 : memref<128x64xf32, #tpu.memory_space<vmem>>)
      "tpu.region"() ({
        %run_scoped3A = tpu.sem_alloc : memref<!tpu.dma_semaphore, #tpu.memory_space<semaphore_mem>>
        %dma_start3A_115 = arith.constant 0 : i32
        %dma_start3A_116 = tpu.memref_slice %arg7[%mul3A_91, %dma_start3A_115] : memref<158x128xi32, #tpu.memory_space<vmem>> -> memref<1x128xi32, #tpu.memory_space<vmem>>
        %dma_start3A_117 = tpu.memref_squeeze %dma_start3A_116 : memref<1x128xi32, #tpu.memory_space<vmem>> -> memref<128xi32, #tpu.memory_space<vmem>>
        %dma_start3A_118 = arith.constant 0 : i32
        %dma_start3A_119 = arith.constant 0 : i32
        %dma_start3A_120 = tpu.memref_slice %arg11[%dma_start3A_118, %dma_start3A_119] : memref<10240x64xf32, #tpu.memory_space<vmem_shared>> -> memref<10240x64xf32, #tpu.memory_space<vmem_shared>>
        tpu.enqueue_indirect_dma source(%arg8 : memref<128x64xf32, #tpu.memory_space<vmem>>) target(%dma_start3A_120 : memref<10240x64xf32, #tpu.memory_space<vmem_shared>>) offsets(%dma_start3A_117 : memref<128xi32, #tpu.memory_space<vmem>>) semaphore(%run_scoped3A : memref<!tpu.dma_semaphore, #tpu.memory_space<semaphore_mem>>) {add = true}
        %dma_wait3A_121 = arith.constant 0 : i32
        %dma_wait3A_122 = tpu.memref_slice %arg7[%mul3A_91, %dma_wait3A_121] : memref<158x128xi32, #tpu.memory_space<vmem>> -> memref<1x128xi32, #tpu.memory_space<vmem>>
        %dma_wait3A_123 = tpu.memref_squeeze %dma_wait3A_122 : memref<1x128xi32, #tpu.memory_space<vmem>> -> memref<128xi32, #tpu.memory_space<vmem>>
        %dma_wait3A_124 = arith.constant 0 : i32
        %dma_wait3A_125 = arith.constant 0 : i32
        %dma_wait3A_126 = tpu.memref_slice %arg11[%dma_wait3A_124, %dma_wait3A_125] : memref<10240x64xf32, #tpu.memory_space<vmem_shared>> -> memref<10240x64xf32, #tpu.memory_space<vmem_shared>>
        tpu.wait_indirect_dma semaphore(%run_scoped3A : memref<!tpu.dma_semaphore, #tpu.memory_space<semaphore_mem>>) src(%arg8 : memref<128x64xf32, #tpu.memory_space<vmem>>) dst(%dma_wait3A_126 : memref<10240x64xf32, #tpu.memory_space<vmem_shared>>)
        tpu.yield
      }) : () -> ()
      %lt3A = arith.constant 158 : i32
      %lt3A_107 = arith.cmpi slt, %add3A_95, %lt3A : i32
      %convert_element_type3A = arith.extui %lt3A_107 : i1 to i32
      %cond3A = arith.constant 0 : i32
      %cond3A_108 = arith.cmpi ne, %convert_element_type3A, %cond3A : i32
      scf.if %cond3A_108 {
        %dma_start3A_115 = arith.constant 0 : i32
        %dma_start3A_116 = tpu.memref_slice %arg6[%add3A_95, %dma_start3A_115] : memref<158x128xi32, #tpu.memory_space<vmem>> -> memref<1x128xi32, #tpu.memory_space<vmem>>
        %dma_start3A_117 = tpu.memref_squeeze %dma_start3A_116 : memref<1x128xi32, #tpu.memory_space<vmem>> -> memref<128xi32, #tpu.memory_space<vmem>>
        %dma_start3A_118 = arith.constant 0 : i32
        %dma_start3A_119 = arith.constant 0 : i32
        %dma_start3A_120 = tpu.memref_slice %arg2[%dma_start3A_118, %dma_start3A_119] : memref<40000x64xf32, #tpu.memory_space<hbm>> -> memref<40000x64xf32, #tpu.memory_space<hbm>>
        tpu.enqueue_indirect_dma source(%dma_start3A_120 : memref<40000x64xf32, #tpu.memory_space<hbm>>) target(%arg8 : memref<128x64xf32, #tpu.memory_space<vmem>>) offsets(%dma_start3A_117 : memref<128xi32, #tpu.memory_space<vmem>>) semaphore(%arg12 : memref<!tpu.dma_semaphore, #tpu.memory_space<semaphore_mem>>)
      } else {
      }
      %dma_wait3A_109 = arith.constant 0 : i32
      %dma_wait3A_110 = tpu.memref_slice %arg6[%add3A_93, %dma_wait3A_109] : memref<158x128xi32, #tpu.memory_space<vmem>> -> memref<1x128xi32, #tpu.memory_space<vmem>>
      %dma_wait3A_111 = tpu.memref_squeeze %dma_wait3A_110 : memref<1x128xi32, #tpu.memory_space<vmem>> -> memref<128xi32, #tpu.memory_space<vmem>>
      %dma_wait3A_112 = arith.constant 0 : i32
      %dma_wait3A_113 = arith.constant 0 : i32
      %dma_wait3A_114 = tpu.memref_slice %arg2[%dma_wait3A_112, %dma_wait3A_113] : memref<40000x64xf32, #tpu.memory_space<hbm>> -> memref<40000x64xf32, #tpu.memory_space<hbm>>
      tpu.wait_indirect_dma semaphore(%arg13 : memref<!tpu.dma_semaphore, #tpu.memory_space<semaphore_mem>>) src(%dma_wait3A_114 : memref<40000x64xf32, #tpu.memory_space<hbm>>) dst(%arg9 : memref<128x64xf32, #tpu.memory_space<vmem>>)
      "tpu.region"() ({
        %run_scoped3A = tpu.sem_alloc : memref<!tpu.dma_semaphore, #tpu.memory_space<semaphore_mem>>
        %dma_start3A_115 = arith.constant 0 : i32
        %dma_start3A_116 = tpu.memref_slice %arg7[%add3A_93, %dma_start3A_115] : memref<158x128xi32, #tpu.memory_space<vmem>> -> memref<1x128xi32, #tpu.memory_space<vmem>>
        %dma_start3A_117 = tpu.memref_squeeze %dma_start3A_116 : memref<1x128xi32, #tpu.memory_space<vmem>> -> memref<128xi32, #tpu.memory_space<vmem>>
        %dma_start3A_118 = arith.constant 0 : i32
        %dma_start3A_119 = arith.constant 0 : i32
        %dma_start3A_120 = tpu.memref_slice %arg11[%dma_start3A_118, %dma_start3A_119] : memref<10240x64xf32, #tpu.memory_space<vmem_shared>> -> memref<10240x64xf32, #tpu.memory_space<vmem_shared>>
        tpu.enqueue_indirect_dma source(%arg9 : memref<128x64xf32, #tpu.memory_space<vmem>>) target(%dma_start3A_120 : memref<10240x64xf32, #tpu.memory_space<vmem_shared>>) offsets(%dma_start3A_117 : memref<128xi32, #tpu.memory_space<vmem>>) semaphore(%run_scoped3A : memref<!tpu.dma_semaphore, #tpu.memory_space<semaphore_mem>>) {add = true}
        %dma_wait3A_121 = arith.constant 0 : i32
        %dma_wait3A_122 = tpu.memref_slice %arg7[%add3A_93, %dma_wait3A_121] : memref<158x128xi32, #tpu.memory_space<vmem>> -> memref<1x128xi32, #tpu.memory_space<vmem>>
        %dma_wait3A_123 = tpu.memref_squeeze %dma_wait3A_122 : memref<1x128xi32, #tpu.memory_space<vmem>> -> memref<128xi32, #tpu.memory_space<vmem>>
        %dma_wait3A_124 = arith.constant 0 : i32
        %dma_wait3A_125 = arith.constant 0 : i32
        %dma_wait3A_126 = tpu.memref_slice %arg11[%dma_wait3A_124, %dma_wait3A_125] : memref<10240x64xf32, #tpu.memory_space<vmem_shared>> -> memref<10240x64xf32, #tpu.memory_space<vmem_shared>>
        tpu.wait_indirect_dma semaphore(%run_scoped3A : memref<!tpu.dma_semaphore, #tpu.memory_space<semaphore_mem>>) src(%arg9 : memref<128x64xf32, #tpu.memory_space<vmem>>) dst(%dma_wait3A_126 : memref<10240x64xf32, #tpu.memory_space<vmem_shared>>)
        tpu.yield
      }) : () -> ()
    }
    %scan3A_34 = arith.constant 79 : i32
    %barrier3A_35 = arith.constant 0 : index
    tpu.barrier barrier_id(%barrier3A_35)
    %mul3A_36 = arith.constant 2 : i32
    %mul3A_37 = arith.muli %arg0, %mul3A_36 : i32
    %add3A_38 = arith.constant 1 : i32
    %add3A_39 = arith.addi %mul3A_37, %add3A_38 : i32
    "tpu.region"() ({
      %run_scoped3A = tpu.sem_alloc : memref<!tpu.dma_semaphore, #tpu.memory_space<semaphore_mem>>
      %dma_start3A_89 = arith.constant 0 : i32
      %dma_start3A_90 = arith.constant 0 : i32
      %dma_start3A_91 = tpu.memref_slice %arg3[%add3A_39, %arg1, %dma_start3A_89, %dma_start3A_90] : memref<4x16x158x128xi32, #tpu.memory_space<hbm>> -> memref<1x1x158x128xi32, #tpu.memory_space<hbm>>
      %dma_start3A_92 = tpu.memref_squeeze %dma_start3A_91 : memref<1x1x158x128xi32, #tpu.memory_space<hbm>> -> memref<158x128xi32, #tpu.memory_space<hbm>>
      %dma_start3A_93 = arith.constant 0 : i32
      %dma_start3A_94 = arith.constant 0 : i32
      %dma_start3A_95 = tpu.memref_slice %arg3[%add3A_39, %arg1, %dma_start3A_93, %dma_start3A_94] : memref<4x16x158x128xi32, #tpu.memory_space<hbm>> -> memref<1x1x158x128xi32, #tpu.memory_space<hbm>>
      %dma_start3A_96 = tpu.memref_squeeze %dma_start3A_95 : memref<1x1x158x128xi32, #tpu.memory_space<hbm>> -> memref<158x128xi32, #tpu.memory_space<hbm>>
      tpu.enqueue_dma source(%dma_start3A_96 : memref<158x128xi32, #tpu.memory_space<hbm>>) target(%arg6 : memref<158x128xi32, #tpu.memory_space<vmem>>) target_semaphore(%run_scoped3A : memref<!tpu.dma_semaphore, #tpu.memory_space<semaphore_mem>>)
      %dma_wait3A = arith.constant 0 : i32
      %dma_wait3A_97 = arith.constant 0 : i32
      %dma_wait3A_98 = tpu.memref_slice %arg3[%add3A_39, %arg1, %dma_wait3A, %dma_wait3A_97] : memref<4x16x158x128xi32, #tpu.memory_space<hbm>> -> memref<1x1x158x128xi32, #tpu.memory_space<hbm>>
      %dma_wait3A_99 = tpu.memref_squeeze %dma_wait3A_98 : memref<1x1x158x128xi32, #tpu.memory_space<hbm>> -> memref<158x128xi32, #tpu.memory_space<hbm>>
      %dma_wait3A_100 = arith.constant 0 : i32
      %dma_wait3A_101 = arith.constant 0 : i32
      %dma_wait3A_102 = tpu.memref_slice %arg3[%add3A_39, %arg1, %dma_wait3A_100, %dma_wait3A_101] : memref<4x16x158x128xi32, #tpu.memory_space<hbm>> -> memref<1x1x158x128xi32, #tpu.memory_space<hbm>>
      %dma_wait3A_103 = tpu.memref_squeeze %dma_wait3A_102 : memref<1x1x158x128xi32, #tpu.memory_space<hbm>> -> memref<158x128xi32, #tpu.memory_space<hbm>>
      tpu.wait_dma2 semaphore(%run_scoped3A : memref<!tpu.dma_semaphore, #tpu.memory_space<semaphore_mem>>) src(%dma_wait3A_103 : memref<158x128xi32, #tpu.memory_space<hbm>>) dst(%arg6 : memref<158x128xi32, #tpu.memory_space<vmem>>)
      tpu.yield
    }) : () -> ()
    %dma_start3A_40 = arith.constant 0 : i32
    %dma_start3A_41 = arith.constant 0 : i32
    %dma_start3A_42 = tpu.memref_slice %arg6[%dma_start3A_40, %dma_start3A_41] : memref<158x128xi32, #tpu.memory_space<vmem>> -> memref<1x128xi32, #tpu.memory_space<vmem>>
    %dma_start3A_43 = tpu.memref_squeeze %dma_start3A_42 : memref<1x128xi32, #tpu.memory_space<vmem>> -> memref<128xi32, #tpu.memory_space<vmem>>
    %dma_start3A_44 = arith.constant 0 : i32
    %dma_start3A_45 = arith.constant 0 : i32
    %dma_start3A_46 = tpu.memref_slice %arg2[%dma_start3A_44, %dma_start3A_45] : memref<40000x64xf32, #tpu.memory_space<hbm>> -> memref<40000x64xf32, #tpu.memory_space<hbm>>
    tpu.enqueue_indirect_dma source(%dma_start3A_46 : memref<40000x64xf32, #tpu.memory_space<hbm>>) target(%arg8 : memref<128x64xf32, #tpu.memory_space<vmem>>) offsets(%dma_start3A_43 : memref<128xi32, #tpu.memory_space<vmem>>) semaphore(%arg12 : memref<!tpu.dma_semaphore, #tpu.memory_space<semaphore_mem>>)
    %mul3A_47 = arith.constant 640 : i32
    %mul3A_48 = arith.muli %arg1, %mul3A_47 : i32
    %sub3A = arith.constant 1 : i32
    %sub3A_49 = arith.subi %add3A_39, %sub3A : i32
    %mul3A_50 = arith.constant 640 : i32
    %mul3A_51 = arith.muli %arg1, %mul3A_50 : i32
    "tpu.region"() ({
      %run_scoped3A = tpu.sem_alloc : memref<!tpu.dma_semaphore, #tpu.memory_space<semaphore_mem>>
      %dma_start3A_89 = arith.constant 0 : i32
      %dma_start3A_90 = tpu.memref_slice %arg5[%sub3A_49, %mul3A_51, %dma_start3A_89] : memref<4x10240x64xf32, #tpu.memory_space<hbm>> -> memref<1x640x64xf32, #tpu.memory_space<hbm>>
      %dma_start3A_91 = tpu.memref_squeeze %dma_start3A_90 : memref<1x640x64xf32, #tpu.memory_space<hbm>> -> memref<640x64xf32, #tpu.memory_space<hbm>>
      %dma_start3A_92 = arith.constant 0 : i32
      %dma_start3A_93 = tpu.memref_slice %arg11[%mul3A_48, %dma_start3A_92] : memref<10240x64xf32, #tpu.memory_space<vmem_shared>> -> memref<640x64xf32, #tpu.memory_space<vmem_shared>>
      tpu.enqueue_dma source(%dma_start3A_93 : memref<640x64xf32, #tpu.memory_space<vmem_shared>>) target(%dma_start3A_91 : memref<640x64xf32, #tpu.memory_space<hbm>>) target_semaphore(%run_scoped3A : memref<!tpu.dma_semaphore, #tpu.memory_space<semaphore_mem>>)
      %dma_wait3A = arith.constant 0 : i32
      %dma_wait3A_94 = tpu.memref_slice %arg5[%sub3A_49, %mul3A_51, %dma_wait3A] : memref<4x10240x64xf32, #tpu.memory_space<hbm>> -> memref<1x640x64xf32, #tpu.memory_space<hbm>>
      %dma_wait3A_95 = tpu.memref_squeeze %dma_wait3A_94 : memref<1x640x64xf32, #tpu.memory_space<hbm>> -> memref<640x64xf32, #tpu.memory_space<hbm>>
      %dma_wait3A_96 = arith.constant 0 : i32
      %dma_wait3A_97 = tpu.memref_slice %arg11[%mul3A_48, %dma_wait3A_96] : memref<10240x64xf32, #tpu.memory_space<vmem_shared>> -> memref<640x64xf32, #tpu.memory_space<vmem_shared>>
      tpu.wait_dma2 semaphore(%run_scoped3A : memref<!tpu.dma_semaphore, #tpu.memory_space<semaphore_mem>>) src(%dma_wait3A_97 : memref<640x64xf32, #tpu.memory_space<vmem_shared>>) dst(%dma_wait3A_95 : memref<640x64xf32, #tpu.memory_space<hbm>>)
      tpu.yield
    }) : () -> ()
    %mul3A_52 = arith.constant 640 : i32
    %mul3A_53 = arith.muli %arg1, %mul3A_52 : i32
    %add3A_54 = arith.constant 0 : i32
    %add3A_55 = arith.addi %mul3A_53, %add3A_54 : i32
    "tpu.region"() ({
      %run_scoped3A = tpu.sem_alloc : memref<!tpu.dma_semaphore, #tpu.memory_space<semaphore_mem>>
      %dma_start3A_89 = arith.constant 0 : i32
      %dma_start3A_90 = tpu.memref_slice %arg11[%add3A_55, %dma_start3A_89] : memref<10240x64xf32, #tpu.memory_space<vmem_shared>> -> memref<128x64xf32, #tpu.memory_space<vmem_shared>>
      %dma_start3A_91 = arith.constant 0 : i32
      %dma_start3A_92 = tpu.memref_slice %arg11[%add3A_55, %dma_start3A_91] : memref<10240x64xf32, #tpu.memory_space<vmem_shared>> -> memref<128x64xf32, #tpu.memory_space<vmem_shared>>
      tpu.enqueue_dma source(%arg10 : memref<128x64xf32, #tpu.memory_space<vmem>>) target(%dma_start3A_92 : memref<128x64xf32, #tpu.memory_space<vmem_shared>>) target_semaphore(%run_scoped3A : memref<!tpu.dma_semaphore, #tpu.memory_space<semaphore_mem>>)
      %dma_wait3A = arith.constant 0 : i32
      %dma_wait3A_93 = tpu.memref_slice %arg11[%add3A_55, %dma_wait3A] : memref<10240x64xf32, #tpu.memory_space<vmem_shared>> -> memref<128x64xf32, #tpu.memory_space<vmem_shared>>
      %dma_wait3A_94 = arith.constant 0 : i32
      %dma_wait3A_95 = tpu.memref_slice %arg11[%add3A_55, %dma_wait3A_94] : memref<10240x64xf32, #tpu.memory_space<vmem_shared>> -> memref<128x64xf32, #tpu.memory_space<vmem_shared>>
      tpu.wait_dma2 semaphore(%run_scoped3A : memref<!tpu.dma_semaphore, #tpu.memory_space<semaphore_mem>>) src(%arg10 : memref<128x64xf32, #tpu.memory_space<vmem>>) dst(%dma_wait3A_95 : memref<128x64xf32, #tpu.memory_space<vmem_shared>>)
      tpu.yield
    }) : () -> ()
    %mul3A_56 = arith.constant 640 : i32
    %mul3A_57 = arith.muli %arg1, %mul3A_56 : i32
    %add3A_58 = arith.constant 128 : i32
    %add3A_59 = arith.addi %mul3A_57, %add3A_58 : i32
    "tpu.region"() ({
      %run_scoped3A = tpu.sem_alloc : memref<!tpu.dma_semaphore, #tpu.memory_space<semaphore_mem>>
      %dma_start3A_89 = arith.constant 0 : i32
      %dma_start3A_90 = tpu.memref_slice %arg11[%add3A_59, %dma_start3A_89] : memref<10240x64xf32, #tpu.memory_space<vmem_shared>> -> memref<128x64xf32, #tpu.memory_space<vmem_shared>>
      %dma_start3A_91 = arith.constant 0 : i32
      %dma_start3A_92 = tpu.memref_slice %arg11[%add3A_59, %dma_start3A_91] : memref<10240x64xf32, #tpu.memory_space<vmem_shared>> -> memref<128x64xf32, #tpu.memory_space<vmem_shared>>
      tpu.enqueue_dma source(%arg10 : memref<128x64xf32, #tpu.memory_space<vmem>>) target(%dma_start3A_92 : memref<128x64xf32, #tpu.memory_space<vmem_shared>>) target_semaphore(%run_scoped3A : memref<!tpu.dma_semaphore, #tpu.memory_space<semaphore_mem>>)
      %dma_wait3A = arith.constant 0 : i32
      %dma_wait3A_93 = tpu.memref_slice %arg11[%add3A_59, %dma_wait3A] : memref<10240x64xf32, #tpu.memory_space<vmem_shared>> -> memref<128x64xf32, #tpu.memory_space<vmem_shared>>
      %dma_wait3A_94 = arith.constant 0 : i32
      %dma_wait3A_95 = tpu.memref_slice %arg11[%add3A_59, %dma_wait3A_94] : memref<10240x64xf32, #tpu.memory_space<vmem_shared>> -> memref<128x64xf32, #tpu.memory_space<vmem_shared>>
      tpu.wait_dma2 semaphore(%run_scoped3A : memref<!tpu.dma_semaphore, #tpu.memory_space<semaphore_mem>>) src(%arg10 : memref<128x64xf32, #tpu.memory_space<vmem>>) dst(%dma_wait3A_95 : memref<128x64xf32, #tpu.memory_space<vmem_shared>>)
      tpu.yield
    }) : () -> ()
    %mul3A_60 = arith.constant 640 : i32
    %mul3A_61 = arith.muli %arg1, %mul3A_60 : i32
    %add3A_62 = arith.constant 256 : i32
    %add3A_63 = arith.addi %mul3A_61, %add3A_62 : i32
    "tpu.region"() ({
      %run_scoped3A = tpu.sem_alloc : memref<!tpu.dma_semaphore, #tpu.memory_space<semaphore_mem>>
      %dma_start3A_89 = arith.constant 0 : i32
      %dma_start3A_90 = tpu.memref_slice %arg11[%add3A_63, %dma_start3A_89] : memref<10240x64xf32, #tpu.memory_space<vmem_shared>> -> memref<128x64xf32, #tpu.memory_space<vmem_shared>>
      %dma_start3A_91 = arith.constant 0 : i32
      %dma_start3A_92 = tpu.memref_slice %arg11[%add3A_63, %dma_start3A_91] : memref<10240x64xf32, #tpu.memory_space<vmem_shared>> -> memref<128x64xf32, #tpu.memory_space<vmem_shared>>
      tpu.enqueue_dma source(%arg10 : memref<128x64xf32, #tpu.memory_space<vmem>>) target(%dma_start3A_92 : memref<128x64xf32, #tpu.memory_space<vmem_shared>>) target_semaphore(%run_scoped3A : memref<!tpu.dma_semaphore, #tpu.memory_space<semaphore_mem>>)
      %dma_wait3A = arith.constant 0 : i32
      %dma_wait3A_93 = tpu.memref_slice %arg11[%add3A_63, %dma_wait3A] : memref<10240x64xf32, #tpu.memory_space<vmem_shared>> -> memref<128x64xf32, #tpu.memory_space<vmem_shared>>
      %dma_wait3A_94 = arith.constant 0 : i32
      %dma_wait3A_95 = tpu.memref_slice %arg11[%add3A_63, %dma_wait3A_94] : memref<10240x64xf32, #tpu.memory_space<vmem_shared>> -> memref<128x64xf32, #tpu.memory_space<vmem_shared>>
      tpu.wait_dma2 semaphore(%run_scoped3A : memref<!tpu.dma_semaphore, #tpu.memory_space<semaphore_mem>>) src(%arg10 : memref<128x64xf32, #tpu.memory_space<vmem>>) dst(%dma_wait3A_95 : memref<128x64xf32, #tpu.memory_space<vmem_shared>>)
      tpu.yield
    }) : () -> ()
    %mul3A_64 = arith.constant 640 : i32
    %mul3A_65 = arith.muli %arg1, %mul3A_64 : i32
    %add3A_66 = arith.constant 384 : i32
    %add3A_67 = arith.addi %mul3A_65, %add3A_66 : i32
    "tpu.region"() ({
      %run_scoped3A = tpu.sem_alloc : memref<!tpu.dma_semaphore, #tpu.memory_space<semaphore_mem>>
      %dma_start3A_89 = arith.constant 0 : i32
      %dma_start3A_90 = tpu.memref_slice %arg11[%add3A_67, %dma_start3A_89] : memref<10240x64xf32, #tpu.memory_space<vmem_shared>> -> memref<128x64xf32, #tpu.memory_space<vmem_shared>>
      %dma_start3A_91 = arith.constant 0 : i32
      %dma_start3A_92 = tpu.memref_slice %arg11[%add3A_67, %dma_start3A_91] : memref<10240x64xf32, #tpu.memory_space<vmem_shared>> -> memref<128x64xf32, #tpu.memory_space<vmem_shared>>
      tpu.enqueue_dma source(%arg10 : memref<128x64xf32, #tpu.memory_space<vmem>>) target(%dma_start3A_92 : memref<128x64xf32, #tpu.memory_space<vmem_shared>>) target_semaphore(%run_scoped3A : memref<!tpu.dma_semaphore, #tpu.memory_space<semaphore_mem>>)
      %dma_wait3A = arith.constant 0 : i32
      %dma_wait3A_93 = tpu.memref_slice %arg11[%add3A_67, %dma_wait3A] : memref<10240x64xf32, #tpu.memory_space<vmem_shared>> -> memref<128x64xf32, #tpu.memory_space<vmem_shared>>
      %dma_wait3A_94 = arith.constant 0 : i32
      %dma_wait3A_95 = tpu.memref_slice %arg11[%add3A_67, %dma_wait3A_94] : memref<10240x64xf32, #tpu.memory_space<vmem_shared>> -> memref<128x64xf32, #tpu.memory_space<vmem_shared>>
      tpu.wait_dma2 semaphore(%run_scoped3A : memref<!tpu.dma_semaphore, #tpu.memory_space<semaphore_mem>>) src(%arg10 : memref<128x64xf32, #tpu.memory_space<vmem>>) dst(%dma_wait3A_95 : memref<128x64xf32, #tpu.memory_space<vmem_shared>>)
      tpu.yield
    }) : () -> ()
    %mul3A_68 = arith.constant 640 : i32
    %mul3A_69 = arith.muli %arg1, %mul3A_68 : i32
    %add3A_70 = arith.constant 512 : i32
    %add3A_71 = arith.addi %mul3A_69, %add3A_70 : i32
    "tpu.region"() ({
      %run_scoped3A = tpu.sem_alloc : memref<!tpu.dma_semaphore, #tpu.memory_space<semaphore_mem>>
      %dma_start3A_89 = arith.constant 0 : i32
      %dma_start3A_90 = tpu.memref_slice %arg11[%add3A_71, %dma_start3A_89] : memref<10240x64xf32, #tpu.memory_space<vmem_shared>> -> memref<128x64xf32, #tpu.memory_space<vmem_shared>>
      %dma_start3A_91 = arith.constant 0 : i32
      %dma_start3A_92 = tpu.memref_slice %arg11[%add3A_71, %dma_start3A_91] : memref<10240x64xf32, #tpu.memory_space<vmem_shared>> -> memref<128x64xf32, #tpu.memory_space<vmem_shared>>
      tpu.enqueue_dma source(%arg10 : memref<128x64xf32, #tpu.memory_space<vmem>>) target(%dma_start3A_92 : memref<128x64xf32, #tpu.memory_space<vmem_shared>>) target_semaphore(%run_scoped3A : memref<!tpu.dma_semaphore, #tpu.memory_space<semaphore_mem>>)
      %dma_wait3A = arith.constant 0 : i32
      %dma_wait3A_93 = tpu.memref_slice %arg11[%add3A_71, %dma_wait3A] : memref<10240x64xf32, #tpu.memory_space<vmem_shared>> -> memref<128x64xf32, #tpu.memory_space<vmem_shared>>
      %dma_wait3A_94 = arith.constant 0 : i32
      %dma_wait3A_95 = tpu.memref_slice %arg11[%add3A_71, %dma_wait3A_94] : memref<10240x64xf32, #tpu.memory_space<vmem_shared>> -> memref<128x64xf32, #tpu.memory_space<vmem_shared>>
      tpu.wait_dma2 semaphore(%run_scoped3A : memref<!tpu.dma_semaphore, #tpu.memory_space<semaphore_mem>>) src(%arg10 : memref<128x64xf32, #tpu.memory_space<vmem>>) dst(%dma_wait3A_95 : memref<128x64xf32, #tpu.memory_space<vmem_shared>>)
      tpu.yield
    }) : () -> ()
    %barrier3A_72 = arith.constant 0 : index
    tpu.barrier barrier_id(%barrier3A_72)
    %scan3A_73 = arith.constant 0 : i32
    %scan3A_74 = arith.constant 79 : i32
    %scan3A_75 = arith.addi %scan3A_73, %scan3A_74 : i32
    %scan3A_76 = arith.constant 1 : i32
    scf.for %scan3A_89 = %scan3A_73 to %scan3A_75 step %scan3A_76  : i32 {
      %mul3A_90 = arith.constant 2 : i32
      %mul3A_91 = arith.muli %mul3A_90, %scan3A_89 : i32
      %add3A_92 = arith.constant 1 : i32
      %add3A_93 = arith.addi %mul3A_91, %add3A_92 : i32
      %add3A_94 = arith.constant 2 : i32
      %add3A_95 = arith.addi %mul3A_91, %add3A_94 : i32
      %dma_start3A_96 = arith.constant 0 : i32
      %dma_start3A_97 = tpu.memref_slice %arg6[%add3A_93, %dma_start3A_96] : memref<158x128xi32, #tpu.memory_space<vmem>> -> memref<1x128xi32, #tpu.memory_space<vmem>>
      %dma_start3A_98 = tpu.memref_squeeze %dma_start3A_97 : memref<1x128xi32, #tpu.memory_space<vmem>> -> memref<128xi32, #tpu.memory_space<vmem>>
      %dma_start3A_99 = arith.constant 0 : i32
      %dma_start3A_100 = arith.constant 0 : i32
      %dma_start3A_101 = tpu.memref_slice %arg2[%dma_start3A_99, %dma_start3A_100] : memref<40000x64xf32, #tpu.memory_space<hbm>> -> memref<40000x64xf32, #tpu.memory_space<hbm>>
      tpu.enqueue_indirect_dma source(%dma_start3A_101 : memref<40000x64xf32, #tpu.memory_space<hbm>>) target(%arg9 : memref<128x64xf32, #tpu.memory_space<vmem>>) offsets(%dma_start3A_98 : memref<128xi32, #tpu.memory_space<vmem>>) semaphore(%arg13 : memref<!tpu.dma_semaphore, #tpu.memory_space<semaphore_mem>>)
      %dma_wait3A = arith.constant 0 : i32
      %dma_wait3A_102 = tpu.memref_slice %arg6[%mul3A_91, %dma_wait3A] : memref<158x128xi32, #tpu.memory_space<vmem>> -> memref<1x128xi32, #tpu.memory_space<vmem>>
      %dma_wait3A_103 = tpu.memref_squeeze %dma_wait3A_102 : memref<1x128xi32, #tpu.memory_space<vmem>> -> memref<128xi32, #tpu.memory_space<vmem>>
      %dma_wait3A_104 = arith.constant 0 : i32
      %dma_wait3A_105 = arith.constant 0 : i32
      %dma_wait3A_106 = tpu.memref_slice %arg2[%dma_wait3A_104, %dma_wait3A_105] : memref<40000x64xf32, #tpu.memory_space<hbm>> -> memref<40000x64xf32, #tpu.memory_space<hbm>>
      tpu.wait_indirect_dma semaphore(%arg12 : memref<!tpu.dma_semaphore, #tpu.memory_space<semaphore_mem>>) src(%dma_wait3A_106 : memref<40000x64xf32, #tpu.memory_space<hbm>>) dst(%arg8 : memref<128x64xf32, #tpu.memory_space<vmem>>)
      "tpu.region"() ({
        %run_scoped3A = tpu.sem_alloc : memref<!tpu.dma_semaphore, #tpu.memory_space<semaphore_mem>>
        %dma_start3A_115 = arith.constant 0 : i32
        %dma_start3A_116 = tpu.memref_slice %arg7[%mul3A_91, %dma_start3A_115] : memref<158x128xi32, #tpu.memory_space<vmem>> -> memref<1x128xi32, #tpu.memory_space<vmem>>
        %dma_start3A_117 = tpu.memref_squeeze %dma_start3A_116 : memref<1x128xi32, #tpu.memory_space<vmem>> -> memref<128xi32, #tpu.memory_space<vmem>>
        %dma_start3A_118 = arith.constant 0 : i32
        %dma_start3A_119 = arith.constant 0 : i32
        %dma_start3A_120 = tpu.memref_slice %arg11[%dma_start3A_118, %dma_start3A_119] : memref<10240x64xf32, #tpu.memory_space<vmem_shared>> -> memref<10240x64xf32, #tpu.memory_space<vmem_shared>>
        tpu.enqueue_indirect_dma source(%arg8 : memref<128x64xf32, #tpu.memory_space<vmem>>) target(%dma_start3A_120 : memref<10240x64xf32, #tpu.memory_space<vmem_shared>>) offsets(%dma_start3A_117 : memref<128xi32, #tpu.memory_space<vmem>>) semaphore(%run_scoped3A : memref<!tpu.dma_semaphore, #tpu.memory_space<semaphore_mem>>) {add = true}
        %dma_wait3A_121 = arith.constant 0 : i32
        %dma_wait3A_122 = tpu.memref_slice %arg7[%mul3A_91, %dma_wait3A_121] : memref<158x128xi32, #tpu.memory_space<vmem>> -> memref<1x128xi32, #tpu.memory_space<vmem>>
        %dma_wait3A_123 = tpu.memref_squeeze %dma_wait3A_122 : memref<1x128xi32, #tpu.memory_space<vmem>> -> memref<128xi32, #tpu.memory_space<vmem>>
        %dma_wait3A_124 = arith.constant 0 : i32
        %dma_wait3A_125 = arith.constant 0 : i32
        %dma_wait3A_126 = tpu.memref_slice %arg11[%dma_wait3A_124, %dma_wait3A_125] : memref<10240x64xf32, #tpu.memory_space<vmem_shared>> -> memref<10240x64xf32, #tpu.memory_space<vmem_shared>>
        tpu.wait_indirect_dma semaphore(%run_scoped3A : memref<!tpu.dma_semaphore, #tpu.memory_space<semaphore_mem>>) src(%arg8 : memref<128x64xf32, #tpu.memory_space<vmem>>) dst(%dma_wait3A_126 : memref<10240x64xf32, #tpu.memory_space<vmem_shared>>)
        tpu.yield
      }) : () -> ()
      %lt3A = arith.constant 158 : i32
      %lt3A_107 = arith.cmpi slt, %add3A_95, %lt3A : i32
      %convert_element_type3A = arith.extui %lt3A_107 : i1 to i32
      %cond3A = arith.constant 0 : i32
      %cond3A_108 = arith.cmpi ne, %convert_element_type3A, %cond3A : i32
      scf.if %cond3A_108 {
        %dma_start3A_115 = arith.constant 0 : i32
        %dma_start3A_116 = tpu.memref_slice %arg6[%add3A_95, %dma_start3A_115] : memref<158x128xi32, #tpu.memory_space<vmem>> -> memref<1x128xi32, #tpu.memory_space<vmem>>
        %dma_start3A_117 = tpu.memref_squeeze %dma_start3A_116 : memref<1x128xi32, #tpu.memory_space<vmem>> -> memref<128xi32, #tpu.memory_space<vmem>>
        %dma_start3A_118 = arith.constant 0 : i32
        %dma_start3A_119 = arith.constant 0 : i32
        %dma_start3A_120 = tpu.memref_slice %arg2[%dma_start3A_118, %dma_start3A_119] : memref<40000x64xf32, #tpu.memory_space<hbm>> -> memref<40000x64xf32, #tpu.memory_space<hbm>>
        tpu.enqueue_indirect_dma source(%dma_start3A_120 : memref<40000x64xf32, #tpu.memory_space<hbm>>) target(%arg8 : memref<128x64xf32, #tpu.memory_space<vmem>>) offsets(%dma_start3A_117 : memref<128xi32, #tpu.memory_space<vmem>>) semaphore(%arg12 : memref<!tpu.dma_semaphore, #tpu.memory_space<semaphore_mem>>)
      } else {
      }
      %dma_wait3A_109 = arith.constant 0 : i32
      %dma_wait3A_110 = tpu.memref_slice %arg6[%add3A_93, %dma_wait3A_109] : memref<158x128xi32, #tpu.memory_space<vmem>> -> memref<1x128xi32, #tpu.memory_space<vmem>>
      %dma_wait3A_111 = tpu.memref_squeeze %dma_wait3A_110 : memref<1x128xi32, #tpu.memory_space<vmem>> -> memref<128xi32, #tpu.memory_space<vmem>>
      %dma_wait3A_112 = arith.constant 0 : i32
      %dma_wait3A_113 = arith.constant 0 : i32
      %dma_wait3A_114 = tpu.memref_slice %arg2[%dma_wait3A_112, %dma_wait3A_113] : memref<40000x64xf32, #tpu.memory_space<hbm>> -> memref<40000x64xf32, #tpu.memory_space<hbm>>
      tpu.wait_indirect_dma semaphore(%arg13 : memref<!tpu.dma_semaphore, #tpu.memory_space<semaphore_mem>>) src(%dma_wait3A_114 : memref<40000x64xf32, #tpu.memory_space<hbm>>) dst(%arg9 : memref<128x64xf32, #tpu.memory_space<vmem>>)
      "tpu.region"() ({
        %run_scoped3A = tpu.sem_alloc : memref<!tpu.dma_semaphore, #tpu.memory_space<semaphore_mem>>
        %dma_start3A_115 = arith.constant 0 : i32
        %dma_start3A_116 = tpu.memref_slice %arg7[%add3A_93, %dma_start3A_115] : memref<158x128xi32, #tpu.memory_space<vmem>> -> memref<1x128xi32, #tpu.memory_space<vmem>>
        %dma_start3A_117 = tpu.memref_squeeze %dma_start3A_116 : memref<1x128xi32, #tpu.memory_space<vmem>> -> memref<128xi32, #tpu.memory_space<vmem>>
        %dma_start3A_118 = arith.constant 0 : i32
        %dma_start3A_119 = arith.constant 0 : i32
        %dma_start3A_120 = tpu.memref_slice %arg11[%dma_start3A_118, %dma_start3A_119] : memref<10240x64xf32, #tpu.memory_space<vmem_shared>> -> memref<10240x64xf32, #tpu.memory_space<vmem_shared>>
        tpu.enqueue_indirect_dma source(%arg9 : memref<128x64xf32, #tpu.memory_space<vmem>>) target(%dma_start3A_120 : memref<10240x64xf32, #tpu.memory_space<vmem_shared>>) offsets(%dma_start3A_117 : memref<128xi32, #tpu.memory_space<vmem>>) semaphore(%run_scoped3A : memref<!tpu.dma_semaphore, #tpu.memory_space<semaphore_mem>>) {add = true}
        %dma_wait3A_121 = arith.constant 0 : i32
        %dma_wait3A_122 = tpu.memref_slice %arg7[%add3A_93, %dma_wait3A_121] : memref<158x128xi32, #tpu.memory_space<vmem>> -> memref<1x128xi32, #tpu.memory_space<vmem>>
        %dma_wait3A_123 = tpu.memref_squeeze %dma_wait3A_122 : memref<1x128xi32, #tpu.memory_space<vmem>> -> memref<128xi32, #tpu.memory_space<vmem>>
        %dma_wait3A_124 = arith.constant 0 : i32
        %dma_wait3A_125 = arith.constant 0 : i32
        %dma_wait3A_126 = tpu.memref_slice %arg11[%dma_wait3A_124, %dma_wait3A_125] : memref<10240x64xf32, #tpu.memory_space<vmem_shared>> -> memref<10240x64xf32, #tpu.memory_space<vmem_shared>>
        tpu.wait_indirect_dma semaphore(%run_scoped3A : memref<!tpu.dma_semaphore, #tpu.memory_space<semaphore_mem>>) src(%arg9 : memref<128x64xf32, #tpu.memory_space<vmem>>) dst(%dma_wait3A_126 : memref<10240x64xf32, #tpu.memory_space<vmem_shared>>)
        tpu.yield
      }) : () -> ()
    }
    %scan3A_77 = arith.constant 79 : i32
    %barrier3A_78 = arith.constant 0 : index
    tpu.barrier barrier_id(%barrier3A_78)
    %mul3A_79 = arith.constant 640 : i32
    %mul3A_80 = arith.muli %arg1, %mul3A_79 : i32
    %mul3A_81 = arith.constant 2 : i32
    %mul3A_82 = arith.muli %arg0, %mul3A_81 : i32
    %add3A_83 = arith.constant 2 : i32
    %add3A_84 = arith.addi %mul3A_82, %add3A_83 : i32
    %sub3A_85 = arith.constant 1 : i32
    %sub3A_86 = arith.subi %add3A_84, %sub3A_85 : i32
    %mul3A_87 = arith.constant 640 : i32
    %mul3A_88 = arith.muli %arg1, %mul3A_87 : i32
    "tpu.region"() ({
      %run_scoped3A = tpu.sem_alloc : memref<!tpu.dma_semaphore, #tpu.memory_space<semaphore_mem>>
      %dma_start3A_89 = arith.constant 0 : i32
      %dma_start3A_90 = tpu.memref_slice %arg5[%sub3A_86, %mul3A_88, %dma_start3A_89] : memref<4x10240x64xf32, #tpu.memory_space<hbm>> -> memref<1x640x64xf32, #tpu.memory_space<hbm>>
      %dma_start3A_91 = tpu.memref_squeeze %dma_start3A_90 : memref<1x640x64xf32, #tpu.memory_space<hbm>> -> memref<640x64xf32, #tpu.memory_space<hbm>>
      %dma_start3A_92 = arith.constant 0 : i32
      %dma_start3A_93 = tpu.memref_slice %arg11[%mul3A_80, %dma_start3A_92] : memref<10240x64xf32, #tpu.memory_space<vmem_shared>> -> memref<640x64xf32, #tpu.memory_space<vmem_shared>>
      tpu.enqueue_dma source(%dma_start3A_93 : memref<640x64xf32, #tpu.memory_space<vmem_shared>>) target(%dma_start3A_91 : memref<640x64xf32, #tpu.memory_space<hbm>>) target_semaphore(%run_scoped3A : memref<!tpu.dma_semaphore, #tpu.memory_space<semaphore_mem>>)
      %dma_wait3A = arith.constant 0 : i32
      %dma_wait3A_94 = tpu.memref_slice %arg5[%sub3A_86, %mul3A_88, %dma_wait3A] : memref<4x10240x64xf32, #tpu.memory_space<hbm>> -> memref<1x640x64xf32, #tpu.memory_space<hbm>>
      %dma_wait3A_95 = tpu.memref_squeeze %dma_wait3A_94 : memref<1x640x64xf32, #tpu.memory_space<hbm>> -> memref<640x64xf32, #tpu.memory_space<hbm>>
      %dma_wait3A_96 = arith.constant 0 : i32
      %dma_wait3A_97 = tpu.memref_slice %arg11[%mul3A_80, %dma_wait3A_96] : memref<10240x64xf32, #tpu.memory_space<vmem_shared>> -> memref<640x64xf32, #tpu.memory_space<vmem_shared>>
      tpu.wait_dma2 semaphore(%run_scoped3A : memref<!tpu.dma_semaphore, #tpu.memory_space<semaphore_mem>>) src(%dma_wait3A_97 : memref<640x64xf32, #tpu.memory_space<vmem_shared>>) dst(%dma_wait3A_95 : memref<640x64xf32, #tpu.memory_space<hbm>>)
      tpu.yield
    }) : () -> ()
    return
  }
}

#map = affine_map<(d0, d1) -> (0, 0)>
#map1 = affine_map<(d0, d1) -> (0, 0, 0, 0)>
#map2 = affine_map<(d0, d1) -> (0, 0, 0)>
module attributes {stable_mosaic.version = 14 : i64} {
  func.func @agg(%arg0: i32, %arg1: i32, %arg2: memref<20000x64xf32, #tpu.memory_space<hbm>>, %arg3: memref<2x16x158x128xi32, #tpu.memory_space<hbm>>, %arg4: memref<16x158x128xi32, #tpu.memory_space<hbm>>, %arg5: memref<2x10240x64xf32, #tpu.memory_space<hbm>>, %arg6: memref<158x128xi32, #tpu.memory_space<vmem>>, %arg7: memref<158x128xi32, #tpu.memory_space<vmem>>, %arg8: memref<128x64xf32, #tpu.memory_space<vmem>>, %arg9: memref<128x64xf32, #tpu.memory_space<vmem>>, %arg10: memref<128x64xf32, #tpu.memory_space<vmem>>, %arg11: memref<10240x64xf32, #tpu.memory_space<vmem_shared>>, %arg12: memref<!tpu.dma_semaphore, #tpu.memory_space<semaphore_mem>>, %arg13: memref<!tpu.dma_semaphore, #tpu.memory_space<semaphore_mem>>) attributes {dimension_semantics = [#tpu.dimension_semantics<core_parallel>, #tpu.dimension_semantics<subcore_parallel>], iteration_bounds = array<i64: 2, 16>, scalar_prefetch = 0 : i64, scratch_operands = 8 : i64, tpu.core_type = #tpu.core_type<sc_vector_subcore>, window_params = [{transform_indices = #map}, {transform_indices = #map1}, {transform_indices = #map2}, {transform_indices = #map2}]} {
    "tpu.region"() ({
      %run_scoped3A = tpu.sem_alloc : memref<!tpu.dma_semaphore, #tpu.memory_space<semaphore_mem>>
      %dma_start3A_45 = arith.constant 0 : i32
      %dma_start3A_46 = arith.constant 0 : i32
      %dma_start3A_47 = tpu.memref_slice %arg4[%arg1, %dma_start3A_45, %dma_start3A_46] : memref<16x158x128xi32, #tpu.memory_space<hbm>> -> memref<1x158x128xi32, #tpu.memory_space<hbm>>
      %dma_start3A_48 = tpu.memref_squeeze %dma_start3A_47 : memref<1x158x128xi32, #tpu.memory_space<hbm>> -> memref<158x128xi32, #tpu.memory_space<hbm>>
      %dma_start3A_49 = arith.constant 0 : i32
      %dma_start3A_50 = arith.constant 0 : i32
      %dma_start3A_51 = tpu.memref_slice %arg4[%arg1, %dma_start3A_49, %dma_start3A_50] : memref<16x158x128xi32, #tpu.memory_space<hbm>> -> memref<1x158x128xi32, #tpu.memory_space<hbm>>
      %dma_start3A_52 = tpu.memref_squeeze %dma_start3A_51 : memref<1x158x128xi32, #tpu.memory_space<hbm>> -> memref<158x128xi32, #tpu.memory_space<hbm>>
      tpu.enqueue_dma source(%dma_start3A_52 : memref<158x128xi32, #tpu.memory_space<hbm>>) target(%arg7 : memref<158x128xi32, #tpu.memory_space<vmem>>) target_semaphore(%run_scoped3A : memref<!tpu.dma_semaphore, #tpu.memory_space<semaphore_mem>>)
      %dma_wait3A = arith.constant 0 : i32
      %dma_wait3A_53 = arith.constant 0 : i32
      %dma_wait3A_54 = tpu.memref_slice %arg4[%arg1, %dma_wait3A, %dma_wait3A_53] : memref<16x158x128xi32, #tpu.memory_space<hbm>> -> memref<1x158x128xi32, #tpu.memory_space<hbm>>
      %dma_wait3A_55 = tpu.memref_squeeze %dma_wait3A_54 : memref<1x158x128xi32, #tpu.memory_space<hbm>> -> memref<158x128xi32, #tpu.memory_space<hbm>>
      %dma_wait3A_56 = arith.constant 0 : i32
      %dma_wait3A_57 = arith.constant 0 : i32
      %dma_wait3A_58 = tpu.memref_slice %arg4[%arg1, %dma_wait3A_56, %dma_wait3A_57] : memref<16x158x128xi32, #tpu.memory_space<hbm>> -> memref<1x158x128xi32, #tpu.memory_space<hbm>>
      %dma_wait3A_59 = tpu.memref_squeeze %dma_wait3A_58 : memref<1x158x128xi32, #tpu.memory_space<hbm>> -> memref<158x128xi32, #tpu.memory_space<hbm>>
      tpu.wait_dma2 semaphore(%run_scoped3A : memref<!tpu.dma_semaphore, #tpu.memory_space<semaphore_mem>>) src(%dma_wait3A_59 : memref<158x128xi32, #tpu.memory_space<hbm>>) dst(%arg7 : memref<158x128xi32, #tpu.memory_space<vmem>>)
      tpu.yield
    }) : () -> ()
    %mul3A = arith.constant 1 : i32
    %mul3A_0 = arith.muli %arg0, %mul3A : i32
    "tpu.region"() ({
      %run_scoped3A = tpu.sem_alloc : memref<!tpu.dma_semaphore, #tpu.memory_space<semaphore_mem>>
      %dma_start3A_45 = arith.constant 0 : i32
      %dma_start3A_46 = arith.constant 0 : i32
      %dma_start3A_47 = tpu.memref_slice %arg3[%mul3A_0, %arg1, %dma_start3A_45, %dma_start3A_46] : memref<2x16x158x128xi32, #tpu.memory_space<hbm>> -> memref<1x1x158x128xi32, #tpu.memory_space<hbm>>
      %dma_start3A_48 = tpu.memref_squeeze %dma_start3A_47 : memref<1x1x158x128xi32, #tpu.memory_space<hbm>> -> memref<158x128xi32, #tpu.memory_space<hbm>>
      %dma_start3A_49 = arith.constant 0 : i32
      %dma_start3A_50 = arith.constant 0 : i32
      %dma_start3A_51 = tpu.memref_slice %arg3[%mul3A_0, %arg1, %dma_start3A_49, %dma_start3A_50] : memref<2x16x158x128xi32, #tpu.memory_space<hbm>> -> memref<1x1x158x128xi32, #tpu.memory_space<hbm>>
      %dma_start3A_52 = tpu.memref_squeeze %dma_start3A_51 : memref<1x1x158x128xi32, #tpu.memory_space<hbm>> -> memref<158x128xi32, #tpu.memory_space<hbm>>
      tpu.enqueue_dma source(%dma_start3A_52 : memref<158x128xi32, #tpu.memory_space<hbm>>) target(%arg6 : memref<158x128xi32, #tpu.memory_space<vmem>>) target_semaphore(%run_scoped3A : memref<!tpu.dma_semaphore, #tpu.memory_space<semaphore_mem>>)
      %dma_wait3A = arith.constant 0 : i32
      %dma_wait3A_53 = arith.constant 0 : i32
      %dma_wait3A_54 = tpu.memref_slice %arg3[%mul3A_0, %arg1, %dma_wait3A, %dma_wait3A_53] : memref<2x16x158x128xi32, #tpu.memory_space<hbm>> -> memref<1x1x158x128xi32, #tpu.memory_space<hbm>>
      %dma_wait3A_55 = tpu.memref_squeeze %dma_wait3A_54 : memref<1x1x158x128xi32, #tpu.memory_space<hbm>> -> memref<158x128xi32, #tpu.memory_space<hbm>>
      %dma_wait3A_56 = arith.constant 0 : i32
      %dma_wait3A_57 = arith.constant 0 : i32
      %dma_wait3A_58 = tpu.memref_slice %arg3[%mul3A_0, %arg1, %dma_wait3A_56, %dma_wait3A_57] : memref<2x16x158x128xi32, #tpu.memory_space<hbm>> -> memref<1x1x158x128xi32, #tpu.memory_space<hbm>>
      %dma_wait3A_59 = tpu.memref_squeeze %dma_wait3A_58 : memref<1x1x158x128xi32, #tpu.memory_space<hbm>> -> memref<158x128xi32, #tpu.memory_space<hbm>>
      tpu.wait_dma2 semaphore(%run_scoped3A : memref<!tpu.dma_semaphore, #tpu.memory_space<semaphore_mem>>) src(%dma_wait3A_59 : memref<158x128xi32, #tpu.memory_space<hbm>>) dst(%arg6 : memref<158x128xi32, #tpu.memory_space<vmem>>)
      tpu.yield
    }) : () -> ()
    %dma_start3A = arith.constant 0 : i32
    %dma_start3A_1 = arith.constant 0 : i32
    %dma_start3A_2 = tpu.memref_slice %arg6[%dma_start3A, %dma_start3A_1] : memref<158x128xi32, #tpu.memory_space<vmem>> -> memref<1x128xi32, #tpu.memory_space<vmem>>
    %dma_start3A_3 = tpu.memref_squeeze %dma_start3A_2 : memref<1x128xi32, #tpu.memory_space<vmem>> -> memref<128xi32, #tpu.memory_space<vmem>>
    %dma_start3A_4 = arith.constant 0 : i32
    %dma_start3A_5 = arith.constant 0 : i32
    %dma_start3A_6 = tpu.memref_slice %arg2[%dma_start3A_4, %dma_start3A_5] : memref<20000x64xf32, #tpu.memory_space<hbm>> -> memref<20000x64xf32, #tpu.memory_space<hbm>>
    tpu.enqueue_indirect_dma source(%dma_start3A_6 : memref<20000x64xf32, #tpu.memory_space<hbm>>) target(%arg8 : memref<128x64xf32, #tpu.memory_space<vmem>>) offsets(%dma_start3A_3 : memref<128xi32, #tpu.memory_space<vmem>>) semaphore(%arg12 : memref<!tpu.dma_semaphore, #tpu.memory_space<semaphore_mem>>)
    %scan3A = arith.constant 0 : i32
    %scan3A_7 = arith.constant 512 : i32
    %scan3A_8 = arith.addi %scan3A, %scan3A_7 : i32
    %scan3A_9 = arith.constant 1 : i32
    scf.for %scan3A_45 = %scan3A to %scan3A_8 step %scan3A_9  : i32 {
      %jit3A = arith.constant 4 : i32
      %div3A = arith.divsi %scan3A_45, %jit3A : i32
      %sign3A = arith.constant 0 : i32
      %sign3A_46 = arith.cmpi sgt, %scan3A_45, %sign3A : i32
      %sign3A_47 = arith.extui %sign3A_46 : i1 to i32
      %sign3A_48 = arith.constant 0 : i32
      %sign3A_49 = arith.cmpi slt, %scan3A_45, %sign3A_48 : i32
      %sign3A_50 = arith.extui %sign3A_49 : i1 to i32
      %sign3A_51 = arith.subi %sign3A_47, %sign3A_50 : i32
      %sign3A_52 = arith.constant 0 : i32
      %sign3A_53 = arith.cmpi sgt, %jit3A, %sign3A_52 : i32
      %sign3A_54 = arith.extui %sign3A_53 : i1 to i32
      %sign3A_55 = arith.constant 0 : i32
      %sign3A_56 = arith.cmpi slt, %jit3A, %sign3A_55 : i32
      %sign3A_57 = arith.extui %sign3A_56 : i1 to i32
      %sign3A_58 = arith.subi %sign3A_54, %sign3A_57 : i32
      %ne3A = arith.cmpi ne, %sign3A_51, %sign3A_58 : i32
      %rem3A = arith.remsi %scan3A_45, %jit3A : i32
      %ne3A_59 = arith.constant 0 : i32
      %ne3A_60 = arith.cmpi ne, %rem3A, %ne3A_59 : i32
      %and3A = arith.andi %ne3A, %ne3A_60 : i1
      %sub3A_61 = arith.constant 1 : i32
      %sub3A_62 = arith.subi %div3A, %sub3A_61 : i32
      %select_n3A = arith.select %and3A, %sub3A_62, %div3A : i32
      %jit3A_63 = arith.constant 4 : i32
      %eq3A = arith.constant 0 : i32
      %eq3A_64 = arith.cmpi eq, %jit3A_63, %eq3A : i32
      %jit3A_65 = arith.constant 1 : i32
      %select_n3A_66 = arith.select %eq3A_64, %jit3A_65, %jit3A_63 : i32
      %rem3A_67 = arith.remsi %scan3A_45, %select_n3A_66 : i32
      %ne3A_68 = arith.constant 0 : i32
      %ne3A_69 = arith.cmpi ne, %rem3A_67, %ne3A_68 : i32
      %lt3A = arith.constant 0 : i32
      %lt3A_70 = arith.cmpi slt, %rem3A_67, %lt3A : i32
      %lt3A_71 = arith.constant 0 : i32
      %lt3A_72 = arith.cmpi slt, %select_n3A_66, %lt3A_71 : i32
      %ne3A_73 = arith.xori %lt3A_70, %lt3A_72 : i1
      %and3A_74 = arith.andi %ne3A_73, %ne3A_69 : i1
      %add3A_75 = arith.addi %rem3A_67, %select_n3A_66 : i32
      %select_n3A_76 = arith.select %and3A_74, %add3A_75, %rem3A_67 : i32
      %broadcast_in_dim3A = arith.constant 0.000000e+00 : f32
      %broadcast_in_dim3A_77 = vector.broadcast %broadcast_in_dim3A : f32 to vector<16xf32>
      %mul3A_78 = arith.constant 16 : i32
      %mul3A_79 = arith.muli %select_n3A_76, %mul3A_78 : i32
      %swap3A = arith.index_cast %select_n3A : i32 to index
      %swap3A_80 = arith.index_cast %mul3A_79 : i32 to index
      %swap3A_81 = tpu.vector_load %arg10[%swap3A, %swap3A_80] {strides = array<i32>} : memref<128x64xf32, #tpu.memory_space<vmem>>, vector<1x16xf32>,
      %swap3A_82 = vector.shape_cast %swap3A_81 : vector<1x16xf32> to vector<16xf32>
      %swap3A_83 = vector.shape_cast %broadcast_in_dim3A_77 : vector<16xf32> to vector<1x16xf32>
      tpu.vector_store %arg10[%swap3A, %swap3A_80], %swap3A_83 {strides = array<i32>} : memref<128x64xf32, #tpu.memory_space<vmem>>, vector<1x16xf32>,
    }
    %scan3A_10 = arith.constant 512 : i32
    %mul3A_11 = arith.constant 640 : i32
    %mul3A_12 = arith.muli %arg1, %mul3A_11 : i32
    %add3A = arith.constant 0 : i32
    %add3A_13 = arith.addi %mul3A_12, %add3A : i32
    "tpu.region"() ({
      %run_scoped3A = tpu.sem_alloc : memref<!tpu.dma_semaphore, #tpu.memory_space<semaphore_mem>>
      %dma_start3A_45 = arith.constant 0 : i32
      %dma_start3A_46 = tpu.memref_slice %arg11[%add3A_13, %dma_start3A_45] : memref<10240x64xf32, #tpu.memory_space<vmem_shared>> -> memref<128x64xf32, #tpu.memory_space<vmem_shared>>
      %dma_start3A_47 = arith.constant 0 : i32
      %dma_start3A_48 = tpu.memref_slice %arg11[%add3A_13, %dma_start3A_47] : memref<10240x64xf32, #tpu.memory_space<vmem_shared>> -> memref<128x64xf32, #tpu.memory_space<vmem_shared>>
      tpu.enqueue_dma source(%arg10 : memref<128x64xf32, #tpu.memory_space<vmem>>) target(%dma_start3A_48 : memref<128x64xf32, #tpu.memory_space<vmem_shared>>) target_semaphore(%run_scoped3A : memref<!tpu.dma_semaphore, #tpu.memory_space<semaphore_mem>>)
      %dma_wait3A = arith.constant 0 : i32
      %dma_wait3A_49 = tpu.memref_slice %arg11[%add3A_13, %dma_wait3A] : memref<10240x64xf32, #tpu.memory_space<vmem_shared>> -> memref<128x64xf32, #tpu.memory_space<vmem_shared>>
      %dma_wait3A_50 = arith.constant 0 : i32
      %dma_wait3A_51 = tpu.memref_slice %arg11[%add3A_13, %dma_wait3A_50] : memref<10240x64xf32, #tpu.memory_space<vmem_shared>> -> memref<128x64xf32, #tpu.memory_space<vmem_shared>>
      tpu.wait_dma2 semaphore(%run_scoped3A : memref<!tpu.dma_semaphore, #tpu.memory_space<semaphore_mem>>) src(%arg10 : memref<128x64xf32, #tpu.memory_space<vmem>>) dst(%dma_wait3A_51 : memref<128x64xf32, #tpu.memory_space<vmem_shared>>)
      tpu.yield
    }) : () -> ()
    %mul3A_14 = arith.constant 640 : i32
    %mul3A_15 = arith.muli %arg1, %mul3A_14 : i32
    %add3A_16 = arith.constant 128 : i32
    %add3A_17 = arith.addi %mul3A_15, %add3A_16 : i32
    "tpu.region"() ({
      %run_scoped3A = tpu.sem_alloc : memref<!tpu.dma_semaphore, #tpu.memory_space<semaphore_mem>>
      %dma_start3A_45 = arith.constant 0 : i32
      %dma_start3A_46 = tpu.memref_slice %arg11[%add3A_17, %dma_start3A_45] : memref<10240x64xf32, #tpu.memory_space<vmem_shared>> -> memref<128x64xf32, #tpu.memory_space<vmem_shared>>
      %dma_start3A_47 = arith.constant 0 : i32
      %dma_start3A_48 = tpu.memref_slice %arg11[%add3A_17, %dma_start3A_47] : memref<10240x64xf32, #tpu.memory_space<vmem_shared>> -> memref<128x64xf32, #tpu.memory_space<vmem_shared>>
      tpu.enqueue_dma source(%arg10 : memref<128x64xf32, #tpu.memory_space<vmem>>) target(%dma_start3A_48 : memref<128x64xf32, #tpu.memory_space<vmem_shared>>) target_semaphore(%run_scoped3A : memref<!tpu.dma_semaphore, #tpu.memory_space<semaphore_mem>>)
      %dma_wait3A = arith.constant 0 : i32
      %dma_wait3A_49 = tpu.memref_slice %arg11[%add3A_17, %dma_wait3A] : memref<10240x64xf32, #tpu.memory_space<vmem_shared>> -> memref<128x64xf32, #tpu.memory_space<vmem_shared>>
      %dma_wait3A_50 = arith.constant 0 : i32
      %dma_wait3A_51 = tpu.memref_slice %arg11[%add3A_17, %dma_wait3A_50] : memref<10240x64xf32, #tpu.memory_space<vmem_shared>> -> memref<128x64xf32, #tpu.memory_space<vmem_shared>>
      tpu.wait_dma2 semaphore(%run_scoped3A : memref<!tpu.dma_semaphore, #tpu.memory_space<semaphore_mem>>) src(%arg10 : memref<128x64xf32, #tpu.memory_space<vmem>>) dst(%dma_wait3A_51 : memref<128x64xf32, #tpu.memory_space<vmem_shared>>)
      tpu.yield
    }) : () -> ()
    %mul3A_18 = arith.constant 640 : i32
    %mul3A_19 = arith.muli %arg1, %mul3A_18 : i32
    %add3A_20 = arith.constant 256 : i32
    %add3A_21 = arith.addi %mul3A_19, %add3A_20 : i32
    "tpu.region"() ({
      %run_scoped3A = tpu.sem_alloc : memref<!tpu.dma_semaphore, #tpu.memory_space<semaphore_mem>>
      %dma_start3A_45 = arith.constant 0 : i32
      %dma_start3A_46 = tpu.memref_slice %arg11[%add3A_21, %dma_start3A_45] : memref<10240x64xf32, #tpu.memory_space<vmem_shared>> -> memref<128x64xf32, #tpu.memory_space<vmem_shared>>
      %dma_start3A_47 = arith.constant 0 : i32
      %dma_start3A_48 = tpu.memref_slice %arg11[%add3A_21, %dma_start3A_47] : memref<10240x64xf32, #tpu.memory_space<vmem_shared>> -> memref<128x64xf32, #tpu.memory_space<vmem_shared>>
      tpu.enqueue_dma source(%arg10 : memref<128x64xf32, #tpu.memory_space<vmem>>) target(%dma_start3A_48 : memref<128x64xf32, #tpu.memory_space<vmem_shared>>) target_semaphore(%run_scoped3A : memref<!tpu.dma_semaphore, #tpu.memory_space<semaphore_mem>>)
      %dma_wait3A = arith.constant 0 : i32
      %dma_wait3A_49 = tpu.memref_slice %arg11[%add3A_21, %dma_wait3A] : memref<10240x64xf32, #tpu.memory_space<vmem_shared>> -> memref<128x64xf32, #tpu.memory_space<vmem_shared>>
      %dma_wait3A_50 = arith.constant 0 : i32
      %dma_wait3A_51 = tpu.memref_slice %arg11[%add3A_21, %dma_wait3A_50] : memref<10240x64xf32, #tpu.memory_space<vmem_shared>> -> memref<128x64xf32, #tpu.memory_space<vmem_shared>>
      tpu.wait_dma2 semaphore(%run_scoped3A : memref<!tpu.dma_semaphore, #tpu.memory_space<semaphore_mem>>) src(%arg10 : memref<128x64xf32, #tpu.memory_space<vmem>>) dst(%dma_wait3A_51 : memref<128x64xf32, #tpu.memory_space<vmem_shared>>)
      tpu.yield
    }) : () -> ()
    %mul3A_22 = arith.constant 640 : i32
    %mul3A_23 = arith.muli %arg1, %mul3A_22 : i32
    %add3A_24 = arith.constant 384 : i32
    %add3A_25 = arith.addi %mul3A_23, %add3A_24 : i32
    "tpu.region"() ({
      %run_scoped3A = tpu.sem_alloc : memref<!tpu.dma_semaphore, #tpu.memory_space<semaphore_mem>>
      %dma_start3A_45 = arith.constant 0 : i32
      %dma_start3A_46 = tpu.memref_slice %arg11[%add3A_25, %dma_start3A_45] : memref<10240x64xf32, #tpu.memory_space<vmem_shared>> -> memref<128x64xf32, #tpu.memory_space<vmem_shared>>
      %dma_start3A_47 = arith.constant 0 : i32
      %dma_start3A_48 = tpu.memref_slice %arg11[%add3A_25, %dma_start3A_47] : memref<10240x64xf32, #tpu.memory_space<vmem_shared>> -> memref<128x64xf32, #tpu.memory_space<vmem_shared>>
      tpu.enqueue_dma source(%arg10 : memref<128x64xf32, #tpu.memory_space<vmem>>) target(%dma_start3A_48 : memref<128x64xf32, #tpu.memory_space<vmem_shared>>) target_semaphore(%run_scoped3A : memref<!tpu.dma_semaphore, #tpu.memory_space<semaphore_mem>>)
      %dma_wait3A = arith.constant 0 : i32
      %dma_wait3A_49 = tpu.memref_slice %arg11[%add3A_25, %dma_wait3A] : memref<10240x64xf32, #tpu.memory_space<vmem_shared>> -> memref<128x64xf32, #tpu.memory_space<vmem_shared>>
      %dma_wait3A_50 = arith.constant 0 : i32
      %dma_wait3A_51 = tpu.memref_slice %arg11[%add3A_25, %dma_wait3A_50] : memref<10240x64xf32, #tpu.memory_space<vmem_shared>> -> memref<128x64xf32, #tpu.memory_space<vmem_shared>>
      tpu.wait_dma2 semaphore(%run_scoped3A : memref<!tpu.dma_semaphore, #tpu.memory_space<semaphore_mem>>) src(%arg10 : memref<128x64xf32, #tpu.memory_space<vmem>>) dst(%dma_wait3A_51 : memref<128x64xf32, #tpu.memory_space<vmem_shared>>)
      tpu.yield
    }) : () -> ()
    %mul3A_26 = arith.constant 640 : i32
    %mul3A_27 = arith.muli %arg1, %mul3A_26 : i32
    %add3A_28 = arith.constant 512 : i32
    %add3A_29 = arith.addi %mul3A_27, %add3A_28 : i32
    "tpu.region"() ({
      %run_scoped3A = tpu.sem_alloc : memref<!tpu.dma_semaphore, #tpu.memory_space<semaphore_mem>>
      %dma_start3A_45 = arith.constant 0 : i32
      %dma_start3A_46 = tpu.memref_slice %arg11[%add3A_29, %dma_start3A_45] : memref<10240x64xf32, #tpu.memory_space<vmem_shared>> -> memref<128x64xf32, #tpu.memory_space<vmem_shared>>
      %dma_start3A_47 = arith.constant 0 : i32
      %dma_start3A_48 = tpu.memref_slice %arg11[%add3A_29, %dma_start3A_47] : memref<10240x64xf32, #tpu.memory_space<vmem_shared>> -> memref<128x64xf32, #tpu.memory_space<vmem_shared>>
      tpu.enqueue_dma source(%arg10 : memref<128x64xf32, #tpu.memory_space<vmem>>) target(%dma_start3A_48 : memref<128x64xf32, #tpu.memory_space<vmem_shared>>) target_semaphore(%run_scoped3A : memref<!tpu.dma_semaphore, #tpu.memory_space<semaphore_mem>>)
      %dma_wait3A = arith.constant 0 : i32
      %dma_wait3A_49 = tpu.memref_slice %arg11[%add3A_29, %dma_wait3A] : memref<10240x64xf32, #tpu.memory_space<vmem_shared>> -> memref<128x64xf32, #tpu.memory_space<vmem_shared>>
      %dma_wait3A_50 = arith.constant 0 : i32
      %dma_wait3A_51 = tpu.memref_slice %arg11[%add3A_29, %dma_wait3A_50] : memref<10240x64xf32, #tpu.memory_space<vmem_shared>> -> memref<128x64xf32, #tpu.memory_space<vmem_shared>>
      tpu.wait_dma2 semaphore(%run_scoped3A : memref<!tpu.dma_semaphore, #tpu.memory_space<semaphore_mem>>) src(%arg10 : memref<128x64xf32, #tpu.memory_space<vmem>>) dst(%dma_wait3A_51 : memref<128x64xf32, #tpu.memory_space<vmem_shared>>)
      tpu.yield
    }) : () -> ()
    %barrier3A = arith.constant 0 : index
    tpu.barrier barrier_id(%barrier3A)
    %scan3A_30 = arith.constant 0 : i32
    %scan3A_31 = arith.constant 79 : i32
    %scan3A_32 = arith.addi %scan3A_30, %scan3A_31 : i32
    %scan3A_33 = arith.constant 1 : i32
    scf.for %scan3A_45 = %scan3A_30 to %scan3A_32 step %scan3A_33  : i32 {
      %mul3A_46 = arith.constant 2 : i32
      %mul3A_47 = arith.muli %mul3A_46, %scan3A_45 : i32
      %add3A_48 = arith.constant 1 : i32
      %add3A_49 = arith.addi %mul3A_47, %add3A_48 : i32
      %add3A_50 = arith.constant 2 : i32
      %add3A_51 = arith.addi %mul3A_47, %add3A_50 : i32
      %dma_start3A_52 = arith.constant 0 : i32
      %dma_start3A_53 = tpu.memref_slice %arg6[%add3A_49, %dma_start3A_52] : memref<158x128xi32, #tpu.memory_space<vmem>> -> memref<1x128xi32, #tpu.memory_space<vmem>>
      %dma_start3A_54 = tpu.memref_squeeze %dma_start3A_53 : memref<1x128xi32, #tpu.memory_space<vmem>> -> memref<128xi32, #tpu.memory_space<vmem>>
      %dma_start3A_55 = arith.constant 0 : i32
      %dma_start3A_56 = arith.constant 0 : i32
      %dma_start3A_57 = tpu.memref_slice %arg2[%dma_start3A_55, %dma_start3A_56] : memref<20000x64xf32, #tpu.memory_space<hbm>> -> memref<20000x64xf32, #tpu.memory_space<hbm>>
      tpu.enqueue_indirect_dma source(%dma_start3A_57 : memref<20000x64xf32, #tpu.memory_space<hbm>>) target(%arg9 : memref<128x64xf32, #tpu.memory_space<vmem>>) offsets(%dma_start3A_54 : memref<128xi32, #tpu.memory_space<vmem>>) semaphore(%arg13 : memref<!tpu.dma_semaphore, #tpu.memory_space<semaphore_mem>>)
      %dma_wait3A = arith.constant 0 : i32
      %dma_wait3A_58 = tpu.memref_slice %arg6[%mul3A_47, %dma_wait3A] : memref<158x128xi32, #tpu.memory_space<vmem>> -> memref<1x128xi32, #tpu.memory_space<vmem>>
      %dma_wait3A_59 = tpu.memref_squeeze %dma_wait3A_58 : memref<1x128xi32, #tpu.memory_space<vmem>> -> memref<128xi32, #tpu.memory_space<vmem>>
      %dma_wait3A_60 = arith.constant 0 : i32
      %dma_wait3A_61 = arith.constant 0 : i32
      %dma_wait3A_62 = tpu.memref_slice %arg2[%dma_wait3A_60, %dma_wait3A_61] : memref<20000x64xf32, #tpu.memory_space<hbm>> -> memref<20000x64xf32, #tpu.memory_space<hbm>>
      tpu.wait_indirect_dma semaphore(%arg12 : memref<!tpu.dma_semaphore, #tpu.memory_space<semaphore_mem>>) src(%dma_wait3A_62 : memref<20000x64xf32, #tpu.memory_space<hbm>>) dst(%arg8 : memref<128x64xf32, #tpu.memory_space<vmem>>)
      "tpu.region"() ({
        %run_scoped3A = tpu.sem_alloc : memref<!tpu.dma_semaphore, #tpu.memory_space<semaphore_mem>>
        %dma_start3A_71 = arith.constant 0 : i32
        %dma_start3A_72 = tpu.memref_slice %arg7[%mul3A_47, %dma_start3A_71] : memref<158x128xi32, #tpu.memory_space<vmem>> -> memref<1x128xi32, #tpu.memory_space<vmem>>
        %dma_start3A_73 = tpu.memref_squeeze %dma_start3A_72 : memref<1x128xi32, #tpu.memory_space<vmem>> -> memref<128xi32, #tpu.memory_space<vmem>>
        %dma_start3A_74 = arith.constant 0 : i32
        %dma_start3A_75 = arith.constant 0 : i32
        %dma_start3A_76 = tpu.memref_slice %arg11[%dma_start3A_74, %dma_start3A_75] : memref<10240x64xf32, #tpu.memory_space<vmem_shared>> -> memref<10240x64xf32, #tpu.memory_space<vmem_shared>>
        tpu.enqueue_indirect_dma source(%arg8 : memref<128x64xf32, #tpu.memory_space<vmem>>) target(%dma_start3A_76 : memref<10240x64xf32, #tpu.memory_space<vmem_shared>>) offsets(%dma_start3A_73 : memref<128xi32, #tpu.memory_space<vmem>>) semaphore(%run_scoped3A : memref<!tpu.dma_semaphore, #tpu.memory_space<semaphore_mem>>) {add = true}
        %dma_wait3A_77 = arith.constant 0 : i32
        %dma_wait3A_78 = tpu.memref_slice %arg7[%mul3A_47, %dma_wait3A_77] : memref<158x128xi32, #tpu.memory_space<vmem>> -> memref<1x128xi32, #tpu.memory_space<vmem>>
        %dma_wait3A_79 = tpu.memref_squeeze %dma_wait3A_78 : memref<1x128xi32, #tpu.memory_space<vmem>> -> memref<128xi32, #tpu.memory_space<vmem>>
        %dma_wait3A_80 = arith.constant 0 : i32
        %dma_wait3A_81 = arith.constant 0 : i32
        %dma_wait3A_82 = tpu.memref_slice %arg11[%dma_wait3A_80, %dma_wait3A_81] : memref<10240x64xf32, #tpu.memory_space<vmem_shared>> -> memref<10240x64xf32, #tpu.memory_space<vmem_shared>>
        tpu.wait_indirect_dma semaphore(%run_scoped3A : memref<!tpu.dma_semaphore, #tpu.memory_space<semaphore_mem>>) src(%arg8 : memref<128x64xf32, #tpu.memory_space<vmem>>) dst(%dma_wait3A_82 : memref<10240x64xf32, #tpu.memory_space<vmem_shared>>)
        tpu.yield
      }) : () -> ()
      %lt3A = arith.constant 158 : i32
      %lt3A_63 = arith.cmpi slt, %add3A_51, %lt3A : i32
      %convert_element_type3A = arith.extui %lt3A_63 : i1 to i32
      %cond3A = arith.constant 0 : i32
      %cond3A_64 = arith.cmpi ne, %convert_element_type3A, %cond3A : i32
      scf.if %cond3A_64 {
        %dma_start3A_71 = arith.constant 0 : i32
        %dma_start3A_72 = tpu.memref_slice %arg6[%add3A_51, %dma_start3A_71] : memref<158x128xi32, #tpu.memory_space<vmem>> -> memref<1x128xi32, #tpu.memory_space<vmem>>
        %dma_start3A_73 = tpu.memref_squeeze %dma_start3A_72 : memref<1x128xi32, #tpu.memory_space<vmem>> -> memref<128xi32, #tpu.memory_space<vmem>>
        %dma_start3A_74 = arith.constant 0 : i32
        %dma_start3A_75 = arith.constant 0 : i32
        %dma_start3A_76 = tpu.memref_slice %arg2[%dma_start3A_74, %dma_start3A_75] : memref<20000x64xf32, #tpu.memory_space<hbm>> -> memref<20000x64xf32, #tpu.memory_space<hbm>>
        tpu.enqueue_indirect_dma source(%dma_start3A_76 : memref<20000x64xf32, #tpu.memory_space<hbm>>) target(%arg8 : memref<128x64xf32, #tpu.memory_space<vmem>>) offsets(%dma_start3A_73 : memref<128xi32, #tpu.memory_space<vmem>>) semaphore(%arg12 : memref<!tpu.dma_semaphore, #tpu.memory_space<semaphore_mem>>)
      } else {
      }
      %dma_wait3A_65 = arith.constant 0 : i32
      %dma_wait3A_66 = tpu.memref_slice %arg6[%add3A_49, %dma_wait3A_65] : memref<158x128xi32, #tpu.memory_space<vmem>> -> memref<1x128xi32, #tpu.memory_space<vmem>>
      %dma_wait3A_67 = tpu.memref_squeeze %dma_wait3A_66 : memref<1x128xi32, #tpu.memory_space<vmem>> -> memref<128xi32, #tpu.memory_space<vmem>>
      %dma_wait3A_68 = arith.constant 0 : i32
      %dma_wait3A_69 = arith.constant 0 : i32
      %dma_wait3A_70 = tpu.memref_slice %arg2[%dma_wait3A_68, %dma_wait3A_69] : memref<20000x64xf32, #tpu.memory_space<hbm>> -> memref<20000x64xf32, #tpu.memory_space<hbm>>
      tpu.wait_indirect_dma semaphore(%arg13 : memref<!tpu.dma_semaphore, #tpu.memory_space<semaphore_mem>>) src(%dma_wait3A_70 : memref<20000x64xf32, #tpu.memory_space<hbm>>) dst(%arg9 : memref<128x64xf32, #tpu.memory_space<vmem>>)
      "tpu.region"() ({
        %run_scoped3A = tpu.sem_alloc : memref<!tpu.dma_semaphore, #tpu.memory_space<semaphore_mem>>
        %dma_start3A_71 = arith.constant 0 : i32
        %dma_start3A_72 = tpu.memref_slice %arg7[%add3A_49, %dma_start3A_71] : memref<158x128xi32, #tpu.memory_space<vmem>> -> memref<1x128xi32, #tpu.memory_space<vmem>>
        %dma_start3A_73 = tpu.memref_squeeze %dma_start3A_72 : memref<1x128xi32, #tpu.memory_space<vmem>> -> memref<128xi32, #tpu.memory_space<vmem>>
        %dma_start3A_74 = arith.constant 0 : i32
        %dma_start3A_75 = arith.constant 0 : i32
        %dma_start3A_76 = tpu.memref_slice %arg11[%dma_start3A_74, %dma_start3A_75] : memref<10240x64xf32, #tpu.memory_space<vmem_shared>> -> memref<10240x64xf32, #tpu.memory_space<vmem_shared>>
        tpu.enqueue_indirect_dma source(%arg9 : memref<128x64xf32, #tpu.memory_space<vmem>>) target(%dma_start3A_76 : memref<10240x64xf32, #tpu.memory_space<vmem_shared>>) offsets(%dma_start3A_73 : memref<128xi32, #tpu.memory_space<vmem>>) semaphore(%run_scoped3A : memref<!tpu.dma_semaphore, #tpu.memory_space<semaphore_mem>>) {add = true}
        %dma_wait3A_77 = arith.constant 0 : i32
        %dma_wait3A_78 = tpu.memref_slice %arg7[%add3A_49, %dma_wait3A_77] : memref<158x128xi32, #tpu.memory_space<vmem>> -> memref<1x128xi32, #tpu.memory_space<vmem>>
        %dma_wait3A_79 = tpu.memref_squeeze %dma_wait3A_78 : memref<1x128xi32, #tpu.memory_space<vmem>> -> memref<128xi32, #tpu.memory_space<vmem>>
        %dma_wait3A_80 = arith.constant 0 : i32
        %dma_wait3A_81 = arith.constant 0 : i32
        %dma_wait3A_82 = tpu.memref_slice %arg11[%dma_wait3A_80, %dma_wait3A_81] : memref<10240x64xf32, #tpu.memory_space<vmem_shared>> -> memref<10240x64xf32, #tpu.memory_space<vmem_shared>>
        tpu.wait_indirect_dma semaphore(%run_scoped3A : memref<!tpu.dma_semaphore, #tpu.memory_space<semaphore_mem>>) src(%arg9 : memref<128x64xf32, #tpu.memory_space<vmem>>) dst(%dma_wait3A_82 : memref<10240x64xf32, #tpu.memory_space<vmem_shared>>)
        tpu.yield
      }) : () -> ()
    }
    %scan3A_34 = arith.constant 79 : i32
    %barrier3A_35 = arith.constant 0 : index
    tpu.barrier barrier_id(%barrier3A_35)
    %mul3A_36 = arith.constant 640 : i32
    %mul3A_37 = arith.muli %arg1, %mul3A_36 : i32
    %mul3A_38 = arith.constant 1 : i32
    %mul3A_39 = arith.muli %arg0, %mul3A_38 : i32
    %add3A_40 = arith.constant 1 : i32
    %add3A_41 = arith.addi %mul3A_39, %add3A_40 : i32
    %sub3A = arith.constant 1 : i32
    %sub3A_42 = arith.subi %add3A_41, %sub3A : i32
    %mul3A_43 = arith.constant 640 : i32
    %mul3A_44 = arith.muli %arg1, %mul3A_43 : i32
    "tpu.region"() ({
      %run_scoped3A = tpu.sem_alloc : memref<!tpu.dma_semaphore, #tpu.memory_space<semaphore_mem>>
      %dma_start3A_45 = arith.constant 0 : i32
      %dma_start3A_46 = tpu.memref_slice %arg5[%sub3A_42, %mul3A_44, %dma_start3A_45] : memref<2x10240x64xf32, #tpu.memory_space<hbm>> -> memref<1x640x64xf32, #tpu.memory_space<hbm>>
      %dma_start3A_47 = tpu.memref_squeeze %dma_start3A_46 : memref<1x640x64xf32, #tpu.memory_space<hbm>> -> memref<640x64xf32, #tpu.memory_space<hbm>>
      %dma_start3A_48 = arith.constant 0 : i32
      %dma_start3A_49 = tpu.memref_slice %arg11[%mul3A_37, %dma_start3A_48] : memref<10240x64xf32, #tpu.memory_space<vmem_shared>> -> memref<640x64xf32, #tpu.memory_space<vmem_shared>>
      tpu.enqueue_dma source(%dma_start3A_49 : memref<640x64xf32, #tpu.memory_space<vmem_shared>>) target(%dma_start3A_47 : memref<640x64xf32, #tpu.memory_space<hbm>>) target_semaphore(%run_scoped3A : memref<!tpu.dma_semaphore, #tpu.memory_space<semaphore_mem>>)
      %dma_wait3A = arith.constant 0 : i32
      %dma_wait3A_50 = tpu.memref_slice %arg5[%sub3A_42, %mul3A_44, %dma_wait3A] : memref<2x10240x64xf32, #tpu.memory_space<hbm>> -> memref<1x640x64xf32, #tpu.memory_space<hbm>>
      %dma_wait3A_51 = tpu.memref_squeeze %dma_wait3A_50 : memref<1x640x64xf32, #tpu.memory_space<hbm>> -> memref<640x64xf32, #tpu.memory_space<hbm>>
      %dma_wait3A_52 = arith.constant 0 : i32
      %dma_wait3A_53 = tpu.memref_slice %arg11[%mul3A_37, %dma_wait3A_52] : memref<10240x64xf32, #tpu.memory_space<vmem_shared>> -> memref<640x64xf32, #tpu.memory_space<vmem_shared>>
      tpu.wait_dma2 semaphore(%run_scoped3A : memref<!tpu.dma_semaphore, #tpu.memory_space<semaphore_mem>>) src(%dma_wait3A_53 : memref<640x64xf32, #tpu.memory_space<vmem_shared>>) dst(%dma_wait3A_51 : memref<640x64xf32, #tpu.memory_space<hbm>>)
      tpu.yield
    }) : () -> ()
    return
  }
}

module attributes {stable_mosaic.version = 14 : i64} {
  func.func @_ka_body(%arg0: i32, %arg1: memref<1000x128xf32, #tpu.memory_space<vmem>>, %arg2: memref<128x256xf32, #tpu.memory_space<vmem>>, %arg3: memref<2x1000x16xf32, #tpu.memory_space<vmem>>, %arg4: memref<4x1000x64xf32, #tpu.memory_space<vmem>>, %arg5: memref<1000x1xf32, #tpu.memory_space<vmem>>) attributes {dimension_semantics = [#tpu.dimension_semantics<arbitrary>], iteration_bounds = array<i64: 10>, scalar_prefetch = 0 : i64, scratch_operands = 0 : i64, tpu.core_type = #tpu.core_type<tc>, window_params = [{transform_indices = @transform_0, window_bounds = array<i64: 1000, 128>}, {pipeline_mode = #tpu.pipeline_mode<synchronous>, transform_indices = @transform_1, window_bounds = array<i64: 128, 256>}, {transform_indices = @transform_2, window_bounds = array<i64: 2, 1000, 16>}, {transform_indices = @transform_3, window_bounds = array<i64: 4, 1000, 64>}, {transform_indices = @transform_4, window_bounds = array<i64: 1000, 1>}]} {
    %get3A = arith.constant 0 : index
    %get3A_0 = arith.constant 0 : index
    %get3A_1 = arith.constant 0 : index
    %get3A_2 = vector.load %arg3[%get3A, %get3A_0, %get3A_1] : memref<2x1000x16xf32, #tpu.memory_space<vmem>>, vector<1x1000x1xf32>
    %get3A_3 = vector.shape_cast %get3A_2 : vector<1x1000x1xf32> to vector<1000x1xf32>
    %get3A_4 = arith.constant 1 : index
    %get3A_5 = arith.constant 0 : index
    %get3A_6 = arith.constant 0 : index
    %get3A_7 = vector.load %arg3[%get3A_4, %get3A_5, %get3A_6] : memref<2x1000x16xf32, #tpu.memory_space<vmem>>, vector<1x1000x1xf32>
    %get3A_8 = vector.shape_cast %get3A_7 : vector<1x1000x1xf32> to vector<1000x1xf32>
    %add3A = arith.addf %get3A_3, %get3A_8 : vector<1000x1xf32>
    %add3A_9 = arith.constant 1.000000e+00 : f32
    %add3A_10 = vector.broadcast %add3A_9 : f32 to vector<1000x1xf32>
    %add3A_11 = arith.addf %add3A, %add3A_10 : vector<1000x1xf32>
    %rsqrt3A = math.rsqrt %add3A_11 : vector<1000x1xf32>
    %get3A_12 = arith.constant 0 : index
    %get3A_13 = arith.constant 0 : index
    %get3A_14 = vector.load %arg1[%get3A_12, %get3A_13] : memref<1000x128xf32, #tpu.memory_space<vmem>>, vector<1000x128xf32>
    %get3A_15 = arith.constant 0 : index
    %get3A_16 = arith.constant 0 : index
    %get3A_17 = vector.load %arg2[%get3A_15, %get3A_16] : memref<128x256xf32, #tpu.memory_space<vmem>>, vector<128x256xf32>
    %dot_general3A = arith.constant dense<0.000000e+00> : vector<1000x256xf32>
    %dot_general3A_18 = tpu.matmul %get3A_14, %get3A_17, %dot_general3A {dimension_numbers = #tpu.dot_dimension_numbers<[1], [0], [0], [1], [0, 0, 1, 1], [], []>, transpose_lhs_hint = false} : vector<1000x128xf32>, vector<128x256xf32>, vector<1000x256xf32> -> vector<1000x256xf32>
    %mul3A = vector.broadcast %rsqrt3A : vector<1000x1xf32> to vector<1000x256xf32>
    %mul3A_19 = arith.mulf %dot_general3A_18, %mul3A : vector<1000x256xf32>
    %slice3A = vector.extract_strided_slice %mul3A_19 {offsets = [0, 0], sizes = [1000, 64], strides = [1, 1]} : vector<1000x256xf32> to vector<1000x64xf32>
    %swap3A = arith.constant 0 : index
    %swap3A_20 = arith.constant 0 : index
    %swap3A_21 = arith.constant 0 : index
    %swap3A_22 = vector.load %arg4[%swap3A, %swap3A_20, %swap3A_21] : memref<4x1000x64xf32, #tpu.memory_space<vmem>>, vector<1x1000x64xf32>
    %swap3A_23 = vector.shape_cast %swap3A_22 : vector<1x1000x64xf32> to vector<1000x64xf32>
    %swap3A_24 = vector.shape_cast %slice3A : vector<1000x64xf32> to vector<1x1000x64xf32>
    tpu.vector_store %arg4[%swap3A, %swap3A_20, %swap3A_21], %swap3A_24 {strides = array<i32>} : memref<4x1000x64xf32, #tpu.memory_space<vmem>>, vector<1x1000x64xf32>,
    %slice3A_25 = vector.extract_strided_slice %mul3A_19 {offsets = [0, 64], sizes = [1000, 64], strides = [1, 1]} : vector<1000x256xf32> to vector<1000x64xf32>
    %swap3A_26 = arith.constant 1 : index
    %swap3A_27 = arith.constant 0 : index
    %swap3A_28 = arith.constant 0 : index
    %swap3A_29 = vector.load %arg4[%swap3A_26, %swap3A_27, %swap3A_28] : memref<4x1000x64xf32, #tpu.memory_space<vmem>>, vector<1x1000x64xf32>
    %swap3A_30 = vector.shape_cast %swap3A_29 : vector<1x1000x64xf32> to vector<1000x64xf32>
    %swap3A_31 = vector.shape_cast %slice3A_25 : vector<1000x64xf32> to vector<1x1000x64xf32>
    tpu.vector_store %arg4[%swap3A_26, %swap3A_27, %swap3A_28], %swap3A_31 {strides = array<i32>} : memref<4x1000x64xf32, #tpu.memory_space<vmem>>, vector<1x1000x64xf32>,
    %slice3A_32 = vector.extract_strided_slice %mul3A_19 {offsets = [0, 128], sizes = [1000, 64], strides = [1, 1]} : vector<1000x256xf32> to vector<1000x64xf32>
    %swap3A_33 = arith.constant 2 : index
    %swap3A_34 = arith.constant 0 : index
    %swap3A_35 = arith.constant 0 : index
    %swap3A_36 = vector.load %arg4[%swap3A_33, %swap3A_34, %swap3A_35] : memref<4x1000x64xf32, #tpu.memory_space<vmem>>, vector<1x1000x64xf32>
    %swap3A_37 = vector.shape_cast %swap3A_36 : vector<1x1000x64xf32> to vector<1000x64xf32>
    %swap3A_38 = vector.shape_cast %slice3A_32 : vector<1000x64xf32> to vector<1x1000x64xf32>
    tpu.vector_store %arg4[%swap3A_33, %swap3A_34, %swap3A_35], %swap3A_38 {strides = array<i32>} : memref<4x1000x64xf32, #tpu.memory_space<vmem>>, vector<1x1000x64xf32>,
    %slice3A_39 = vector.extract_strided_slice %mul3A_19 {offsets = [0, 192], sizes = [1000, 64], strides = [1, 1]} : vector<1000x256xf32> to vector<1000x64xf32>
    %swap3A_40 = arith.constant 3 : index
    %swap3A_41 = arith.constant 0 : index
    %swap3A_42 = arith.constant 0 : index
    %swap3A_43 = vector.load %arg4[%swap3A_40, %swap3A_41, %swap3A_42] : memref<4x1000x64xf32, #tpu.memory_space<vmem>>, vector<1x1000x64xf32>
    %swap3A_44 = vector.shape_cast %swap3A_43 : vector<1x1000x64xf32> to vector<1000x64xf32>
    %swap3A_45 = vector.shape_cast %slice3A_39 : vector<1000x64xf32> to vector<1x1000x64xf32>
    tpu.vector_store %arg4[%swap3A_40, %swap3A_41, %swap3A_42], %swap3A_45 {strides = array<i32>} : memref<4x1000x64xf32, #tpu.memory_space<vmem>>, vector<1x1000x64xf32>,
    %swap3A_46 = arith.constant 0 : index
    %swap3A_47 = arith.constant 0 : index
    %swap3A_48 = vector.load %arg5[%swap3A_46, %swap3A_47] : memref<1000x1xf32, #tpu.memory_space<vmem>>, vector<1000x1xf32>
    tpu.vector_store %arg5[%swap3A_46, %swap3A_47], %rsqrt3A {strides = array<i32>} : memref<1000x1xf32, #tpu.memory_space<vmem>>, vector<1000x1xf32>,
    return
  }
  func.func @transform_0(%arg0: i32) -> (i32, i32) {
    %c0_i32 = arith.constant 0 : i32
    %c0_i32_0 = arith.constant 0 : i32
    return %arg0, %c0_i32 : i32, i32
  }
  func.func @transform_1(%arg0: i32) -> (i32, i32) {
    %c0_i32 = arith.constant 0 : i32
    %c0_i32_0 = arith.constant 0 : i32
    %c0_i32_1 = arith.constant 0 : i32
    return %c0_i32, %c0_i32_0 : i32, i32
  }
  func.func @transform_2(%arg0: i32) -> (i32, i32, i32) {
    %c0_i32 = arith.constant 0 : i32
    %c0_i32_0 = arith.constant 0 : i32
    %c0_i32_1 = arith.constant 0 : i32
    return %c0_i32, %arg0, %c0_i32_0 : i32, i32, i32
  }
  func.func @transform_3(%arg0: i32) -> (i32, i32, i32) {
    %c0_i32 = arith.constant 0 : i32
    %c0_i32_0 = arith.constant 0 : i32
    %c0_i32_1 = arith.constant 0 : i32
    return %c0_i32, %arg0, %c0_i32_0 : i32, i32, i32
  }
  func.func @transform_4(%arg0: i32) -> (i32, i32) {
    %c0_i32 = arith.constant 0 : i32
    %c0_i32_0 = arith.constant 0 : i32
    return %arg0, %c0_i32 : i32, i32
  }
}

module attributes {stable_mosaic.version = 14 : i64} {
  func.func @_layer_body(%arg0: i32, %arg1: i32, %arg2: memref<4x1000x64xf32, #tpu.memory_space<vmem>>, %arg3: memref<4x1000x64xf32, #tpu.memory_space<vmem>>, %arg4: memref<1000x1xf32, #tpu.memory_space<vmem>>, %arg5: memref<1x256xf32, #tpu.memory_space<vmem>>, %arg6: memref<1x256xf32, #tpu.memory_space<vmem>>, %arg7: memref<1x256xf32, #tpu.memory_space<vmem>>, %arg8: memref<256x256xf32, #tpu.memory_space<vmem>>, %arg9: memref<4x1000x64xf32, #tpu.memory_space<vmem>>, %arg10: memref<2x256xf32, #tpu.memory_space<vmem>>) attributes {dimension_semantics = [#tpu.dimension_semantics<arbitrary>, #tpu.dimension_semantics<arbitrary>], iteration_bounds = array<i64: 2, 10>, scalar_prefetch = 0 : i64, scratch_operands = 1 : i64, tpu.core_type = #tpu.core_type<tc>, window_params = [{transform_indices = @transform_0, window_bounds = array<i64: 4, 1000, 64>}, {transform_indices = @transform_1, window_bounds = array<i64: 4, 1000, 64>}, {transform_indices = @transform_2, window_bounds = array<i64: 1000, 1>}, {pipeline_mode = #tpu.pipeline_mode<synchronous>, transform_indices = @transform_3, window_bounds = array<i64: 1, 256>}, {pipeline_mode = #tpu.pipeline_mode<synchronous>, transform_indices = @transform_4, window_bounds = array<i64: 1, 256>}, {pipeline_mode = #tpu.pipeline_mode<synchronous>, transform_indices = @transform_5, window_bounds = array<i64: 1, 256>}, {pipeline_mode = #tpu.pipeline_mode<synchronous>, transform_indices = @transform_6, window_bounds = array<i64: 256, 256>}, {transform_indices = @transform_7, window_bounds = array<i64: 4, 1000, 64>}]} {
    %get3A = arith.constant 0 : index
    %get3A_0 = arith.constant 0 : index
    %get3A_1 = arith.constant 0 : index
    %get3A_2 = vector.load %arg2[%get3A, %get3A_0, %get3A_1] : memref<4x1000x64xf32, #tpu.memory_space<vmem>>, vector<1x1000x64xf32>
    %get3A_3 = vector.shape_cast %get3A_2 : vector<1x1000x64xf32> to vector<1000x64xf32>
    %get3A_4 = arith.constant 0 : index
    %get3A_5 = arith.constant 0 : index
    %get3A_6 = arith.constant 0 : index
    %get3A_7 = vector.load %arg3[%get3A_4, %get3A_5, %get3A_6] : memref<4x1000x64xf32, #tpu.memory_space<vmem>>, vector<1x1000x64xf32>
    %get3A_8 = vector.shape_cast %get3A_7 : vector<1x1000x64xf32> to vector<1000x64xf32>
    %add3A = arith.addf %get3A_3, %get3A_8 : vector<1000x64xf32>
    %get3A_9 = arith.constant 1 : index
    %get3A_10 = arith.constant 0 : index
    %get3A_11 = arith.constant 0 : index
    %get3A_12 = vector.load %arg2[%get3A_9, %get3A_10, %get3A_11] : memref<4x1000x64xf32, #tpu.memory_space<vmem>>, vector<1x1000x64xf32>
    %get3A_13 = vector.shape_cast %get3A_12 : vector<1x1000x64xf32> to vector<1000x64xf32>
    %get3A_14 = arith.constant 1 : index
    %get3A_15 = arith.constant 0 : index
    %get3A_16 = arith.constant 0 : index
    %get3A_17 = vector.load %arg3[%get3A_14, %get3A_15, %get3A_16] : memref<4x1000x64xf32, #tpu.memory_space<vmem>>, vector<1x1000x64xf32>
    %get3A_18 = vector.shape_cast %get3A_17 : vector<1x1000x64xf32> to vector<1000x64xf32>
    %add3A_19 = arith.addf %get3A_13, %get3A_18 : vector<1000x64xf32>
    %get3A_20 = arith.constant 2 : index
    %get3A_21 = arith.constant 0 : index
    %get3A_22 = arith.constant 0 : index
    %get3A_23 = vector.load %arg2[%get3A_20, %get3A_21, %get3A_22] : memref<4x1000x64xf32, #tpu.memory_space<vmem>>, vector<1x1000x64xf32>
    %get3A_24 = vector.shape_cast %get3A_23 : vector<1x1000x64xf32> to vector<1000x64xf32>
    %get3A_25 = arith.constant 2 : index
    %get3A_26 = arith.constant 0 : index
    %get3A_27 = arith.constant 0 : index
    %get3A_28 = vector.load %arg3[%get3A_25, %get3A_26, %get3A_27] : memref<4x1000x64xf32, #tpu.memory_space<vmem>>, vector<1x1000x64xf32>
    %get3A_29 = vector.shape_cast %get3A_28 : vector<1x1000x64xf32> to vector<1000x64xf32>
    %add3A_30 = arith.addf %get3A_24, %get3A_29 : vector<1000x64xf32>
    %get3A_31 = arith.constant 3 : index
    %get3A_32 = arith.constant 0 : index
    %get3A_33 = arith.constant 0 : index
    %get3A_34 = vector.load %arg2[%get3A_31, %get3A_32, %get3A_33] : memref<4x1000x64xf32, #tpu.memory_space<vmem>>, vector<1x1000x64xf32>
    %get3A_35 = vector.shape_cast %get3A_34 : vector<1x1000x64xf32> to vector<1000x64xf32>
    %get3A_36 = arith.constant 3 : index
    %get3A_37 = arith.constant 0 : index
    %get3A_38 = arith.constant 0 : index
    %get3A_39 = vector.load %arg3[%get3A_36, %get3A_37, %get3A_38] : memref<4x1000x64xf32, #tpu.memory_space<vmem>>, vector<1x1000x64xf32>
    %get3A_40 = vector.shape_cast %get3A_39 : vector<1x1000x64xf32> to vector<1000x64xf32>
    %add3A_41 = arith.addf %get3A_35, %get3A_40 : vector<1000x64xf32>
    %concatenate3A = tpu.concatenate %add3A, %add3A_19, %add3A_30, %add3A_41 in 1 : vector<1000x64xf32>, vector<1000x64xf32>, vector<1000x64xf32>, vector<1000x64xf32> -> vector<1000x256xf32>
    %get3A_42 = arith.constant 0 : index
    %get3A_43 = arith.constant 0 : index
    %get3A_44 = vector.load %arg4[%get3A_42, %get3A_43] : memref<1000x1xf32, #tpu.memory_space<vmem>>, vector<1000x1xf32>
    %mul3A = vector.broadcast %get3A_44 : vector<1000x1xf32> to vector<1000x256xf32>
    %mul3A_45 = arith.mulf %concatenate3A, %mul3A : vector<1000x256xf32>
    %get3A_46 = arith.constant 0 : index
    %get3A_47 = arith.constant 0 : index
    %get3A_48 = vector.load %arg5[%get3A_46, %get3A_47] : memref<1x256xf32, #tpu.memory_space<vmem>>, vector<1x256xf32>
    %add3A_49 = vector.broadcast %get3A_48 : vector<1x256xf32> to vector<1000x256xf32>
    %add3A_50 = arith.addf %mul3A_45, %add3A_49 : vector<1000x256xf32>
    %eq3A = arith.constant 0 : i32
    %eq3A_51 = arith.cmpi eq, %arg0, %eq3A : i32
    %convert_element_type3A = arith.extui %eq3A_51 : i1 to i32
    %cond3A = arith.constant 0 : i32
    %cond3A_52 = arith.cmpi ne, %convert_element_type3A, %cond3A : i32
    scf.if %cond3A_52 {
      %eq3A_58 = arith.constant 0 : i32
      %eq3A_59 = arith.cmpi eq, %arg1, %eq3A_58 : i32
      %convert_element_type3A_60 = arith.extui %eq3A_59 : i1 to i32
      %cond3A_61 = arith.constant 0 : i32
      %cond3A_62 = arith.cmpi ne, %convert_element_type3A_60, %cond3A_61 : i32
      scf.if %cond3A_62 {
        %broadcast_in_dim3A_81 = arith.constant 0.000000e+00 : f32
        %broadcast_in_dim3A_82 = vector.broadcast %broadcast_in_dim3A_81 : f32 to vector<2x256xf32>
        %swap3A_83 = arith.constant 0 : index
        %swap3A_84 = arith.constant 0 : index
        %swap3A_85 = vector.load %arg10[%swap3A_83, %swap3A_84] : memref<2x256xf32, #tpu.memory_space<vmem>>, vector<2x256xf32>
        tpu.vector_store %arg10[%swap3A_83, %swap3A_84], %broadcast_in_dim3A_82 {strides = array<i32>} : memref<2x256xf32, #tpu.memory_space<vmem>>, vector<2x256xf32>,
      } else {
      }
      %get3A_63 = arith.constant 0 : index
      %get3A_64 = arith.constant 0 : index
      %get3A_65 = vector.load %arg10[%get3A_63, %get3A_64] : memref<2x256xf32, #tpu.memory_space<vmem>>, vector<1x256xf32>
      %reduce_sum3A = arith.constant dense<0.000000e+00> : vector<256xf32>
      %reduce_sum3A_66 = vector.multi_reduction <add>, %add3A_50, %reduce_sum3A [0] : vector<1000x256xf32> to vector<256xf32>
      %broadcast_in_dim3A = vector.shape_cast %reduce_sum3A_66 : vector<256xf32> to vector<1x256xf32>
      %add3A_67 = arith.addf %get3A_65, %broadcast_in_dim3A : vector<1x256xf32>
      %swap3A = arith.constant 0 : index
      %swap3A_68 = arith.constant 0 : index
      %swap3A_69 = vector.load %arg10[%swap3A, %swap3A_68] : memref<2x256xf32, #tpu.memory_space<vmem>>, vector<1x256xf32>
      tpu.vector_store %arg10[%swap3A, %swap3A_68], %add3A_67 {strides = array<i32>} : memref<2x256xf32, #tpu.memory_space<vmem>>, vector<1x256xf32>,
      %get3A_70 = arith.constant 1 : index
      %get3A_71 = arith.constant 0 : index
      %get3A_72 = vector.load %arg10[%get3A_70, %get3A_71] : memref<2x256xf32, #tpu.memory_space<vmem>>, vector<1x256xf32>
      %mul3A_73 = arith.mulf %add3A_50, %add3A_50 : vector<1000x256xf32>
      %reduce_sum3A_74 = arith.constant dense<0.000000e+00> : vector<256xf32>
      %reduce_sum3A_75 = vector.multi_reduction <add>, %mul3A_73, %reduce_sum3A_74 [0] : vector<1000x256xf32> to vector<256xf32>
      %broadcast_in_dim3A_76 = vector.shape_cast %reduce_sum3A_75 : vector<256xf32> to vector<1x256xf32>
      %add3A_77 = arith.addf %get3A_72, %broadcast_in_dim3A_76 : vector<1x256xf32>
      %swap3A_78 = arith.constant 1 : index
      %swap3A_79 = arith.constant 0 : index
      %swap3A_80 = vector.load %arg10[%swap3A_78, %swap3A_79] : memref<2x256xf32, #tpu.memory_space<vmem>>, vector<1x256xf32>
      tpu.vector_store %arg10[%swap3A_78, %swap3A_79], %add3A_77 {strides = array<i32>} : memref<2x256xf32, #tpu.memory_space<vmem>>, vector<1x256xf32>,
    } else {
    }
    %eq3A_53 = arith.constant 1 : i32
    %eq3A_54 = arith.cmpi eq, %arg0, %eq3A_53 : i32
    %convert_element_type3A_55 = arith.extui %eq3A_54 : i1 to i32
    %cond3A_56 = arith.constant 0 : i32
    %cond3A_57 = arith.cmpi ne, %convert_element_type3A_55, %cond3A_56 : i32
    scf.if %cond3A_57 {
      %get3A_58 = arith.constant 0 : index
      %get3A_59 = arith.constant 0 : index
      %get3A_60 = vector.load %arg10[%get3A_58, %get3A_59] : memref<2x256xf32, #tpu.memory_space<vmem>>, vector<1x256xf32>
      %mul3A_61 = arith.constant 9.99999974E-5 : f32
      %mul3A_62 = vector.broadcast %mul3A_61 : f32 to vector<1x256xf32>
      %mul3A_63 = arith.mulf %get3A_60, %mul3A_62 : vector<1x256xf32>
      %get3A_64 = arith.constant 1 : index
      %get3A_65 = arith.constant 0 : index
      %get3A_66 = vector.load %arg10[%get3A_64, %get3A_65] : memref<2x256xf32, #tpu.memory_space<vmem>>, vector<1x256xf32>
      %mul3A_67 = arith.constant 9.99999974E-5 : f32
      %mul3A_68 = vector.broadcast %mul3A_67 : f32 to vector<1x256xf32>
      %mul3A_69 = arith.mulf %get3A_66, %mul3A_68 : vector<1x256xf32>
      %mul3A_70 = arith.mulf %mul3A_63, %mul3A_63 : vector<1x256xf32>
      %sub3A = arith.subf %mul3A_69, %mul3A_70 : vector<1x256xf32>
      %add3A_71 = arith.constant 9.99999974E-6 : f32
      %add3A_72 = vector.broadcast %add3A_71 : f32 to vector<1x256xf32>
      %add3A_73 = arith.addf %sub3A, %add3A_72 : vector<1x256xf32>
      %rsqrt3A = math.rsqrt %add3A_73 : vector<1x256xf32>
      %sub3A_74 = vector.broadcast %mul3A_63 : vector<1x256xf32> to vector<1000x256xf32>
      %sub3A_75 = arith.subf %add3A_50, %sub3A_74 : vector<1000x256xf32>
      %mul3A_76 = vector.broadcast %rsqrt3A : vector<1x256xf32> to vector<1000x256xf32>
      %mul3A_77 = arith.mulf %sub3A_75, %mul3A_76 : vector<1000x256xf32>
      %get3A_78 = arith.constant 0 : index
      %get3A_79 = arith.constant 0 : index
      %get3A_80 = vector.load %arg6[%get3A_78, %get3A_79] : memref<1x256xf32, #tpu.memory_space<vmem>>, vector<1x256xf32>
      %mul3A_81 = vector.broadcast %get3A_80 : vector<1x256xf32> to vector<1000x256xf32>
      %mul3A_82 = arith.mulf %mul3A_77, %mul3A_81 : vector<1000x256xf32>
      %get3A_83 = arith.constant 0 : index
      %get3A_84 = arith.constant 0 : index
      %get3A_85 = vector.load %arg7[%get3A_83, %get3A_84] : memref<1x256xf32, #tpu.memory_space<vmem>>, vector<1x256xf32>
      %add3A_86 = vector.broadcast %get3A_85 : vector<1x256xf32> to vector<1000x256xf32>
      %add3A_87 = arith.addf %mul3A_82, %add3A_86 : vector<1000x256xf32>
      %max3A = arith.constant 0.000000e+00 : f32
      %max3A_88 = vector.broadcast %max3A : f32 to vector<1000x256xf32>
      %max3A_89 = arith.maximumf %add3A_87, %max3A_88 : vector<1000x256xf32>
      %get3A_90 = arith.constant 0 : index
      %get3A_91 = arith.constant 0 : index
      %get3A_92 = vector.load %arg8[%get3A_90, %get3A_91] : memref<256x256xf32, #tpu.memory_space<vmem>>, vector<256x256xf32>
      %dot_general3A = arith.constant dense<0.000000e+00> : vector<1000x256xf32>
      %dot_general3A_93 = tpu.matmul %max3A_89, %get3A_92, %dot_general3A {dimension_numbers = #tpu.dot_dimension_numbers<[1], [0], [0], [1], [0, 0, 1, 1], [], []>, transpose_lhs_hint = false} : vector<1000x256xf32>, vector<256x256xf32>, vector<1000x256xf32> -> vector<1000x256xf32>
      %get3A_94 = arith.constant 0 : index
      %get3A_95 = arith.constant 0 : index
      %get3A_96 = vector.load %arg4[%get3A_94, %get3A_95] : memref<1000x1xf32, #tpu.memory_space<vmem>>, vector<1000x1xf32>
      %mul3A_97 = vector.broadcast %get3A_96 : vector<1000x1xf32> to vector<1000x256xf32>
      %mul3A_98 = arith.mulf %dot_general3A_93, %mul3A_97 : vector<1000x256xf32>
      %slice3A = vector.extract_strided_slice %mul3A_98 {offsets = [0, 0], sizes = [1000, 64], strides = [1, 1]} : vector<1000x256xf32> to vector<1000x64xf32>
      %swap3A = arith.constant 0 : index
      %swap3A_99 = arith.constant 0 : index
      %swap3A_100 = arith.constant 0 : index
      %swap3A_101 = vector.load %arg9[%swap3A, %swap3A_99, %swap3A_100] : memref<4x1000x64xf32, #tpu.memory_space<vmem>>, vector<1x1000x64xf32>
      %swap3A_102 = vector.shape_cast %swap3A_101 : vector<1x1000x64xf32> to vector<1000x64xf32>
      %swap3A_103 = vector.shape_cast %slice3A : vector<1000x64xf32> to vector<1x1000x64xf32>
      tpu.vector_store %arg9[%swap3A, %swap3A_99, %swap3A_100], %swap3A_103 {strides = array<i32>} : memref<4x1000x64xf32, #tpu.memory_space<vmem>>, vector<1x1000x64xf32>,
      %slice3A_104 = vector.extract_strided_slice %mul3A_98 {offsets = [0, 64], sizes = [1000, 64], strides = [1, 1]} : vector<1000x256xf32> to vector<1000x64xf32>
      %swap3A_105 = arith.constant 1 : index
      %swap3A_106 = arith.constant 0 : index
      %swap3A_107 = arith.constant 0 : index
      %swap3A_108 = vector.load %arg9[%swap3A_105, %swap3A_106, %swap3A_107] : memref<4x1000x64xf32, #tpu.memory_space<vmem>>, vector<1x1000x64xf32>
      %swap3A_109 = vector.shape_cast %swap3A_108 : vector<1x1000x64xf32> to vector<1000x64xf32>
      %swap3A_110 = vector.shape_cast %slice3A_104 : vector<1000x64xf32> to vector<1x1000x64xf32>
      tpu.vector_store %arg9[%swap3A_105, %swap3A_106, %swap3A_107], %swap3A_110 {strides = array<i32>} : memref<4x1000x64xf32, #tpu.memory_space<vmem>>, vector<1x1000x64xf32>,
      %slice3A_111 = vector.extract_strided_slice %mul3A_98 {offsets = [0, 128], sizes = [1000, 64], strides = [1, 1]} : vector<1000x256xf32> to vector<1000x64xf32>
      %swap3A_112 = arith.constant 2 : index
      %swap3A_113 = arith.constant 0 : index
      %swap3A_114 = arith.constant 0 : index
      %swap3A_115 = vector.load %arg9[%swap3A_112, %swap3A_113, %swap3A_114] : memref<4x1000x64xf32, #tpu.memory_space<vmem>>, vector<1x1000x64xf32>
      %swap3A_116 = vector.shape_cast %swap3A_115 : vector<1x1000x64xf32> to vector<1000x64xf32>
      %swap3A_117 = vector.shape_cast %slice3A_111 : vector<1000x64xf32> to vector<1x1000x64xf32>
      tpu.vector_store %arg9[%swap3A_112, %swap3A_113, %swap3A_114], %swap3A_117 {strides = array<i32>} : memref<4x1000x64xf32, #tpu.memory_space<vmem>>, vector<1x1000x64xf32>,
      %slice3A_118 = vector.extract_strided_slice %mul3A_98 {offsets = [0, 192], sizes = [1000, 64], strides = [1, 1]} : vector<1000x256xf32> to vector<1000x64xf32>
      %swap3A_119 = arith.constant 3 : index
      %swap3A_120 = arith.constant 0 : index
      %swap3A_121 = arith.constant 0 : index
      %swap3A_122 = vector.load %arg9[%swap3A_119, %swap3A_120, %swap3A_121] : memref<4x1000x64xf32, #tpu.memory_space<vmem>>, vector<1x1000x64xf32>
      %swap3A_123 = vector.shape_cast %swap3A_122 : vector<1x1000x64xf32> to vector<1000x64xf32>
      %swap3A_124 = vector.shape_cast %slice3A_118 : vector<1000x64xf32> to vector<1x1000x64xf32>
      tpu.vector_store %arg9[%swap3A_119, %swap3A_120, %swap3A_121], %swap3A_124 {strides = array<i32>} : memref<4x1000x64xf32, #tpu.memory_space<vmem>>, vector<1x1000x64xf32>,
    } else {
    }
    return
  }
  func.func @transform_0(%arg0: i32, %arg1: i32) -> (i32, i32, i32) {
    %c0_i32 = arith.constant 0 : i32
    %c0_i32_0 = arith.constant 0 : i32
    %c0_i32_1 = arith.constant 0 : i32
    return %c0_i32, %arg1, %c0_i32_0 : i32, i32, i32
  }
  func.func @transform_1(%arg0: i32, %arg1: i32) -> (i32, i32, i32) {
    %c0_i32 = arith.constant 0 : i32
    %c0_i32_0 = arith.constant 0 : i32
    %c0_i32_1 = arith.constant 0 : i32
    return %c0_i32, %arg1, %c0_i32_0 : i32, i32, i32
  }
  func.func @transform_2(%arg0: i32, %arg1: i32) -> (i32, i32) {
    %c0_i32 = arith.constant 0 : i32
    %c0_i32_0 = arith.constant 0 : i32
    return %arg1, %c0_i32 : i32, i32
  }
  func.func @transform_3(%arg0: i32, %arg1: i32) -> (i32, i32) {
    %c0_i32 = arith.constant 0 : i32
    %c0_i32_0 = arith.constant 0 : i32
    %c0_i32_1 = arith.constant 0 : i32
    return %c0_i32, %c0_i32_0 : i32, i32
  }
  func.func @transform_4(%arg0: i32, %arg1: i32) -> (i32, i32) {
    %c0_i32 = arith.constant 0 : i32
    %c0_i32_0 = arith.constant 0 : i32
    %c0_i32_1 = arith.constant 0 : i32
    return %c0_i32, %c0_i32_0 : i32, i32
  }
  func.func @transform_5(%arg0: i32, %arg1: i32) -> (i32, i32) {
    %c0_i32 = arith.constant 0 : i32
    %c0_i32_0 = arith.constant 0 : i32
    %c0_i32_1 = arith.constant 0 : i32
    return %c0_i32, %c0_i32_0 : i32, i32
  }
  func.func @transform_6(%arg0: i32, %arg1: i32) -> (i32, i32) {
    %c0_i32 = arith.constant 0 : i32
    %c0_i32_0 = arith.constant 0 : i32
    %c0_i32_1 = arith.constant 0 : i32
    return %c0_i32, %c0_i32_0 : i32, i32
  }
  func.func @transform_7(%arg0: i32, %arg1: i32) -> (i32, i32, i32) {
    %c0_i32 = arith.constant 0 : i32
    %c0_i32_0 = arith.constant 0 : i32
    %c0_i32_1 = arith.constant 0 : i32
    return %c0_i32, %arg1, %c0_i32_0 : i32, i32, i32
  }
}

module attributes {stable_mosaic.version = 14 : i64} {
  func.func @_layer_body(%arg0: i32, %arg1: i32, %arg2: memref<4x1000x64xf32, #tpu.memory_space<vmem>>, %arg3: memref<4x1000x64xf32, #tpu.memory_space<vmem>>, %arg4: memref<1000x1xf32, #tpu.memory_space<vmem>>, %arg5: memref<1x256xf32, #tpu.memory_space<vmem>>, %arg6: memref<1x256xf32, #tpu.memory_space<vmem>>, %arg7: memref<1x256xf32, #tpu.memory_space<vmem>>, %arg8: memref<256x128xf32, #tpu.memory_space<vmem>>, %arg9: memref<2x1000x64xf32, #tpu.memory_space<vmem>>, %arg10: memref<2x256xf32, #tpu.memory_space<vmem>>) attributes {dimension_semantics = [#tpu.dimension_semantics<arbitrary>, #tpu.dimension_semantics<arbitrary>], iteration_bounds = array<i64: 2, 10>, scalar_prefetch = 0 : i64, scratch_operands = 1 : i64, tpu.core_type = #tpu.core_type<tc>, window_params = [{transform_indices = @transform_0, window_bounds = array<i64: 4, 1000, 64>}, {transform_indices = @transform_1, window_bounds = array<i64: 4, 1000, 64>}, {transform_indices = @transform_2, window_bounds = array<i64: 1000, 1>}, {pipeline_mode = #tpu.pipeline_mode<synchronous>, transform_indices = @transform_3, window_bounds = array<i64: 1, 256>}, {pipeline_mode = #tpu.pipeline_mode<synchronous>, transform_indices = @transform_4, window_bounds = array<i64: 1, 256>}, {pipeline_mode = #tpu.pipeline_mode<synchronous>, transform_indices = @transform_5, window_bounds = array<i64: 1, 256>}, {pipeline_mode = #tpu.pipeline_mode<synchronous>, transform_indices = @transform_6, window_bounds = array<i64: 256, 128>}, {transform_indices = @transform_7, window_bounds = array<i64: 2, 1000, 64>}]} {
    %get3A = arith.constant 0 : index
    %get3A_0 = arith.constant 0 : index
    %get3A_1 = arith.constant 0 : index
    %get3A_2 = vector.load %arg2[%get3A, %get3A_0, %get3A_1] : memref<4x1000x64xf32, #tpu.memory_space<vmem>>, vector<1x1000x64xf32>
    %get3A_3 = vector.shape_cast %get3A_2 : vector<1x1000x64xf32> to vector<1000x64xf32>
    %get3A_4 = arith.constant 0 : index
    %get3A_5 = arith.constant 0 : index
    %get3A_6 = arith.constant 0 : index
    %get3A_7 = vector.load %arg3[%get3A_4, %get3A_5, %get3A_6] : memref<4x1000x64xf32, #tpu.memory_space<vmem>>, vector<1x1000x64xf32>
    %get3A_8 = vector.shape_cast %get3A_7 : vector<1x1000x64xf32> to vector<1000x64xf32>
    %add3A = arith.addf %get3A_3, %get3A_8 : vector<1000x64xf32>
    %get3A_9 = arith.constant 1 : index
    %get3A_10 = arith.constant 0 : index
    %get3A_11 = arith.constant 0 : index
    %get3A_12 = vector.load %arg2[%get3A_9, %get3A_10, %get3A_11] : memref<4x1000x64xf32, #tpu.memory_space<vmem>>, vector<1x1000x64xf32>
    %get3A_13 = vector.shape_cast %get3A_12 : vector<1x1000x64xf32> to vector<1000x64xf32>
    %get3A_14 = arith.constant 1 : index
    %get3A_15 = arith.constant 0 : index
    %get3A_16 = arith.constant 0 : index
    %get3A_17 = vector.load %arg3[%get3A_14, %get3A_15, %get3A_16] : memref<4x1000x64xf32, #tpu.memory_space<vmem>>, vector<1x1000x64xf32>
    %get3A_18 = vector.shape_cast %get3A_17 : vector<1x1000x64xf32> to vector<1000x64xf32>
    %add3A_19 = arith.addf %get3A_13, %get3A_18 : vector<1000x64xf32>
    %get3A_20 = arith.constant 2 : index
    %get3A_21 = arith.constant 0 : index
    %get3A_22 = arith.constant 0 : index
    %get3A_23 = vector.load %arg2[%get3A_20, %get3A_21, %get3A_22] : memref<4x1000x64xf32, #tpu.memory_space<vmem>>, vector<1x1000x64xf32>
    %get3A_24 = vector.shape_cast %get3A_23 : vector<1x1000x64xf32> to vector<1000x64xf32>
    %get3A_25 = arith.constant 2 : index
    %get3A_26 = arith.constant 0 : index
    %get3A_27 = arith.constant 0 : index
    %get3A_28 = vector.load %arg3[%get3A_25, %get3A_26, %get3A_27] : memref<4x1000x64xf32, #tpu.memory_space<vmem>>, vector<1x1000x64xf32>
    %get3A_29 = vector.shape_cast %get3A_28 : vector<1x1000x64xf32> to vector<1000x64xf32>
    %add3A_30 = arith.addf %get3A_24, %get3A_29 : vector<1000x64xf32>
    %get3A_31 = arith.constant 3 : index
    %get3A_32 = arith.constant 0 : index
    %get3A_33 = arith.constant 0 : index
    %get3A_34 = vector.load %arg2[%get3A_31, %get3A_32, %get3A_33] : memref<4x1000x64xf32, #tpu.memory_space<vmem>>, vector<1x1000x64xf32>
    %get3A_35 = vector.shape_cast %get3A_34 : vector<1x1000x64xf32> to vector<1000x64xf32>
    %get3A_36 = arith.constant 3 : index
    %get3A_37 = arith.constant 0 : index
    %get3A_38 = arith.constant 0 : index
    %get3A_39 = vector.load %arg3[%get3A_36, %get3A_37, %get3A_38] : memref<4x1000x64xf32, #tpu.memory_space<vmem>>, vector<1x1000x64xf32>
    %get3A_40 = vector.shape_cast %get3A_39 : vector<1x1000x64xf32> to vector<1000x64xf32>
    %add3A_41 = arith.addf %get3A_35, %get3A_40 : vector<1000x64xf32>
    %concatenate3A = tpu.concatenate %add3A, %add3A_19, %add3A_30, %add3A_41 in 1 : vector<1000x64xf32>, vector<1000x64xf32>, vector<1000x64xf32>, vector<1000x64xf32> -> vector<1000x256xf32>
    %get3A_42 = arith.constant 0 : index
    %get3A_43 = arith.constant 0 : index
    %get3A_44 = vector.load %arg4[%get3A_42, %get3A_43] : memref<1000x1xf32, #tpu.memory_space<vmem>>, vector<1000x1xf32>
    %mul3A = vector.broadcast %get3A_44 : vector<1000x1xf32> to vector<1000x256xf32>
    %mul3A_45 = arith.mulf %concatenate3A, %mul3A : vector<1000x256xf32>
    %get3A_46 = arith.constant 0 : index
    %get3A_47 = arith.constant 0 : index
    %get3A_48 = vector.load %arg5[%get3A_46, %get3A_47] : memref<1x256xf32, #tpu.memory_space<vmem>>, vector<1x256xf32>
    %add3A_49 = vector.broadcast %get3A_48 : vector<1x256xf32> to vector<1000x256xf32>
    %add3A_50 = arith.addf %mul3A_45, %add3A_49 : vector<1000x256xf32>
    %eq3A = arith.constant 0 : i32
    %eq3A_51 = arith.cmpi eq, %arg0, %eq3A : i32
    %convert_element_type3A = arith.extui %eq3A_51 : i1 to i32
    %cond3A = arith.constant 0 : i32
    %cond3A_52 = arith.cmpi ne, %convert_element_type3A, %cond3A : i32
    scf.if %cond3A_52 {
      %eq3A_58 = arith.constant 0 : i32
      %eq3A_59 = arith.cmpi eq, %arg1, %eq3A_58 : i32
      %convert_element_type3A_60 = arith.extui %eq3A_59 : i1 to i32
      %cond3A_61 = arith.constant 0 : i32
      %cond3A_62 = arith.cmpi ne, %convert_element_type3A_60, %cond3A_61 : i32
      scf.if %cond3A_62 {
        %broadcast_in_dim3A_81 = arith.constant 0.000000e+00 : f32
        %broadcast_in_dim3A_82 = vector.broadcast %broadcast_in_dim3A_81 : f32 to vector<2x256xf32>
        %swap3A_83 = arith.constant 0 : index
        %swap3A_84 = arith.constant 0 : index
        %swap3A_85 = vector.load %arg10[%swap3A_83, %swap3A_84] : memref<2x256xf32, #tpu.memory_space<vmem>>, vector<2x256xf32>
        tpu.vector_store %arg10[%swap3A_83, %swap3A_84], %broadcast_in_dim3A_82 {strides = array<i32>} : memref<2x256xf32, #tpu.memory_space<vmem>>, vector<2x256xf32>,
      } else {
      }
      %get3A_63 = arith.constant 0 : index
      %get3A_64 = arith.constant 0 : index
      %get3A_65 = vector.load %arg10[%get3A_63, %get3A_64] : memref<2x256xf32, #tpu.memory_space<vmem>>, vector<1x256xf32>
      %reduce_sum3A = arith.constant dense<0.000000e+00> : vector<256xf32>
      %reduce_sum3A_66 = vector.multi_reduction <add>, %add3A_50, %reduce_sum3A [0] : vector<1000x256xf32> to vector<256xf32>
      %broadcast_in_dim3A = vector.shape_cast %reduce_sum3A_66 : vector<256xf32> to vector<1x256xf32>
      %add3A_67 = arith.addf %get3A_65, %broadcast_in_dim3A : vector<1x256xf32>
      %swap3A = arith.constant 0 : index
      %swap3A_68 = arith.constant 0 : index
      %swap3A_69 = vector.load %arg10[%swap3A, %swap3A_68] : memref<2x256xf32, #tpu.memory_space<vmem>>, vector<1x256xf32>
      tpu.vector_store %arg10[%swap3A, %swap3A_68], %add3A_67 {strides = array<i32>} : memref<2x256xf32, #tpu.memory_space<vmem>>, vector<1x256xf32>,
      %get3A_70 = arith.constant 1 : index
      %get3A_71 = arith.constant 0 : index
      %get3A_72 = vector.load %arg10[%get3A_70, %get3A_71] : memref<2x256xf32, #tpu.memory_space<vmem>>, vector<1x256xf32>
      %mul3A_73 = arith.mulf %add3A_50, %add3A_50 : vector<1000x256xf32>
      %reduce_sum3A_74 = arith.constant dense<0.000000e+00> : vector<256xf32>
      %reduce_sum3A_75 = vector.multi_reduction <add>, %mul3A_73, %reduce_sum3A_74 [0] : vector<1000x256xf32> to vector<256xf32>
      %broadcast_in_dim3A_76 = vector.shape_cast %reduce_sum3A_75 : vector<256xf32> to vector<1x256xf32>
      %add3A_77 = arith.addf %get3A_72, %broadcast_in_dim3A_76 : vector<1x256xf32>
      %swap3A_78 = arith.constant 1 : index
      %swap3A_79 = arith.constant 0 : index
      %swap3A_80 = vector.load %arg10[%swap3A_78, %swap3A_79] : memref<2x256xf32, #tpu.memory_space<vmem>>, vector<1x256xf32>
      tpu.vector_store %arg10[%swap3A_78, %swap3A_79], %add3A_77 {strides = array<i32>} : memref<2x256xf32, #tpu.memory_space<vmem>>, vector<1x256xf32>,
    } else {
    }
    %eq3A_53 = arith.constant 1 : i32
    %eq3A_54 = arith.cmpi eq, %arg0, %eq3A_53 : i32
    %convert_element_type3A_55 = arith.extui %eq3A_54 : i1 to i32
    %cond3A_56 = arith.constant 0 : i32
    %cond3A_57 = arith.cmpi ne, %convert_element_type3A_55, %cond3A_56 : i32
    scf.if %cond3A_57 {
      %get3A_58 = arith.constant 0 : index
      %get3A_59 = arith.constant 0 : index
      %get3A_60 = vector.load %arg10[%get3A_58, %get3A_59] : memref<2x256xf32, #tpu.memory_space<vmem>>, vector<1x256xf32>
      %mul3A_61 = arith.constant 9.99999974E-5 : f32
      %mul3A_62 = vector.broadcast %mul3A_61 : f32 to vector<1x256xf32>
      %mul3A_63 = arith.mulf %get3A_60, %mul3A_62 : vector<1x256xf32>
      %get3A_64 = arith.constant 1 : index
      %get3A_65 = arith.constant 0 : index
      %get3A_66 = vector.load %arg10[%get3A_64, %get3A_65] : memref<2x256xf32, #tpu.memory_space<vmem>>, vector<1x256xf32>
      %mul3A_67 = arith.constant 9.99999974E-5 : f32
      %mul3A_68 = vector.broadcast %mul3A_67 : f32 to vector<1x256xf32>
      %mul3A_69 = arith.mulf %get3A_66, %mul3A_68 : vector<1x256xf32>
      %mul3A_70 = arith.mulf %mul3A_63, %mul3A_63 : vector<1x256xf32>
      %sub3A = arith.subf %mul3A_69, %mul3A_70 : vector<1x256xf32>
      %add3A_71 = arith.constant 9.99999974E-6 : f32
      %add3A_72 = vector.broadcast %add3A_71 : f32 to vector<1x256xf32>
      %add3A_73 = arith.addf %sub3A, %add3A_72 : vector<1x256xf32>
      %rsqrt3A = math.rsqrt %add3A_73 : vector<1x256xf32>
      %sub3A_74 = vector.broadcast %mul3A_63 : vector<1x256xf32> to vector<1000x256xf32>
      %sub3A_75 = arith.subf %add3A_50, %sub3A_74 : vector<1000x256xf32>
      %mul3A_76 = vector.broadcast %rsqrt3A : vector<1x256xf32> to vector<1000x256xf32>
      %mul3A_77 = arith.mulf %sub3A_75, %mul3A_76 : vector<1000x256xf32>
      %get3A_78 = arith.constant 0 : index
      %get3A_79 = arith.constant 0 : index
      %get3A_80 = vector.load %arg6[%get3A_78, %get3A_79] : memref<1x256xf32, #tpu.memory_space<vmem>>, vector<1x256xf32>
      %mul3A_81 = vector.broadcast %get3A_80 : vector<1x256xf32> to vector<1000x256xf32>
      %mul3A_82 = arith.mulf %mul3A_77, %mul3A_81 : vector<1000x256xf32>
      %get3A_83 = arith.constant 0 : index
      %get3A_84 = arith.constant 0 : index
      %get3A_85 = vector.load %arg7[%get3A_83, %get3A_84] : memref<1x256xf32, #tpu.memory_space<vmem>>, vector<1x256xf32>
      %add3A_86 = vector.broadcast %get3A_85 : vector<1x256xf32> to vector<1000x256xf32>
      %add3A_87 = arith.addf %mul3A_82, %add3A_86 : vector<1000x256xf32>
      %max3A = arith.constant 0.000000e+00 : f32
      %max3A_88 = vector.broadcast %max3A : f32 to vector<1000x256xf32>
      %max3A_89 = arith.maximumf %add3A_87, %max3A_88 : vector<1000x256xf32>
      %get3A_90 = arith.constant 0 : index
      %get3A_91 = arith.constant 0 : index
      %get3A_92 = vector.load %arg8[%get3A_90, %get3A_91] : memref<256x128xf32, #tpu.memory_space<vmem>>, vector<256x128xf32>
      %dot_general3A = arith.constant dense<0.000000e+00> : vector<1000x128xf32>
      %dot_general3A_93 = tpu.matmul %max3A_89, %get3A_92, %dot_general3A {dimension_numbers = #tpu.dot_dimension_numbers<[1], [0], [0], [1], [0, 0, 1, 1], [], []>, transpose_lhs_hint = false} : vector<1000x256xf32>, vector<256x128xf32>, vector<1000x128xf32> -> vector<1000x128xf32>
      %get3A_94 = arith.constant 0 : index
      %get3A_95 = arith.constant 0 : index
      %get3A_96 = vector.load %arg4[%get3A_94, %get3A_95] : memref<1000x1xf32, #tpu.memory_space<vmem>>, vector<1000x1xf32>
      %mul3A_97 = vector.broadcast %get3A_96 : vector<1000x1xf32> to vector<1000x128xf32>
      %mul3A_98 = arith.mulf %dot_general3A_93, %mul3A_97 : vector<1000x128xf32>
      %slice3A = vector.extract_strided_slice %mul3A_98 {offsets = [0, 0], sizes = [1000, 64], strides = [1, 1]} : vector<1000x128xf32> to vector<1000x64xf32>
      %swap3A = arith.constant 0 : index
      %swap3A_99 = arith.constant 0 : index
      %swap3A_100 = arith.constant 0 : index
      %swap3A_101 = vector.load %arg9[%swap3A, %swap3A_99, %swap3A_100] : memref<2x1000x64xf32, #tpu.memory_space<vmem>>, vector<1x1000x64xf32>
      %swap3A_102 = vector.shape_cast %swap3A_101 : vector<1x1000x64xf32> to vector<1000x64xf32>
      %swap3A_103 = vector.shape_cast %slice3A : vector<1000x64xf32> to vector<1x1000x64xf32>
      tpu.vector_store %arg9[%swap3A, %swap3A_99, %swap3A_100], %swap3A_103 {strides = array<i32>} : memref<2x1000x64xf32, #tpu.memory_space<vmem>>, vector<1x1000x64xf32>,
      %slice3A_104 = vector.extract_strided_slice %mul3A_98 {offsets = [0, 64], sizes = [1000, 64], strides = [1, 1]} : vector<1000x128xf32> to vector<1000x64xf32>
      %swap3A_105 = arith.constant 1 : index
      %swap3A_106 = arith.constant 0 : index
      %swap3A_107 = arith.constant 0 : index
      %swap3A_108 = vector.load %arg9[%swap3A_105, %swap3A_106, %swap3A_107] : memref<2x1000x64xf32, #tpu.memory_space<vmem>>, vector<1x1000x64xf32>
      %swap3A_109 = vector.shape_cast %swap3A_108 : vector<1x1000x64xf32> to vector<1000x64xf32>
      %swap3A_110 = vector.shape_cast %slice3A_104 : vector<1000x64xf32> to vector<1x1000x64xf32>
      tpu.vector_store %arg9[%swap3A_105, %swap3A_106, %swap3A_107], %swap3A_110 {strides = array<i32>} : memref<2x1000x64xf32, #tpu.memory_space<vmem>>, vector<1x1000x64xf32>,
    } else {
    }
    return
  }
  func.func @transform_0(%arg0: i32, %arg1: i32) -> (i32, i32, i32) {
    %c0_i32 = arith.constant 0 : i32
    %c0_i32_0 = arith.constant 0 : i32
    %c0_i32_1 = arith.constant 0 : i32
    return %c0_i32, %arg1, %c0_i32_0 : i32, i32, i32
  }
  func.func @transform_1(%arg0: i32, %arg1: i32) -> (i32, i32, i32) {
    %c0_i32 = arith.constant 0 : i32
    %c0_i32_0 = arith.constant 0 : i32
    %c0_i32_1 = arith.constant 0 : i32
    return %c0_i32, %arg1, %c0_i32_0 : i32, i32, i32
  }
  func.func @transform_2(%arg0: i32, %arg1: i32) -> (i32, i32) {
    %c0_i32 = arith.constant 0 : i32
    %c0_i32_0 = arith.constant 0 : i32
    return %arg1, %c0_i32 : i32, i32
  }
  func.func @transform_3(%arg0: i32, %arg1: i32) -> (i32, i32) {
    %c0_i32 = arith.constant 0 : i32
    %c0_i32_0 = arith.constant 0 : i32
    %c0_i32_1 = arith.constant 0 : i32
    return %c0_i32, %c0_i32_0 : i32, i32
  }
  func.func @transform_4(%arg0: i32, %arg1: i32) -> (i32, i32) {
    %c0_i32 = arith.constant 0 : i32
    %c0_i32_0 = arith.constant 0 : i32
    %c0_i32_1 = arith.constant 0 : i32
    return %c0_i32, %c0_i32_0 : i32, i32
  }
  func.func @transform_5(%arg0: i32, %arg1: i32) -> (i32, i32) {
    %c0_i32 = arith.constant 0 : i32
    %c0_i32_0 = arith.constant 0 : i32
    %c0_i32_1 = arith.constant 0 : i32
    return %c0_i32, %c0_i32_0 : i32, i32
  }
  func.func @transform_6(%arg0: i32, %arg1: i32) -> (i32, i32) {
    %c0_i32 = arith.constant 0 : i32
    %c0_i32_0 = arith.constant 0 : i32
    %c0_i32_1 = arith.constant 0 : i32
    return %c0_i32, %c0_i32_0 : i32, i32
  }
  func.func @transform_7(%arg0: i32, %arg1: i32) -> (i32, i32, i32) {
    %c0_i32 = arith.constant 0 : i32
    %c0_i32_0 = arith.constant 0 : i32
    %c0_i32_1 = arith.constant 0 : i32
    return %c0_i32, %arg1, %c0_i32_0 : i32, i32, i32
  }
}

module attributes {stable_mosaic.version = 14 : i64} {
  func.func @_kc_body(%arg0: i32, %arg1: memref<2x1000x64xf32, #tpu.memory_space<vmem>>, %arg2: memref<2x1000x64xf32, #tpu.memory_space<vmem>>, %arg3: memref<1000x1xf32, #tpu.memory_space<vmem>>, %arg4: memref<1x128xf32, #tpu.memory_space<vmem>>, %arg5: memref<1000x128xf32, #tpu.memory_space<vmem>>) attributes {dimension_semantics = [#tpu.dimension_semantics<arbitrary>], iteration_bounds = array<i64: 10>, scalar_prefetch = 0 : i64, scratch_operands = 0 : i64, tpu.core_type = #tpu.core_type<tc>, window_params = [{transform_indices = @transform_0, window_bounds = array<i64: 2, 1000, 64>}, {transform_indices = @transform_1, window_bounds = array<i64: 2, 1000, 64>}, {transform_indices = @transform_2, window_bounds = array<i64: 1000, 1>}, {pipeline_mode = #tpu.pipeline_mode<synchronous>, transform_indices = @transform_3, window_bounds = array<i64: 1, 128>}, {transform_indices = @transform_4, window_bounds = array<i64: 1000, 128>}]} {
    %get3A = arith.constant 0 : index
    %get3A_0 = arith.constant 0 : index
    %get3A_1 = arith.constant 0 : index
    %get3A_2 = vector.load %arg1[%get3A, %get3A_0, %get3A_1] : memref<2x1000x64xf32, #tpu.memory_space<vmem>>, vector<1x1000x64xf32>
    %get3A_3 = vector.shape_cast %get3A_2 : vector<1x1000x64xf32> to vector<1000x64xf32>
    %get3A_4 = arith.constant 0 : index
    %get3A_5 = arith.constant 0 : index
    %get3A_6 = arith.constant 0 : index
    %get3A_7 = vector.load %arg2[%get3A_4, %get3A_5, %get3A_6] : memref<2x1000x64xf32, #tpu.memory_space<vmem>>, vector<1x1000x64xf32>
    %get3A_8 = vector.shape_cast %get3A_7 : vector<1x1000x64xf32> to vector<1000x64xf32>
    %add3A = arith.addf %get3A_3, %get3A_8 : vector<1000x64xf32>
    %get3A_9 = arith.constant 1 : index
    %get3A_10 = arith.constant 0 : index
    %get3A_11 = arith.constant 0 : index
    %get3A_12 = vector.load %arg1[%get3A_9, %get3A_10, %get3A_11] : memref<2x1000x64xf32, #tpu.memory_space<vmem>>, vector<1x1000x64xf32>
    %get3A_13 = vector.shape_cast %get3A_12 : vector<1x1000x64xf32> to vector<1000x64xf32>
    %get3A_14 = arith.constant 1 : index
    %get3A_15 = arith.constant 0 : index
    %get3A_16 = arith.constant 0 : index
    %get3A_17 = vector.load %arg2[%get3A_14, %get3A_15, %get3A_16] : memref<2x1000x64xf32, #tpu.memory_space<vmem>>, vector<1x1000x64xf32>
    %get3A_18 = vector.shape_cast %get3A_17 : vector<1x1000x64xf32> to vector<1000x64xf32>
    %add3A_19 = arith.addf %get3A_13, %get3A_18 : vector<1000x64xf32>
    %concatenate3A = tpu.concatenate %add3A, %add3A_19 in 1 : vector<1000x64xf32>, vector<1000x64xf32> -> vector<1000x128xf32>
    %get3A_20 = arith.constant 0 : index
    %get3A_21 = arith.constant 0 : index
    %get3A_22 = vector.load %arg3[%get3A_20, %get3A_21] : memref<1000x1xf32, #tpu.memory_space<vmem>>, vector<1000x1xf32>
    %mul3A = vector.broadcast %get3A_22 : vector<1000x1xf32> to vector<1000x128xf32>
    %mul3A_23 = arith.mulf %concatenate3A, %mul3A : vector<1000x128xf32>
    %get3A_24 = arith.constant 0 : index
    %get3A_25 = arith.constant 0 : index
    %get3A_26 = vector.load %arg4[%get3A_24, %get3A_25] : memref<1x128xf32, #tpu.memory_space<vmem>>, vector<1x128xf32>
    %add3A_27 = vector.broadcast %get3A_26 : vector<1x128xf32> to vector<1000x128xf32>
    %add3A_28 = arith.addf %mul3A_23, %add3A_27 : vector<1000x128xf32>
    %reduce_max3A = arith.constant dense<0xFF800000> : vector<1000xf32>
    %reduce_max3A_29 = vector.multi_reduction <maximumf>, %add3A_28, %reduce_max3A [1] : vector<1000x128xf32> to vector<1000xf32>
    %broadcast_in_dim3A = vector.shape_cast %reduce_max3A_29 : vector<1000xf32> to vector<1000x1xf32>
    %sub3A = vector.broadcast %broadcast_in_dim3A : vector<1000x1xf32> to vector<1000x128xf32>
    %sub3A_30 = arith.subf %add3A_28, %sub3A : vector<1000x128xf32>
    %exp3A = math.exp %sub3A_30 : vector<1000x128xf32>
    %reduce_sum3A = arith.constant dense<0.000000e+00> : vector<1000xf32>
    %reduce_sum3A_31 = vector.multi_reduction <add>, %exp3A, %reduce_sum3A [1] : vector<1000x128xf32> to vector<1000xf32>
    %broadcast_in_dim3A_32 = vector.shape_cast %reduce_sum3A_31 : vector<1000xf32> to vector<1000x1xf32>
    %log3A = math.log %broadcast_in_dim3A_32 : vector<1000x1xf32>
    %add3A_33 = arith.addf %log3A, %broadcast_in_dim3A : vector<1000x1xf32>
    %sub3A_34 = vector.broadcast %add3A_33 : vector<1000x1xf32> to vector<1000x128xf32>
    %sub3A_35 = arith.subf %add3A_28, %sub3A_34 : vector<1000x128xf32>
    %swap3A = arith.constant 0 : index
    %swap3A_36 = arith.constant 0 : index
    %swap3A_37 = vector.load %arg5[%swap3A, %swap3A_36] : memref<1000x128xf32, #tpu.memory_space<vmem>>, vector<1000x128xf32>
    tpu.vector_store %arg5[%swap3A, %swap3A_36], %sub3A_35 {strides = array<i32>} : memref<1000x128xf32, #tpu.memory_space<vmem>>, vector<1000x128xf32>,
    return
  }
  func.func @transform_0(%arg0: i32) -> (i32, i32, i32) {
    %c0_i32 = arith.constant 0 : i32
    %c0_i32_0 = arith.constant 0 : i32
    %c0_i32_1 = arith.constant 0 : i32
    return %c0_i32, %arg0, %c0_i32_0 : i32, i32, i32
  }
  func.func @transform_1(%arg0: i32) -> (i32, i32, i32) {
    %c0_i32 = arith.constant 0 : i32
    %c0_i32_0 = arith.constant 0 : i32
    %c0_i32_1 = arith.constant 0 : i32
    return %c0_i32, %arg0, %c0_i32_0 : i32, i32, i32
  }
  func.func @transform_2(%arg0: i32) -> (i32, i32) {
    %c0_i32 = arith.constant 0 : i32
    %c0_i32_0 = arith.constant 0 : i32
    return %arg0, %c0_i32 : i32, i32
  }
  func.func @transform_3(%arg0: i32) -> (i32, i32) {
    %c0_i32 = arith.constant 0 : i32
    %c0_i32_0 = arith.constant 0 : i32
    %c0_i32_1 = arith.constant 0 : i32
    return %c0_i32, %c0_i32_0 : i32, i32
  }
  func.func @transform_4(%arg0: i32) -> (i32, i32) {
    %c0_i32 = arith.constant 0 : i32
    %c0_i32_0 = arith.constant 0 : i32
    return %arg0, %c0_i32 : i32, i32
  }
}

</mosaic_0001>

<sc_bundles>
// kernel: kernel.10.cloned.1.call-start
scs
__scs_entry_jumppad:
0x0: {  	(pc) =	sbr.rel $0x88, $3  }
0x1: {  	(tag) =	ssettag $0x0;
	lr =	simm.s32 $0x1  }
0x2: {  	[smem:$0x3F95] =	sst lr;
	_ =	strace $0xD0000000  }
0x3: {  	_ = 	snop  }
0x4: {  	_ = 	snop  }
0x5: {  	_ = 	snop  }
0x6: {  	_ = 	snop  }
0x7: {  	_ = 	snop  }
__scs_overlays_trampoline_lowered:
0x8: {  	[smem:$0x3FA4] =	sst s0  }
0x9: {  	[smem:$0x3FA5] =	sst s1  }
0xa: {  	[smem:$0x3FA6] =	sst s2  }
0xb: {  	[smem:$0x3FA7] =	sst s3  }
0xc: {  	[smem:$0x3FA8] =	sst s4  }
0xd: {  	[smem:$0x3FA9] =	sst s5  }
0xe: {  	[smem:$0x3FAA] =	sst s6  }
0xf: {  	[smem:$0x3FAB] =	sst s7  }
0x10: {  	[smem:$0x3FAC] =	sst s8  }
0x11: {  	[smem:$0x3FAD] =	sst s9;
	s0 =	simm.s32 @!p0 $0x0  }
0x12: {  	s1 =	sld [smem:$0x3F93];
	s0 =	simm.s32 @p0 $0x1  }
0x13: {  	[smem:$0x3FAE] =	sst s0;
	s0 =	simm.s32 @!p1 $0x0  }
0x14: {  	s2 =	sld [smem:$0x3F92];
	s0 =	simm.s32 @p1 $0x1  }
0x15: {  	[smem:$0x3FAF] =	sst s0;
	s0 =	simm.s32 @!p2 $0x0  }
0x16: {  	s3 =	sld [smem:$0x3FDB];
	s0 =	simm.s32 @p2 $0x1  }
0x17: {  	s4 =	simm.s32 $0x1BF5;
	[smem:$0x3FB1] =	sst s0  }
0x18: {  	s0 =	sld [smem:$0x3F94];
	_ =	swait.ge [sflag:s4], $0x0  }
0x19: {  	s7 =	sld [smem:$0x3F95]  }
0x1a: {  	s8 =	sadd.s32 $0xFFFFE003, lr  }
0x1b: {  	s9 =	sadd.s32 $0xFFFFFEF7, lr;
	s5 =	simm.s32 $0xFFFFFFFF;
	p2 =	slt.u32 s8, $0xFFFFF086  }
0x1c: {  	p1 =	slt.u32 s9, $0xF7A;
	s5 =	simm.s32 @!p2 $0x0  }
0x1d: {  	s5 =	simm.s32 @p1 $0x1;
	p0 =	seq.s32 s7, s2  }
0x1e: {  	s7 =	smul.u32 @!p0 $0xF7A, s2;
	p2 =	seq.s32 @!p0 s5, $0x0  }
0x1f: {  	s9 =	smul.u32 $0xF7A, s1;
	s8 =	simm.s32 @!p0 $0x1BF5;
	p2 =	por !p2, p0  }
0x20: {  	[sflag:s8] =	ssyncset.s32 @!p0 $0xFFFFF086;
	s6 =	sadd.s32 @!p0 s3, s7;
	s7 =	simm.s32 @!p0 $0x108  }
0x21: {  	s3 =	sadd.s32 s3, s9;
	s6 =	sadd.s32 @!p0 $0x88, s6;
	s7 =	simm.s32 @p2 $0x1082  }
0x22: {  	[simem:s7], [sflag:s8] =	dma.local @!p0 [hbm:s6], $0xF7A  }
0x23: {  	s9 =	sor.u32 $0xD0000000, s2;
	s6 =	simm.s32 $0x108;
	_ =	swait.ge @!p0 [sflag:s8], $0x0  }
0x24: {  	s3 =	sadd.s32 $0x88, s3;
	s6 =	simm.s32 @!p1 $0x1082;
	[sflag:s4] =	ssyncset.s32 $0xFFFFF086  }
0x25: {  	[simem:s6], [sflag:s4] =	dma.local [hbm:s3], $0xF7A  }
0x26: {  	[smem:$0x3F95] =	sst s1;
	(tag) =	ssettag s2;
	_ =	strace s9  }
0x27: {  	s1 =	sld [smem:$0x3FA5]  }
0x28: {  	s2 =	sld [smem:$0x3FA6]  }
0x29: {  	s4 =	sld [smem:$0x3FA8]  }
0x2a: {  	p0 =	seq.s32 s5, $0x0;
	s5 =	sld [smem:$0x3FA9]  }
0x2b: {  	s6 =	sld [smem:$0x3FAA]  }
0x2c: {  	s7 =	sld [smem:$0x3FAB]  }
0x2d: {  	s3 =	simm.s32 $0x108;
	s8 =	sld [smem:$0x3FAC]  }
0x2e: {  	s3 =	simm.s32 @!p0 $0x1082;
	s9 =	sld [smem:$0x3FAD]  }
0x2f: {  	lr =	sadd.s32 s0, s3;
	s0 =	sld [smem:$0x3FA4]  }
0x30: {  	s3 =	sld [smem:$0x3FA7]  }
0x31: {  	[smem:$0x3FB0] =	sst s10  }
0x32: {  	s10 =	sld [smem:$0x3FAE];
	_ =	sdelay $0x3  }
0x33: {  	p0 =	seq.s32 s10, $0x1;
	s10 =	sld [smem:$0x3FB0];
	_ =	sdelay $0x3  }
0x34: {  	[smem:$0x3FB0] =	sst s10  }
0x35: {  	s10 =	sld [smem:$0x3FAF];
	_ =	sdelay $0x3  }
0x36: {  	p1 =	seq.s32 s10, $0x1;
	s10 =	sld [smem:$0x3FB0];
	_ =	sdelay $0x3  }
0x37: {  	[smem:$0x3FB0] =	sst s10  }
0x38: {  	s10 =	sld [smem:$0x3FB1]  }
0x39: {  	_ = 	snop;
	(pc) =	sbr.ind lr, $3  }
0x3a: {  	_ = 	snop  }
0x3b: {  	_ = 	snop  }
0x3c: {  	p2 =	seq.s32 s10, $0x1;
	s10 =	sld [smem:$0x3FB0]  }
0x3d: {  	_ =	shalt  }
0x3e: {  	_ =	shalt  }
0x3f: {  	_ =	shalt  }
0x40: {  	_ =	shalt  }
0x41: {  	_ =	shalt  }
0x42: {  	_ =	shalt  }
0x43: {  	_ =	shalt  }
0x44: {  	_ =	shalt  }
0x45: {  	_ =	shalt  }
0x46: {  	_ =	shalt  }
0x47: {  	_ =	shalt  }
0x48: {  	_ =	shalt  }
0x49: {  	_ =	shalt  }
0x4a: {  	_ =	shalt  }
0x4b: {  	_ =	shalt  }
0x4c: {  	_ =	shalt  }
0x4d: {  	_ =	shalt  }
0x4e: {  	_ =	shalt  }
0x4f: {  	_ =	shalt  }
0x50: {  	_ =	shalt  }
0x51: {  	_ =	shalt  }
0x52: {  	_ =	shalt  }
0x53: {  	_ =	shalt  }
0x54: {  	_ =	shalt  }
0x55: {  	_ =	shalt  }
0x56: {  	_ =	shalt  }
0x57: {  	_ =	shalt  }
0x58: {  	_ =	shalt  }
0x59: {  	_ =	shalt  }
0x5a: {  	_ =	shalt  }
0x5b: {  	_ =	shalt  }
0x5c: {  	_ =	shalt  }
0x5d: {  	_ =	shalt  }
0x5e: {  	_ =	shalt  }
0x5f: {  	_ =	shalt  }
0x60: {  	_ =	shalt  }
0x61: {  	_ =	shalt  }
0x62: {  	_ =	shalt  }
0x63: {  	_ =	shalt  }
0x64: {  	_ =	shalt  }
0x65: {  	_ =	shalt  }
0x66: {  	_ =	shalt  }
0x67: {  	_ =	shalt  }
0x68: {  	_ =	shalt  }
0x69: {  	_ =	shalt  }
0x6a: {  	_ =	shalt  }
0x6b: {  	_ =	shalt  }
0x6c: {  	_ =	shalt  }
0x6d: {  	_ =	shalt  }
0x6e: {  	_ =	shalt  }
0x6f: {  	_ =	shalt  }
0x70: {  	_ =	shalt  }
0x71: {  	_ =	shalt  }
0x72: {  	_ =	shalt  }
0x73: {  	_ =	shalt  }
0x74: {  	_ =	shalt  }
0x75: {  	_ =	shalt  }
0x76: {  	_ =	shalt  }
0x77: {  	_ =	shalt  }
0x78: {  	_ =	shalt  }
0x79: {  	_ =	shalt  }
0x7a: {  	_ =	shalt  }
0x7b: {  	_ =	shalt  }
0x7c: {  	_ =	shalt  }
0x7d: {  	_ =	shalt  }
0x7e: {  	_ =	shalt  }
0x7f: {  	_ =	shalt  }
0x80: {  	_ =	shalt  }
0x81: {  	_ =	shalt  }
0x82: {  	_ =	shalt  }
0x83: {  	_ =	shalt  }
0x84: {  	_ =	shalt  }
0x85: {  	_ =	shalt  }
0x86: {  	_ =	shalt  }
0x87: {  	_ =	shalt  }
.Lfunc_end0:
.L_simem_size_0:
called_computation_lowered:
.L_overlay_start_0:
0x88: {  	s2 =	sld [smem:$0x3FD9]  }
0x89: {  	s3 =	sld [smem:$0x3FFE];
	_ =	sdelay $0x1  }
0x8a: {  	s1 =	srdreg.scid  }
0x8b: {  	s0 =	sand.u32 $0x1, s1  }
0x8c: {  	s17 =	sshll.u32 s0, $0xA;
	s2 =	sadd.s32 s3, s2  }
0x8d: {  	s2 =	sadd.s32 s2, s17  }
0x8e: {  	[smem:$0x3FBC] =	sst s2  }
0x8f: {  	_ = 	snop  }
0x90: {  	s2 =	sld [smem:$0x3FD0];
	(tm) =	ssettm $0x1  }
0x91: {  	s18 =	sld [smem:$0x3FFB];
	_ =	sdelay $0x3  }
0x92: {  	_ =	strace s18  }
0x93: {  	s3 =	sld [smem:$0x3FFC];
	_ =	sdelay $0x3  }
0x94: {  	_ =	strace s3  }
0x95: {  	s3 =	sld [smem:$0x3FFD];
	_ =	sdelay $0x3  }
0x96: {  	_ =	strace s3  }
0x97: {  	_ =	strace $0x8FFFFFFF  }
0x98: {  	s19 =	sld [smem:$0x3FDB];
	_ =	sdelay $0x1  }
0x99: {  	s4 =	simm.s32 $_scs_section_size  }
0x9a: {  	s5 =	simm.s32 $_size__tile_overlayer_lowered;
	s6 =	simm.s32 $_tile_overlayer_lowered  }
0x9b: {  	s22 =	simm.s32 $0x1BFF;
	s21 =	sshll.u32 s6, $0x1;
	s3 =	sadd.s32 s4, s19  }
0x9c: {  	s7 =	simm.s32 $0x0;
	s20 =	sshll.u32 s5, $0x1;
	s5 =	sadd.s32 s21, s3  }
0x9d: {  	[timem:s7], [sflag:s22] =	dma.local [hbm:s5], s20  }
0x9e: {  	_ =	swait.ge [sflag:s22], s20  }
0x9f: {  	s4 =	ssub.s32 $0x0, s20;
	[sflag:s22] =	ssyncset.done $0x0  }
0xa0: {  	[sflag:s22] =	ssyncadd.s32 s4;
	_ =	sdelay $0x1  }
0xa1: {  	s23 =	simm.s32 $0x1B8B  }
0xa2: {  	_ =	swait.ge [sflag:s23], $0x1  }
0xa3: {  	[sflag:s23] =	ssyncset.done $0x0  }
0xa4: {  	s25 =	simm.s32 $0x1B8E;
	s24 =	sld [smem:$0x3FFE];
	[sflag:s23] =	ssyncadd.s32 $0xFFFFFFFF  }
0xa5: {  	s26 =	simm.s32 $execute0_lowered;
	[smem:$0x3FD2] =	sst s25  }
0xa6: {  	s5 =	sshll.u32 s26, $0x1;
	_ =	strace $0x80000046;
	[dreg:$0x1] =	wrdreg $0xFFFFFFFF  }
0xa7: {  	s28 =	simm.s32 $_size_execute0_lowered;
	s3 =	sadd.s32 s3, s5;
	[dreg:$0x0] =	wrdreg $0x0  }
0xa8: {  	s5 =	sshll.u32 s28, $0x1;
	[dreg:$0x2] =	wrdreg s3  }
0xa9: {  	[dreg:$0x3] =	wrdreg s5  }
0xaa: {  	[dreg:$0x4] =	wrdreg $0xC0  }
0xab: {  	_ =	task [dreg:s7], $0x5FFFF  }
0xac: {  	[dreg:$0x1] =	wrdreg $0xFFFFFFFF  }
0xad: {  	[dreg:$0x0] =	wrdreg $0x60  }
0xae: {  	[dreg:$0x2] =	wrdreg s24  }
0xaf: {  	[dreg:$0x3] =	wrdreg s2  }
0xb0: {  	[dreg:$0x4] =	wrdreg $0x2F800  }
0xb1: {  	[dreg:$0x5] =	wrdreg $0x9  }
0xb2: {  	_ =	task.clear_ibuf [dreg:s7], $0x6FFFF;
	_ =	strace $0x90000046  }
0xb3: {  	s29 =	simm.s32 $0x9;
	_ =	strace $0x80000048  }
0xb4: {  	_ =	swait.ge [sflag:s29], $0x1  }
0xb5: {  	[sflag:s29] =	ssyncadd.s32 $0xFFFFFFFF  }
0xb6: {  	_ =	strace $0x90000048  }
0xb7: {  	_ =	sfence  }
0xb8: {  	s30 =	sld [smem:$0x0];
	_ =	sdelay $0x2  }
0xb9: {  	s31 =	sshll.u32 s1, $0xD;
	s1 =	sshrl.u32 s1, $0x2  }
0xba: {  	s3 =	sand.u32 $0x4000, s31;
	s1 =	sadd.s32 s1, s30  }
0xbb: {  	s0 =	sor.u32 s3, s0;
	s1 =	sshll.u32 s1, $0x11  }
0xbc: {  	s0 =	sor.u32 s1, s0  }
0xbd: {  	s0 =	sadd.s32 $0x8F2B, s0  }
0xbe: {  	[sflag:s0] =	ssyncadd.remote.s32 $0x1  }
0xbf: {  	_ =	sfence.sel $0xFFFF  }
0xc0: {  	[dreg:$0x0] =	wrdreg $0xFFFFFFFF;
	(pc) =	sbr.abs _section_cstart, $3  }
0xc1: {  	[dreg:$0x1] =	wrdreg $0xFFFFFFFF  }
0xc2: {  	_ =	task.clear_ibuf [dreg:s7], $0x2FFFF;
	_ =	strace $0x9FFFFFFF  }
0xc3: {  	(tm) =	ssettm $0x7FFFFFFF  }
tec
execute0_lowered:
.L_overlay_start_1:
0x0: {  	(tag) =	ssettag $0x1  }
0x1: {  	s4 =	rddreg [dreg:$0x0]  }
0x2: {  	s0 =	srdreg.scid;
	s10 =	rddreg [dreg:$0x1]  }
0x3: {  	s2 =	rddreg [dreg:$0x2];
	s5 =	sand.u32 $0x1, s0  }
0x4: {  	s0 =	stileid.u32;
	s6 =	smul.u32 $0x27800, s5  }
0x5: {  	s1 =	rddreg [dreg:$0x3];
	s3 =	simm.s32 $0x0;
	s7 =	smul.u32 $0x2780, s0  }
0x6: {  	[smem:$0x7FF] =	sst s3;
	s29 =	smul.u32 $0xA000, s0  }
0x7: {  	s14 =	simm.s32 $0x80;
	_ =	strace $0x80000047;
	s8 =	smul.u32 $0x2800, s0  }
0x8: {  	s30 =	ssub.s32 $0x2, s5;
	s11 =	smul.u32 $0x28000, s5;
	s15 =	sshll.u32 s0, $0x6  }
0x9: {  	s31 =	sshrl.u32 s30, $0x1;
	s15 =	sor.u32 $0x1C01, s15;
	s6 =	sadd.s32 s7, s6  }
0xa: {  	s7 =	sshrl.u32 s29, $0x2;
	s12 =	ssub.s32 s30, s31;
	s11 =	sadd.s32 s8, s11  }
0xb: {  	s6 =	sshrl.u32 s6, $0x3;
	s13 =	sadd.s32 s7, s2;
	s11 =	sshrl.u32 s11, $0x3  }
0xc: {  	s9 =	sadd.s32 s6, s4;
	s4 =	sadd.s32 s8, s2;
	s5 =	sadd.s32 $0x800, s13  }
0xd: {  	s6 =	sadd.s32 $0x1000, s13;
	s7 =	sadd.s32 $0x1800, s13;
	s8 =	sadd.s32 $0x2000, s13  }
0xe: {  	s10 =	sadd.s32 s10, s11;
	s11 =	smax.u32 s12, $0x1;
	s12 =	simm.s32 $0x2780  }
0xf: {  	v0 =	vimm.f32 $0.0e+00;
	v1 =	vimm.f32 $1.000000000e+00;
	s13 =	simm.s32 $0x1;
	s9 =	sadd.s32 $0x2800, s9;
	s16 =	sshrl.u32 s4, $0x3  }
.LBB2_1:
0x10: {  	s17 =	simm.s32 $0x40;
	s18 =	simm.s32 $0x0  }
.LBB2_2:
0x11: {  	p0 =	sne.s32 s17, $0x1FC0;
	[tilespmem:s18+$0x2780] =	vst v0;
	s18 =	smov.u32 s17;
	s17 =	sadd.s32 $0x40, s17  }
.Ltmp0:
0x12: {  	(pc) =	sbr.rel @p0 .LBB2_2-.Ltmp0, $2  }
0x13: {  	_ =	sdelay $0x2  }
0x14: {  	s18 =	sshra.s32 s18, $0x2  }
0x15: {  	[tilespmem:s18+$0x2780] =	vst v0  }
0x16: {  	[spmem:s4] =	stream.linear.scatter [tilespmem:s12], [sflag:$0x1], $0x800, $0x38;
	[tilespmem:$0x5780] =	vst v63  }
0x17: {  	_ =	swait.ge [sflag:s13], $0x800  }
0x18: {  	[sflag:s13] =	ssyncset.done $0x0  }
0x19: {  	[sflag:s13] =	ssyncadd.s32 $0xFFFFF800  }
0x1a: {  	[spmem:s5] =	stream.linear.scatter [tilespmem:s12], [sflag:$0x1], $0x800, $0x38;
	[tilespmem:$0x5780] =	vst v63  }
0x1b: {  	_ =	swait.ge [sflag:s13], $0x800  }
0x1c: {  	[sflag:s13] =	ssyncset.done $0x0  }
0x1d: {  	[sflag:s13] =	ssyncadd.s32 $0xFFFFF800  }
0x1e: {  	[spmem:s6] =	stream.linear.scatter [tilespmem:s12], [sflag:$0x1], $0x800, $0x38;
	[tilespmem:$0x5780] =	vst v63  }
0x1f: {  	_ =	swait.ge [sflag:s13], $0x800  }
0x20: {  	[sflag:s13] =	ssyncset.done $0x0  }
0x21: {  	[sflag:s13] =	ssyncadd.s32 $0xFFFFF800  }
0x22: {  	[spmem:s7] =	stream.linear.scatter [tilespmem:s12], [sflag:$0x1], $0x800, $0x38;
	[tilespmem:$0x5780] =	vst v63  }
0x23: {  	_ =	swait.ge [sflag:s13], $0x800  }
0x24: {  	[sflag:s13] =	ssyncset.done $0x0  }
0x25: {  	[sflag:s13] =	ssyncadd.s32 $0xFFFFF800  }
0x26: {  	[spmem:s8] =	stream.linear.scatter [tilespmem:s12], [sflag:$0x1], $0x800, $0x38;
	[tilespmem:$0x5780] =	vst v63  }
0x27: {  	_ =	swait.ge [sflag:s13], $0x800  }
0x28: {  	[sflag:s13] =	ssyncset.done $0x0  }
0x29: {  	[sflag:s13] =	ssyncadd.s32 $0xFFFFF800  }
0x2a: {  	s17 =	simm.s32 $0x40;
	s18 =	simm.s32 $0x0;
	[bflag:$0x0] =	sbarrier.arrive $0xFFFF  }
.LBB2_4:
0x2b: {  	p0 =	sne.s32 s17, $0x1FC0;
	[tilespmem:s18+$0x2780] =	vst v1;
	s18 =	smov.u32 s17;
	s17 =	sadd.s32 $0x40, s17  }
.Ltmp1:
0x2c: {  	(pc) =	sbr.rel @p0 .LBB2_4-.Ltmp1, $2  }
0x2d: {  	_ =	sdelay $0x2  }
0x2e: {  	s18 =	sshra.s32 s18, $0x2  }
0x2f: {  	[tilespmem:s18+$0x2780] =	vst v1;
	s17 =	simm.s32 $0x0  }
0x30: {  	[tilespmem:s17], [sflag:$0x1] =	stream.linear.gather [hbm4b:s9+s17], $0x2780, $0x38;
	[tilespmem:$0x5780] =	vst v63  }
0x31: {  	_ =	swait.ge [sflag:s13], $0x2780  }
0x32: {  	[sflag:s13] =	ssyncset.done $0x0  }
0x33: {  	s31 =	simm.s32 $0x0;
	[sflag:s13] =	ssyncadd.s32 $0xFFFFD880  }
0x34: {  	[spmem:s2] =	stream.indirect.scatter.add.f32 [tilespmem:s12], [sflag:$0x1], $0x10, s31, s14, $0xb8;
	[tilespmem:$0x5780] =	vst v63  }
0x35: {  	_ =	swait.ge [sflag:s13], $0x800  }
0x36: {  	s17 =	simm.s32 $0x200;
	[sflag:s13] =	ssyncset.done $0x0  }
.LBB2_6:
0x37: {  	s18 =	sshra.s32 s17, $0x2;
	[sflag:s13] =	ssyncadd.s32 $0xFFFFF800;
	p0 =	sne.s32 s17, $0x9C00  }
0x38: {  	[spmem:s2] =	stream.indirect.scatter.add.f32 [tilespmem:s12], [sflag:$0x1], $0x10, s18, s14, $0xb8;
	[tilespmem:$0x5780] =	vst v63  }
.Ltmp2:
0x39: {  	_ = 	snop;
	(pc) =	sbr.rel @p0 .LBB2_6-.Ltmp2, $4  }
0x3a: {  	_ = 	snop  }
0x3b: {  	s17 =	sadd.s32 $0x200, s17  }
0x3c: {  	_ =	swait.ge [sflag:s13], $0x800  }
0x3d: {  	[sflag:s13] =	ssyncset.done $0x0  }
0x3e: {  	s3 =	sadd.s32 $0x1, s3  }
0x3f: {  	[sflag:s13] =	ssyncadd.s32 $0xFFFFF800;
	p0 =	sne.s32 s3, s11  }
.Ltmp3:
0x40: {  	[bflag:$0x0] =	sbarrier.arrive $0xFFFF;
	(pc) =	sbr.rel @p0 .LBB2_1-.Ltmp3, $4  }
0x41: {  	[hbm:s10], [sflag:s15] =	dma.local [spmem:s16], $0x500  }
0x42: {  	_ =	swait.ge [sflag:s13], $0x500  }
0x43: {  	[sflag:s13] =	ssyncset.done $0x0  }
0x44: {  	[sflag:s13] =	ssyncadd.s32 $0xFFFFFB00  }
0x45: {  	_ =	sfence.sel $0x180000  }
0x46: {  	[bflag:$0x0] =	sbarrier.arrive $0xFFFF  }
0x47: {  	p0 =	sne.s32 s0, $0x0;
	_ =	strace $0x90000047  }
0x48: {  	s0 =	sadd.s32 @!p0 $0x100000, s1;
	[bflag:$0x2] =	sbarrier.arrive $0xFFFF  }
0x49: {  	[sflag:s0] =	ssyncadd.tile.s32 @!p0 $0x1;
	_ =	shalt  }
.Lfunc_end2:
_tile_overlayer_lowered:
.L_overlay_start_2:
0x4a: {  	(tag) =	ssettag $0x2  }
0x4b: {  	s0 =	rddreg [dreg:$0x0];
	s2 =	stileid.u32  }
0x4c: {  	s1 =	rddreg [dreg:$0x1];
	p0 =	sne.s32 s2, $0x0  }
0x4d: {  	s3 =	rddreg [dreg:$0x2];
	[bflag:$0x3] =	sbarrier.arrive $0xFFFF;
	s2 =	simm.s32 @!p0 $0x1C01  }
0x4e: {  	[timem:s3], [sflag:s2] =	dma.local @!p0 [hbm:s0], s1  }
0x4f: {  	s0 =	simm.s32 @!p0 $0x1  }
0x50: {  	_ =	swait.ge @!p0 [sflag:s0], s1  }
0x51: {  	s1 =	ssub.s32 @!p0 $0x0, s1;
	[sflag:s0] =	ssyncset.done @!p0 $0x0  }
0x52: {  	[sflag:s0] =	ssyncadd.s32 @!p0 s1  }
0x53: {  	[bflag:$0x3] =	sbarrier.arrive $0xFFFF  }
0x54: {  	_ =	shalt  }

// kernel: kernel.13.cloned.1.call-start
scs
__scs_entry_jumppad:
0x0: {  	(pc) =	sbr.rel $0x88, $3  }
0x1: {  	(tag) =	ssettag $0x0;
	lr =	simm.s32 $0x1  }
0x2: {  	[smem:$0x3F95] =	sst lr;
	_ =	strace $0xD0000000  }
0x3: {  	_ = 	snop  }
0x4: {  	_ = 	snop  }
0x5: {  	_ = 	snop  }
0x6: {  	_ = 	snop  }
0x7: {  	_ = 	snop  }
__scs_overlays_trampoline_lowered:
0x8: {  	[smem:$0x3FA4] =	sst s0  }
0x9: {  	[smem:$0x3FA5] =	sst s1  }
0xa: {  	[smem:$0x3FA6] =	sst s2  }
0xb: {  	[smem:$0x3FA7] =	sst s3  }
0xc: {  	[smem:$0x3FA8] =	sst s4  }
0xd: {  	[smem:$0x3FA9] =	sst s5  }
0xe: {  	[smem:$0x3FAA] =	sst s6  }
0xf: {  	[smem:$0x3FAB] =	sst s7  }
0x10: {  	[smem:$0x3FAC] =	sst s8  }
0x11: {  	[smem:$0x3FAD] =	sst s9;
	s0 =	simm.s32 @!p0 $0x0  }
0x12: {  	s1 =	sld [smem:$0x3F93];
	s0 =	simm.s32 @p0 $0x1  }
0x13: {  	[smem:$0x3FAE] =	sst s0;
	s0 =	simm.s32 @!p1 $0x0  }
0x14: {  	s2 =	sld [smem:$0x3F92];
	s0 =	simm.s32 @p1 $0x1  }
0x15: {  	[smem:$0x3FAF] =	sst s0;
	s0 =	simm.s32 @!p2 $0x0  }
0x16: {  	s3 =	sld [smem:$0x3FDB];
	s0 =	simm.s32 @p2 $0x1  }
0x17: {  	s4 =	simm.s32 $0x1BF5;
	[smem:$0x3FB1] =	sst s0  }
0x18: {  	s0 =	sld [smem:$0x3F94];
	_ =	swait.ge [sflag:s4], $0x0  }
0x19: {  	s7 =	sld [smem:$0x3F95]  }
0x1a: {  	s8 =	sadd.s32 $0xFFFFE003, lr  }
0x1b: {  	s9 =	sadd.s32 $0xFFFFFEF7, lr;
	s5 =	simm.s32 $0xFFFFFFFF;
	p2 =	slt.u32 s8, $0xFFFFF086  }
0x1c: {  	p1 =	slt.u32 s9, $0xF7A;
	s5 =	simm.s32 @!p2 $0x0  }
0x1d: {  	s5 =	simm.s32 @p1 $0x1;
	p0 =	seq.s32 s7, s2  }
0x1e: {  	s7 =	smul.u32 @!p0 $0xF7A, s2;
	p2 =	seq.s32 @!p0 s5, $0x0  }
0x1f: {  	s9 =	smul.u32 $0xF7A, s1;
	s8 =	simm.s32 @!p0 $0x1BF5;
	p2 =	por !p2, p0  }
0x20: {  	[sflag:s8] =	ssyncset.s32 @!p0 $0xFFFFF086;
	s6 =	sadd.s32 @!p0 s3, s7;
	s7 =	simm.s32 @!p0 $0x108  }
0x21: {  	s3 =	sadd.s32 s3, s9;
	s6 =	sadd.s32 @!p0 $0x88, s6;
	s7 =	simm.s32 @p2 $0x1082  }
0x22: {  	[simem:s7], [sflag:s8] =	dma.local @!p0 [hbm:s6], $0xF7A  }
0x23: {  	s9 =	sor.u32 $0xD0000000, s2;
	s6 =	simm.s32 $0x108;
	_ =	swait.ge @!p0 [sflag:s8], $0x0  }
0x24: {  	s3 =	sadd.s32 $0x88, s3;
	s6 =	simm.s32 @!p1 $0x1082;
	[sflag:s4] =	ssyncset.s32 $0xFFFFF086  }
0x25: {  	[simem:s6], [sflag:s4] =	dma.local [hbm:s3], $0xF7A  }
0x26: {  	[smem:$0x3F95] =	sst s1;
	(tag) =	ssettag s2;
	_ =	strace s9  }
0x27: {  	s1 =	sld [smem:$0x3FA5]  }
0x28: {  	s2 =	sld [smem:$0x3FA6]  }
0x29: {  	s4 =	sld [smem:$0x3FA8]  }
0x2a: {  	p0 =	seq.s32 s5, $0x0;
	s5 =	sld [smem:$0x3FA9]  }
0x2b: {  	s6 =	sld [smem:$0x3FAA]  }
0x2c: {  	s7 =	sld [smem:$0x3FAB]  }
0x2d: {  	s3 =	simm.s32 $0x108;
	s8 =	sld [smem:$0x3FAC]  }
0x2e: {  	s3 =	simm.s32 @!p0 $0x1082;
	s9 =	sld [smem:$0x3FAD]  }
0x2f: {  	lr =	sadd.s32 s0, s3;
	s0 =	sld [smem:$0x3FA4]  }
0x30: {  	s3 =	sld [smem:$0x3FA7]  }
0x31: {  	[smem:$0x3FB0] =	sst s10  }
0x32: {  	s10 =	sld [smem:$0x3FAE];
	_ =	sdelay $0x3  }
0x33: {  	p0 =	seq.s32 s10, $0x1;
	s10 =	sld [smem:$0x3FB0];
	_ =	sdelay $0x3  }
0x34: {  	[smem:$0x3FB0] =	sst s10  }
0x35: {  	s10 =	sld [smem:$0x3FAF];
	_ =	sdelay $0x3  }
0x36: {  	p1 =	seq.s32 s10, $0x1;
	s10 =	sld [smem:$0x3FB0];
	_ =	sdelay $0x3  }
0x37: {  	[smem:$0x3FB0] =	sst s10  }
0x38: {  	s10 =	sld [smem:$0x3FB1]  }
0x39: {  	_ = 	snop;
	(pc) =	sbr.ind lr, $3  }
0x3a: {  	_ = 	snop  }
0x3b: {  	_ = 	snop  }
0x3c: {  	p2 =	seq.s32 s10, $0x1;
	s10 =	sld [smem:$0x3FB0]  }
0x3d: {  	_ =	shalt  }
0x3e: {  	_ =	shalt  }
0x3f: {  	_ =	shalt  }
0x40: {  	_ =	shalt  }
0x41: {  	_ =	shalt  }
0x42: {  	_ =	shalt  }
0x43: {  	_ =	shalt  }
0x44: {  	_ =	shalt  }
0x45: {  	_ =	shalt  }
0x46: {  	_ =	shalt  }
0x47: {  	_ =	shalt  }
0x48: {  	_ =	shalt  }
0x49: {  	_ =	shalt  }
0x4a: {  	_ =	shalt  }
0x4b: {  	_ =	shalt  }
0x4c: {  	_ =	shalt  }
0x4d: {  	_ =	shalt  }
0x4e: {  	_ =	shalt  }
0x4f: {  	_ =	shalt  }
0x50: {  	_ =	shalt  }
0x51: {  	_ =	shalt  }
0x52: {  	_ =	shalt  }
0x53: {  	_ =	shalt  }
0x54: {  	_ =	shalt  }
0x55: {  	_ =	shalt  }
0x56: {  	_ =	shalt  }
0x57: {  	_ =	shalt  }
0x58: {  	_ =	shalt  }
0x59: {  	_ =	shalt  }
0x5a: {  	_ =	shalt  }
0x5b: {  	_ =	shalt  }
0x5c: {  	_ =	shalt  }
0x5d: {  	_ =	shalt  }
0x5e: {  	_ =	shalt  }
0x5f: {  	_ =	shalt  }
0x60: {  	_ =	shalt  }
0x61: {  	_ =	shalt  }
0x62: {  	_ =	shalt  }
0x63: {  	_ =	shalt  }
0x64: {  	_ =	shalt  }
0x65: {  	_ =	shalt  }
0x66: {  	_ =	shalt  }
0x67: {  	_ =	shalt  }
0x68: {  	_ =	shalt  }
0x69: {  	_ =	shalt  }
0x6a: {  	_ =	shalt  }
0x6b: {  	_ =	shalt  }
0x6c: {  	_ =	shalt  }
0x6d: {  	_ =	shalt  }
0x6e: {  	_ =	shalt  }
0x6f: {  	_ =	shalt  }
0x70: {  	_ =	shalt  }
0x71: {  	_ =	shalt  }
0x72: {  	_ =	shalt  }
0x73: {  	_ =	shalt  }
0x74: {  	_ =	shalt  }
0x75: {  	_ =	shalt  }
0x76: {  	_ =	shalt  }
0x77: {  	_ =	shalt  }
0x78: {  	_ =	shalt  }
0x79: {  	_ =	shalt  }
0x7a: {  	_ =	shalt  }
0x7b: {  	_ =	shalt  }
0x7c: {  	_ =	shalt  }
0x7d: {  	_ =	shalt  }
0x7e: {  	_ =	shalt  }
0x7f: {  	_ =	shalt  }
0x80: {  	_ =	shalt  }
0x81: {  	_ =	shalt  }
0x82: {  	_ =	shalt  }
0x83: {  	_ =	shalt  }
0x84: {  	_ =	shalt  }
0x85: {  	_ =	shalt  }
0x86: {  	_ =	shalt  }
0x87: {  	_ =	shalt  }
.Lfunc_end0:
.L_simem_size_0:
called_computation.1_lowered:
.L_overlay_start_0:
0x88: {  	s2 =	sld [smem:$0x3FD9]  }
0x89: {  	s3 =	sld [smem:$0x3FFE];
	_ =	sdelay $0x1  }
0x8a: {  	s1 =	srdreg.scid  }
0x8b: {  	s0 =	sand.u32 $0x1, s1  }
0x8c: {  	s16 =	sshll.u32 s0, $0xA;
	s2 =	sadd.s32 s3, s2  }
0x8d: {  	s2 =	sadd.s32 s2, s16  }
0x8e: {  	[smem:$0x3FBC] =	sst s2  }
0x8f: {  	_ = 	snop  }
0x90: {  	(tm) =	ssettm $0x1  }
0x91: {  	s17 =	sld [smem:$0x3FFB];
	_ =	sdelay $0x3  }
0x92: {  	_ =	strace s17  }
0x93: {  	s2 =	sld [smem:$0x3FFC];
	_ =	sdelay $0x3  }
0x94: {  	_ =	strace s2  }
0x95: {  	s2 =	sld [smem:$0x3FFD];
	_ =	sdelay $0x3  }
0x96: {  	_ =	strace s2  }
0x97: {  	_ =	strace $0x8FFFFFFF  }
0x98: {  	s18 =	sld [smem:$0x3FDB];
	_ =	sdelay $0x1  }
0x99: {  	s19 =	simm.s32 $_scs_section_size  }
0x9a: {  	s4 =	simm.s32 $_size__tile_overlayer_lowered;
	s5 =	simm.s32 $_tile_overlayer_lowered  }
0x9b: {  	s22 =	simm.s32 $0x1BFF;
	s21 =	sshll.u32 s5, $0x1;
	s2 =	sadd.s32 s19, s18  }
0x9c: {  	s6 =	simm.s32 $0x0;
	s20 =	sshll.u32 s4, $0x1;
	s4 =	sadd.s32 s21, s2  }
0x9d: {  	[timem:s6], [sflag:s22] =	dma.local [hbm:s4], s20  }
0x9e: {  	_ =	swait.ge [sflag:s22], s20  }
0x9f: {  	s3 =	ssub.s32 $0x0, s20;
	[sflag:s22] =	ssyncset.done $0x0  }
0xa0: {  	[sflag:s22] =	ssyncadd.s32 s3;
	_ =	sdelay $0x1  }
0xa1: {  	s23 =	simm.s32 $0x1B8B  }
0xa2: {  	_ =	swait.ge [sflag:s23], $0x1  }
0xa3: {  	[sflag:s23] =	ssyncset.done $0x0  }
0xa4: {  	s25 =	simm.s32 $0x1B8E;
	s24 =	sld [smem:$0x3FFE];
	[sflag:s23] =	ssyncadd.s32 $0xFFFFFFFF  }
0xa5: {  	s26 =	simm.s32 $execute0_lowered;
	[smem:$0x3FD2] =	sst s25  }
0xa6: {  	s4 =	sshll.u32 s26, $0x1;
	_ =	strace $0x80000049;
	[dreg:$0x1] =	wrdreg $0xFFFFFFFF  }
0xa7: {  	s28 =	simm.s32 $_size_execute0_lowered;
	s2 =	sadd.s32 s2, s4;
	[dreg:$0x0] =	wrdreg $0x0  }
0xa8: {  	s4 =	sshll.u32 s28, $0x1;
	[dreg:$0x2] =	wrdreg s2  }
0xa9: {  	[dreg:$0x3] =	wrdreg s4  }
0xaa: {  	[dreg:$0x4] =	wrdreg $0xC0  }
0xab: {  	_ =	task [dreg:s6], $0x5FFFF  }
0xac: {  	[dreg:$0x1] =	wrdreg $0xFFFFFFFF  }
0xad: {  	[dreg:$0x0] =	wrdreg $0x60  }
0xae: {  	[dreg:$0x2] =	wrdreg s24  }
0xaf: {  	[dreg:$0x3] =	wrdreg $0xFE000  }
0xb0: {  	[dreg:$0x4] =	wrdreg $0x9  }
0xb1: {  	_ =	task.clear_ibuf [dreg:s6], $0x5FFFF;
	_ =	strace $0x90000049  }
0xb2: {  	s29 =	simm.s32 $0x9;
	_ =	strace $0x8000004B  }
0xb3: {  	_ =	swait.ge [sflag:s29], $0x1  }
0xb4: {  	[sflag:s29] =	ssyncadd.s32 $0xFFFFFFFF  }
0xb5: {  	_ =	strace $0x9000004B  }
0xb6: {  	_ =	sfence  }
0xb7: {  	s30 =	sld [smem:$0x0];
	_ =	sdelay $0x2  }
0xb8: {  	s31 =	sshll.u32 s1, $0xD;
	s1 =	sshrl.u32 s1, $0x2  }
0xb9: {  	s3 =	sand.u32 $0x4000, s31;
	s1 =	sadd.s32 s1, s30  }
0xba: {  	s0 =	sor.u32 s3, s0;
	s1 =	sshll.u32 s1, $0x11  }
0xbb: {  	s0 =	sor.u32 s1, s0  }
0xbc: {  	s0 =	sadd.s32 $0x8F2B, s0  }
0xbd: {  	[sflag:s0] =	ssyncadd.remote.s32 $0x1  }
0xbe: {  	_ =	sfence.sel $0xFFFF  }
0xbf: {  	[dreg:$0x0] =	wrdreg $0xFFFFFFFF;
	(pc) =	sbr.abs _section_cstart, $3  }
0xc0: {  	[dreg:$0x1] =	wrdreg $0xFFFFFFFF  }
0xc1: {  	_ =	task.clear_ibuf [dreg:s6], $0x2FFFF;
	_ =	strace $0x9FFFFFFF  }
0xc2: {  	(tm) =	ssettm $0x7FFFFFFF  }
0xc3: {  	_ =	shalt  }
tec
execute0_lowered:
.L_overlay_start_1:
0x0: {  	(tag) =	ssettag $0x1  }
0x1: {  	s0 =	rddreg [dreg:$0x0]  }
0x2: {  	s2 =	rddreg [dreg:$0x1];
	s3 =	simm.s32 $0x0  }
0x3: {  	s1 =	stileid.u32;
	s4 =	srdreg.scid;
	s19 =	simm.s32 $0x9E00  }
0x4: {  	s20 =	simm.s32 $0xDE00;
	s21 =	simm.s32 $0xBE00;
	s22 =	simm.s32 $0x1  }
0x5: {  	s23 =	simm.s32 $0x2;
	s28 =	simm.s32 $0x0;
	s12 =	smul.u32 $0x4F00, s1  }
0x6: {  	[smem:$0x7FF] =	sst s3;
	s8 =	sand.u32 $0x1, s4;
	s26 =	smul.u32 $0x28000, s1  }
0x7: {  	s4 =	sadd.s32 $0xD0200, s0;
	s13 =	sadd.s32 $0xC600, s0;
	s14 =	smul.u32 $0xA000, s1  }
0x8: {  	_ =	strace $0x8000004A;
	s5 =	ssub.s32 $0x2, s8;
	s9 =	smul.u32 $0x9E000, s8  }
0x9: {  	s10 =	sshllo.u32 s8, $0x1;
	s17 =	smul.u32 $0x140000, s8;
	s6 =	sshrl.u32 s12, $0x3  }
0xa: {  	s7 =	sshrl.u32 s5, $0x1;
	s29 =	sshrl.u32 s26, $0x2;
	s16 =	smul.u32 $0x4F000, s10  }
0xb: {  	s18 =	smul.u32 $0xA0000, s10;
	s26 =	simm.s32 $0x9D80;
	s6 =	sadd.s32 s6, s0  }
0xc: {  	s0 =	sadd.s32 $0x11E400, s0;
	s15 =	ssub.s32 s5, s7;
	s25 =	sadd.s32 s12, s9  }
0xd: {  	s7 =	sadd.s32 s14, s2;
	s11 =	sadd.s32 s29, s2;
	s30 =	sadd.s32 s14, s17  }
0xe: {  	s17 =	simm.s32 $0x3;
	s24 =	sadd.s32 $0x2800, s6;
	s6 =	sshrl.u32 s25, $0x3  }
0xf: {  	s8 =	sadd.s32 $0x2000, s11;
	s9 =	sadd.s32 $0x4000, s11;
	s10 =	sadd.s32 $0x6000, s11  }
0x10: {  	s11 =	sadd.s32 $0x8000, s11;
	s12 =	sadd.s32 s12, s16;
	s14 =	sadd.s32 s14, s18  }
0x11: {  	s31 =	sshrl.u32 s30, $0x3;
	s15 =	smax.u32 s15, $0x1;
	s18 =	simm.s32 $0x80  }
0x12: {  	s25 =	simm.s32 $0x9D00;
	[dreg:$0x3] =	wrdreg s24;
	s6 =	sadd.s32 s13, s6  }
0x13: {  	s12 =	sshrl.u32 s12, $0x3;
	s14 =	sshrl.u32 s14, $0x3;
	s24 =	simm.s32 $0x4E80  }
0x14: {  	v0 =	vimm.f32 $0.0e+00;
	s12 =	sadd.s32 s13, s12;
	s13 =	sadd.s32 s0, s31;
	s14 =	sadd.s32 s0, s14  }
.LBB2_1:
0x15: {  	s0 =	rddreg [dreg:$0x3];
	s1 =	simm.s32 $0x4F00  }
0x16: {  	[tilespmem:s1], [sflag:$0x3] =	stream.linear.gather [hbm4b:s0+s3], $0x4F00, $0x38;
	[tilespmem:$0x19E00] =	vst v63  }
0x17: {  	_ =	swait.ge [sflag:s17], $0x4F00  }
0x18: {  	[sflag:s17] =	ssyncset.done $0x0  }
0x19: {  	[sflag:s17] =	ssyncadd.s32 $0xFFFFB100  }
0x1a: {  	[tilespmem:s3], [sflag:$0x3] =	stream.linear.gather [hbm4b:s6+s3], $0x4F00, $0x38;
	[tilespmem:$0x19E00] =	vst v63  }
0x1b: {  	s31 =	sand.u32 $0x7F00, s3;
	s30 =	sand.u32 $0x30, s3;
	_ =	swait.ge [sflag:s17], $0x4F00  }
0x1c: {  	s29 =	simm.s32 $0x40;
	s0 =	sshrl.u32 s31, $0x2;
	[sflag:s17] =	ssyncset.done $0x0  }
0x1d: {  	s0 =	sor.u32 s30, s0;
	s30 =	simm.s32 $0x0;
	[sflag:s17] =	ssyncadd.s32 $0xFFFFB100  }
0x1e: {  	[tilespmem:s19], [sflag:$0x1] =	stream.indirect.gather [hbm4b:s4+s18], $0x40, s3, s18, $0xb8;
	[tilespmem:$0x19E00] =	vst v63  }
.LBB2_2:
0x1f: {  	p0 =	sne.s32 s29, $0x7FC0  }
0x20: {  	[tilespmem:s0+$0xDE00] =	vst v0;
	s30 =	sadd.s32 $0x10, s30;
	s0 =	smov.u32 s29;
	s29 =	sadd.s32 $0x40, s29  }
.Ltmp0:
0x21: {  	(pc) =	sbr.rel @p0 .LBB2_2-.Ltmp0, $4  }
0x22: {  	_ = 	snop  }
0x23: {  	s0 =	sand.u32 $0x7F00, s0  }
0x24: {  	s31 =	sand.u32 $0x30, s30;
	s0 =	sshrl.u32 s0, $0x2  }
0x25: {  	s0 =	sor.u32 s31, s0  }
0x26: {  	[tilespmem:s0+$0xDE00] =	vst v0  }
0x27: {  	[spmem:s7] =	stream.linear.scatter [tilespmem:s20], [sflag:$0x3], $0x2000, $0x38;
	[tilespmem:$0x19E00] =	vst v63  }
0x28: {  	_ =	swait.ge [sflag:s17], $0x2000  }
0x29: {  	[sflag:s17] =	ssyncset.done $0x0  }
0x2a: {  	[sflag:s17] =	ssyncadd.s32 $0xFFFFE000  }
0x2b: {  	[spmem:s8] =	stream.linear.scatter [tilespmem:s20], [sflag:$0x3], $0x2000, $0x38;
	[tilespmem:$0x19E00] =	vst v63  }
0x2c: {  	_ =	swait.ge [sflag:s17], $0x2000  }
0x2d: {  	[sflag:s17] =	ssyncset.done $0x0  }
0x2e: {  	[sflag:s17] =	ssyncadd.s32 $0xFFFFE000  }
0x2f: {  	[spmem:s9] =	stream.linear.scatter [tilespmem:s20], [sflag:$0x3], $0x2000, $0x38;
	[tilespmem:$0x19E00] =	vst v63  }
0x30: {  	_ =	swait.ge [sflag:s17], $0x2000  }
0x31: {  	[sflag:s17] =	ssyncset.done $0x0  }
0x32: {  	[sflag:s17] =	ssyncadd.s32 $0xFFFFE000  }
0x33: {  	[spmem:s10] =	stream.linear.scatter [tilespmem:s20], [sflag:$0x3], $0x2000, $0x38;
	[tilespmem:$0x19E00] =	vst v63  }
0x34: {  	_ =	swait.ge [sflag:s17], $0x2000  }
0x35: {  	[sflag:s17] =	ssyncset.done $0x0  }
0x36: {  	[sflag:s17] =	ssyncadd.s32 $0xFFFFE000  }
0x37: {  	[spmem:s11] =	stream.linear.scatter [tilespmem:s20], [sflag:$0x3], $0x2000, $0x38;
	[tilespmem:$0x19E00] =	vst v63  }
0x38: {  	_ =	swait.ge [sflag:s17], $0x2000  }
0x39: {  	[sflag:s17] =	ssyncset.done $0x0  }
0x3a: {  	[sflag:s17] =	ssyncadd.s32 $0xFFFFE000  }
0x3b: {  	s1 =	simm.s32 $0x80;
	[bflag:$0x0] =	sbarrier.arrive $0xFFFF  }
0x3c: {  	[tilespmem:s21], [sflag:$0x2] =	stream.indirect.gather [hbm4b:s4+s18], $0x40, s1, s18, $0xb8;
	[tilespmem:$0x19E00] =	vst v63  }
0x3d: {  	_ =	swait.ge [sflag:s22], $0x2000  }
0x3e: {  	[sflag:s22] =	ssyncset.done $0x0  }
0x3f: {  	s5 =	simm.s32 $0x4F00;
	[sflag:s22] =	ssyncadd.s32 $0xFFFFE000  }
0x40: {  	[spmem:s2] =	stream.indirect.scatter.add.f32 [tilespmem:s19], [sflag:$0x3], $0x40, s5, s18, $0xb8;
	[tilespmem:$0x19E00] =	vst v63  }
0x41: {  	_ =	swait.ge [sflag:s17], $0x2000  }
0x42: {  	[sflag:s17] =	ssyncset.done $0x0  }
0x43: {  	s16 =	simm.s32 $0x100;
	[sflag:s17] =	ssyncadd.s32 $0xFFFFE000  }
0x44: {  	[tilespmem:s19], [sflag:$0x1] =	stream.indirect.gather [hbm4b:s4+s18], $0x40, s16, s18, $0xb8;
	[tilespmem:$0x19E00] =	vst v63  }
0x45: {  	_ =	swait.ge [sflag:s23], $0x2000  }
0x46: {  	[sflag:s23] =	ssyncset.done $0x0  }
0x47: {  	s31 =	simm.s32 $0x4F80;
	[sflag:s23] =	ssyncadd.s32 $0xFFFFE000  }
0x48: {  	[spmem:s2] =	stream.indirect.scatter.add.f32 [tilespmem:s21], [sflag:$0x3], $0x40, s31, s18, $0xb8;
	[tilespmem:$0x19E00] =	vst v63  }
0x49: {  	_ =	swait.ge [sflag:s17], $0x2000  }
0x4a: {  	s30 =	simm.s32 $0x800;
	s29 =	simm.s32 $0x100;
	[sflag:s17] =	ssyncset.done $0x0  }
.LBB2_4:
0x4b: {  	s0 =	sadd.s32 $0x80, s29  }
0x4c: {  	[sflag:s17] =	ssyncadd.s32 $0xFFFFE000;
	s31 =	smov.u32 s30;
	s1 =	sadd.s32 $0x400, s30  }
0x4d: {  	[tilespmem:s21], [sflag:$0x2] =	stream.indirect.gather [hbm4b:s4+s18], $0x40, s0, s18, $0xb8;
	[tilespmem:$0x19E00] =	vst v63  }
0x4e: {  	p0 =	sne.s32 s30, $0x13400;
	_ =	swait.ge [sflag:s22], $0x2000  }
0x4f: {  	[sflag:s22] =	ssyncset.done $0x0  }
0x50: {  	s0 =	sadd.s32 $0x4F00, s29;
	[sflag:s22] =	ssyncadd.s32 $0xFFFFE000  }
0x51: {  	[spmem:s2] =	stream.indirect.scatter.add.f32 [tilespmem:s19], [sflag:$0x3], $0x40, s0, s18, $0xb8;
	[tilespmem:$0x19E00] =	vst v63  }
0x52: {  	_ =	swait.ge [sflag:s17], $0x2000  }
0x53: {  	[sflag:s17] =	ssyncset.done $0x0  }
0x54: {  	s0 =	sadd.s32 $0x100, s29;
	[sflag:s17] =	ssyncadd.s32 $0xFFFFE000  }
0x55: {  	[tilespmem:s19], [sflag:$0x1] =	stream.indirect.gather [hbm4b:s4+s18], $0x40, s0, s18, $0xb8;
	[tilespmem:$0x19E00] =	vst v63  }
0x56: {  	_ =	swait.ge [sflag:s23], $0x2000  }
.Ltmp1:
0x57: {  	[sflag:s23] =	ssyncset.done $0x0;
	(pc) =	sbr.rel @p0 .LBB2_4-.Ltmp1, $4  }
0x58: {  	s0 =	sadd.s32 $0x4F80, s29;
	[sflag:s23] =	ssyncadd.s32 $0xFFFFE000  }
0x59: {  	[spmem:s2] =	stream.indirect.scatter.add.f32 [tilespmem:s21], [sflag:$0x3], $0x40, s0, s18, $0xb8;
	[tilespmem:$0x19E00] =	vst v63  }
0x5a: {  	_ =	swait.ge [sflag:s17], $0x2000  }
0x5b: {  	s30 =	smov.u32 s1;
	s29 =	sshra.s32 s31, $0x2;
	[sflag:s17] =	ssyncset.done $0x0  }
0x5c: {  	s0 =	sadd.s32 $0x80, s29;
	[sflag:s17] =	ssyncadd.s32 $0xFFFFE000  }
0x5d: {  	[tilespmem:s21], [sflag:$0x2] =	stream.indirect.gather [hbm4b:s4+s18], $0x40, s0, s18, $0xb8;
	[tilespmem:$0x19E00] =	vst v63  }
0x5e: {  	_ =	swait.ge [sflag:s22], $0x2000  }
0x5f: {  	[sflag:s22] =	ssyncset.done $0x0  }
0x60: {  	s1 =	sadd.s32 $0x4F00, s29;
	[sflag:s22] =	ssyncadd.s32 $0xFFFFE000  }
0x61: {  	[spmem:s2] =	stream.indirect.scatter.add.f32 [tilespmem:s19], [sflag:$0x3], $0x40, s1, s18, $0xb8;
	[tilespmem:$0x19E00] =	vst v63  }
0x62: {  	_ =	swait.ge [sflag:s17], $0x2000  }
0x63: {  	[sflag:s17] =	ssyncset.done $0x0  }
0x64: {  	s5 =	sadd.s32 $0x100, s29;
	[sflag:s17] =	ssyncadd.s32 $0xFFFFE000  }
0x65: {  	[tilespmem:s19], [sflag:$0x1] =	stream.indirect.gather [hbm4b:s4+s18], $0x40, s5, s18, $0xb8;
	[tilespmem:$0x19E00] =	vst v63  }
0x66: {  	_ =	swait.ge [sflag:s23], $0x2000  }
0x67: {  	[sflag:s23] =	ssyncset.done $0x0  }
0x68: {  	s16 =	sadd.s32 $0x4F80, s29;
	[sflag:s23] =	ssyncadd.s32 $0xFFFFE000  }
0x69: {  	[spmem:s2] =	stream.indirect.scatter.add.f32 [tilespmem:s21], [sflag:$0x3], $0x40, s16, s18, $0xb8;
	[tilespmem:$0x19E00] =	vst v63  }
0x6a: {  	_ =	swait.ge [sflag:s17], $0x2000  }
0x6b: {  	[sflag:s17] =	ssyncset.done $0x0  }
0x6c: {  	[sflag:s17] =	ssyncadd.s32 $0xFFFFE000  }
0x6d: {  	[tilespmem:s21], [sflag:$0x2] =	stream.indirect.gather [hbm4b:s4+s18], $0x40, s24, s18, $0xb8;
	[tilespmem:$0x19E00] =	vst v63  }
0x6e: {  	_ =	swait.ge [sflag:s22], $0x2000  }
0x6f: {  	[sflag:s22] =	ssyncset.done $0x0  }
0x70: {  	[sflag:s22] =	ssyncadd.s32 $0xFFFFE000  }
0x71: {  	[spmem:s2] =	stream.indirect.scatter.add.f32 [tilespmem:s19], [sflag:$0x3], $0x40, s25, s18, $0xb8;
	[tilespmem:$0x19E00] =	vst v63  }
0x72: {  	_ =	swait.ge [sflag:s17], $0x2000  }
0x73: {  	[sflag:s17] =	ssyncset.done $0x0  }
0x74: {  	[sflag:s17] =	ssyncadd.s32 $0xFFFFE000  }
0x75: {  	_ =	swait.ge [sflag:s23], $0x2000  }
0x76: {  	[sflag:s23] =	ssyncset.done $0x0  }
0x77: {  	[sflag:s23] =	ssyncadd.s32 $0xFFFFE000  }
0x78: {  	[spmem:s2] =	stream.indirect.scatter.add.f32 [tilespmem:s21], [sflag:$0x3], $0x40, s26, s18, $0xb8;
	[tilespmem:$0x19E00] =	vst v63  }
0x79: {  	_ =	swait.ge [sflag:s17], $0x2000  }
0x7a: {  	[sflag:s17] =	ssyncset.done $0x0  }
0x7b: {  	[sflag:s17] =	ssyncadd.s32 $0xFFFFE000  }
0x7c: {  	s1 =	simm.s32 $0x0;
	[bflag:$0x0] =	sbarrier.arrive $0xFFFF  }
0x7d: {  	[tilespmem:s1], [sflag:$0x3] =	stream.linear.gather [hbm4b:s12+s1], $0x4F00, $0x38;
	[tilespmem:$0x19E00] =	vst v63  }
0x7e: {  	s5 =	stileid.u32;
	_ =	swait.ge [sflag:s17], $0x4F00  }
0x7f: {  	s0 =	sshll.u32 s5, $0x6;
	[sflag:s17] =	ssyncset.done $0x0  }
0x80: {  	s30 =	sshrl.u32 s7, $0x3;
	s29 =	sor.u32 $0x1C03, s0;
	[sflag:s17] =	ssyncadd.s32 $0xFFFFB100  }
0x81: {  	[tilespmem:s19], [sflag:$0x1] =	stream.indirect.gather [hbm4b:s4+s18], $0x40, s1, s18, $0xb8;
	[tilespmem:$0x19E00] =	vst v63  }
0x82: {  	[hbm:s13], [sflag:s29] =	dma.local [spmem:s30], $0x1400  }
0x83: {  	_ =	swait.ge [sflag:s17], $0x1400  }
0x84: {  	[sflag:s17] =	ssyncset.done $0x0  }
0x85: {  	[sflag:s17] =	ssyncadd.s32 $0xFFFFEC00  }
0x86: {  	[spmem:s7] =	stream.linear.scatter [tilespmem:s20], [sflag:$0x3], $0x2000, $0x38;
	[tilespmem:$0x19E00] =	vst v63  }
0x87: {  	_ =	swait.ge [sflag:s17], $0x2000  }
0x88: {  	[sflag:s17] =	ssyncset.done $0x0  }
0x89: {  	[sflag:s17] =	ssyncadd.s32 $0xFFFFE000  }
0x8a: {  	[spmem:s8] =	stream.linear.scatter [tilespmem:s20], [sflag:$0x3], $0x2000, $0x38;
	[tilespmem:$0x19E00] =	vst v63  }
0x8b: {  	_ =	swait.ge [sflag:s17], $0x2000  }
0x8c: {  	[sflag:s17] =	ssyncset.done $0x0  }
0x8d: {  	[sflag:s17] =	ssyncadd.s32 $0xFFFFE000  }
0x8e: {  	[spmem:s9] =	stream.linear.scatter [tilespmem:s20], [sflag:$0x3], $0x2000, $0x38;
	[tilespmem:$0x19E00] =	vst v63  }
0x8f: {  	_ =	swait.ge [sflag:s17], $0x2000  }
0x90: {  	[sflag:s17] =	ssyncset.done $0x0  }
0x91: {  	[sflag:s17] =	ssyncadd.s32 $0xFFFFE000  }
0x92: {  	[spmem:s10] =	stream.linear.scatter [tilespmem:s20], [sflag:$0x3], $0x2000, $0x38;
	[tilespmem:$0x19E00] =	vst v63  }
0x93: {  	_ =	swait.ge [sflag:s17], $0x2000  }
0x94: {  	[sflag:s17] =	ssyncset.done $0x0  }
0x95: {  	[sflag:s17] =	ssyncadd.s32 $0xFFFFE000  }
0x96: {  	[spmem:s11] =	stream.linear.scatter [tilespmem:s20], [sflag:$0x3], $0x2000, $0x38;
	[tilespmem:$0x19E00] =	vst v63  }
0x97: {  	_ =	swait.ge [sflag:s17], $0x2000  }
0x98: {  	[sflag:s17] =	ssyncset.done $0x0  }
0x99: {  	[sflag:s17] =	ssyncadd.s32 $0xFFFFE000  }
0x9a: {  	s16 =	simm.s32 $0x80;
	[bflag:$0x0] =	sbarrier.arrive $0xFFFF  }
0x9b: {  	[tilespmem:s21], [sflag:$0x2] =	stream.indirect.gather [hbm4b:s4+s18], $0x40, s16, s18, $0xb8;
	[tilespmem:$0x19E00] =	vst v63  }
0x9c: {  	_ =	swait.ge [sflag:s22], $0x2000  }
0x9d: {  	[sflag:s22] =	ssyncset.done $0x0  }
0x9e: {  	s1 =	simm.s32 $0x4F00;
	[sflag:s22] =	ssyncadd.s32 $0xFFFFE000  }
0x9f: {  	[spmem:s2] =	stream.indirect.scatter.add.f32 [tilespmem:s19], [sflag:$0x3], $0x40, s1, s18, $0xb8;
	[tilespmem:$0x19E00] =	vst v63  }
0xa0: {  	_ =	swait.ge [sflag:s17], $0x2000  }
0xa1: {  	[sflag:s17] =	ssyncset.done $0x0  }
0xa2: {  	s5 =	simm.s32 $0x100;
	[sflag:s17] =	ssyncadd.s32 $0xFFFFE000  }
0xa3: {  	[tilespmem:s19], [sflag:$0x1] =	stream.indirect.gather [hbm4b:s4+s18], $0x40, s5, s18, $0xb8;
	[tilespmem:$0x19E00] =	vst v63  }
0xa4: {  	_ =	swait.ge [sflag:s23], $0x2000  }
0xa5: {  	[sflag:s23] =	ssyncset.done $0x0  }
0xa6: {  	s16 =	simm.s32 $0x4F80;
	[sflag:s23] =	ssyncadd.s32 $0xFFFFE000  }
0xa7: {  	[spmem:s2] =	stream.indirect.scatter.add.f32 [tilespmem:s21], [sflag:$0x3], $0x40, s16, s18, $0xb8;
	[tilespmem:$0x19E00] =	vst v63  }
0xa8: {  	_ =	swait.ge [sflag:s17], $0x2000  }
0xa9: {  	s31 =	simm.s32 $0x100;
	s0 =	simm.s32 $0x800;
	[sflag:s17] =	ssyncset.done $0x0  }
.LBB2_6:
0xaa: {  	s1 =	sadd.s32 $0x80, s31  }
0xab: {  	[sflag:s17] =	ssyncadd.s32 $0xFFFFE000;
	s16 =	smov.u32 s0;
	s5 =	sadd.s32 $0x400, s0  }
0xac: {  	[tilespmem:s21], [sflag:$0x2] =	stream.indirect.gather [hbm4b:s4+s18], $0x40, s1, s18, $0xb8;
	[tilespmem:$0x19E00] =	vst v63  }
0xad: {  	p0 =	sne.s32 s0, $0x13400;
	_ =	swait.ge [sflag:s22], $0x2000  }
0xae: {  	[sflag:s22] =	ssyncset.done $0x0  }
0xaf: {  	s0 =	sadd.s32 $0x4F00, s31;
	[sflag:s22] =	ssyncadd.s32 $0xFFFFE000  }
0xb0: {  	[spmem:s2] =	stream.indirect.scatter.add.f32 [tilespmem:s19], [sflag:$0x3], $0x40, s0, s18, $0xb8;
	[tilespmem:$0x19E00] =	vst v63  }
0xb1: {  	_ =	swait.ge [sflag:s17], $0x2000  }
0xb2: {  	[sflag:s17] =	ssyncset.done $0x0  }
0xb3: {  	s0 =	sadd.s32 $0x100, s31;
	[sflag:s17] =	ssyncadd.s32 $0xFFFFE000  }
0xb4: {  	[tilespmem:s19], [sflag:$0x1] =	stream.indirect.gather [hbm4b:s4+s18], $0x40, s0, s18, $0xb8;
	[tilespmem:$0x19E00] =	vst v63  }
0xb5: {  	_ =	swait.ge [sflag:s23], $0x2000  }
.Ltmp2:
0xb6: {  	[sflag:s23] =	ssyncset.done $0x0;
	(pc) =	sbr.rel @p0 .LBB2_6-.Ltmp2, $4  }
0xb7: {  	s0 =	sadd.s32 $0x4F80, s31;
	[sflag:s23] =	ssyncadd.s32 $0xFFFFE000  }
0xb8: {  	[spmem:s2] =	stream.indirect.scatter.add.f32 [tilespmem:s21], [sflag:$0x3], $0x40, s0, s18, $0xb8;
	[tilespmem:$0x19E00] =	vst v63  }
0xb9: {  	_ =	swait.ge [sflag:s17], $0x2000  }
0xba: {  	s31 =	sshra.s32 s16, $0x2;
	s0 =	smov.u32 s5;
	[sflag:s17] =	ssyncset.done $0x0  }
0xbb: {  	s0 =	sadd.s32 $0x80, s31;
	[sflag:s17] =	ssyncadd.s32 $0xFFFFE000  }
0xbc: {  	[tilespmem:s21], [sflag:$0x2] =	stream.indirect.gather [hbm4b:s4+s18], $0x40, s0, s18, $0xb8;
	[tilespmem:$0x19E00] =	vst v63  }
0xbd: {  	_ =	swait.ge [sflag:s22], $0x2000  }
0xbe: {  	[sflag:s22] =	ssyncset.done $0x0  }
0xbf: {  	s5 =	sadd.s32 $0x4F00, s31;
	[sflag:s22] =	ssyncadd.s32 $0xFFFFE000  }
0xc0: {  	[spmem:s2] =	stream.indirect.scatter.add.f32 [tilespmem:s19], [sflag:$0x3], $0x40, s5, s18, $0xb8;
	[tilespmem:$0x19E00] =	vst v63  }
0xc1: {  	_ =	swait.ge [sflag:s17], $0x2000  }
0xc2: {  	[sflag:s17] =	ssyncset.done $0x0  }
0xc3: {  	s16 =	sadd.s32 $0x100, s31;
	[sflag:s17] =	ssyncadd.s32 $0xFFFFE000  }
0xc4: {  	[tilespmem:s19], [sflag:$0x1] =	stream.indirect.gather [hbm4b:s4+s18], $0x40, s16, s18, $0xb8;
	[tilespmem:$0x19E00] =	vst v63  }
0xc5: {  	_ =	swait.ge [sflag:s23], $0x2000  }
0xc6: {  	[sflag:s23] =	ssyncset.done $0x0  }
0xc7: {  	s31 =	sadd.s32 $0x4F80, s31;
	[sflag:s23] =	ssyncadd.s32 $0xFFFFE000  }
0xc8: {  	[spmem:s2] =	stream.indirect.scatter.add.f32 [tilespmem:s21], [sflag:$0x3], $0x40, s31, s18, $0xb8;
	[tilespmem:$0x19E00] =	vst v63  }
0xc9: {  	_ =	swait.ge [sflag:s17], $0x2000  }
0xca: {  	[sflag:s17] =	ssyncset.done $0x0  }
0xcb: {  	[sflag:s17] =	ssyncadd.s32 $0xFFFFE000  }
0xcc: {  	[tilespmem:s21], [sflag:$0x2] =	stream.indirect.gather [hbm4b:s4+s18], $0x40, s24, s18, $0xb8;
	[tilespmem:$0x19E00] =	vst v63  }
0xcd: {  	_ =	swait.ge [sflag:s22], $0x2000  }
0xce: {  	[sflag:s22] =	ssyncset.done $0x0  }
0xcf: {  	[sflag:s22] =	ssyncadd.s32 $0xFFFFE000  }
0xd0: {  	[spmem:s2] =	stream.indirect.scatter.add.f32 [tilespmem:s19], [sflag:$0x3], $0x40, s25, s18, $0xb8;
	[tilespmem:$0x19E00] =	vst v63  }
0xd1: {  	_ =	swait.ge [sflag:s17], $0x2000  }
0xd2: {  	[sflag:s17] =	ssyncset.done $0x0  }
0xd3: {  	[sflag:s17] =	ssyncadd.s32 $0xFFFFE000  }
0xd4: {  	_ =	swait.ge [sflag:s23], $0x2000  }
0xd5: {  	[sflag:s23] =	ssyncset.done $0x0  }
0xd6: {  	[sflag:s23] =	ssyncadd.s32 $0xFFFFE000  }
0xd7: {  	[spmem:s2] =	stream.indirect.scatter.add.f32 [tilespmem:s21], [sflag:$0x3], $0x40, s26, s18, $0xb8;
	[tilespmem:$0x19E00] =	vst v63  }
0xd8: {  	_ =	swait.ge [sflag:s17], $0x2000  }
0xd9: {  	s28 =	sadd.s32 $0x1, s28;
	[sflag:s17] =	ssyncset.done $0x0  }
0xda: {  	p0 =	sne.s32 s28, s15;
	[sflag:s17] =	ssyncadd.s32 $0xFFFFE000  }
.Ltmp3:
0xdb: {  	[bflag:$0x0] =	sbarrier.arrive $0xFFFF;
	(pc) =	sbr.rel @p0 .LBB2_1-.Ltmp3, $4  }
0xdc: {  	[hbm:s14], [sflag:s29] =	dma.local [spmem:s30], $0x1400  }
0xdd: {  	_ =	swait.ge [sflag:s17], $0x1400  }
0xde: {  	[sflag:s17] =	ssyncset.done $0x0  }
0xdf: {  	[sflag:s17] =	ssyncadd.s32 $0xFFFFEC00  }
0xe0: {  	_ =	sfence.sel $0x180000  }
0xe1: {  	[bflag:$0x0] =	sbarrier.arrive $0xFFFF  }
0xe2: {  	_ =	strace $0x9000004A  }
0xe3: {  	s0 =	stileid.u32;
	[bflag:$0x2] =	sbarrier.arrive $0xFFFF  }
0xe4: {  	p0 =	sne.s32 s0, $0x0;
	s0 =	rddreg [dreg:$0x2]  }
0xe5: {  	s0 =	sadd.s32 @!p0 $0x100000, s0  }
0xe6: {  	[sflag:s0] =	ssyncadd.tile.s32 @!p0 $0x1;
	_ =	shalt  }
.Lfunc_end2:
_tile_overlayer_lowered:
.L_overlay_start_2:
0xe7: {  	(tag) =	ssettag $0x2  }
0xe8: {  	s0 =	rddreg [dreg:$0x0];
	s2 =	stileid.u32  }
0xe9: {  	s1 =	rddreg [dreg:$0x1];
	p0 =	sne.s32 s2, $0x0  }
0xea: {  	s3 =	rddreg [dreg:$0x2];
	[bflag:$0x3] =	sbarrier.arrive $0xFFFF;
	s2 =	simm.s32 @!p0 $0x1C03  }
0xeb: {  	[timem:s3], [sflag:s2] =	dma.local @!p0 [hbm:s0], s1  }
0xec: {  	s0 =	simm.s32 @!p0 $0x3  }
0xed: {  	_ =	swait.ge @!p0 [sflag:s0], s1  }
0xee: {  	s1 =	ssub.s32 @!p0 $0x0, s1;
	[sflag:s0] =	ssyncset.done @!p0 $0x0  }
0xef: {  	[sflag:s0] =	ssyncadd.s32 @!p0 s1  }
0xf0: {  	[bflag:$0x3] =	sbarrier.arrive $0xFFFF  }
0xf1: {  	_ =	shalt  }

// kernel: kernel.16.cloned.1.call-start
scs
__scs_entry_jumppad:
0x0: {  	(pc) =	sbr.rel $0x88, $3  }
0x1: {  	(tag) =	ssettag $0x0;
	lr =	simm.s32 $0x1  }
0x2: {  	[smem:$0x3F95] =	sst lr;
	_ =	strace $0xD0000000  }
0x3: {  	_ = 	snop  }
0x4: {  	_ = 	snop  }
0x5: {  	_ = 	snop  }
0x6: {  	_ = 	snop  }
0x7: {  	_ = 	snop  }
__scs_overlays_trampoline_lowered:
0x8: {  	[smem:$0x3FA4] =	sst s0  }
0x9: {  	[smem:$0x3FA5] =	sst s1  }
0xa: {  	[smem:$0x3FA6] =	sst s2  }
0xb: {  	[smem:$0x3FA7] =	sst s3  }
0xc: {  	[smem:$0x3FA8] =	sst s4  }
0xd: {  	[smem:$0x3FA9] =	sst s5  }
0xe: {  	[smem:$0x3FAA] =	sst s6  }
0xf: {  	[smem:$0x3FAB] =	sst s7  }
0x10: {  	[smem:$0x3FAC] =	sst s8  }
0x11: {  	[smem:$0x3FAD] =	sst s9;
	s0 =	simm.s32 @!p0 $0x0  }
0x12: {  	s1 =	sld [smem:$0x3F93];
	s0 =	simm.s32 @p0 $0x1  }
0x13: {  	[smem:$0x3FAE] =	sst s0;
	s0 =	simm.s32 @!p1 $0x0  }
0x14: {  	s2 =	sld [smem:$0x3F92];
	s0 =	simm.s32 @p1 $0x1  }
0x15: {  	[smem:$0x3FAF] =	sst s0;
	s0 =	simm.s32 @!p2 $0x0  }
0x16: {  	s3 =	sld [smem:$0x3FDB];
	s0 =	simm.s32 @p2 $0x1  }
0x17: {  	s4 =	simm.s32 $0x1BF5;
	[smem:$0x3FB1] =	sst s0  }
0x18: {  	s0 =	sld [smem:$0x3F94];
	_ =	swait.ge [sflag:s4], $0x0  }
0x19: {  	s7 =	sld [smem:$0x3F95]  }
0x1a: {  	s8 =	sadd.s32 $0xFFFFE003, lr  }
0x1b: {  	s9 =	sadd.s32 $0xFFFFFEF7, lr;
	s5 =	simm.s32 $0xFFFFFFFF;
	p2 =	slt.u32 s8, $0xFFFFF086  }
0x1c: {  	p1 =	slt.u32 s9, $0xF7A;
	s5 =	simm.s32 @!p2 $0x0  }
0x1d: {  	s5 =	simm.s32 @p1 $0x1;
	p0 =	seq.s32 s7, s2  }
0x1e: {  	s7 =	smul.u32 @!p0 $0xF7A, s2;
	p2 =	seq.s32 @!p0 s5, $0x0  }
0x1f: {  	s9 =	smul.u32 $0xF7A, s1;
	s8 =	simm.s32 @!p0 $0x1BF5;
	p2 =	por !p2, p0  }
0x20: {  	[sflag:s8] =	ssyncset.s32 @!p0 $0xFFFFF086;
	s6 =	sadd.s32 @!p0 s3, s7;
	s7 =	simm.s32 @!p0 $0x108  }
0x21: {  	s3 =	sadd.s32 s3, s9;
	s6 =	sadd.s32 @!p0 $0x88, s6;
	s7 =	simm.s32 @p2 $0x1082  }
0x22: {  	[simem:s7], [sflag:s8] =	dma.local @!p0 [hbm:s6], $0xF7A  }
0x23: {  	s9 =	sor.u32 $0xD0000000, s2;
	s6 =	simm.s32 $0x108;
	_ =	swait.ge @!p0 [sflag:s8], $0x0  }
0x24: {  	s3 =	sadd.s32 $0x88, s3;
	s6 =	simm.s32 @!p1 $0x1082;
	[sflag:s4] =	ssyncset.s32 $0xFFFFF086  }
0x25: {  	[simem:s6], [sflag:s4] =	dma.local [hbm:s3], $0xF7A  }
0x26: {  	[smem:$0x3F95] =	sst s1;
	(tag) =	ssettag s2;
	_ =	strace s9  }
0x27: {  	s1 =	sld [smem:$0x3FA5]  }
0x28: {  	s2 =	sld [smem:$0x3FA6]  }
0x29: {  	s4 =	sld [smem:$0x3FA8]  }
0x2a: {  	p0 =	seq.s32 s5, $0x0;
	s5 =	sld [smem:$0x3FA9]  }
0x2b: {  	s6 =	sld [smem:$0x3FAA]  }
0x2c: {  	s7 =	sld [smem:$0x3FAB]  }
0x2d: {  	s3 =	simm.s32 $0x108;
	s8 =	sld [smem:$0x3FAC]  }
0x2e: {  	s3 =	simm.s32 @!p0 $0x1082;
	s9 =	sld [smem:$0x3FAD]  }
0x2f: {  	lr =	sadd.s32 s0, s3;
	s0 =	sld [smem:$0x3FA4]  }
0x30: {  	s3 =	sld [smem:$0x3FA7]  }
0x31: {  	[smem:$0x3FB0] =	sst s10  }
0x32: {  	s10 =	sld [smem:$0x3FAE];
	_ =	sdelay $0x3  }
0x33: {  	p0 =	seq.s32 s10, $0x1;
	s10 =	sld [smem:$0x3FB0];
	_ =	sdelay $0x3  }
0x34: {  	[smem:$0x3FB0] =	sst s10  }
0x35: {  	s10 =	sld [smem:$0x3FAF];
	_ =	sdelay $0x3  }
0x36: {  	p1 =	seq.s32 s10, $0x1;
	s10 =	sld [smem:$0x3FB0];
	_ =	sdelay $0x3  }
0x37: {  	[smem:$0x3FB0] =	sst s10  }
0x38: {  	s10 =	sld [smem:$0x3FB1]  }
0x39: {  	_ = 	snop;
	(pc) =	sbr.ind lr, $3  }
0x3a: {  	_ = 	snop  }
0x3b: {  	_ = 	snop  }
0x3c: {  	p2 =	seq.s32 s10, $0x1;
	s10 =	sld [smem:$0x3FB0]  }
0x3d: {  	_ =	shalt  }
0x3e: {  	_ =	shalt  }
0x3f: {  	_ =	shalt  }
0x40: {  	_ =	shalt  }
0x41: {  	_ =	shalt  }
0x42: {  	_ =	shalt  }
0x43: {  	_ =	shalt  }
0x44: {  	_ =	shalt  }
0x45: {  	_ =	shalt  }
0x46: {  	_ =	shalt  }
0x47: {  	_ =	shalt  }
0x48: {  	_ =	shalt  }
0x49: {  	_ =	shalt  }
0x4a: {  	_ =	shalt  }
0x4b: {  	_ =	shalt  }
0x4c: {  	_ =	shalt  }
0x4d: {  	_ =	shalt  }
0x4e: {  	_ =	shalt  }
0x4f: {  	_ =	shalt  }
0x50: {  	_ =	shalt  }
0x51: {  	_ =	shalt  }
0x52: {  	_ =	shalt  }
0x53: {  	_ =	shalt  }
0x54: {  	_ =	shalt  }
0x55: {  	_ =	shalt  }
0x56: {  	_ =	shalt  }
0x57: {  	_ =	shalt  }
0x58: {  	_ =	shalt  }
0x59: {  	_ =	shalt  }
0x5a: {  	_ =	shalt  }
0x5b: {  	_ =	shalt  }
0x5c: {  	_ =	shalt  }
0x5d: {  	_ =	shalt  }
0x5e: {  	_ =	shalt  }
0x5f: {  	_ =	shalt  }
0x60: {  	_ =	shalt  }
0x61: {  	_ =	shalt  }
0x62: {  	_ =	shalt  }
0x63: {  	_ =	shalt  }
0x64: {  	_ =	shalt  }
0x65: {  	_ =	shalt  }
0x66: {  	_ =	shalt  }
0x67: {  	_ =	shalt  }
0x68: {  	_ =	shalt  }
0x69: {  	_ =	shalt  }
0x6a: {  	_ =	shalt  }
0x6b: {  	_ =	shalt  }
0x6c: {  	_ =	shalt  }
0x6d: {  	_ =	shalt  }
0x6e: {  	_ =	shalt  }
0x6f: {  	_ =	shalt  }
0x70: {  	_ =	shalt  }
0x71: {  	_ =	shalt  }
0x72: {  	_ =	shalt  }
0x73: {  	_ =	shalt  }
0x74: {  	_ =	shalt  }
0x75: {  	_ =	shalt  }
0x76: {  	_ =	shalt  }
0x77: {  	_ =	shalt  }
0x78: {  	_ =	shalt  }
0x79: {  	_ =	shalt  }
0x7a: {  	_ =	shalt  }
0x7b: {  	_ =	shalt  }
0x7c: {  	_ =	shalt  }
0x7d: {  	_ =	shalt  }
0x7e: {  	_ =	shalt  }
0x7f: {  	_ =	shalt  }
0x80: {  	_ =	shalt  }
0x81: {  	_ =	shalt  }
0x82: {  	_ =	shalt  }
0x83: {  	_ =	shalt  }
0x84: {  	_ =	shalt  }
0x85: {  	_ =	shalt  }
0x86: {  	_ =	shalt  }
0x87: {  	_ =	shalt  }
.Lfunc_end0:
.L_simem_size_0:
called_computation.2_lowered:
.L_overlay_start_0:
0x88: {  	s2 =	sld [smem:$0x3FD9]  }
0x89: {  	s3 =	sld [smem:$0x3FFE];
	_ =	sdelay $0x1  }
0x8a: {  	s1 =	srdreg.scid  }
0x8b: {  	s0 =	sand.u32 $0x1, s1  }
0x8c: {  	s16 =	sshll.u32 s0, $0xA;
	s2 =	sadd.s32 s3, s2  }
0x8d: {  	s2 =	sadd.s32 s2, s16  }
0x8e: {  	[smem:$0x3FBC] =	sst s2  }
0x8f: {  	_ = 	snop  }
0x90: {  	(tm) =	ssettm $0x1  }
0x91: {  	s17 =	sld [smem:$0x3FFB];
	_ =	sdelay $0x3  }
0x92: {  	_ =	strace s17  }
0x93: {  	s2 =	sld [smem:$0x3FFC];
	_ =	sdelay $0x3  }
0x94: {  	_ =	strace s2  }
0x95: {  	s2 =	sld [smem:$0x3FFD];
	_ =	sdelay $0x3  }
0x96: {  	_ =	strace s2  }
0x97: {  	_ =	strace $0x8FFFFFFF  }
0x98: {  	s18 =	sld [smem:$0x3FDB];
	_ =	sdelay $0x1  }
0x99: {  	s19 =	simm.s32 $_scs_section_size  }
0x9a: {  	s4 =	simm.s32 $_size__tile_overlayer_lowered;
	s5 =	simm.s32 $_tile_overlayer_lowered  }
0x9b: {  	s22 =	simm.s32 $0x1BFF;
	s21 =	sshll.u32 s5, $0x1;
	s2 =	sadd.s32 s19, s18  }
0x9c: {  	s6 =	simm.s32 $0x0;
	s20 =	sshll.u32 s4, $0x1;
	s4 =	sadd.s32 s21, s2  }
0x9d: {  	[timem:s6], [sflag:s22] =	dma.local [hbm:s4], s20  }
0x9e: {  	_ =	swait.ge [sflag:s22], s20  }
0x9f: {  	s3 =	ssub.s32 $0x0, s20;
	[sflag:s22] =	ssyncset.done $0x0  }
0xa0: {  	[sflag:s22] =	ssyncadd.s32 s3;
	_ =	sdelay $0x1  }
0xa1: {  	s23 =	simm.s32 $0x1B8B  }
0xa2: {  	_ =	swait.ge [sflag:s23], $0x1  }
0xa3: {  	[sflag:s23] =	ssyncset.done $0x0  }
0xa4: {  	s25 =	simm.s32 $0x1B8E;
	s24 =	sld [smem:$0x3FFE];
	[sflag:s23] =	ssyncadd.s32 $0xFFFFFFFF  }
0xa5: {  	s26 =	simm.s32 $execute0_lowered;
	[smem:$0x3FD2] =	sst s25  }
0xa6: {  	s4 =	sshll.u32 s26, $0x1;
	_ =	strace $0x8000004C;
	[dreg:$0x1] =	wrdreg $0xFFFFFFFF  }
0xa7: {  	s28 =	simm.s32 $_size_execute0_lowered;
	s2 =	sadd.s32 s2, s4;
	[dreg:$0x0] =	wrdreg $0x0  }
0xa8: {  	s4 =	sshll.u32 s28, $0x1;
	[dreg:$0x2] =	wrdreg s2  }
0xa9: {  	[dreg:$0x3] =	wrdreg s4  }
0xaa: {  	[dreg:$0x4] =	wrdreg $0xC0  }
0xab: {  	_ =	task [dreg:s6], $0x5FFFF  }
0xac: {  	[dreg:$0x1] =	wrdreg $0xFFFFFFFF  }
0xad: {  	[dreg:$0x0] =	wrdreg $0x60  }
0xae: {  	[dreg:$0x2] =	wrdreg s24  }
0xaf: {  	[dreg:$0x3] =	wrdreg $0xFE000  }
0xb0: {  	[dreg:$0x4] =	wrdreg $0x9  }
0xb1: {  	_ =	task.clear_ibuf [dreg:s6], $0x5FFFF;
	_ =	strace $0x9000004C  }
0xb2: {  	s29 =	simm.s32 $0x9;
	_ =	strace $0x8000004E  }
0xb3: {  	_ =	swait.ge [sflag:s29], $0x1  }
0xb4: {  	[sflag:s29] =	ssyncadd.s32 $0xFFFFFFFF  }
0xb5: {  	_ =	strace $0x9000004E  }
0xb6: {  	_ =	sfence  }
0xb7: {  	s30 =	sld [smem:$0x0];
	_ =	sdelay $0x2  }
0xb8: {  	s31 =	sshll.u32 s1, $0xD;
	s1 =	sshrl.u32 s1, $0x2  }
0xb9: {  	s3 =	sand.u32 $0x4000, s31;
	s1 =	sadd.s32 s1, s30  }
0xba: {  	s0 =	sor.u32 s3, s0;
	s1 =	sshll.u32 s1, $0x11  }
0xbb: {  	s0 =	sor.u32 s1, s0  }
0xbc: {  	s0 =	sadd.s32 $0x8F2B, s0  }
0xbd: {  	[sflag:s0] =	ssyncadd.remote.s32 $0x1  }
0xbe: {  	_ =	sfence.sel $0xFFFF  }
0xbf: {  	[dreg:$0x0] =	wrdreg $0xFFFFFFFF;
	(pc) =	sbr.abs _section_cstart, $3  }
0xc0: {  	[dreg:$0x1] =	wrdreg $0xFFFFFFFF  }
0xc1: {  	_ =	task.clear_ibuf [dreg:s6], $0x2FFFF;
	_ =	strace $0x9FFFFFFF  }
0xc2: {  	(tm) =	ssettm $0x7FFFFFFF  }
0xc3: {  	_ =	shalt  }
tec
execute0_lowered:
.L_overlay_start_1:
0x0: {  	(tag) =	ssettag $0x1  }
0x1: {  	s0 =	rddreg [dreg:$0x0]  }
0x2: {  	s2 =	rddreg [dreg:$0x1];
	s3 =	simm.s32 $0x0  }
0x3: {  	s1 =	stileid.u32;
	s4 =	srdreg.scid;
	s19 =	simm.s32 $0x9E00  }
0x4: {  	s20 =	simm.s32 $0xDE00;
	s21 =	simm.s32 $0xBE00;
	s22 =	simm.s32 $0x1  }
0x5: {  	s23 =	simm.s32 $0x2;
	s28 =	simm.s32 $0x0;
	s12 =	smul.u32 $0x4F00, s1  }
0x6: {  	[smem:$0x7FF] =	sst s3;
	s8 =	sand.u32 $0x1, s4;
	s26 =	smul.u32 $0x28000, s1  }
0x7: {  	s4 =	sadd.s32 $0x33E00, s0;
	s13 =	sadd.s32 $0xC600, s0;
	s14 =	smul.u32 $0xA000, s1  }
0x8: {  	_ =	strace $0x8000004D;
	s5 =	ssub.s32 $0x2, s8;
	s9 =	smul.u32 $0x9E000, s8  }
0x9: {  	s10 =	sshllo.u32 s8, $0x1;
	s17 =	smul.u32 $0x140000, s8;
	s6 =	sshrl.u32 s12, $0x3  }
0xa: {  	s7 =	sshrl.u32 s5, $0x1;
	s29 =	sshrl.u32 s26, $0x2;
	s16 =	smul.u32 $0x4F000, s10  }
0xb: {  	s18 =	smul.u32 $0xA0000, s10;
	s26 =	simm.s32 $0x9D80;
	s6 =	sadd.s32 s6, s0  }
0xc: {  	s0 =	sadd.s32 $0x16C600, s0;
	s15 =	ssub.s32 s5, s7;
	s25 =	sadd.s32 s12, s9  }
0xd: {  	s7 =	sadd.s32 s14, s2;
	s11 =	sadd.s32 s29, s2;
	s30 =	sadd.s32 s14, s17  }
0xe: {  	s17 =	simm.s32 $0x3;
	s24 =	sadd.s32 $0x2800, s6;
	s6 =	sshrl.u32 s25, $0x3  }
0xf: {  	s8 =	sadd.s32 $0x2000, s11;
	s9 =	sadd.s32 $0x4000, s11;
	s10 =	sadd.s32 $0x6000, s11  }
0x10: {  	s11 =	sadd.s32 $0x8000, s11;
	s12 =	sadd.s32 s12, s16;
	s14 =	sadd.s32 s14, s18  }
0x11: {  	s31 =	sshrl.u32 s30, $0x3;
	s15 =	smax.u32 s15, $0x1;
	s18 =	simm.s32 $0x80  }
0x12: {  	s25 =	simm.s32 $0x9D00;
	[dreg:$0x3] =	wrdreg s24;
	s6 =	sadd.s32 s13, s6  }
0x13: {  	s12 =	sshrl.u32 s12, $0x3;
	s14 =	sshrl.u32 s14, $0x3;
	s24 =	simm.s32 $0x4E80  }
0x14: {  	v0 =	vimm.f32 $0.0e+00;
	s12 =	sadd.s32 s13, s12;
	s13 =	sadd.s32 s0, s31;
	s14 =	sadd.s32 s0, s14  }
.LBB2_1:
0x15: {  	s0 =	rddreg [dreg:$0x3];
	s1 =	simm.s32 $0x4F00  }
0x16: {  	[tilespmem:s1], [sflag:$0x3] =	stream.linear.gather [hbm4b:s0+s3], $0x4F00, $0x38;
	[tilespmem:$0x19E00] =	vst v63  }
0x17: {  	_ =	swait.ge [sflag:s17], $0x4F00  }
0x18: {  	[sflag:s17] =	ssyncset.done $0x0  }
0x19: {  	[sflag:s17] =	ssyncadd.s32 $0xFFFFB100  }
0x1a: {  	[tilespmem:s3], [sflag:$0x3] =	stream.linear.gather [hbm4b:s6+s3], $0x4F00, $0x38;
	[tilespmem:$0x19E00] =	vst v63  }
0x1b: {  	s31 =	sand.u32 $0x7F00, s3;
	s30 =	sand.u32 $0x30, s3;
	_ =	swait.ge [sflag:s17], $0x4F00  }
0x1c: {  	s29 =	simm.s32 $0x40;
	s0 =	sshrl.u32 s31, $0x2;
	[sflag:s17] =	ssyncset.done $0x0  }
0x1d: {  	s0 =	sor.u32 s30, s0;
	s30 =	simm.s32 $0x0;
	[sflag:s17] =	ssyncadd.s32 $0xFFFFB100  }
0x1e: {  	[tilespmem:s19], [sflag:$0x1] =	stream.indirect.gather [hbm4b:s4+s18], $0x40, s3, s18, $0xb8;
	[tilespmem:$0x19E00] =	vst v63  }
.LBB2_2:
0x1f: {  	p0 =	sne.s32 s29, $0x7FC0  }
0x20: {  	[tilespmem:s0+$0xDE00] =	vst v0;
	s30 =	sadd.s32 $0x10, s30;
	s0 =	smov.u32 s29;
	s29 =	sadd.s32 $0x40, s29  }
.Ltmp0:
0x21: {  	(pc) =	sbr.rel @p0 .LBB2_2-.Ltmp0, $4  }
0x22: {  	_ = 	snop  }
0x23: {  	s0 =	sand.u32 $0x7F00, s0  }
0x24: {  	s31 =	sand.u32 $0x30, s30;
	s0 =	sshrl.u32 s0, $0x2  }
0x25: {  	s0 =	sor.u32 s31, s0  }
0x26: {  	[tilespmem:s0+$0xDE00] =	vst v0  }
0x27: {  	[spmem:s7] =	stream.linear.scatter [tilespmem:s20], [sflag:$0x3], $0x2000, $0x38;
	[tilespmem:$0x19E00] =	vst v63  }
0x28: {  	_ =	swait.ge [sflag:s17], $0x2000  }
0x29: {  	[sflag:s17] =	ssyncset.done $0x0  }
0x2a: {  	[sflag:s17] =	ssyncadd.s32 $0xFFFFE000  }
0x2b: {  	[spmem:s8] =	stream.linear.scatter [tilespmem:s20], [sflag:$0x3], $0x2000, $0x38;
	[tilespmem:$0x19E00] =	vst v63  }
0x2c: {  	_ =	swait.ge [sflag:s17], $0x2000  }
0x2d: {  	[sflag:s17] =	ssyncset.done $0x0  }
0x2e: {  	[sflag:s17] =	ssyncadd.s32 $0xFFFFE000  }
0x2f: {  	[spmem:s9] =	stream.linear.scatter [tilespmem:s20], [sflag:$0x3], $0x2000, $0x38;
	[tilespmem:$0x19E00] =	vst v63  }
0x30: {  	_ =	swait.ge [sflag:s17], $0x2000  }
0x31: {  	[sflag:s17] =	ssyncset.done $0x0  }
0x32: {  	[sflag:s17] =	ssyncadd.s32 $0xFFFFE000  }
0x33: {  	[spmem:s10] =	stream.linear.scatter [tilespmem:s20], [sflag:$0x3], $0x2000, $0x38;
	[tilespmem:$0x19E00] =	vst v63  }
0x34: {  	_ =	swait.ge [sflag:s17], $0x2000  }
0x35: {  	[sflag:s17] =	ssyncset.done $0x0  }
0x36: {  	[sflag:s17] =	ssyncadd.s32 $0xFFFFE000  }
0x37: {  	[spmem:s11] =	stream.linear.scatter [tilespmem:s20], [sflag:$0x3], $0x2000, $0x38;
	[tilespmem:$0x19E00] =	vst v63  }
0x38: {  	_ =	swait.ge [sflag:s17], $0x2000  }
0x39: {  	[sflag:s17] =	ssyncset.done $0x0  }
0x3a: {  	[sflag:s17] =	ssyncadd.s32 $0xFFFFE000  }
0x3b: {  	s1 =	simm.s32 $0x80;
	[bflag:$0x0] =	sbarrier.arrive $0xFFFF  }
0x3c: {  	[tilespmem:s21], [sflag:$0x2] =	stream.indirect.gather [hbm4b:s4+s18], $0x40, s1, s18, $0xb8;
	[tilespmem:$0x19E00] =	vst v63  }
0x3d: {  	_ =	swait.ge [sflag:s22], $0x2000  }
0x3e: {  	[sflag:s22] =	ssyncset.done $0x0  }
0x3f: {  	s5 =	simm.s32 $0x4F00;
	[sflag:s22] =	ssyncadd.s32 $0xFFFFE000  }
0x40: {  	[spmem:s2] =	stream.indirect.scatter.add.f32 [tilespmem:s19], [sflag:$0x3], $0x40, s5, s18, $0xb8;
	[tilespmem:$0x19E00] =	vst v63  }
0x41: {  	_ =	swait.ge [sflag:s17], $0x2000  }
0x42: {  	[sflag:s17] =	ssyncset.done $0x0  }
0x43: {  	s16 =	simm.s32 $0x100;
	[sflag:s17] =	ssyncadd.s32 $0xFFFFE000  }
0x44: {  	[tilespmem:s19], [sflag:$0x1] =	stream.indirect.gather [hbm4b:s4+s18], $0x40, s16, s18, $0xb8;
	[tilespmem:$0x19E00] =	vst v63  }
0x45: {  	_ =	swait.ge [sflag:s23], $0x2000  }
0x46: {  	[sflag:s23] =	ssyncset.done $0x0  }
0x47: {  	s31 =	simm.s32 $0x4F80;
	[sflag:s23] =	ssyncadd.s32 $0xFFFFE000  }
0x48: {  	[spmem:s2] =	stream.indirect.scatter.add.f32 [tilespmem:s21], [sflag:$0x3], $0x40, s31, s18, $0xb8;
	[tilespmem:$0x19E00] =	vst v63  }
0x49: {  	_ =	swait.ge [sflag:s17], $0x2000  }
0x4a: {  	s30 =	simm.s32 $0x800;
	s29 =	simm.s32 $0x100;
	[sflag:s17] =	ssyncset.done $0x0  }
.LBB2_4:
0x4b: {  	s0 =	sadd.s32 $0x80, s29  }
0x4c: {  	[sflag:s17] =	ssyncadd.s32 $0xFFFFE000;
	s31 =	smov.u32 s30;
	s1 =	sadd.s32 $0x400, s30  }
0x4d: {  	[tilespmem:s21], [sflag:$0x2] =	stream.indirect.gather [hbm4b:s4+s18], $0x40, s0, s18, $0xb8;
	[tilespmem:$0x19E00] =	vst v63  }
0x4e: {  	p0 =	sne.s32 s30, $0x13400;
	_ =	swait.ge [sflag:s22], $0x2000  }
0x4f: {  	[sflag:s22] =	ssyncset.done $0x0  }
0x50: {  	s0 =	sadd.s32 $0x4F00, s29;
	[sflag:s22] =	ssyncadd.s32 $0xFFFFE000  }
0x51: {  	[spmem:s2] =	stream.indirect.scatter.add.f32 [tilespmem:s19], [sflag:$0x3], $0x40, s0, s18, $0xb8;
	[tilespmem:$0x19E00] =	vst v63  }
0x52: {  	_ =	swait.ge [sflag:s17], $0x2000  }
0x53: {  	[sflag:s17] =	ssyncset.done $0x0  }
0x54: {  	s0 =	sadd.s32 $0x100, s29;
	[sflag:s17] =	ssyncadd.s32 $0xFFFFE000  }
0x55: {  	[tilespmem:s19], [sflag:$0x1] =	stream.indirect.gather [hbm4b:s4+s18], $0x40, s0, s18, $0xb8;
	[tilespmem:$0x19E00] =	vst v63  }
0x56: {  	_ =	swait.ge [sflag:s23], $0x2000  }
.Ltmp1:
0x57: {  	[sflag:s23] =	ssyncset.done $0x0;
	(pc) =	sbr.rel @p0 .LBB2_4-.Ltmp1, $4  }
0x58: {  	s0 =	sadd.s32 $0x4F80, s29;
	[sflag:s23] =	ssyncadd.s32 $0xFFFFE000  }
0x59: {  	[spmem:s2] =	stream.indirect.scatter.add.f32 [tilespmem:s21], [sflag:$0x3], $0x40, s0, s18, $0xb8;
	[tilespmem:$0x19E00] =	vst v63  }
0x5a: {  	_ =	swait.ge [sflag:s17], $0x2000  }
0x5b: {  	s30 =	smov.u32 s1;
	s29 =	sshra.s32 s31, $0x2;
	[sflag:s17] =	ssyncset.done $0x0  }
0x5c: {  	s0 =	sadd.s32 $0x80, s29;
	[sflag:s17] =	ssyncadd.s32 $0xFFFFE000  }
0x5d: {  	[tilespmem:s21], [sflag:$0x2] =	stream.indirect.gather [hbm4b:s4+s18], $0x40, s0, s18, $0xb8;
	[tilespmem:$0x19E00] =	vst v63  }
0x5e: {  	_ =	swait.ge [sflag:s22], $0x2000  }
0x5f: {  	[sflag:s22] =	ssyncset.done $0x0  }
0x60: {  	s1 =	sadd.s32 $0x4F00, s29;
	[sflag:s22] =	ssyncadd.s32 $0xFFFFE000  }
0x61: {  	[spmem:s2] =	stream.indirect.scatter.add.f32 [tilespmem:s19], [sflag:$0x3], $0x40, s1, s18, $0xb8;
	[tilespmem:$0x19E00] =	vst v63  }
0x62: {  	_ =	swait.ge [sflag:s17], $0x2000  }
0x63: {  	[sflag:s17] =	ssyncset.done $0x0  }
0x64: {  	s5 =	sadd.s32 $0x100, s29;
	[sflag:s17] =	ssyncadd.s32 $0xFFFFE000  }
0x65: {  	[tilespmem:s19], [sflag:$0x1] =	stream.indirect.gather [hbm4b:s4+s18], $0x40, s5, s18, $0xb8;
	[tilespmem:$0x19E00] =	vst v63  }
0x66: {  	_ =	swait.ge [sflag:s23], $0x2000  }
0x67: {  	[sflag:s23] =	ssyncset.done $0x0  }
0x68: {  	s16 =	sadd.s32 $0x4F80, s29;
	[sflag:s23] =	ssyncadd.s32 $0xFFFFE000  }
0x69: {  	[spmem:s2] =	stream.indirect.scatter.add.f32 [tilespmem:s21], [sflag:$0x3], $0x40, s16, s18, $0xb8;
	[tilespmem:$0x19E00] =	vst v63  }
0x6a: {  	_ =	swait.ge [sflag:s17], $0x2000  }
0x6b: {  	[sflag:s17] =	ssyncset.done $0x0  }
0x6c: {  	[sflag:s17] =	ssyncadd.s32 $0xFFFFE000  }
0x6d: {  	[tilespmem:s21], [sflag:$0x2] =	stream.indirect.gather [hbm4b:s4+s18], $0x40, s24, s18, $0xb8;
	[tilespmem:$0x19E00] =	vst v63  }
0x6e: {  	_ =	swait.ge [sflag:s22], $0x2000  }
0x6f: {  	[sflag:s22] =	ssyncset.done $0x0  }
0x70: {  	[sflag:s22] =	ssyncadd.s32 $0xFFFFE000  }
0x71: {  	[spmem:s2] =	stream.indirect.scatter.add.f32 [tilespmem:s19], [sflag:$0x3], $0x40, s25, s18, $0xb8;
	[tilespmem:$0x19E00] =	vst v63  }
0x72: {  	_ =	swait.ge [sflag:s17], $0x2000  }
0x73: {  	[sflag:s17] =	ssyncset.done $0x0  }
0x74: {  	[sflag:s17] =	ssyncadd.s32 $0xFFFFE000  }
0x75: {  	_ =	swait.ge [sflag:s23], $0x2000  }
0x76: {  	[sflag:s23] =	ssyncset.done $0x0  }
0x77: {  	[sflag:s23] =	ssyncadd.s32 $0xFFFFE000  }
0x78: {  	[spmem:s2] =	stream.indirect.scatter.add.f32 [tilespmem:s21], [sflag:$0x3], $0x40, s26, s18, $0xb8;
	[tilespmem:$0x19E00] =	vst v63  }
0x79: {  	_ =	swait.ge [sflag:s17], $0x2000  }
0x7a: {  	[sflag:s17] =	ssyncset.done $0x0  }
0x7b: {  	[sflag:s17] =	ssyncadd.s32 $0xFFFFE000  }
0x7c: {  	s1 =	simm.s32 $0x0;
	[bflag:$0x0] =	sbarrier.arrive $0xFFFF  }
0x7d: {  	[tilespmem:s1], [sflag:$0x3] =	stream.linear.gather [hbm4b:s12+s1], $0x4F00, $0x38;
	[tilespmem:$0x19E00] =	vst v63  }
0x7e: {  	s5 =	stileid.u32;
	_ =	swait.ge [sflag:s17], $0x4F00  }
0x7f: {  	s0 =	sshll.u32 s5, $0x6;
	[sflag:s17] =	ssyncset.done $0x0  }
0x80: {  	s30 =	sshrl.u32 s7, $0x3;
	s29 =	sor.u32 $0x1C03, s0;
	[sflag:s17] =	ssyncadd.s32 $0xFFFFB100  }
0x81: {  	[tilespmem:s19], [sflag:$0x1] =	stream.indirect.gather [hbm4b:s4+s18], $0x40, s1, s18, $0xb8;
	[tilespmem:$0x19E00] =	vst v63  }
0x82: {  	[hbm:s13], [sflag:s29] =	dma.local [spmem:s30], $0x1400  }
0x83: {  	_ =	swait.ge [sflag:s17], $0x1400  }
0x84: {  	[sflag:s17] =	ssyncset.done $0x0  }
0x85: {  	[sflag:s17] =	ssyncadd.s32 $0xFFFFEC00  }
0x86: {  	[spmem:s7] =	stream.linear.scatter [tilespmem:s20], [sflag:$0x3], $0x2000, $0x38;
	[tilespmem:$0x19E00] =	vst v63  }
0x87: {  	_ =	swait.ge [sflag:s17], $0x2000  }
0x88: {  	[sflag:s17] =	ssyncset.done $0x0  }
0x89: {  	[sflag:s17] =	ssyncadd.s32 $0xFFFFE000  }
0x8a: {  	[spmem:s8] =	stream.linear.scatter [tilespmem:s20], [sflag:$0x3], $0x2000, $0x38;
	[tilespmem:$0x19E00] =	vst v63  }
0x8b: {  	_ =	swait.ge [sflag:s17], $0x2000  }
0x8c: {  	[sflag:s17] =	ssyncset.done $0x0  }
0x8d: {  	[sflag:s17] =	ssyncadd.s32 $0xFFFFE000  }
0x8e: {  	[spmem:s9] =	stream.linear.scatter [tilespmem:s20], [sflag:$0x3], $0x2000, $0x38;
	[tilespmem:$0x19E00] =	vst v63  }
0x8f: {  	_ =	swait.ge [sflag:s17], $0x2000  }
0x90: {  	[sflag:s17] =	ssyncset.done $0x0  }
0x91: {  	[sflag:s17] =	ssyncadd.s32 $0xFFFFE000  }
0x92: {  	[spmem:s10] =	stream.linear.scatter [tilespmem:s20], [sflag:$0x3], $0x2000, $0x38;
	[tilespmem:$0x19E00] =	vst v63  }
0x93: {  	_ =	swait.ge [sflag:s17], $0x2000  }
0x94: {  	[sflag:s17] =	ssyncset.done $0x0  }
0x95: {  	[sflag:s17] =	ssyncadd.s32 $0xFFFFE000  }
0x96: {  	[spmem:s11] =	stream.linear.scatter [tilespmem:s20], [sflag:$0x3], $0x2000, $0x38;
	[tilespmem:$0x19E00] =	vst v63  }
0x97: {  	_ =	swait.ge [sflag:s17], $0x2000  }
0x98: {  	[sflag:s17] =	ssyncset.done $0x0  }
0x99: {  	[sflag:s17] =	ssyncadd.s32 $0xFFFFE000  }
0x9a: {  	s16 =	simm.s32 $0x80;
	[bflag:$0x0] =	sbarrier.arrive $0xFFFF  }
0x9b: {  	[tilespmem:s21], [sflag:$0x2] =	stream.indirect.gather [hbm4b:s4+s18], $0x40, s16, s18, $0xb8;
	[tilespmem:$0x19E00] =	vst v63  }
0x9c: {  	_ =	swait.ge [sflag:s22], $0x2000  }
0x9d: {  	[sflag:s22] =	ssyncset.done $0x0  }
0x9e: {  	s1 =	simm.s32 $0x4F00;
	[sflag:s22] =	ssyncadd.s32 $0xFFFFE000  }
0x9f: {  	[spmem:s2] =	stream.indirect.scatter.add.f32 [tilespmem:s19], [sflag:$0x3], $0x40, s1, s18, $0xb8;
	[tilespmem:$0x19E00] =	vst v63  }
0xa0: {  	_ =	swait.ge [sflag:s17], $0x2000  }
0xa1: {  	[sflag:s17] =	ssyncset.done $0x0  }
0xa2: {  	s5 =	simm.s32 $0x100;
	[sflag:s17] =	ssyncadd.s32 $0xFFFFE000  }
0xa3: {  	[tilespmem:s19], [sflag:$0x1] =	stream.indirect.gather [hbm4b:s4+s18], $0x40, s5, s18, $0xb8;
	[tilespmem:$0x19E00] =	vst v63  }
0xa4: {  	_ =	swait.ge [sflag:s23], $0x2000  }
0xa5: {  	[sflag:s23] =	ssyncset.done $0x0  }
0xa6: {  	s16 =	simm.s32 $0x4F80;
	[sflag:s23] =	ssyncadd.s32 $0xFFFFE000  }
0xa7: {  	[spmem:s2] =	stream.indirect.scatter.add.f32 [tilespmem:s21], [sflag:$0x3], $0x40, s16, s18, $0xb8;
	[tilespmem:$0x19E00] =	vst v63  }
0xa8: {  	_ =	swait.ge [sflag:s17], $0x2000  }
0xa9: {  	s31 =	simm.s32 $0x100;
	s0 =	simm.s32 $0x800;
	[sflag:s17] =	ssyncset.done $0x0  }
.LBB2_6:
0xaa: {  	s1 =	sadd.s32 $0x80, s31  }
0xab: {  	[sflag:s17] =	ssyncadd.s32 $0xFFFFE000;
	s16 =	smov.u32 s0;
	s5 =	sadd.s32 $0x400, s0  }
0xac: {  	[tilespmem:s21], [sflag:$0x2] =	stream.indirect.gather [hbm4b:s4+s18], $0x40, s1, s18, $0xb8;
	[tilespmem:$0x19E00] =	vst v63  }
0xad: {  	p0 =	sne.s32 s0, $0x13400;
	_ =	swait.ge [sflag:s22], $0x2000  }
0xae: {  	[sflag:s22] =	ssyncset.done $0x0  }
0xaf: {  	s0 =	sadd.s32 $0x4F00, s31;
	[sflag:s22] =	ssyncadd.s32 $0xFFFFE000  }
0xb0: {  	[spmem:s2] =	stream.indirect.scatter.add.f32 [tilespmem:s19], [sflag:$0x3], $0x40, s0, s18, $0xb8;
	[tilespmem:$0x19E00] =	vst v63  }
0xb1: {  	_ =	swait.ge [sflag:s17], $0x2000  }
0xb2: {  	[sflag:s17] =	ssyncset.done $0x0  }
0xb3: {  	s0 =	sadd.s32 $0x100, s31;
	[sflag:s17] =	ssyncadd.s32 $0xFFFFE000  }
0xb4: {  	[tilespmem:s19], [sflag:$0x1] =	stream.indirect.gather [hbm4b:s4+s18], $0x40, s0, s18, $0xb8;
	[tilespmem:$0x19E00] =	vst v63  }
0xb5: {  	_ =	swait.ge [sflag:s23], $0x2000  }
.Ltmp2:
0xb6: {  	[sflag:s23] =	ssyncset.done $0x0;
	(pc) =	sbr.rel @p0 .LBB2_6-.Ltmp2, $4  }
0xb7: {  	s0 =	sadd.s32 $0x4F80, s31;
	[sflag:s23] =	ssyncadd.s32 $0xFFFFE000  }
0xb8: {  	[spmem:s2] =	stream.indirect.scatter.add.f32 [tilespmem:s21], [sflag:$0x3], $0x40, s0, s18, $0xb8;
	[tilespmem:$0x19E00] =	vst v63  }
0xb9: {  	_ =	swait.ge [sflag:s17], $0x2000  }
0xba: {  	s31 =	sshra.s32 s16, $0x2;
	s0 =	smov.u32 s5;
	[sflag:s17] =	ssyncset.done $0x0  }
0xbb: {  	s0 =	sadd.s32 $0x80, s31;
	[sflag:s17] =	ssyncadd.s32 $0xFFFFE000  }
0xbc: {  	[tilespmem:s21], [sflag:$0x2] =	stream.indirect.gather [hbm4b:s4+s18], $0x40, s0, s18, $0xb8;
	[tilespmem:$0x19E00] =	vst v63  }
0xbd: {  	_ =	swait.ge [sflag:s22], $0x2000  }
0xbe: {  	[sflag:s22] =	ssyncset.done $0x0  }
0xbf: {  	s5 =	sadd.s32 $0x4F00, s31;
	[sflag:s22] =	ssyncadd.s32 $0xFFFFE000  }
0xc0: {  	[spmem:s2] =	stream.indirect.scatter.add.f32 [tilespmem:s19], [sflag:$0x3], $0x40, s5, s18, $0xb8;
	[tilespmem:$0x19E00] =	vst v63  }
0xc1: {  	_ =	swait.ge [sflag:s17], $0x2000  }
0xc2: {  	[sflag:s17] =	ssyncset.done $0x0  }
0xc3: {  	s16 =	sadd.s32 $0x100, s31;
	[sflag:s17] =	ssyncadd.s32 $0xFFFFE000  }
0xc4: {  	[tilespmem:s19], [sflag:$0x1] =	stream.indirect.gather [hbm4b:s4+s18], $0x40, s16, s18, $0xb8;
	[tilespmem:$0x19E00] =	vst v63  }
0xc5: {  	_ =	swait.ge [sflag:s23], $0x2000  }
0xc6: {  	[sflag:s23] =	ssyncset.done $0x0  }
0xc7: {  	s31 =	sadd.s32 $0x4F80, s31;
	[sflag:s23] =	ssyncadd.s32 $0xFFFFE000  }
0xc8: {  	[spmem:s2] =	stream.indirect.scatter.add.f32 [tilespmem:s21], [sflag:$0x3], $0x40, s31, s18, $0xb8;
	[tilespmem:$0x19E00] =	vst v63  }
0xc9: {  	_ =	swait.ge [sflag:s17], $0x2000  }
0xca: {  	[sflag:s17] =	ssyncset.done $0x0  }
0xcb: {  	[sflag:s17] =	ssyncadd.s32 $0xFFFFE000  }
0xcc: {  	[tilespmem:s21], [sflag:$0x2] =	stream.indirect.gather [hbm4b:s4+s18], $0x40, s24, s18, $0xb8;
	[tilespmem:$0x19E00] =	vst v63  }
0xcd: {  	_ =	swait.ge [sflag:s22], $0x2000  }
0xce: {  	[sflag:s22] =	ssyncset.done $0x0  }
0xcf: {  	[sflag:s22] =	ssyncadd.s32 $0xFFFFE000  }
0xd0: {  	[spmem:s2] =	stream.indirect.scatter.add.f32 [tilespmem:s19], [sflag:$0x3], $0x40, s25, s18, $0xb8;
	[tilespmem:$0x19E00] =	vst v63  }
0xd1: {  	_ =	swait.ge [sflag:s17], $0x2000  }
0xd2: {  	[sflag:s17] =	ssyncset.done $0x0  }
0xd3: {  	[sflag:s17] =	ssyncadd.s32 $0xFFFFE000  }
0xd4: {  	_ =	swait.ge [sflag:s23], $0x2000  }
0xd5: {  	[sflag:s23] =	ssyncset.done $0x0  }
0xd6: {  	[sflag:s23] =	ssyncadd.s32 $0xFFFFE000  }
0xd7: {  	[spmem:s2] =	stream.indirect.scatter.add.f32 [tilespmem:s21], [sflag:$0x3], $0x40, s26, s18, $0xb8;
	[tilespmem:$0x19E00] =	vst v63  }
0xd8: {  	_ =	swait.ge [sflag:s17], $0x2000  }
0xd9: {  	s28 =	sadd.s32 $0x1, s28;
	[sflag:s17] =	ssyncset.done $0x0  }
0xda: {  	p0 =	sne.s32 s28, s15;
	[sflag:s17] =	ssyncadd.s32 $0xFFFFE000  }
.Ltmp3:
0xdb: {  	[bflag:$0x0] =	sbarrier.arrive $0xFFFF;
	(pc) =	sbr.rel @p0 .LBB2_1-.Ltmp3, $4  }
0xdc: {  	[hbm:s14], [sflag:s29] =	dma.local [spmem:s30], $0x1400  }
0xdd: {  	_ =	swait.ge [sflag:s17], $0x1400  }
0xde: {  	[sflag:s17] =	ssyncset.done $0x0  }
0xdf: {  	[sflag:s17] =	ssyncadd.s32 $0xFFFFEC00  }
0xe0: {  	_ =	sfence.sel $0x180000  }
0xe1: {  	[bflag:$0x0] =	sbarrier.arrive $0xFFFF  }
0xe2: {  	_ =	strace $0x9000004D  }
0xe3: {  	s0 =	stileid.u32;
	[bflag:$0x2] =	sbarrier.arrive $0xFFFF  }
0xe4: {  	p0 =	sne.s32 s0, $0x0;
	s0 =	rddreg [dreg:$0x2]  }
0xe5: {  	s0 =	sadd.s32 @!p0 $0x100000, s0  }
0xe6: {  	[sflag:s0] =	ssyncadd.tile.s32 @!p0 $0x1;
	_ =	shalt  }
.Lfunc_end2:
_tile_overlayer_lowered:
.L_overlay_start_2:
0xe7: {  	(tag) =	ssettag $0x2  }
0xe8: {  	s0 =	rddreg [dreg:$0x0];
	s2 =	stileid.u32  }
0xe9: {  	s1 =	rddreg [dreg:$0x1];
	p0 =	sne.s32 s2, $0x0  }
0xea: {  	s3 =	rddreg [dreg:$0x2];
	[bflag:$0x3] =	sbarrier.arrive $0xFFFF;
	s2 =	simm.s32 @!p0 $0x1C03  }
0xeb: {  	[timem:s3], [sflag:s2] =	dma.local @!p0 [hbm:s0], s1  }
0xec: {  	s0 =	simm.s32 @!p0 $0x3  }
0xed: {  	_ =	swait.ge @!p0 [sflag:s0], s1  }
0xee: {  	s1 =	ssub.s32 @!p0 $0x0, s1;
	[sflag:s0] =	ssyncset.done @!p0 $0x0  }
0xef: {  	[sflag:s0] =	ssyncadd.s32 @!p0 s1  }
0xf0: {  	[bflag:$0x3] =	sbarrier.arrive $0xFFFF  }
0xf1: {  	_ =	shalt  }

// kernel: kernel.19.cloned.1.call-start
scs
__scs_entry_jumppad:
0x0: {  	(pc) =	sbr.rel $0x88, $3  }
0x1: {  	(tag) =	ssettag $0x0;
	lr =	simm.s32 $0x1  }
0x2: {  	[smem:$0x3F95] =	sst lr;
	_ =	strace $0xD0000000  }
0x3: {  	_ = 	snop  }
0x4: {  	_ = 	snop  }
0x5: {  	_ = 	snop  }
0x6: {  	_ = 	snop  }
0x7: {  	_ = 	snop  }
__scs_overlays_trampoline_lowered:
0x8: {  	[smem:$0x3FA4] =	sst s0  }
0x9: {  	[smem:$0x3FA5] =	sst s1  }
0xa: {  	[smem:$0x3FA6] =	sst s2  }
0xb: {  	[smem:$0x3FA7] =	sst s3  }
0xc: {  	[smem:$0x3FA8] =	sst s4  }
0xd: {  	[smem:$0x3FA9] =	sst s5  }
0xe: {  	[smem:$0x3FAA] =	sst s6  }
0xf: {  	[smem:$0x3FAB] =	sst s7  }
0x10: {  	[smem:$0x3FAC] =	sst s8  }
0x11: {  	[smem:$0x3FAD] =	sst s9;
	s0 =	simm.s32 @!p0 $0x0  }
0x12: {  	s1 =	sld [smem:$0x3F93];
	s0 =	simm.s32 @p0 $0x1  }
0x13: {  	[smem:$0x3FAE] =	sst s0;
	s0 =	simm.s32 @!p1 $0x0  }
0x14: {  	s2 =	sld [smem:$0x3F92];
	s0 =	simm.s32 @p1 $0x1  }
0x15: {  	[smem:$0x3FAF] =	sst s0;
	s0 =	simm.s32 @!p2 $0x0  }
0x16: {  	s3 =	sld [smem:$0x3FDB];
	s0 =	simm.s32 @p2 $0x1  }
0x17: {  	s4 =	simm.s32 $0x1BF5;
	[smem:$0x3FB1] =	sst s0  }
0x18: {  	s0 =	sld [smem:$0x3F94];
	_ =	swait.ge [sflag:s4], $0x0  }
0x19: {  	s7 =	sld [smem:$0x3F95]  }
0x1a: {  	s8 =	sadd.s32 $0xFFFFE003, lr  }
0x1b: {  	s9 =	sadd.s32 $0xFFFFFEF7, lr;
	s5 =	simm.s32 $0xFFFFFFFF;
	p2 =	slt.u32 s8, $0xFFFFF086  }
0x1c: {  	p1 =	slt.u32 s9, $0xF7A;
	s5 =	simm.s32 @!p2 $0x0  }
0x1d: {  	s5 =	simm.s32 @p1 $0x1;
	p0 =	seq.s32 s7, s2  }
0x1e: {  	s7 =	smul.u32 @!p0 $0xF7A, s2;
	p2 =	seq.s32 @!p0 s5, $0x0  }
0x1f: {  	s9 =	smul.u32 $0xF7A, s1;
	s8 =	simm.s32 @!p0 $0x1BF5;
	p2 =	por !p2, p0  }
0x20: {  	[sflag:s8] =	ssyncset.s32 @!p0 $0xFFFFF086;
	s6 =	sadd.s32 @!p0 s3, s7;
	s7 =	simm.s32 @!p0 $0x108  }
0x21: {  	s3 =	sadd.s32 s3, s9;
	s6 =	sadd.s32 @!p0 $0x88, s6;
	s7 =	simm.s32 @p2 $0x1082  }
0x22: {  	[simem:s7], [sflag:s8] =	dma.local @!p0 [hbm:s6], $0xF7A  }
0x23: {  	s9 =	sor.u32 $0xD0000000, s2;
	s6 =	simm.s32 $0x108;
	_ =	swait.ge @!p0 [sflag:s8], $0x0  }
0x24: {  	s3 =	sadd.s32 $0x88, s3;
	s6 =	simm.s32 @!p1 $0x1082;
	[sflag:s4] =	ssyncset.s32 $0xFFFFF086  }
0x25: {  	[simem:s6], [sflag:s4] =	dma.local [hbm:s3], $0xF7A  }
0x26: {  	[smem:$0x3F95] =	sst s1;
	(tag) =	ssettag s2;
	_ =	strace s9  }
0x27: {  	s1 =	sld [smem:$0x3FA5]  }
0x28: {  	s2 =	sld [smem:$0x3FA6]  }
0x29: {  	s4 =	sld [smem:$0x3FA8]  }
0x2a: {  	p0 =	seq.s32 s5, $0x0;
	s5 =	sld [smem:$0x3FA9]  }
0x2b: {  	s6 =	sld [smem:$0x3FAA]  }
0x2c: {  	s7 =	sld [smem:$0x3FAB]  }
0x2d: {  	s3 =	simm.s32 $0x108;
	s8 =	sld [smem:$0x3FAC]  }
0x2e: {  	s3 =	simm.s32 @!p0 $0x1082;
	s9 =	sld [smem:$0x3FAD]  }
0x2f: {  	lr =	sadd.s32 s0, s3;
	s0 =	sld [smem:$0x3FA4]  }
0x30: {  	s3 =	sld [smem:$0x3FA7]  }
0x31: {  	[smem:$0x3FB0] =	sst s10  }
0x32: {  	s10 =	sld [smem:$0x3FAE];
	_ =	sdelay $0x3  }
0x33: {  	p0 =	seq.s32 s10, $0x1;
	s10 =	sld [smem:$0x3FB0];
	_ =	sdelay $0x3  }
0x34: {  	[smem:$0x3FB0] =	sst s10  }
0x35: {  	s10 =	sld [smem:$0x3FAF];
	_ =	sdelay $0x3  }
0x36: {  	p1 =	seq.s32 s10, $0x1;
	s10 =	sld [smem:$0x3FB0];
	_ =	sdelay $0x3  }
0x37: {  	[smem:$0x3FB0] =	sst s10  }
0x38: {  	s10 =	sld [smem:$0x3FB1]  }
0x39: {  	_ = 	snop;
	(pc) =	sbr.ind lr, $3  }
0x3a: {  	_ = 	snop  }
0x3b: {  	_ = 	snop  }
0x3c: {  	p2 =	seq.s32 s10, $0x1;
	s10 =	sld [smem:$0x3FB0]  }
0x3d: {  	_ =	shalt  }
0x3e: {  	_ =	shalt  }
0x3f: {  	_ =	shalt  }
0x40: {  	_ =	shalt  }
0x41: {  	_ =	shalt  }
0x42: {  	_ =	shalt  }
0x43: {  	_ =	shalt  }
0x44: {  	_ =	shalt  }
0x45: {  	_ =	shalt  }
0x46: {  	_ =	shalt  }
0x47: {  	_ =	shalt  }
0x48: {  	_ =	shalt  }
0x49: {  	_ =	shalt  }
0x4a: {  	_ =	shalt  }
0x4b: {  	_ =	shalt  }
0x4c: {  	_ =	shalt  }
0x4d: {  	_ =	shalt  }
0x4e: {  	_ =	shalt  }
0x4f: {  	_ =	shalt  }
0x50: {  	_ =	shalt  }
0x51: {  	_ =	shalt  }
0x52: {  	_ =	shalt  }
0x53: {  	_ =	shalt  }
0x54: {  	_ =	shalt  }
0x55: {  	_ =	shalt  }
0x56: {  	_ =	shalt  }
0x57: {  	_ =	shalt  }
0x58: {  	_ =	shalt  }
0x59: {  	_ =	shalt  }
0x5a: {  	_ =	shalt  }
0x5b: {  	_ =	shalt  }
0x5c: {  	_ =	shalt  }
0x5d: {  	_ =	shalt  }
0x5e: {  	_ =	shalt  }
0x5f: {  	_ =	shalt  }
0x60: {  	_ =	shalt  }
0x61: {  	_ =	shalt  }
0x62: {  	_ =	shalt  }
0x63: {  	_ =	shalt  }
0x64: {  	_ =	shalt  }
0x65: {  	_ =	shalt  }
0x66: {  	_ =	shalt  }
0x67: {  	_ =	shalt  }
0x68: {  	_ =	shalt  }
0x69: {  	_ =	shalt  }
0x6a: {  	_ =	shalt  }
0x6b: {  	_ =	shalt  }
0x6c: {  	_ =	shalt  }
0x6d: {  	_ =	shalt  }
0x6e: {  	_ =	shalt  }
0x6f: {  	_ =	shalt  }
0x70: {  	_ =	shalt  }
0x71: {  	_ =	shalt  }
0x72: {  	_ =	shalt  }
0x73: {  	_ =	shalt  }
0x74: {  	_ =	shalt  }
0x75: {  	_ =	shalt  }
0x76: {  	_ =	shalt  }
0x77: {  	_ =	shalt  }
0x78: {  	_ =	shalt  }
0x79: {  	_ =	shalt  }
0x7a: {  	_ =	shalt  }
0x7b: {  	_ =	shalt  }
0x7c: {  	_ =	shalt  }
0x7d: {  	_ =	shalt  }
0x7e: {  	_ =	shalt  }
0x7f: {  	_ =	shalt  }
0x80: {  	_ =	shalt  }
0x81: {  	_ =	shalt  }
0x82: {  	_ =	shalt  }
0x83: {  	_ =	shalt  }
0x84: {  	_ =	shalt  }
0x85: {  	_ =	shalt  }
0x86: {  	_ =	shalt  }
0x87: {  	_ =	shalt  }
.Lfunc_end0:
.L_simem_size_0:
called_computation.3_lowered:
.L_overlay_start_0:
0x88: {  	s2 =	sld [smem:$0x3FD9]  }
0x89: {  	s3 =	sld [smem:$0x3FFE];
	_ =	sdelay $0x1  }
0x8a: {  	s1 =	srdreg.scid  }
0x8b: {  	s0 =	sand.u32 $0x1, s1  }
0x8c: {  	s17 =	sshll.u32 s0, $0xA;
	s2 =	sadd.s32 s3, s2  }
0x8d: {  	s2 =	sadd.s32 s2, s17  }
0x8e: {  	[smem:$0x3FBC] =	sst s2  }
0x8f: {  	_ = 	snop  }
0x90: {  	s2 =	sld [smem:$0x3FD0];
	(tm) =	ssettm $0x1  }
0x91: {  	s18 =	sld [smem:$0x3FFB];
	_ =	sdelay $0x3  }
0x92: {  	_ =	strace s18  }
0x93: {  	s3 =	sld [smem:$0x3FFC];
	_ =	sdelay $0x3  }
0x94: {  	_ =	strace s3  }
0x95: {  	s3 =	sld [smem:$0x3FFD];
	_ =	sdelay $0x3  }
0x96: {  	_ =	strace s3  }
0x97: {  	_ =	strace $0x8FFFFFFF  }
0x98: {  	s19 =	sld [smem:$0x3FDB];
	_ =	sdelay $0x1  }
0x99: {  	s4 =	simm.s32 $_scs_section_size  }
0x9a: {  	s5 =	simm.s32 $_size__tile_overlayer_lowered;
	s6 =	simm.s32 $_tile_overlayer_lowered  }
0x9b: {  	s22 =	simm.s32 $0x1BFF;
	s21 =	sshll.u32 s6, $0x1;
	s3 =	sadd.s32 s4, s19  }
0x9c: {  	s7 =	simm.s32 $0x0;
	s20 =	sshll.u32 s5, $0x1;
	s5 =	sadd.s32 s21, s3  }
0x9d: {  	[timem:s7], [sflag:s22] =	dma.local [hbm:s5], s20  }
0x9e: {  	_ =	swait.ge [sflag:s22], s20  }
0x9f: {  	s4 =	ssub.s32 $0x0, s20;
	[sflag:s22] =	ssyncset.done $0x0  }
0xa0: {  	[sflag:s22] =	ssyncadd.s32 s4;
	_ =	sdelay $0x1  }
0xa1: {  	s23 =	simm.s32 $0x1B8B  }
0xa2: {  	_ =	swait.ge [sflag:s23], $0x1  }
0xa3: {  	[sflag:s23] =	ssyncset.done $0x0  }
0xa4: {  	s25 =	simm.s32 $0x1B8E;
	s24 =	sld [smem:$0x3FFE];
	[sflag:s23] =	ssyncadd.s32 $0xFFFFFFFF  }
0xa5: {  	s26 =	simm.s32 $execute0_lowered;
	[smem:$0x3FD2] =	sst s25  }
0xa6: {  	s5 =	sshll.u32 s26, $0x1;
	_ =	strace $0x8000004F;
	[dreg:$0x1] =	wrdreg $0xFFFFFFFF  }
0xa7: {  	s28 =	simm.s32 $_size_execute0_lowered;
	s3 =	sadd.s32 s3, s5;
	[dreg:$0x0] =	wrdreg $0x0  }
0xa8: {  	s5 =	sshll.u32 s28, $0x1;
	[dreg:$0x2] =	wrdreg s3  }
0xa9: {  	[dreg:$0x3] =	wrdreg s5  }
0xaa: {  	[dreg:$0x4] =	wrdreg $0xC0  }
0xab: {  	_ =	task [dreg:s7], $0x5FFFF  }
0xac: {  	[dreg:$0x1] =	wrdreg $0xFFFFFFFF  }
0xad: {  	[dreg:$0x0] =	wrdreg $0x60  }
0xae: {  	[dreg:$0x2] =	wrdreg s2  }
0xaf: {  	[dreg:$0x3] =	wrdreg s24  }
0xb0: {  	[dreg:$0x4] =	wrdreg $0xFE000  }
0xb1: {  	[dreg:$0x5] =	wrdreg $0x9  }
0xb2: {  	_ =	task.clear_ibuf [dreg:s7], $0x6FFFF;
	_ =	strace $0x9000004F  }
0xb3: {  	s29 =	simm.s32 $0x9;
	_ =	strace $0x80000051  }
0xb4: {  	_ =	swait.ge [sflag:s29], $0x1  }
0xb5: {  	[sflag:s29] =	ssyncadd.s32 $0xFFFFFFFF  }
0xb6: {  	_ =	strace $0x90000051  }
0xb7: {  	_ =	sfence  }
0xb8: {  	s30 =	sld [smem:$0x0];
	_ =	sdelay $0x2  }
0xb9: {  	s31 =	sshll.u32 s1, $0xD;
	s1 =	sshrl.u32 s1, $0x2  }
0xba: {  	s3 =	sand.u32 $0x4000, s31;
	s1 =	sadd.s32 s1, s30  }
0xbb: {  	s0 =	sor.u32 s3, s0;
	s1 =	sshll.u32 s1, $0x11  }
0xbc: {  	s0 =	sor.u32 s1, s0  }
0xbd: {  	s0 =	sadd.s32 $0x8F2B, s0  }
0xbe: {  	[sflag:s0] =	ssyncadd.remote.s32 $0x1  }
0xbf: {  	_ =	sfence.sel $0xFFFF  }
0xc0: {  	[dreg:$0x0] =	wrdreg $0xFFFFFFFF;
	(pc) =	sbr.abs _section_cstart, $3  }
0xc1: {  	[dreg:$0x1] =	wrdreg $0xFFFFFFFF  }
0xc2: {  	_ =	task.clear_ibuf [dreg:s7], $0x2FFFF;
	_ =	strace $0x9FFFFFFF  }
0xc3: {  	(tm) =	ssettm $0x7FFFFFFF  }
tec
execute0_lowered:
.L_overlay_start_1:
0x0: {  	(tag) =	ssettag $0x1  }
0x1: {  	s1 =	rddreg [dreg:$0x0];
	s2 =	srdreg.scid  }
0x2: {  	s0 =	stileid.u32;
	s5 =	rddreg [dreg:$0x1]  }
0x3: {  	s3 =	rddreg [dreg:$0x2];
	s4 =	simm.s32 $0x0;
	s14 =	simm.s32 $0x4F00  }
0x4: {  	s15 =	simm.s32 $0x3;
	s16 =	simm.s32 $0x80;
	s17 =	simm.s32 $0x9E00  }
0x5: {  	s18 =	simm.s32 $0xDE00;
	s19 =	simm.s32 $0xBE00;
	s20 =	simm.s32 $0x1  }
0x6: {  	s21 =	simm.s32 $0x2;
	s22 =	simm.s32 $0x4E80;
	s7 =	smul.u32 $0x4F00, s0  }
0x7: {  	s23 =	simm.s32 $0x9D00;
	s24 =	simm.s32 $0x9D80;
	s9 =	smul.u32 $0xA000, s0  }
0x8: {  	s6 =	sand.u32 $0x1, s2;
	s2 =	rddreg [dreg:$0x3];
	s11 =	smul.u32 $0x28000, s0  }
0x9: {  	s25 =	simm.s32 $0x0;
	[smem:$0x7FF] =	sst s4;
	s8 =	smul.u32 $0x4F000, s6  }
0xa: {  	s10 =	smul.u32 $0xA0000, s6;
	_ =	strace $0x80000050;
	s6 =	ssub.s32 $0x2, s6  }
0xb: {  	s30 =	sshrl.u32 s6, $0x1;
	s31 =	sshrl.u32 s11, $0x2;
	s8 =	sadd.s32 s7, s8  }
0xc: {  	s7 =	sshrl.u32 s7, $0x3;
	s10 =	sadd.s32 s9, s10;
	s13 =	ssub.s32 s6, s30  }
0xd: {  	s11 =	sadd.s32 s31, s3;
	s8 =	sshrl.u32 s8, $0x3;
	s10 =	sshrl.u32 s10, $0x3  }
0xe: {  	s7 =	sadd.s32 s7, s5;
	s13 =	smax.u32 s13, $0x1;
	s8 =	sadd.s32 s8, s5  }
0xf: {  	s12 =	sadd.s32 s10, s5;
	s5 =	sadd.s32 $0x2800, s7;
	s7 =	sadd.s32 s9, s3  }
0x10: {  	s9 =	sadd.s32 $0x4000, s11;
	s10 =	sadd.s32 $0x6000, s11;
	s6 =	sadd.s32 $0x82000, s8  }
0x11: {  	v0 =	vimm.f32 $0.0e+00;
	s8 =	sadd.s32 $0x2000, s11;
	s11 =	sadd.s32 $0x8000, s11;
	s12 =	sadd.s32 $0xC600, s12  }
.LBB2_1:
0x12: {  	[tilespmem:s14], [sflag:$0x3] =	stream.linear.gather [hbm4b:s5+s4], $0x4F00, $0x38;
	[tilespmem:$0x19E00] =	vst v63  }
0x13: {  	_ =	swait.ge [sflag:s15], $0x4F00  }
0x14: {  	[sflag:s15] =	ssyncset.done $0x0  }
0x15: {  	[sflag:s15] =	ssyncadd.s32 $0xFFFFB100  }
0x16: {  	[tilespmem:s4], [sflag:$0x3] =	stream.linear.gather [hbm4b:s6+s4], $0x4F00, $0x38;
	[tilespmem:$0x19E00] =	vst v63  }
0x17: {  	s26 =	sand.u32 $0x7F00, s4;
	s28 =	sand.u32 $0x30, s4;
	_ =	swait.ge [sflag:s15], $0x4F00  }
0x18: {  	s29 =	sshrl.u32 s26, $0x2;
	s26 =	simm.s32 $0x40;
	[sflag:s15] =	ssyncset.done $0x0  }
0x19: {  	s29 =	sor.u32 s28, s29;
	s28 =	simm.s32 $0x0;
	[sflag:s15] =	ssyncadd.s32 $0xFFFFB100  }
0x1a: {  	[tilespmem:s17], [sflag:$0x1] =	stream.indirect.gather [hbm4b:s1+s16], $0x40, s4, s16, $0xb8;
	[tilespmem:$0x19E00] =	vst v63  }
.LBB2_2:
0x1b: {  	p0 =	sne.s32 s26, $0x7FC0  }
0x1c: {  	[tilespmem:s29+$0xDE00] =	vst v0;
	s28 =	sadd.s32 $0x10, s28;
	s29 =	smov.u32 s26;
	s26 =	sadd.s32 $0x40, s26  }
.Ltmp0:
0x1d: {  	(pc) =	sbr.rel @p0 .LBB2_2-.Ltmp0, $4  }
0x1e: {  	_ = 	snop  }
0x1f: {  	s29 =	sand.u32 $0x7F00, s29  }
0x20: {  	s30 =	sand.u32 $0x30, s28;
	s29 =	sshrl.u32 s29, $0x2  }
0x21: {  	s29 =	sor.u32 s30, s29  }
0x22: {  	[tilespmem:s29+$0xDE00] =	vst v0  }
0x23: {  	[spmem:s7] =	stream.linear.scatter [tilespmem:s18], [sflag:$0x3], $0x2000, $0x38;
	[tilespmem:$0x19E00] =	vst v63  }
0x24: {  	_ =	swait.ge [sflag:s15], $0x2000  }
0x25: {  	[sflag:s15] =	ssyncset.done $0x0  }
0x26: {  	[sflag:s15] =	ssyncadd.s32 $0xFFFFE000  }
0x27: {  	[spmem:s8] =	stream.linear.scatter [tilespmem:s18], [sflag:$0x3], $0x2000, $0x38;
	[tilespmem:$0x19E00] =	vst v63  }
0x28: {  	_ =	swait.ge [sflag:s15], $0x2000  }
0x29: {  	[sflag:s15] =	ssyncset.done $0x0  }
0x2a: {  	[sflag:s15] =	ssyncadd.s32 $0xFFFFE000  }
0x2b: {  	[spmem:s9] =	stream.linear.scatter [tilespmem:s18], [sflag:$0x3], $0x2000, $0x38;
	[tilespmem:$0x19E00] =	vst v63  }
0x2c: {  	_ =	swait.ge [sflag:s15], $0x2000  }
0x2d: {  	[sflag:s15] =	ssyncset.done $0x0  }
0x2e: {  	[sflag:s15] =	ssyncadd.s32 $0xFFFFE000  }
0x2f: {  	[spmem:s10] =	stream.linear.scatter [tilespmem:s18], [sflag:$0x3], $0x2000, $0x38;
	[tilespmem:$0x19E00] =	vst v63  }
0x30: {  	_ =	swait.ge [sflag:s15], $0x2000  }
0x31: {  	[sflag:s15] =	ssyncset.done $0x0  }
0x32: {  	[sflag:s15] =	ssyncadd.s32 $0xFFFFE000  }
0x33: {  	[spmem:s11] =	stream.linear.scatter [tilespmem:s18], [sflag:$0x3], $0x2000, $0x38;
	[tilespmem:$0x19E00] =	vst v63  }
0x34: {  	_ =	swait.ge [sflag:s15], $0x2000  }
0x35: {  	[sflag:s15] =	ssyncset.done $0x0  }
0x36: {  	[sflag:s15] =	ssyncadd.s32 $0xFFFFE000  }
0x37: {  	s26 =	simm.s32 $0x80;
	[bflag:$0x0] =	sbarrier.arrive $0xFFFF  }
0x38: {  	[tilespmem:s19], [sflag:$0x2] =	stream.indirect.gather [hbm4b:s1+s16], $0x40, s26, s16, $0xb8;
	[tilespmem:$0x19E00] =	vst v63  }
0x39: {  	_ =	swait.ge [sflag:s20], $0x2000  }
0x3a: {  	[sflag:s20] =	ssyncset.done $0x0  }
0x3b: {  	s29 =	simm.s32 $0x4F00;
	[sflag:s20] =	ssyncadd.s32 $0xFFFFE000  }
0x3c: {  	[spmem:s3] =	stream.indirect.scatter.add.f32 [tilespmem:s17], [sflag:$0x3], $0x40, s29, s16, $0xb8;
	[tilespmem:$0x19E00] =	vst v63  }
0x3d: {  	_ =	swait.ge [sflag:s15], $0x2000  }
0x3e: {  	[sflag:s15] =	ssyncset.done $0x0  }
0x3f: {  	s30 =	simm.s32 $0x100;
	[sflag:s15] =	ssyncadd.s32 $0xFFFFE000  }
0x40: {  	[tilespmem:s17], [sflag:$0x1] =	stream.indirect.gather [hbm4b:s1+s16], $0x40, s30, s16, $0xb8;
	[tilespmem:$0x19E00] =	vst v63  }
0x41: {  	_ =	swait.ge [sflag:s21], $0x2000  }
0x42: {  	[sflag:s21] =	ssyncset.done $0x0  }
0x43: {  	s31 =	simm.s32 $0x4F80;
	[sflag:s21] =	ssyncadd.s32 $0xFFFFE000  }
0x44: {  	[spmem:s3] =	stream.indirect.scatter.add.f32 [tilespmem:s19], [sflag:$0x3], $0x40, s31, s16, $0xb8;
	[tilespmem:$0x19E00] =	vst v63  }
0x45: {  	_ =	swait.ge [sflag:s15], $0x2000  }
0x46: {  	s28 =	simm.s32 $0x800;
	s26 =	simm.s32 $0x100;
	[sflag:s15] =	ssyncset.done $0x0  }
.LBB2_4:
0x47: {  	s29 =	sadd.s32 $0x80, s26  }
0x48: {  	[sflag:s15] =	ssyncadd.s32 $0xFFFFE000;
	s30 =	smov.u32 s28;
	s31 =	sadd.s32 $0x400, s28  }
0x49: {  	[tilespmem:s19], [sflag:$0x2] =	stream.indirect.gather [hbm4b:s1+s16], $0x40, s29, s16, $0xb8;
	[tilespmem:$0x19E00] =	vst v63  }
0x4a: {  	p0 =	sne.s32 s28, $0x13400;
	_ =	swait.ge [sflag:s20], $0x2000  }
0x4b: {  	[sflag:s20] =	ssyncset.done $0x0  }
0x4c: {  	s28 =	sadd.s32 $0x4F00, s26;
	[sflag:s20] =	ssyncadd.s32 $0xFFFFE000  }
0x4d: {  	[spmem:s3] =	stream.indirect.scatter.add.f32 [tilespmem:s17], [sflag:$0x3], $0x40, s28, s16, $0xb8;
	[tilespmem:$0x19E00] =	vst v63  }
0x4e: {  	_ =	swait.ge [sflag:s15], $0x2000  }
0x4f: {  	[sflag:s15] =	ssyncset.done $0x0  }
0x50: {  	s28 =	sadd.s32 $0x100, s26;
	[sflag:s15] =	ssyncadd.s32 $0xFFFFE000  }
0x51: {  	[tilespmem:s17], [sflag:$0x1] =	stream.indirect.gather [hbm4b:s1+s16], $0x40, s28, s16, $0xb8;
	[tilespmem:$0x19E00] =	vst v63  }
0x52: {  	_ =	swait.ge [sflag:s21], $0x2000  }
.Ltmp1:
0x53: {  	[sflag:s21] =	ssyncset.done $0x0;
	(pc) =	sbr.rel @p0 .LBB2_4-.Ltmp1, $4  }
0x54: {  	s26 =	sadd.s32 $0x4F80, s26;
	[sflag:s21] =	ssyncadd.s32 $0xFFFFE000  }
0x55: {  	[spmem:s3] =	stream.indirect.scatter.add.f32 [tilespmem:s19], [sflag:$0x3], $0x40, s26, s16, $0xb8;
	[tilespmem:$0x19E00] =	vst v63  }
0x56: {  	_ =	swait.ge [sflag:s15], $0x2000  }
0x57: {  	s28 =	smov.u32 s31;
	s26 =	sshra.s32 s30, $0x2;
	[sflag:s15] =	ssyncset.done $0x0  }
0x58: {  	s28 =	sadd.s32 $0x80, s26;
	[sflag:s15] =	ssyncadd.s32 $0xFFFFE000  }
0x59: {  	[tilespmem:s19], [sflag:$0x2] =	stream.indirect.gather [hbm4b:s1+s16], $0x40, s28, s16, $0xb8;
	[tilespmem:$0x19E00] =	vst v63  }
0x5a: {  	_ =	swait.ge [sflag:s20], $0x2000  }
0x5b: {  	[sflag:s20] =	ssyncset.done $0x0  }
0x5c: {  	s30 =	sadd.s32 $0x4F00, s26;
	[sflag:s20] =	ssyncadd.s32 $0xFFFFE000  }
0x5d: {  	[spmem:s3] =	stream.indirect.scatter.add.f32 [tilespmem:s17], [sflag:$0x3], $0x40, s30, s16, $0xb8;
	[tilespmem:$0x19E00] =	vst v63  }
0x5e: {  	_ =	swait.ge [sflag:s15], $0x2000  }
0x5f: {  	[sflag:s15] =	ssyncset.done $0x0  }
0x60: {  	s31 =	sadd.s32 $0x100, s26;
	[sflag:s15] =	ssyncadd.s32 $0xFFFFE000  }
0x61: {  	[tilespmem:s17], [sflag:$0x1] =	stream.indirect.gather [hbm4b:s1+s16], $0x40, s31, s16, $0xb8;
	[tilespmem:$0x19E00] =	vst v63  }
0x62: {  	_ =	swait.ge [sflag:s21], $0x2000  }
0x63: {  	[sflag:s21] =	ssyncset.done $0x0  }
0x64: {  	s29 =	sadd.s32 $0x4F80, s26;
	[sflag:s21] =	ssyncadd.s32 $0xFFFFE000  }
0x65: {  	[spmem:s3] =	stream.indirect.scatter.add.f32 [tilespmem:s19], [sflag:$0x3], $0x40, s29, s16, $0xb8;
	[tilespmem:$0x19E00] =	vst v63  }
0x66: {  	_ =	swait.ge [sflag:s15], $0x2000  }
0x67: {  	[sflag:s15] =	ssyncset.done $0x0  }
0x68: {  	[sflag:s15] =	ssyncadd.s32 $0xFFFFE000  }
0x69: {  	[tilespmem:s19], [sflag:$0x2] =	stream.indirect.gather [hbm4b:s1+s16], $0x40, s22, s16, $0xb8;
	[tilespmem:$0x19E00] =	vst v63  }
0x6a: {  	_ =	swait.ge [sflag:s20], $0x2000  }
0x6b: {  	[sflag:s20] =	ssyncset.done $0x0  }
0x6c: {  	[sflag:s20] =	ssyncadd.s32 $0xFFFFE000  }
0x6d: {  	[spmem:s3] =	stream.indirect.scatter.add.f32 [tilespmem:s17], [sflag:$0x3], $0x40, s23, s16, $0xb8;
	[tilespmem:$0x19E00] =	vst v63  }
0x6e: {  	_ =	swait.ge [sflag:s15], $0x2000  }
0x6f: {  	[sflag:s15] =	ssyncset.done $0x0  }
0x70: {  	[sflag:s15] =	ssyncadd.s32 $0xFFFFE000  }
0x71: {  	_ =	swait.ge [sflag:s21], $0x2000  }
0x72: {  	[sflag:s21] =	ssyncset.done $0x0  }
0x73: {  	[sflag:s21] =	ssyncadd.s32 $0xFFFFE000  }
0x74: {  	[spmem:s3] =	stream.indirect.scatter.add.f32 [tilespmem:s19], [sflag:$0x3], $0x40, s24, s16, $0xb8;
	[tilespmem:$0x19E00] =	vst v63  }
0x75: {  	_ =	swait.ge [sflag:s15], $0x2000  }
0x76: {  	s25 =	sadd.s32 $0x1, s25;
	s30 =	sshll.u32 s0, $0x6;
	[sflag:s15] =	ssyncset.done $0x0  }
0x77: {  	p0 =	sne.s32 s25, s13;
	s26 =	sor.u32 $0x1C03, s30;
	[sflag:s15] =	ssyncadd.s32 $0xFFFFE000  }
.Ltmp2:
0x78: {  	s31 =	sshrl.u32 s7, $0x3;
	[bflag:$0x0] =	sbarrier.arrive $0xFFFF;
	(pc) =	sbr.rel @p0 .LBB2_1-.Ltmp2, $4  }
0x79: {  	[hbm:s12], [sflag:s26] =	dma.local [spmem:s31], $0x1400  }
0x7a: {  	_ =	swait.ge [sflag:s15], $0x1400  }
0x7b: {  	[sflag:s15] =	ssyncset.done $0x0  }
0x7c: {  	[sflag:s15] =	ssyncadd.s32 $0xFFFFEC00  }
0x7d: {  	_ =	sfence.sel $0x180000  }
0x7e: {  	[bflag:$0x0] =	sbarrier.arrive $0xFFFF  }
0x7f: {  	p0 =	sne.s32 s0, $0x0;
	_ =	strace $0x90000050  }
0x80: {  	s0 =	sadd.s32 @!p0 $0x100000, s2;
	[bflag:$0x2] =	sbarrier.arrive $0xFFFF  }
0x81: {  	[sflag:s0] =	ssyncadd.tile.s32 @!p0 $0x1;
	_ =	shalt  }
.Lfunc_end2:
_tile_overlayer_lowered:
.L_overlay_start_2:
0x82: {  	(tag) =	ssettag $0x2  }
0x83: {  	s0 =	rddreg [dreg:$0x0];
	s2 =	stileid.u32  }
0x84: {  	s1 =	rddreg [dreg:$0x1];
	p0 =	sne.s32 s2, $0x0  }
0x85: {  	s3 =	rddreg [dreg:$0x2];
	[bflag:$0x3] =	sbarrier.arrive $0xFFFF;
	s2 =	simm.s32 @!p0 $0x1C03  }
0x86: {  	[timem:s3], [sflag:s2] =	dma.local @!p0 [hbm:s0], s1  }
0x87: {  	s0 =	simm.s32 @!p0 $0x3  }
0x88: {  	_ =	swait.ge @!p0 [sflag:s0], s1  }
0x89: {  	s1 =	ssub.s32 @!p0 $0x0, s1;
	[sflag:s0] =	ssyncset.done @!p0 $0x0  }
0x8a: {  	[sflag:s0] =	ssyncadd.s32 @!p0 s1  }
0x8b: {  	[bflag:$0x3] =	sbarrier.arrive $0xFFFF  }
0x8c: {  	_ =	shalt  }

</sc_bundles>
